<compile_context>
chip_gen: v7x
topology: tpu7x:2x2x1
jax: 0.10.2.dev20260603
libtpu: 0.0.44.dev20260713+nightly
codegen_flags: <defaults>
</compile_context>

<pallas_src>
import functools
import jax
import jax.numpy as jnp
from jax import lax
from jax.experimental import pallas as pl
from jax.experimental.pallas import tpu as pltpu
from jax.experimental.pallas import tpu_sc as plsc

_MODEL_DIM = 64
_BATCH = 4096
_SEQ = 200
_VOCAB = 1000000

_info = plsc.get_sparse_core_info()
_NC = _info.num_cores
_NS = _info.num_subcores
_SPC = _SEQ // _NC
_BBLK = _BATCH // _NS
_IBLK = 128
_NG = _BBLK // _IBLK
_TPAD = _BBLK + 1
_DT = _MODEL_DIM // 8
_BT = _BATCH // 128

_mesh = plsc.VectorSubcoreMesh(core_axis_name="c", subcore_axis_name="s")


@functools.partial(
    pl.kernel,
    mesh=_mesh,
    out_type=jax.ShapeDtypeStruct((_SEQ, _DT, _BT, 8, 128), jnp.float32),
    scratch_types=[
        pltpu.VMEM((_SPC, _NG, _IBLK), jnp.int32),
        pltpu.VMEM((_BBLK, _MODEL_DIM), jnp.float32),
        pltpu.VMEM((_BBLK, _MODEL_DIM), jnp.float32),
        pltpu.VMEM((_MODEL_DIM, _TPAD), jnp.float32),
        pltpu.VMEM((_MODEL_DIM, _TPAD), jnp.float32),
        pltpu.SemaphoreType.DMA,
        pltpu.SemaphoreType.DMA,
        pltpu.SemaphoreType.DMA,
        pltpu.SemaphoreType.DMA,
    ],
    compiler_params=pltpu.CompilerParams(
        use_tc_tiling_on_sc=False, needs_layout_passes=False
    ),
)
def _emb_lookup(
    ids_hbm, table_hbm, out_hbm,
    ids_v, rin0, rin1, rout0, rout1, gsem0, gsem1, osem0, osem1,
):
    rin = [rin0, rin1]
    rout = [rout0, rout1]
    gsem = [gsem0, gsem1]
    osem = [osem0, osem1]
    cid = lax.axis_index("c")
    sid = lax.axis_index("s")
    s0 = cid * _SPC
    b0 = sid * _BBLK
    for j in range(_NG):
        pltpu.sync_copy(
            ids_hbm.at[pl.ds(s0, _SPC), pl.ds(b0 + j * _IBLK, _IBLK)],
            ids_v.at[:, j, :],
        )



    def gather_pos(li, buf, sem):
        for j in range(_NG):
            pltpu.async_copy(
                table_hbm.at[ids_v.at[li, j]],
                buf.at[pl.ds(j * _IBLK, _IBLK)],
                sem,
            )

    def wait_pos(li, buf, sem):
        for j in range(_NG):
            pltpu.make_async_copy(
                table_hbm.at[ids_v.at[li, j]],
                buf.at[pl.ds(j * _IBLK, _IBLK)],
                sem,
            ).wait()

    def out_chunks(li, p):
        for dt in range(_DT):
            for bt in range(_NG):
                yield (
                    rout[p].at[pl.ds(8 * dt, 8), pl.ds(128 * bt, 128)],
                    out_hbm.at[s0 + li, dt, _NG * sid + bt],
                )

    gather_pos(0, rin0, gsem0)

    lane = lax.iota(jnp.int32, 16)
    dvecs = [k * 16 + lane for k in range(_MODEL_DIM // 16)]

    def outer(g, carry):
        for p in range(2):
            li = 2 * g + p
            wait_pos(li, rin[p], gsem[p])

            @pl.when(li + 1 < _SPC)
            def _():
                gather_pos(li + 1, rin[1 - p], gsem[1 - p])

            @pl.when(li >= 2)
            def _():
                for src, dst in out_chunks(li - 2, p):
                    pltpu.make_async_copy(src, dst, osem[p]).wait()

            def tbody(r, c):
                rvec = jnp.full((16,), r, jnp.int32)
                vs = [
                    rin[p][r, pl.ds(k * 16, 16)] * 8.0
                    for k in range(_MODEL_DIM // 16)
                ]
                for k in range(_MODEL_DIM // 16):
                    plsc.store_scatter(rout[p], [dvecs[k], rvec], vs[k])
                return c

            lax.fori_loop(0, _BBLK, tbody, 0, unroll=4)

            for src, dst in out_chunks(li, p):
                pltpu.async_copy(src, dst, osem[p])
        return carry

    lax.fori_loop(0, _SPC // 2, outer, 0)

    for p, li in ((0, _SPC - 2), (1, _SPC - 1)):
        for src, dst in out_chunks(li, p):
            pltpu.make_async_copy(src, dst, osem[p]).wait()


def kernel(token_ids_batch, embeddings_table):
    ids_t = token_ids_batch.T.astype(jnp.int32)
    tbl_flat = lax.optimization_barrier(
        jnp.reshape(embeddings_table, (_MODEL_DIM * _VOCAB,))
    )
    tbl_lin = jnp.reshape(tbl_flat, (_VOCAB, _MODEL_DIM))
    out5 = _emb_lookup(ids_t, tbl_lin)
    out = jnp.transpose(out5, (2, 4, 0, 1, 3))
    return jnp.reshape(out, (_BATCH, _SEQ, _MODEL_DIM))

# --- scband reference (transcript-rebuilt; emitter-appended) ---
"""Pipeline reference for scband-embedding-21603685499327 (READ-ONLY COPY).

The authoritative reference and input builder live on the scoring server;
editing this copy changes nothing except your own understanding.
"""

import math
import jax, jax.numpy as jnp
import numpy as np

VOCAB_SIZE = 1000000
MODEL_DIM = 64
BATCH = 4096
SEQ = 200


def setup_inputs(seed: int = 0) -> dict:
    key = jax.random.key(seed)
    k_idx, k_tab = jax.random.split(key)
    token_ids_batch = jax.random.randint(k_idx, (BATCH, SEQ), 0, VOCAB_SIZE, dtype=jnp.int64 if jax.config.jax_enable_x64 else jnp.int32)
    embeddings_table = jax.random.normal(k_tab, (VOCAB_SIZE, MODEL_DIM), dtype=jnp.float32)
    return {"token_ids_batch": token_ids_batch, "embeddings_table": embeddings_table}


def reference(token_ids_batch, embeddings_table):
    assert token_ids_batch.ndim == 2
    embeddings = jnp.take(embeddings_table, token_ids_batch, axis=0)
    return embeddings * math.sqrt(MODEL_DIM)

if __name__ == "__main__":
    import jax
    _d = setup_inputs()
    print(jax.jit(kernel)(*tuple(_d.values())))

</pallas_src>

<mosaic_0001>
#map = affine_map<(d0, d1) -> (0, 0)>
#map1 = affine_map<(d0, d1) -> (0, 0, 0, 0, 0)>
module attributes {stable_mosaic.version = 14 : i64} {
  func.func @_emb_lookup(%arg0: i32, %arg1: i32, %arg2: memref<200x4096xi32, #tpu.memory_space<hbm>>, %arg3: memref<1000000x64xf32, #tpu.memory_space<hbm>>, %arg4: memref<200x8x32x8x128xf32, #tpu.memory_space<hbm>>, %arg5: memref<100x2x128xi32, #tpu.memory_space<vmem>>, %arg6: memref<256x64xf32, #tpu.memory_space<vmem>>, %arg7: memref<256x64xf32, #tpu.memory_space<vmem>>, %arg8: memref<64x257xf32, #tpu.memory_space<vmem>>, %arg9: memref<64x257xf32, #tpu.memory_space<vmem>>, %arg10: memref<!tpu.dma_semaphore, #tpu.memory_space<semaphore_mem>>, %arg11: memref<!tpu.dma_semaphore, #tpu.memory_space<semaphore_mem>>, %arg12: memref<!tpu.dma_semaphore, #tpu.memory_space<semaphore_mem>>, %arg13: memref<!tpu.dma_semaphore, #tpu.memory_space<semaphore_mem>>) attributes {dimension_semantics = [#tpu.dimension_semantics<core_parallel>, #tpu.dimension_semantics<subcore_parallel>], iteration_bounds = array<i64: 2, 16>, scalar_prefetch = 0 : i64, scratch_operands = 9 : i64, tpu.core_type = #tpu.core_type<sc_vector_subcore>, window_params = [{transform_indices = #map}, {transform_indices = #map}, {transform_indices = #map1}]} {
    %mul3A = arith.constant 100 : i32
    %mul3A_0 = arith.muli %arg0, %mul3A : i32
    %mul3A_1 = arith.constant 256 : i32
    %mul3A_2 = arith.muli %arg1, %mul3A_1 : i32
    %add3A = arith.constant 0 : i32
    %add3A_3 = arith.addi %mul3A_2, %add3A : i32
    %run_scoped3A = arith.constant 0 : i32
    "tpu.region"() ({
      %run_scoped3A_716 = tpu.sem_alloc : memref<!tpu.dma_semaphore, #tpu.memory_space<semaphore_mem>>
      %dma_start3A_717 = arith.constant 0 : i32
      %dma_start3A_718 = arith.constant 0 : i32
      %dma_start3A_719 = tpu.memref_slice %arg5[%dma_start3A_717, %run_scoped3A, %dma_start3A_718] : memref<100x2x128xi32, #tpu.memory_space<vmem>> -> memref<100x1x128xi32, #tpu.memory_space<vmem>>
      %dma_start3A_720 = tpu.memref_squeeze %dma_start3A_719 : memref<100x1x128xi32, #tpu.memory_space<vmem>> -> memref<100x128xi32, #tpu.memory_space<vmem>>
      %dma_start3A_721 = tpu.memref_slice %arg2[%mul3A_0, %add3A_3] : memref<200x4096xi32, #tpu.memory_space<hbm>> -> memref<100x128xi32, #tpu.memory_space<hbm>>
      %dma_start3A_722 = arith.constant 0 : i32
      %dma_start3A_723 = arith.constant 0 : i32
      %dma_start3A_724 = tpu.memref_slice %arg5[%dma_start3A_722, %run_scoped3A, %dma_start3A_723] : memref<100x2x128xi32, #tpu.memory_space<vmem>> -> memref<100x1x128xi32, #tpu.memory_space<vmem>>
      %dma_start3A_725 = tpu.memref_squeeze %dma_start3A_724 : memref<100x1x128xi32, #tpu.memory_space<vmem>> -> memref<100x128xi32, #tpu.memory_space<vmem>>
      %dma_start3A_726 = tpu.memref_slice %arg2[%mul3A_0, %add3A_3] : memref<200x4096xi32, #tpu.memory_space<hbm>> -> memref<100x128xi32, #tpu.memory_space<hbm>>
      tpu.enqueue_dma source(%dma_start3A_726 : memref<100x128xi32, #tpu.memory_space<hbm>>) target(%dma_start3A_725 : memref<100x128xi32, #tpu.memory_space<vmem>>) target_semaphore(%run_scoped3A_716 : memref<!tpu.dma_semaphore, #tpu.memory_space<semaphore_mem>>)
      %dma_wait3A_727 = arith.constant 0 : i32
      %dma_wait3A_728 = arith.constant 0 : i32
      %dma_wait3A_729 = tpu.memref_slice %arg5[%dma_wait3A_727, %run_scoped3A, %dma_wait3A_728] : memref<100x2x128xi32, #tpu.memory_space<vmem>> -> memref<100x1x128xi32, #tpu.memory_space<vmem>>
      %dma_wait3A_730 = tpu.memref_squeeze %dma_wait3A_729 : memref<100x1x128xi32, #tpu.memory_space<vmem>> -> memref<100x128xi32, #tpu.memory_space<vmem>>
      %dma_wait3A_731 = tpu.memref_slice %arg2[%mul3A_0, %add3A_3] : memref<200x4096xi32, #tpu.memory_space<hbm>> -> memref<100x128xi32, #tpu.memory_space<hbm>>
      %dma_wait3A_732 = arith.constant 0 : i32
      %dma_wait3A_733 = arith.constant 0 : i32
      %dma_wait3A_734 = tpu.memref_slice %arg5[%dma_wait3A_732, %run_scoped3A, %dma_wait3A_733] : memref<100x2x128xi32, #tpu.memory_space<vmem>> -> memref<100x1x128xi32, #tpu.memory_space<vmem>>
      %dma_wait3A_735 = tpu.memref_squeeze %dma_wait3A_734 : memref<100x1x128xi32, #tpu.memory_space<vmem>> -> memref<100x128xi32, #tpu.memory_space<vmem>>
      %dma_wait3A_736 = tpu.memref_slice %arg2[%mul3A_0, %add3A_3] : memref<200x4096xi32, #tpu.memory_space<hbm>> -> memref<100x128xi32, #tpu.memory_space<hbm>>
      tpu.wait_dma2 semaphore(%run_scoped3A_716 : memref<!tpu.dma_semaphore, #tpu.memory_space<semaphore_mem>>) src(%dma_wait3A_736 : memref<100x128xi32, #tpu.memory_space<hbm>>) dst(%dma_wait3A_735 : memref<100x128xi32, #tpu.memory_space<vmem>>)
      tpu.yield
    }) : () -> ()
    %add3A_4 = arith.constant 128 : i32
    %add3A_5 = arith.addi %mul3A_2, %add3A_4 : i32
    %run_scoped3A_6 = arith.constant 1 : i32
    "tpu.region"() ({
      %run_scoped3A_716 = tpu.sem_alloc : memref<!tpu.dma_semaphore, #tpu.memory_space<semaphore_mem>>
      %dma_start3A_717 = arith.constant 0 : i32
      %dma_start3A_718 = arith.constant 0 : i32
      %dma_start3A_719 = tpu.memref_slice %arg5[%dma_start3A_717, %run_scoped3A_6, %dma_start3A_718] : memref<100x2x128xi32, #tpu.memory_space<vmem>> -> memref<100x1x128xi32, #tpu.memory_space<vmem>>
      %dma_start3A_720 = tpu.memref_squeeze %dma_start3A_719 : memref<100x1x128xi32, #tpu.memory_space<vmem>> -> memref<100x128xi32, #tpu.memory_space<vmem>>
      %dma_start3A_721 = tpu.memref_slice %arg2[%mul3A_0, %add3A_5] : memref<200x4096xi32, #tpu.memory_space<hbm>> -> memref<100x128xi32, #tpu.memory_space<hbm>>
      %dma_start3A_722 = arith.constant 0 : i32
      %dma_start3A_723 = arith.constant 0 : i32
      %dma_start3A_724 = tpu.memref_slice %arg5[%dma_start3A_722, %run_scoped3A_6, %dma_start3A_723] : memref<100x2x128xi32, #tpu.memory_space<vmem>> -> memref<100x1x128xi32, #tpu.memory_space<vmem>>
      %dma_start3A_725 = tpu.memref_squeeze %dma_start3A_724 : memref<100x1x128xi32, #tpu.memory_space<vmem>> -> memref<100x128xi32, #tpu.memory_space<vmem>>
      %dma_start3A_726 = tpu.memref_slice %arg2[%mul3A_0, %add3A_5] : memref<200x4096xi32, #tpu.memory_space<hbm>> -> memref<100x128xi32, #tpu.memory_space<hbm>>
      tpu.enqueue_dma source(%dma_start3A_726 : memref<100x128xi32, #tpu.memory_space<hbm>>) target(%dma_start3A_725 : memref<100x128xi32, #tpu.memory_space<vmem>>) target_semaphore(%run_scoped3A_716 : memref<!tpu.dma_semaphore, #tpu.memory_space<semaphore_mem>>)
      %dma_wait3A_727 = arith.constant 0 : i32
      %dma_wait3A_728 = arith.constant 0 : i32
      %dma_wait3A_729 = tpu.memref_slice %arg5[%dma_wait3A_727, %run_scoped3A_6, %dma_wait3A_728] : memref<100x2x128xi32, #tpu.memory_space<vmem>> -> memref<100x1x128xi32, #tpu.memory_space<vmem>>
      %dma_wait3A_730 = tpu.memref_squeeze %dma_wait3A_729 : memref<100x1x128xi32, #tpu.memory_space<vmem>> -> memref<100x128xi32, #tpu.memory_space<vmem>>
      %dma_wait3A_731 = tpu.memref_slice %arg2[%mul3A_0, %add3A_5] : memref<200x4096xi32, #tpu.memory_space<hbm>> -> memref<100x128xi32, #tpu.memory_space<hbm>>
      %dma_wait3A_732 = arith.constant 0 : i32
      %dma_wait3A_733 = arith.constant 0 : i32
      %dma_wait3A_734 = tpu.memref_slice %arg5[%dma_wait3A_732, %run_scoped3A_6, %dma_wait3A_733] : memref<100x2x128xi32, #tpu.memory_space<vmem>> -> memref<100x1x128xi32, #tpu.memory_space<vmem>>
      %dma_wait3A_735 = tpu.memref_squeeze %dma_wait3A_734 : memref<100x1x128xi32, #tpu.memory_space<vmem>> -> memref<100x128xi32, #tpu.memory_space<vmem>>
      %dma_wait3A_736 = tpu.memref_slice %arg2[%mul3A_0, %add3A_5] : memref<200x4096xi32, #tpu.memory_space<hbm>> -> memref<100x128xi32, #tpu.memory_space<hbm>>
      tpu.wait_dma2 semaphore(%run_scoped3A_716 : memref<!tpu.dma_semaphore, #tpu.memory_space<semaphore_mem>>) src(%dma_wait3A_736 : memref<100x128xi32, #tpu.memory_space<hbm>>) dst(%dma_wait3A_735 : memref<100x128xi32, #tpu.memory_space<vmem>>)
      tpu.yield
    }) : () -> ()
    %dma_start3A = arith.constant 0 : i32
    %dma_start3A_7 = arith.constant 0 : i32
    %dma_start3A_8 = arith.constant 0 : i32
    %dma_start3A_9 = arith.constant 0 : i32
    %dma_start3A_10 = tpu.memref_slice %arg6[%dma_start3A_8, %dma_start3A_9] : memref<256x64xf32, #tpu.memory_space<vmem>> -> memref<128x64xf32, #tpu.memory_space<vmem>>
    %dma_start3A_11 = arith.constant 0 : i32
    %dma_start3A_12 = tpu.memref_slice %arg5[%dma_start3A, %dma_start3A_7, %dma_start3A_11] : memref<100x2x128xi32, #tpu.memory_space<vmem>> -> memref<1x1x128xi32, #tpu.memory_space<vmem>>
    %dma_start3A_13 = tpu.memref_squeeze %dma_start3A_12 : memref<1x1x128xi32, #tpu.memory_space<vmem>> -> memref<128xi32, #tpu.memory_space<vmem>>
    %dma_start3A_14 = arith.constant 0 : i32
    %dma_start3A_15 = arith.constant 0 : i32
    %dma_start3A_16 = tpu.memref_slice %arg3[%dma_start3A_14, %dma_start3A_15] : memref<1000000x64xf32, #tpu.memory_space<hbm>> -> memref<1000000x64xf32, #tpu.memory_space<hbm>>
    tpu.enqueue_indirect_dma source(%dma_start3A_16 : memref<1000000x64xf32, #tpu.memory_space<hbm>>) target(%dma_start3A_10 : memref<128x64xf32, #tpu.memory_space<vmem>>) offsets(%dma_start3A_13 : memref<128xi32, #tpu.memory_space<vmem>>) semaphore(%arg10 : memref<!tpu.dma_semaphore, #tpu.memory_space<semaphore_mem>>)
    %dma_start3A_17 = arith.constant 0 : i32
    %dma_start3A_18 = arith.constant 1 : i32
    %dma_start3A_19 = arith.constant 128 : i32
    %dma_start3A_20 = arith.constant 0 : i32
    %dma_start3A_21 = tpu.memref_slice %arg6[%dma_start3A_19, %dma_start3A_20] : memref<256x64xf32, #tpu.memory_space<vmem>> -> memref<128x64xf32, #tpu.memory_space<vmem>>
    %dma_start3A_22 = arith.constant 0 : i32
    %dma_start3A_23 = tpu.memref_slice %arg5[%dma_start3A_17, %dma_start3A_18, %dma_start3A_22] : memref<100x2x128xi32, #tpu.memory_space<vmem>> -> memref<1x1x128xi32, #tpu.memory_space<vmem>>
    %dma_start3A_24 = tpu.memref_squeeze %dma_start3A_23 : memref<1x1x128xi32, #tpu.memory_space<vmem>> -> memref<128xi32, #tpu.memory_space<vmem>>
    %dma_start3A_25 = arith.constant 0 : i32
    %dma_start3A_26 = arith.constant 0 : i32
    %dma_start3A_27 = tpu.memref_slice %arg3[%dma_start3A_25, %dma_start3A_26] : memref<1000000x64xf32, #tpu.memory_space<hbm>> -> memref<1000000x64xf32, #tpu.memory_space<hbm>>
    tpu.enqueue_indirect_dma source(%dma_start3A_27 : memref<1000000x64xf32, #tpu.memory_space<hbm>>) target(%dma_start3A_21 : memref<128x64xf32, #tpu.memory_space<vmem>>) offsets(%dma_start3A_24 : memref<128xi32, #tpu.memory_space<vmem>>) semaphore(%arg10 : memref<!tpu.dma_semaphore, #tpu.memory_space<semaphore_mem>>)
    %iota3A = tpu.iota {dimensions = array<i32: 0>} : vector<16xi32>
    %add3A_28 = arith.constant 0 : i32
    %add3A_29 = vector.broadcast %add3A_28 : i32 to vector<16xi32>
    %add3A_30 = arith.addi %add3A_29, %iota3A : vector<16xi32>
    %add3A_31 = arith.constant 16 : i32
    %add3A_32 = vector.broadcast %add3A_31 : i32 to vector<16xi32>
    %add3A_33 = arith.addi %add3A_32, %iota3A : vector<16xi32>
    %add3A_34 = arith.constant 32 : i32
    %add3A_35 = vector.broadcast %add3A_34 : i32 to vector<16xi32>
    %add3A_36 = arith.addi %add3A_35, %iota3A : vector<16xi32>
    %add3A_37 = arith.constant 48 : i32
    %add3A_38 = vector.broadcast %add3A_37 : i32 to vector<16xi32>
    %add3A_39 = arith.addi %add3A_38, %iota3A : vector<16xi32>
    %scan3A = arith.constant 0 : i32
    %scan3A_40 = arith.constant 0 : i32
    %scan3A_41 = arith.constant 50 : i32
    %scan3A_42 = arith.addi %scan3A_40, %scan3A_41 : i32
    %scan3A_43 = arith.constant 1 : i32
    scf.for %scan3A_716 = %scan3A_40 to %scan3A_42 step %scan3A_43  : i32 {
      %mul3A_717 = arith.constant 2 : i32
      %mul3A_718 = arith.muli %mul3A_717, %scan3A_716 : i32
      %add3A_719 = arith.constant 0 : i32
      %add3A_720 = arith.addi %mul3A_718, %add3A_719 : i32
      %dma_wait3A_721 = arith.constant 0 : i32
      %dma_wait3A_722 = arith.constant 0 : i32
      %dma_wait3A_723 = arith.constant 0 : i32
      %dma_wait3A_724 = tpu.memref_slice %arg6[%dma_wait3A_722, %dma_wait3A_723] : memref<256x64xf32, #tpu.memory_space<vmem>> -> memref<128x64xf32, #tpu.memory_space<vmem>>
      %dma_wait3A_725 = arith.constant 0 : i32
      %dma_wait3A_726 = tpu.memref_slice %arg5[%add3A_720, %dma_wait3A_721, %dma_wait3A_725] : memref<100x2x128xi32, #tpu.memory_space<vmem>> -> memref<1x1x128xi32, #tpu.memory_space<vmem>>
      %dma_wait3A_727 = tpu.memref_squeeze %dma_wait3A_726 : memref<1x1x128xi32, #tpu.memory_space<vmem>> -> memref<128xi32, #tpu.memory_space<vmem>>
      %dma_wait3A_728 = arith.constant 0 : i32
      %dma_wait3A_729 = arith.constant 0 : i32
      %dma_wait3A_730 = tpu.memref_slice %arg3[%dma_wait3A_728, %dma_wait3A_729] : memref<1000000x64xf32, #tpu.memory_space<hbm>> -> memref<1000000x64xf32, #tpu.memory_space<hbm>>
      tpu.wait_indirect_dma semaphore(%arg10 : memref<!tpu.dma_semaphore, #tpu.memory_space<semaphore_mem>>) src(%dma_wait3A_730 : memref<1000000x64xf32, #tpu.memory_space<hbm>>) dst(%dma_wait3A_724 : memref<128x64xf32, #tpu.memory_space<vmem>>)
      %dma_wait3A_731 = arith.constant 1 : i32
      %dma_wait3A_732 = arith.constant 128 : i32
      %dma_wait3A_733 = arith.constant 0 : i32
      %dma_wait3A_734 = tpu.memref_slice %arg6[%dma_wait3A_732, %dma_wait3A_733] : memref<256x64xf32, #tpu.memory_space<vmem>> -> memref<128x64xf32, #tpu.memory_space<vmem>>
      %dma_wait3A_735 = arith.constant 0 : i32
      %dma_wait3A_736 = tpu.memref_slice %arg5[%add3A_720, %dma_wait3A_731, %dma_wait3A_735] : memref<100x2x128xi32, #tpu.memory_space<vmem>> -> memref<1x1x128xi32, #tpu.memory_space<vmem>>
      %dma_wait3A_737 = tpu.memref_squeeze %dma_wait3A_736 : memref<1x1x128xi32, #tpu.memory_space<vmem>> -> memref<128xi32, #tpu.memory_space<vmem>>
      %dma_wait3A_738 = arith.constant 0 : i32
      %dma_wait3A_739 = arith.constant 0 : i32
      %dma_wait3A_740 = tpu.memref_slice %arg3[%dma_wait3A_738, %dma_wait3A_739] : memref<1000000x64xf32, #tpu.memory_space<hbm>> -> memref<1000000x64xf32, #tpu.memory_space<hbm>>
      tpu.wait_indirect_dma semaphore(%arg10 : memref<!tpu.dma_semaphore, #tpu.memory_space<semaphore_mem>>) src(%dma_wait3A_740 : memref<1000000x64xf32, #tpu.memory_space<hbm>>) dst(%dma_wait3A_734 : memref<128x64xf32, #tpu.memory_space<vmem>>)
      %add3A_741 = arith.constant 1 : i32
      %add3A_742 = arith.addi %add3A_720, %add3A_741 : i32
      %lt3A = arith.constant 100 : i32
      %lt3A_743 = arith.cmpi slt, %add3A_742, %lt3A : i32
      %convert_element_type3A = arith.extui %lt3A_743 : i1 to i32
      %cond3A = arith.constant 0 : i32
      %cond3A_744 = arith.cmpi ne, %convert_element_type3A, %cond3A : i32
      scf.if %cond3A_744 {
        %add3A_1437 = arith.constant 1 : i32
        %add3A_1438 = arith.addi %add3A_720, %add3A_1437 : i32
        %dma_start3A_1439 = arith.constant 0 : i32
        %dma_start3A_1440 = arith.constant 0 : i32
        %dma_start3A_1441 = arith.constant 0 : i32
        %dma_start3A_1442 = tpu.memref_slice %arg7[%dma_start3A_1440, %dma_start3A_1441] : memref<256x64xf32, #tpu.memory_space<vmem>> -> memref<128x64xf32, #tpu.memory_space<vmem>>
        %dma_start3A_1443 = arith.constant 0 : i32
        %dma_start3A_1444 = tpu.memref_slice %arg5[%add3A_1438, %dma_start3A_1439, %dma_start3A_1443] : memref<100x2x128xi32, #tpu.memory_space<vmem>> -> memref<1x1x128xi32, #tpu.memory_space<vmem>>
        %dma_start3A_1445 = tpu.memref_squeeze %dma_start3A_1444 : memref<1x1x128xi32, #tpu.memory_space<vmem>> -> memref<128xi32, #tpu.memory_space<vmem>>
        %dma_start3A_1446 = arith.constant 0 : i32
        %dma_start3A_1447 = arith.constant 0 : i32
        %dma_start3A_1448 = tpu.memref_slice %arg3[%dma_start3A_1446, %dma_start3A_1447] : memref<1000000x64xf32, #tpu.memory_space<hbm>> -> memref<1000000x64xf32, #tpu.memory_space<hbm>>
        tpu.enqueue_indirect_dma source(%dma_start3A_1448 : memref<1000000x64xf32, #tpu.memory_space<hbm>>) target(%dma_start3A_1442 : memref<128x64xf32, #tpu.memory_space<vmem>>) offsets(%dma_start3A_1445 : memref<128xi32, #tpu.memory_space<vmem>>) semaphore(%arg11 : memref<!tpu.dma_semaphore, #tpu.memory_space<semaphore_mem>>)
        %dma_start3A_1449 = arith.constant 1 : i32
        %dma_start3A_1450 = arith.constant 128 : i32
        %dma_start3A_1451 = arith.constant 0 : i32
        %dma_start3A_1452 = tpu.memref_slice %arg7[%dma_start3A_1450, %dma_start3A_1451] : memref<256x64xf32, #tpu.memory_space<vmem>> -> memref<128x64xf32, #tpu.memory_space<vmem>>
        %dma_start3A_1453 = arith.constant 0 : i32
        %dma_start3A_1454 = tpu.memref_slice %arg5[%add3A_1438, %dma_start3A_1449, %dma_start3A_1453] : memref<100x2x128xi32, #tpu.memory_space<vmem>> -> memref<1x1x128xi32, #tpu.memory_space<vmem>>
        %dma_start3A_1455 = tpu.memref_squeeze %dma_start3A_1454 : memref<1x1x128xi32, #tpu.memory_space<vmem>> -> memref<128xi32, #tpu.memory_space<vmem>>
        %dma_start3A_1456 = arith.constant 0 : i32
        %dma_start3A_1457 = arith.constant 0 : i32
        %dma_start3A_1458 = tpu.memref_slice %arg3[%dma_start3A_1456, %dma_start3A_1457] : memref<1000000x64xf32, #tpu.memory_space<hbm>> -> memref<1000000x64xf32, #tpu.memory_space<hbm>>
        tpu.enqueue_indirect_dma source(%dma_start3A_1458 : memref<1000000x64xf32, #tpu.memory_space<hbm>>) target(%dma_start3A_1452 : memref<128x64xf32, #tpu.memory_space<vmem>>) offsets(%dma_start3A_1455 : memref<128xi32, #tpu.memory_space<vmem>>) semaphore(%arg11 : memref<!tpu.dma_semaphore, #tpu.memory_space<semaphore_mem>>)
      } else {
      }
      %ge3A = arith.constant 2 : i32
      %ge3A_745 = arith.cmpi sge, %add3A_720, %ge3A : i32
      %convert_element_type3A_746 = arith.extui %ge3A_745 : i1 to i32
      %cond3A_747 = arith.constant 0 : i32
      %cond3A_748 = arith.cmpi ne, %convert_element_type3A_746, %cond3A_747 : i32
      scf.if %cond3A_748 {
        %sub3A = arith.constant 2 : i32
        %sub3A_1437 = arith.subi %add3A_720, %sub3A : i32
        %add3A_1438 = arith.addi %mul3A_0, %sub3A_1437 : i32
        %mul3A_1439 = arith.constant 2 : i32
        %mul3A_1440 = arith.muli %mul3A_1439, %arg1 : i32
        %add3A_1441 = arith.constant 0 : i32
        %add3A_1442 = arith.addi %mul3A_1440, %add3A_1441 : i32
        %dma_wait3A_1443 = arith.constant 0 : i32
        %dma_wait3A_1444 = arith.constant 0 : i32
        %dma_wait3A_1445 = arith.constant 0 : i32
        %dma_wait3A_1446 = tpu.memref_slice %arg8[%dma_wait3A_1444, %dma_wait3A_1445] : memref<64x257xf32, #tpu.memory_space<vmem>> -> memref<8x128xf32, #tpu.memory_space<vmem>>
        %dma_wait3A_1447 = arith.constant 0 : i32
        %dma_wait3A_1448 = arith.constant 0 : i32
        %dma_wait3A_1449 = tpu.memref_slice %arg4[%add3A_1438, %dma_wait3A_1443, %add3A_1442, %dma_wait3A_1447, %dma_wait3A_1448] : memref<200x8x32x8x128xf32, #tpu.memory_space<hbm>> -> memref<1x1x1x8x128xf32, #tpu.memory_space<hbm>>
        %dma_wait3A_1450 = tpu.memref_squeeze %dma_wait3A_1449 : memref<1x1x1x8x128xf32, #tpu.memory_space<hbm>> -> memref<8x128xf32, #tpu.memory_space<hbm>>
        %dma_wait3A_1451 = arith.constant 0 : i32
        %dma_wait3A_1452 = arith.constant 0 : i32
        %dma_wait3A_1453 = tpu.memref_slice %arg4[%add3A_1438, %dma_wait3A_1443, %add3A_1442, %dma_wait3A_1451, %dma_wait3A_1452] : memref<200x8x32x8x128xf32, #tpu.memory_space<hbm>> -> memref<1x1x1x8x128xf32, #tpu.memory_space<hbm>>
        %dma_wait3A_1454 = tpu.memref_squeeze %dma_wait3A_1453 : memref<1x1x1x8x128xf32, #tpu.memory_space<hbm>> -> memref<8x128xf32, #tpu.memory_space<hbm>>
        %dma_wait3A_1455 = arith.constant 0 : i32
        %dma_wait3A_1456 = arith.constant 0 : i32
        %dma_wait3A_1457 = tpu.memref_slice %arg8[%dma_wait3A_1455, %dma_wait3A_1456] : memref<64x257xf32, #tpu.memory_space<vmem>> -> memref<8x128xf32, #tpu.memory_space<vmem>>
        tpu.wait_dma2 semaphore(%arg12 : memref<!tpu.dma_semaphore, #tpu.memory_space<semaphore_mem>>) src(%dma_wait3A_1457 : memref<8x128xf32, #tpu.memory_space<vmem>>) dst(%dma_wait3A_1454 : memref<8x128xf32, #tpu.memory_space<hbm>>)
        %add3A_1458 = arith.addi %mul3A_0, %sub3A_1437 : i32
        %mul3A_1459 = arith.constant 2 : i32
        %mul3A_1460 = arith.muli %mul3A_1459, %arg1 : i32
        %add3A_1461 = arith.constant 1 : i32
        %add3A_1462 = arith.addi %mul3A_1460, %add3A_1461 : i32
        %dma_wait3A_1463 = arith.constant 0 : i32
        %dma_wait3A_1464 = arith.constant 0 : i32
        %dma_wait3A_1465 = arith.constant 128 : i32
        %dma_wait3A_1466 = tpu.memref_slice %arg8[%dma_wait3A_1464, %dma_wait3A_1465] : memref<64x257xf32, #tpu.memory_space<vmem>> -> memref<8x128xf32, #tpu.memory_space<vmem>>
        %dma_wait3A_1467 = arith.constant 0 : i32
        %dma_wait3A_1468 = arith.constant 0 : i32
        %dma_wait3A_1469 = tpu.memref_slice %arg4[%add3A_1458, %dma_wait3A_1463, %add3A_1462, %dma_wait3A_1467, %dma_wait3A_1468] : memref<200x8x32x8x128xf32, #tpu.memory_space<hbm>> -> memref<1x1x1x8x128xf32, #tpu.memory_space<hbm>>
        %dma_wait3A_1470 = tpu.memref_squeeze %dma_wait3A_1469 : memref<1x1x1x8x128xf32, #tpu.memory_space<hbm>> -> memref<8x128xf32, #tpu.memory_space<hbm>>
        %dma_wait3A_1471 = arith.constant 0 : i32
        %dma_wait3A_1472 = arith.constant 0 : i32
        %dma_wait3A_1473 = tpu.memref_slice %arg4[%add3A_1458, %dma_wait3A_1463, %add3A_1462, %dma_wait3A_1471, %dma_wait3A_1472] : memref<200x8x32x8x128xf32, #tpu.memory_space<hbm>> -> memref<1x1x1x8x128xf32, #tpu.memory_space<hbm>>
        %dma_wait3A_1474 = tpu.memref_squeeze %dma_wait3A_1473 : memref<1x1x1x8x128xf32, #tpu.memory_space<hbm>> -> memref<8x128xf32, #tpu.memory_space<hbm>>
        %dma_wait3A_1475 = arith.constant 0 : i32
        %dma_wait3A_1476 = arith.constant 128 : i32
        %dma_wait3A_1477 = tpu.memref_slice %arg8[%dma_wait3A_1475, %dma_wait3A_1476] : memref<64x257xf32, #tpu.memory_space<vmem>> -> memref<8x128xf32, #tpu.memory_space<vmem>>
        tpu.wait_dma2 semaphore(%arg12 : memref<!tpu.dma_semaphore, #tpu.memory_space<semaphore_mem>>) src(%dma_wait3A_1477 : memref<8x128xf32, #tpu.memory_space<vmem>>) dst(%dma_wait3A_1474 : memref<8x128xf32, #tpu.memory_space<hbm>>)
        %add3A_1478 = arith.addi %mul3A_0, %sub3A_1437 : i32
        %mul3A_1479 = arith.constant 2 : i32
        %mul3A_1480 = arith.muli %mul3A_1479, %arg1 : i32
        %add3A_1481 = arith.constant 0 : i32
        %add3A_1482 = arith.addi %mul3A_1480, %add3A_1481 : i32
        %dma_wait3A_1483 = arith.constant 1 : i32
        %dma_wait3A_1484 = arith.constant 8 : i32
        %dma_wait3A_1485 = arith.constant 0 : i32
        %dma_wait3A_1486 = tpu.memref_slice %arg8[%dma_wait3A_1484, %dma_wait3A_1485] : memref<64x257xf32, #tpu.memory_space<vmem>> -> memref<8x128xf32, #tpu.memory_space<vmem>>
        %dma_wait3A_1487 = arith.constant 0 : i32
        %dma_wait3A_1488 = arith.constant 0 : i32
        %dma_wait3A_1489 = tpu.memref_slice %arg4[%add3A_1478, %dma_wait3A_1483, %add3A_1482, %dma_wait3A_1487, %dma_wait3A_1488] : memref<200x8x32x8x128xf32, #tpu.memory_space<hbm>> -> memref<1x1x1x8x128xf32, #tpu.memory_space<hbm>>
        %dma_wait3A_1490 = tpu.memref_squeeze %dma_wait3A_1489 : memref<1x1x1x8x128xf32, #tpu.memory_space<hbm>> -> memref<8x128xf32, #tpu.memory_space<hbm>>
        %dma_wait3A_1491 = arith.constant 0 : i32
        %dma_wait3A_1492 = arith.constant 0 : i32
        %dma_wait3A_1493 = tpu.memref_slice %arg4[%add3A_1478, %dma_wait3A_1483, %add3A_1482, %dma_wait3A_1491, %dma_wait3A_1492] : memref<200x8x32x8x128xf32, #tpu.memory_space<hbm>> -> memref<1x1x1x8x128xf32, #tpu.memory_space<hbm>>
        %dma_wait3A_1494 = tpu.memref_squeeze %dma_wait3A_1493 : memref<1x1x1x8x128xf32, #tpu.memory_space<hbm>> -> memref<8x128xf32, #tpu.memory_space<hbm>>
        %dma_wait3A_1495 = arith.constant 8 : i32
        %dma_wait3A_1496 = arith.constant 0 : i32
        %dma_wait3A_1497 = tpu.memref_slice %arg8[%dma_wait3A_1495, %dma_wait3A_1496] : memref<64x257xf32, #tpu.memory_space<vmem>> -> memref<8x128xf32, #tpu.memory_space<vmem>>
        tpu.wait_dma2 semaphore(%arg12 : memref<!tpu.dma_semaphore, #tpu.memory_space<semaphore_mem>>) src(%dma_wait3A_1497 : memref<8x128xf32, #tpu.memory_space<vmem>>) dst(%dma_wait3A_1494 : memref<8x128xf32, #tpu.memory_space<hbm>>)
        %add3A_1498 = arith.addi %mul3A_0, %sub3A_1437 : i32
        %mul3A_1499 = arith.constant 2 : i32
        %mul3A_1500 = arith.muli %mul3A_1499, %arg1 : i32
        %add3A_1501 = arith.constant 1 : i32
        %add3A_1502 = arith.addi %mul3A_1500, %add3A_1501 : i32
        %dma_wait3A_1503 = arith.constant 1 : i32
        %dma_wait3A_1504 = arith.constant 8 : i32
        %dma_wait3A_1505 = arith.constant 128 : i32
        %dma_wait3A_1506 = tpu.memref_slice %arg8[%dma_wait3A_1504, %dma_wait3A_1505] : memref<64x257xf32, #tpu.memory_space<vmem>> -> memref<8x128xf32, #tpu.memory_space<vmem>>
        %dma_wait3A_1507 = arith.constant 0 : i32
        %dma_wait3A_1508 = arith.constant 0 : i32
        %dma_wait3A_1509 = tpu.memref_slice %arg4[%add3A_1498, %dma_wait3A_1503, %add3A_1502, %dma_wait3A_1507, %dma_wait3A_1508] : memref<200x8x32x8x128xf32, #tpu.memory_space<hbm>> -> memref<1x1x1x8x128xf32, #tpu.memory_space<hbm>>
        %dma_wait3A_1510 = tpu.memref_squeeze %dma_wait3A_1509 : memref<1x1x1x8x128xf32, #tpu.memory_space<hbm>> -> memref<8x128xf32, #tpu.memory_space<hbm>>
        %dma_wait3A_1511 = arith.constant 0 : i32
        %dma_wait3A_1512 = arith.constant 0 : i32
        %dma_wait3A_1513 = tpu.memref_slice %arg4[%add3A_1498, %dma_wait3A_1503, %add3A_1502, %dma_wait3A_1511, %dma_wait3A_1512] : memref<200x8x32x8x128xf32, #tpu.memory_space<hbm>> -> memref<1x1x1x8x128xf32, #tpu.memory_space<hbm>>
        %dma_wait3A_1514 = tpu.memref_squeeze %dma_wait3A_1513 : memref<1x1x1x8x128xf32, #tpu.memory_space<hbm>> -> memref<8x128xf32, #tpu.memory_space<hbm>>
        %dma_wait3A_1515 = arith.constant 8 : i32
        %dma_wait3A_1516 = arith.constant 128 : i32
        %dma_wait3A_1517 = tpu.memref_slice %arg8[%dma_wait3A_1515, %dma_wait3A_1516] : memref<64x257xf32, #tpu.memory_space<vmem>> -> memref<8x128xf32, #tpu.memory_space<vmem>>
        tpu.wait_dma2 semaphore(%arg12 : memref<!tpu.dma_semaphore, #tpu.memory_space<semaphore_mem>>) src(%dma_wait3A_1517 : memref<8x128xf32, #tpu.memory_space<vmem>>) dst(%dma_wait3A_1514 : memref<8x128xf32, #tpu.memory_space<hbm>>)
        %add3A_1518 = arith.addi %mul3A_0, %sub3A_1437 : i32
        %mul3A_1519 = arith.constant 2 : i32
        %mul3A_1520 = arith.muli %mul3A_1519, %arg1 : i32
        %add3A_1521 = arith.constant 0 : i32
        %add3A_1522 = arith.addi %mul3A_1520, %add3A_1521 : i32
        %dma_wait3A_1523 = arith.constant 2 : i32
        %dma_wait3A_1524 = arith.constant 16 : i32
        %dma_wait3A_1525 = arith.constant 0 : i32
        %dma_wait3A_1526 = tpu.memref_slice %arg8[%dma_wait3A_1524, %dma_wait3A_1525] : memref<64x257xf32, #tpu.memory_space<vmem>> -> memref<8x128xf32, #tpu.memory_space<vmem>>
        %dma_wait3A_1527 = arith.constant 0 : i32
        %dma_wait3A_1528 = arith.constant 0 : i32
        %dma_wait3A_1529 = tpu.memref_slice %arg4[%add3A_1518, %dma_wait3A_1523, %add3A_1522, %dma_wait3A_1527, %dma_wait3A_1528] : memref<200x8x32x8x128xf32, #tpu.memory_space<hbm>> -> memref<1x1x1x8x128xf32, #tpu.memory_space<hbm>>
        %dma_wait3A_1530 = tpu.memref_squeeze %dma_wait3A_1529 : memref<1x1x1x8x128xf32, #tpu.memory_space<hbm>> -> memref<8x128xf32, #tpu.memory_space<hbm>>
        %dma_wait3A_1531 = arith.constant 0 : i32
        %dma_wait3A_1532 = arith.constant 0 : i32
        %dma_wait3A_1533 = tpu.memref_slice %arg4[%add3A_1518, %dma_wait3A_1523, %add3A_1522, %dma_wait3A_1531, %dma_wait3A_1532] : memref<200x8x32x8x128xf32, #tpu.memory_space<hbm>> -> memref<1x1x1x8x128xf32, #tpu.memory_space<hbm>>
        %dma_wait3A_1534 = tpu.memref_squeeze %dma_wait3A_1533 : memref<1x1x1x8x128xf32, #tpu.memory_space<hbm>> -> memref<8x128xf32, #tpu.memory_space<hbm>>
        %dma_wait3A_1535 = arith.constant 16 : i32
        %dma_wait3A_1536 = arith.constant 0 : i32
        %dma_wait3A_1537 = tpu.memref_slice %arg8[%dma_wait3A_1535, %dma_wait3A_1536] : memref<64x257xf32, #tpu.memory_space<vmem>> -> memref<8x128xf32, #tpu.memory_space<vmem>>
        tpu.wait_dma2 semaphore(%arg12 : memref<!tpu.dma_semaphore, #tpu.memory_space<semaphore_mem>>) src(%dma_wait3A_1537 : memref<8x128xf32, #tpu.memory_space<vmem>>) dst(%dma_wait3A_1534 : memref<8x128xf32, #tpu.memory_space<hbm>>)
        %add3A_1538 = arith.addi %mul3A_0, %sub3A_1437 : i32
        %mul3A_1539 = arith.constant 2 : i32
        %mul3A_1540 = arith.muli %mul3A_1539, %arg1 : i32
        %add3A_1541 = arith.constant 1 : i32
        %add3A_1542 = arith.addi %mul3A_1540, %add3A_1541 : i32
        %dma_wait3A_1543 = arith.constant 2 : i32
        %dma_wait3A_1544 = arith.constant 16 : i32
        %dma_wait3A_1545 = arith.constant 128 : i32
        %dma_wait3A_1546 = tpu.memref_slice %arg8[%dma_wait3A_1544, %dma_wait3A_1545] : memref<64x257xf32, #tpu.memory_space<vmem>> -> memref<8x128xf32, #tpu.memory_space<vmem>>
        %dma_wait3A_1547 = arith.constant 0 : i32
        %dma_wait3A_1548 = arith.constant 0 : i32
        %dma_wait3A_1549 = tpu.memref_slice %arg4[%add3A_1538, %dma_wait3A_1543, %add3A_1542, %dma_wait3A_1547, %dma_wait3A_1548] : memref<200x8x32x8x128xf32, #tpu.memory_space<hbm>> -> memref<1x1x1x8x128xf32, #tpu.memory_space<hbm>>
        %dma_wait3A_1550 = tpu.memref_squeeze %dma_wait3A_1549 : memref<1x1x1x8x128xf32, #tpu.memory_space<hbm>> -> memref<8x128xf32, #tpu.memory_space<hbm>>
        %dma_wait3A_1551 = arith.constant 0 : i32
        %dma_wait3A_1552 = arith.constant 0 : i32
        %dma_wait3A_1553 = tpu.memref_slice %arg4[%add3A_1538, %dma_wait3A_1543, %add3A_1542, %dma_wait3A_1551, %dma_wait3A_1552] : memref<200x8x32x8x128xf32, #tpu.memory_space<hbm>> -> memref<1x1x1x8x128xf32, #tpu.memory_space<hbm>>
        %dma_wait3A_1554 = tpu.memref_squeeze %dma_wait3A_1553 : memref<1x1x1x8x128xf32, #tpu.memory_space<hbm>> -> memref<8x128xf32, #tpu.memory_space<hbm>>
        %dma_wait3A_1555 = arith.constant 16 : i32
        %dma_wait3A_1556 = arith.constant 128 : i32
        %dma_wait3A_1557 = tpu.memref_slice %arg8[%dma_wait3A_1555, %dma_wait3A_1556] : memref<64x257xf32, #tpu.memory_space<vmem>> -> memref<8x128xf32, #tpu.memory_space<vmem>>
        tpu.wait_dma2 semaphore(%arg12 : memref<!tpu.dma_semaphore, #tpu.memory_space<semaphore_mem>>) src(%dma_wait3A_1557 : memref<8x128xf32, #tpu.memory_space<vmem>>) dst(%dma_wait3A_1554 : memref<8x128xf32, #tpu.memory_space<hbm>>)
        %add3A_1558 = arith.addi %mul3A_0, %sub3A_1437 : i32
        %mul3A_1559 = arith.constant 2 : i32
        %mul3A_1560 = arith.muli %mul3A_1559, %arg1 : i32
        %add3A_1561 = arith.constant 0 : i32
        %add3A_1562 = arith.addi %mul3A_1560, %add3A_1561 : i32
        %dma_wait3A_1563 = arith.constant 3 : i32
        %dma_wait3A_1564 = arith.constant 24 : i32
        %dma_wait3A_1565 = arith.constant 0 : i32
        %dma_wait3A_1566 = tpu.memref_slice %arg8[%dma_wait3A_1564, %dma_wait3A_1565] : memref<64x257xf32, #tpu.memory_space<vmem>> -> memref<8x128xf32, #tpu.memory_space<vmem>>
        %dma_wait3A_1567 = arith.constant 0 : i32
        %dma_wait3A_1568 = arith.constant 0 : i32
        %dma_wait3A_1569 = tpu.memref_slice %arg4[%add3A_1558, %dma_wait3A_1563, %add3A_1562, %dma_wait3A_1567, %dma_wait3A_1568] : memref<200x8x32x8x128xf32, #tpu.memory_space<hbm>> -> memref<1x1x1x8x128xf32, #tpu.memory_space<hbm>>
        %dma_wait3A_1570 = tpu.memref_squeeze %dma_wait3A_1569 : memref<1x1x1x8x128xf32, #tpu.memory_space<hbm>> -> memref<8x128xf32, #tpu.memory_space<hbm>>
        %dma_wait3A_1571 = arith.constant 0 : i32
        %dma_wait3A_1572 = arith.constant 0 : i32
        %dma_wait3A_1573 = tpu.memref_slice %arg4[%add3A_1558, %dma_wait3A_1563, %add3A_1562, %dma_wait3A_1571, %dma_wait3A_1572] : memref<200x8x32x8x128xf32, #tpu.memory_space<hbm>> -> memref<1x1x1x8x128xf32, #tpu.memory_space<hbm>>
        %dma_wait3A_1574 = tpu.memref_squeeze %dma_wait3A_1573 : memref<1x1x1x8x128xf32, #tpu.memory_space<hbm>> -> memref<8x128xf32, #tpu.memory_space<hbm>>
        %dma_wait3A_1575 = arith.constant 24 : i32
        %dma_wait3A_1576 = arith.constant 0 : i32
        %dma_wait3A_1577 = tpu.memref_slice %arg8[%dma_wait3A_1575, %dma_wait3A_1576] : memref<64x257xf32, #tpu.memory_space<vmem>> -> memref<8x128xf32, #tpu.memory_space<vmem>>
        tpu.wait_dma2 semaphore(%arg12 : memref<!tpu.dma_semaphore, #tpu.memory_space<semaphore_mem>>) src(%dma_wait3A_1577 : memref<8x128xf32, #tpu.memory_space<vmem>>) dst(%dma_wait3A_1574 : memref<8x128xf32, #tpu.memory_space<hbm>>)
        %add3A_1578 = arith.addi %mul3A_0, %sub3A_1437 : i32
        %mul3A_1579 = arith.constant 2 : i32
        %mul3A_1580 = arith.muli %mul3A_1579, %arg1 : i32
        %add3A_1581 = arith.constant 1 : i32
        %add3A_1582 = arith.addi %mul3A_1580, %add3A_1581 : i32
        %dma_wait3A_1583 = arith.constant 3 : i32
        %dma_wait3A_1584 = arith.constant 24 : i32
        %dma_wait3A_1585 = arith.constant 128 : i32
        %dma_wait3A_1586 = tpu.memref_slice %arg8[%dma_wait3A_1584, %dma_wait3A_1585] : memref<64x257xf32, #tpu.memory_space<vmem>> -> memref<8x128xf32, #tpu.memory_space<vmem>>
        %dma_wait3A_1587 = arith.constant 0 : i32
        %dma_wait3A_1588 = arith.constant 0 : i32
        %dma_wait3A_1589 = tpu.memref_slice %arg4[%add3A_1578, %dma_wait3A_1583, %add3A_1582, %dma_wait3A_1587, %dma_wait3A_1588] : memref<200x8x32x8x128xf32, #tpu.memory_space<hbm>> -> memref<1x1x1x8x128xf32, #tpu.memory_space<hbm>>
        %dma_wait3A_1590 = tpu.memref_squeeze %dma_wait3A_1589 : memref<1x1x1x8x128xf32, #tpu.memory_space<hbm>> -> memref<8x128xf32, #tpu.memory_space<hbm>>
        %dma_wait3A_1591 = arith.constant 0 : i32
        %dma_wait3A_1592 = arith.constant 0 : i32
        %dma_wait3A_1593 = tpu.memref_slice %arg4[%add3A_1578, %dma_wait3A_1583, %add3A_1582, %dma_wait3A_1591, %dma_wait3A_1592] : memref<200x8x32x8x128xf32, #tpu.memory_space<hbm>> -> memref<1x1x1x8x128xf32, #tpu.memory_space<hbm>>
        %dma_wait3A_1594 = tpu.memref_squeeze %dma_wait3A_1593 : memref<1x1x1x8x128xf32, #tpu.memory_space<hbm>> -> memref<8x128xf32, #tpu.memory_space<hbm>>
        %dma_wait3A_1595 = arith.constant 24 : i32
        %dma_wait3A_1596 = arith.constant 128 : i32
        %dma_wait3A_1597 = tpu.memref_slice %arg8[%dma_wait3A_1595, %dma_wait3A_1596] : memref<64x257xf32, #tpu.memory_space<vmem>> -> memref<8x128xf32, #tpu.memory_space<vmem>>
        tpu.wait_dma2 semaphore(%arg12 : memref<!tpu.dma_semaphore, #tpu.memory_space<semaphore_mem>>) src(%dma_wait3A_1597 : memref<8x128xf32, #tpu.memory_space<vmem>>) dst(%dma_wait3A_1594 : memref<8x128xf32, #tpu.memory_space<hbm>>)
        %add3A_1598 = arith.addi %mul3A_0, %sub3A_1437 : i32
        %mul3A_1599 = arith.constant 2 : i32
        %mul3A_1600 = arith.muli %mul3A_1599, %arg1 : i32
        %add3A_1601 = arith.constant 0 : i32
        %add3A_1602 = arith.addi %mul3A_1600, %add3A_1601 : i32
        %dma_wait3A_1603 = arith.constant 4 : i32
        %dma_wait3A_1604 = arith.constant 32 : i32
        %dma_wait3A_1605 = arith.constant 0 : i32
        %dma_wait3A_1606 = tpu.memref_slice %arg8[%dma_wait3A_1604, %dma_wait3A_1605] : memref<64x257xf32, #tpu.memory_space<vmem>> -> memref<8x128xf32, #tpu.memory_space<vmem>>
        %dma_wait3A_1607 = arith.constant 0 : i32
        %dma_wait3A_1608 = arith.constant 0 : i32
        %dma_wait3A_1609 = tpu.memref_slice %arg4[%add3A_1598, %dma_wait3A_1603, %add3A_1602, %dma_wait3A_1607, %dma_wait3A_1608] : memref<200x8x32x8x128xf32, #tpu.memory_space<hbm>> -> memref<1x1x1x8x128xf32, #tpu.memory_space<hbm>>
        %dma_wait3A_1610 = tpu.memref_squeeze %dma_wait3A_1609 : memref<1x1x1x8x128xf32, #tpu.memory_space<hbm>> -> memref<8x128xf32, #tpu.memory_space<hbm>>
        %dma_wait3A_1611 = arith.constant 0 : i32
        %dma_wait3A_1612 = arith.constant 0 : i32
        %dma_wait3A_1613 = tpu.memref_slice %arg4[%add3A_1598, %dma_wait3A_1603, %add3A_1602, %dma_wait3A_1611, %dma_wait3A_1612] : memref<200x8x32x8x128xf32, #tpu.memory_space<hbm>> -> memref<1x1x1x8x128xf32, #tpu.memory_space<hbm>>
        %dma_wait3A_1614 = tpu.memref_squeeze %dma_wait3A_1613 : memref<1x1x1x8x128xf32, #tpu.memory_space<hbm>> -> memref<8x128xf32, #tpu.memory_space<hbm>>
        %dma_wait3A_1615 = arith.constant 32 : i32
        %dma_wait3A_1616 = arith.constant 0 : i32
        %dma_wait3A_1617 = tpu.memref_slice %arg8[%dma_wait3A_1615, %dma_wait3A_1616] : memref<64x257xf32, #tpu.memory_space<vmem>> -> memref<8x128xf32, #tpu.memory_space<vmem>>
        tpu.wait_dma2 semaphore(%arg12 : memref<!tpu.dma_semaphore, #tpu.memory_space<semaphore_mem>>) src(%dma_wait3A_1617 : memref<8x128xf32, #tpu.memory_space<vmem>>) dst(%dma_wait3A_1614 : memref<8x128xf32, #tpu.memory_space<hbm>>)
        %add3A_1618 = arith.addi %mul3A_0, %sub3A_1437 : i32
        %mul3A_1619 = arith.constant 2 : i32
        %mul3A_1620 = arith.muli %mul3A_1619, %arg1 : i32
        %add3A_1621 = arith.constant 1 : i32
        %add3A_1622 = arith.addi %mul3A_1620, %add3A_1621 : i32
        %dma_wait3A_1623 = arith.constant 4 : i32
        %dma_wait3A_1624 = arith.constant 32 : i32
        %dma_wait3A_1625 = arith.constant 128 : i32
        %dma_wait3A_1626 = tpu.memref_slice %arg8[%dma_wait3A_1624, %dma_wait3A_1625] : memref<64x257xf32, #tpu.memory_space<vmem>> -> memref<8x128xf32, #tpu.memory_space<vmem>>
        %dma_wait3A_1627 = arith.constant 0 : i32
        %dma_wait3A_1628 = arith.constant 0 : i32
        %dma_wait3A_1629 = tpu.memref_slice %arg4[%add3A_1618, %dma_wait3A_1623, %add3A_1622, %dma_wait3A_1627, %dma_wait3A_1628] : memref<200x8x32x8x128xf32, #tpu.memory_space<hbm>> -> memref<1x1x1x8x128xf32, #tpu.memory_space<hbm>>
        %dma_wait3A_1630 = tpu.memref_squeeze %dma_wait3A_1629 : memref<1x1x1x8x128xf32, #tpu.memory_space<hbm>> -> memref<8x128xf32, #tpu.memory_space<hbm>>
        %dma_wait3A_1631 = arith.constant 0 : i32
        %dma_wait3A_1632 = arith.constant 0 : i32
        %dma_wait3A_1633 = tpu.memref_slice %arg4[%add3A_1618, %dma_wait3A_1623, %add3A_1622, %dma_wait3A_1631, %dma_wait3A_1632] : memref<200x8x32x8x128xf32, #tpu.memory_space<hbm>> -> memref<1x1x1x8x128xf32, #tpu.memory_space<hbm>>
        %dma_wait3A_1634 = tpu.memref_squeeze %dma_wait3A_1633 : memref<1x1x1x8x128xf32, #tpu.memory_space<hbm>> -> memref<8x128xf32, #tpu.memory_space<hbm>>
        %dma_wait3A_1635 = arith.constant 32 : i32
        %dma_wait3A_1636 = arith.constant 128 : i32
        %dma_wait3A_1637 = tpu.memref_slice %arg8[%dma_wait3A_1635, %dma_wait3A_1636] : memref<64x257xf32, #tpu.memory_space<vmem>> -> memref<8x128xf32, #tpu.memory_space<vmem>>
        tpu.wait_dma2 semaphore(%arg12 : memref<!tpu.dma_semaphore, #tpu.memory_space<semaphore_mem>>) src(%dma_wait3A_1637 : memref<8x128xf32, #tpu.memory_space<vmem>>) dst(%dma_wait3A_1634 : memref<8x128xf32, #tpu.memory_space<hbm>>)
        %add3A_1638 = arith.addi %mul3A_0, %sub3A_1437 : i32
        %mul3A_1639 = arith.constant 2 : i32
        %mul3A_1640 = arith.muli %mul3A_1639, %arg1 : i32
        %add3A_1641 = arith.constant 0 : i32
        %add3A_1642 = arith.addi %mul3A_1640, %add3A_1641 : i32
        %dma_wait3A_1643 = arith.constant 5 : i32
        %dma_wait3A_1644 = arith.constant 40 : i32
        %dma_wait3A_1645 = arith.constant 0 : i32
        %dma_wait3A_1646 = tpu.memref_slice %arg8[%dma_wait3A_1644, %dma_wait3A_1645] : memref<64x257xf32, #tpu.memory_space<vmem>> -> memref<8x128xf32, #tpu.memory_space<vmem>>
        %dma_wait3A_1647 = arith.constant 0 : i32
        %dma_wait3A_1648 = arith.constant 0 : i32
        %dma_wait3A_1649 = tpu.memref_slice %arg4[%add3A_1638, %dma_wait3A_1643, %add3A_1642, %dma_wait3A_1647, %dma_wait3A_1648] : memref<200x8x32x8x128xf32, #tpu.memory_space<hbm>> -> memref<1x1x1x8x128xf32, #tpu.memory_space<hbm>>
        %dma_wait3A_1650 = tpu.memref_squeeze %dma_wait3A_1649 : memref<1x1x1x8x128xf32, #tpu.memory_space<hbm>> -> memref<8x128xf32, #tpu.memory_space<hbm>>
        %dma_wait3A_1651 = arith.constant 0 : i32
        %dma_wait3A_1652 = arith.constant 0 : i32
        %dma_wait3A_1653 = tpu.memref_slice %arg4[%add3A_1638, %dma_wait3A_1643, %add3A_1642, %dma_wait3A_1651, %dma_wait3A_1652] : memref<200x8x32x8x128xf32, #tpu.memory_space<hbm>> -> memref<1x1x1x8x128xf32, #tpu.memory_space<hbm>>
        %dma_wait3A_1654 = tpu.memref_squeeze %dma_wait3A_1653 : memref<1x1x1x8x128xf32, #tpu.memory_space<hbm>> -> memref<8x128xf32, #tpu.memory_space<hbm>>
        %dma_wait3A_1655 = arith.constant 40 : i32
        %dma_wait3A_1656 = arith.constant 0 : i32
        %dma_wait3A_1657 = tpu.memref_slice %arg8[%dma_wait3A_1655, %dma_wait3A_1656] : memref<64x257xf32, #tpu.memory_space<vmem>> -> memref<8x128xf32, #tpu.memory_space<vmem>>
        tpu.wait_dma2 semaphore(%arg12 : memref<!tpu.dma_semaphore, #tpu.memory_space<semaphore_mem>>) src(%dma_wait3A_1657 : memref<8x128xf32, #tpu.memory_space<vmem>>) dst(%dma_wait3A_1654 : memref<8x128xf32, #tpu.memory_space<hbm>>)
        %add3A_1658 = arith.addi %mul3A_0, %sub3A_1437 : i32
        %mul3A_1659 = arith.constant 2 : i32
        %mul3A_1660 = arith.muli %mul3A_1659, %arg1 : i32
        %add3A_1661 = arith.constant 1 : i32
        %add3A_1662 = arith.addi %mul3A_1660, %add3A_1661 : i32
        %dma_wait3A_1663 = arith.constant 5 : i32
        %dma_wait3A_1664 = arith.constant 40 : i32
        %dma_wait3A_1665 = arith.constant 128 : i32
        %dma_wait3A_1666 = tpu.memref_slice %arg8[%dma_wait3A_1664, %dma_wait3A_1665] : memref<64x257xf32, #tpu.memory_space<vmem>> -> memref<8x128xf32, #tpu.memory_space<vmem>>
        %dma_wait3A_1667 = arith.constant 0 : i32
        %dma_wait3A_1668 = arith.constant 0 : i32
        %dma_wait3A_1669 = tpu.memref_slice %arg4[%add3A_1658, %dma_wait3A_1663, %add3A_1662, %dma_wait3A_1667, %dma_wait3A_1668] : memref<200x8x32x8x128xf32, #tpu.memory_space<hbm>> -> memref<1x1x1x8x128xf32, #tpu.memory_space<hbm>>
        %dma_wait3A_1670 = tpu.memref_squeeze %dma_wait3A_1669 : memref<1x1x1x8x128xf32, #tpu.memory_space<hbm>> -> memref<8x128xf32, #tpu.memory_space<hbm>>
        %dma_wait3A_1671 = arith.constant 0 : i32
        %dma_wait3A_1672 = arith.constant 0 : i32
        %dma_wait3A_1673 = tpu.memref_slice %arg4[%add3A_1658, %dma_wait3A_1663, %add3A_1662, %dma_wait3A_1671, %dma_wait3A_1672] : memref<200x8x32x8x128xf32, #tpu.memory_space<hbm>> -> memref<1x1x1x8x128xf32, #tpu.memory_space<hbm>>
        %dma_wait3A_1674 = tpu.memref_squeeze %dma_wait3A_1673 : memref<1x1x1x8x128xf32, #tpu.memory_space<hbm>> -> memref<8x128xf32, #tpu.memory_space<hbm>>
        %dma_wait3A_1675 = arith.constant 40 : i32
        %dma_wait3A_1676 = arith.constant 128 : i32
        %dma_wait3A_1677 = tpu.memref_slice %arg8[%dma_wait3A_1675, %dma_wait3A_1676] : memref<64x257xf32, #tpu.memory_space<vmem>> -> memref<8x128xf32, #tpu.memory_space<vmem>>
        tpu.wait_dma2 semaphore(%arg12 : memref<!tpu.dma_semaphore, #tpu.memory_space<semaphore_mem>>) src(%dma_wait3A_1677 : memref<8x128xf32, #tpu.memory_space<vmem>>) dst(%dma_wait3A_1674 : memref<8x128xf32, #tpu.memory_space<hbm>>)
        %add3A_1678 = arith.addi %mul3A_0, %sub3A_1437 : i32
        %mul3A_1679 = arith.constant 2 : i32
        %mul3A_1680 = arith.muli %mul3A_1679, %arg1 : i32
        %add3A_1681 = arith.constant 0 : i32
        %add3A_1682 = arith.addi %mul3A_1680, %add3A_1681 : i32
        %dma_wait3A_1683 = arith.constant 6 : i32
        %dma_wait3A_1684 = arith.constant 48 : i32
        %dma_wait3A_1685 = arith.constant 0 : i32
        %dma_wait3A_1686 = tpu.memref_slice %arg8[%dma_wait3A_1684, %dma_wait3A_1685] : memref<64x257xf32, #tpu.memory_space<vmem>> -> memref<8x128xf32, #tpu.memory_space<vmem>>
        %dma_wait3A_1687 = arith.constant 0 : i32
        %dma_wait3A_1688 = arith.constant 0 : i32
        %dma_wait3A_1689 = tpu.memref_slice %arg4[%add3A_1678, %dma_wait3A_1683, %add3A_1682, %dma_wait3A_1687, %dma_wait3A_1688] : memref<200x8x32x8x128xf32, #tpu.memory_space<hbm>> -> memref<1x1x1x8x128xf32, #tpu.memory_space<hbm>>
        %dma_wait3A_1690 = tpu.memref_squeeze %dma_wait3A_1689 : memref<1x1x1x8x128xf32, #tpu.memory_space<hbm>> -> memref<8x128xf32, #tpu.memory_space<hbm>>
        %dma_wait3A_1691 = arith.constant 0 : i32
        %dma_wait3A_1692 = arith.constant 0 : i32
        %dma_wait3A_1693 = tpu.memref_slice %arg4[%add3A_1678, %dma_wait3A_1683, %add3A_1682, %dma_wait3A_1691, %dma_wait3A_1692] : memref<200x8x32x8x128xf32, #tpu.memory_space<hbm>> -> memref<1x1x1x8x128xf32, #tpu.memory_space<hbm>>
        %dma_wait3A_1694 = tpu.memref_squeeze %dma_wait3A_1693 : memref<1x1x1x8x128xf32, #tpu.memory_space<hbm>> -> memref<8x128xf32, #tpu.memory_space<hbm>>
        %dma_wait3A_1695 = arith.constant 48 : i32
        %dma_wait3A_1696 = arith.constant 0 : i32
        %dma_wait3A_1697 = tpu.memref_slice %arg8[%dma_wait3A_1695, %dma_wait3A_1696] : memref<64x257xf32, #tpu.memory_space<vmem>> -> memref<8x128xf32, #tpu.memory_space<vmem>>
        tpu.wait_dma2 semaphore(%arg12 : memref<!tpu.dma_semaphore, #tpu.memory_space<semaphore_mem>>) src(%dma_wait3A_1697 : memref<8x128xf32, #tpu.memory_space<vmem>>) dst(%dma_wait3A_1694 : memref<8x128xf32, #tpu.memory_space<hbm>>)
        %add3A_1698 = arith.addi %mul3A_0, %sub3A_1437 : i32
        %mul3A_1699 = arith.constant 2 : i32
        %mul3A_1700 = arith.muli %mul3A_1699, %arg1 : i32
        %add3A_1701 = arith.constant 1 : i32
        %add3A_1702 = arith.addi %mul3A_1700, %add3A_1701 : i32
        %dma_wait3A_1703 = arith.constant 6 : i32
        %dma_wait3A_1704 = arith.constant 48 : i32
        %dma_wait3A_1705 = arith.constant 128 : i32
        %dma_wait3A_1706 = tpu.memref_slice %arg8[%dma_wait3A_1704, %dma_wait3A_1705] : memref<64x257xf32, #tpu.memory_space<vmem>> -> memref<8x128xf32, #tpu.memory_space<vmem>>
        %dma_wait3A_1707 = arith.constant 0 : i32
        %dma_wait3A_1708 = arith.constant 0 : i32
        %dma_wait3A_1709 = tpu.memref_slice %arg4[%add3A_1698, %dma_wait3A_1703, %add3A_1702, %dma_wait3A_1707, %dma_wait3A_1708] : memref<200x8x32x8x128xf32, #tpu.memory_space<hbm>> -> memref<1x1x1x8x128xf32, #tpu.memory_space<hbm>>
        %dma_wait3A_1710 = tpu.memref_squeeze %dma_wait3A_1709 : memref<1x1x1x8x128xf32, #tpu.memory_space<hbm>> -> memref<8x128xf32, #tpu.memory_space<hbm>>
        %dma_wait3A_1711 = arith.constant 0 : i32
        %dma_wait3A_1712 = arith.constant 0 : i32
        %dma_wait3A_1713 = tpu.memref_slice %arg4[%add3A_1698, %dma_wait3A_1703, %add3A_1702, %dma_wait3A_1711, %dma_wait3A_1712] : memref<200x8x32x8x128xf32, #tpu.memory_space<hbm>> -> memref<1x1x1x8x128xf32, #tpu.memory_space<hbm>>
        %dma_wait3A_1714 = tpu.memref_squeeze %dma_wait3A_1713 : memref<1x1x1x8x128xf32, #tpu.memory_space<hbm>> -> memref<8x128xf32, #tpu.memory_space<hbm>>
        %dma_wait3A_1715 = arith.constant 48 : i32
        %dma_wait3A_1716 = arith.constant 128 : i32
        %dma_wait3A_1717 = tpu.memref_slice %arg8[%dma_wait3A_1715, %dma_wait3A_1716] : memref<64x257xf32, #tpu.memory_space<vmem>> -> memref<8x128xf32, #tpu.memory_space<vmem>>
        tpu.wait_dma2 semaphore(%arg12 : memref<!tpu.dma_semaphore, #tpu.memory_space<semaphore_mem>>) src(%dma_wait3A_1717 : memref<8x128xf32, #tpu.memory_space<vmem>>) dst(%dma_wait3A_1714 : memref<8x128xf32, #tpu.memory_space<hbm>>)
        %add3A_1718 = arith.addi %mul3A_0, %sub3A_1437 : i32
        %mul3A_1719 = arith.constant 2 : i32
        %mul3A_1720 = arith.muli %mul3A_1719, %arg1 : i32
        %add3A_1721 = arith.constant 0 : i32
        %add3A_1722 = arith.addi %mul3A_1720, %add3A_1721 : i32
        %dma_wait3A_1723 = arith.constant 7 : i32
        %dma_wait3A_1724 = arith.constant 56 : i32
        %dma_wait3A_1725 = arith.constant 0 : i32
        %dma_wait3A_1726 = tpu.memref_slice %arg8[%dma_wait3A_1724, %dma_wait3A_1725] : memref<64x257xf32, #tpu.memory_space<vmem>> -> memref<8x128xf32, #tpu.memory_space<vmem>>
        %dma_wait3A_1727 = arith.constant 0 : i32
        %dma_wait3A_1728 = arith.constant 0 : i32
        %dma_wait3A_1729 = tpu.memref_slice %arg4[%add3A_1718, %dma_wait3A_1723, %add3A_1722, %dma_wait3A_1727, %dma_wait3A_1728] : memref<200x8x32x8x128xf32, #tpu.memory_space<hbm>> -> memref<1x1x1x8x128xf32, #tpu.memory_space<hbm>>
        %dma_wait3A_1730 = tpu.memref_squeeze %dma_wait3A_1729 : memref<1x1x1x8x128xf32, #tpu.memory_space<hbm>> -> memref<8x128xf32, #tpu.memory_space<hbm>>
        %dma_wait3A_1731 = arith.constant 0 : i32
        %dma_wait3A_1732 = arith.constant 0 : i32
        %dma_wait3A_1733 = tpu.memref_slice %arg4[%add3A_1718, %dma_wait3A_1723, %add3A_1722, %dma_wait3A_1731, %dma_wait3A_1732] : memref<200x8x32x8x128xf32, #tpu.memory_space<hbm>> -> memref<1x1x1x8x128xf32, #tpu.memory_space<hbm>>
        %dma_wait3A_1734 = tpu.memref_squeeze %dma_wait3A_1733 : memref<1x1x1x8x128xf32, #tpu.memory_space<hbm>> -> memref<8x128xf32, #tpu.memory_space<hbm>>
        %dma_wait3A_1735 = arith.constant 56 : i32
        %dma_wait3A_1736 = arith.constant 0 : i32
        %dma_wait3A_1737 = tpu.memref_slice %arg8[%dma_wait3A_1735, %dma_wait3A_1736] : memref<64x257xf32, #tpu.memory_space<vmem>> -> memref<8x128xf32, #tpu.memory_space<vmem>>
        tpu.wait_dma2 semaphore(%arg12 : memref<!tpu.dma_semaphore, #tpu.memory_space<semaphore_mem>>) src(%dma_wait3A_1737 : memref<8x128xf32, #tpu.memory_space<vmem>>) dst(%dma_wait3A_1734 : memref<8x128xf32, #tpu.memory_space<hbm>>)
        %add3A_1738 = arith.addi %mul3A_0, %sub3A_1437 : i32
        %mul3A_1739 = arith.constant 2 : i32
        %mul3A_1740 = arith.muli %mul3A_1739, %arg1 : i32
        %add3A_1741 = arith.constant 1 : i32
        %add3A_1742 = arith.addi %mul3A_1740, %add3A_1741 : i32
        %dma_wait3A_1743 = arith.constant 7 : i32
        %dma_wait3A_1744 = arith.constant 56 : i32
        %dma_wait3A_1745 = arith.constant 128 : i32
        %dma_wait3A_1746 = tpu.memref_slice %arg8[%dma_wait3A_1744, %dma_wait3A_1745] : memref<64x257xf32, #tpu.memory_space<vmem>> -> memref<8x128xf32, #tpu.memory_space<vmem>>
        %dma_wait3A_1747 = arith.constant 0 : i32
        %dma_wait3A_1748 = arith.constant 0 : i32
        %dma_wait3A_1749 = tpu.memref_slice %arg4[%add3A_1738, %dma_wait3A_1743, %add3A_1742, %dma_wait3A_1747, %dma_wait3A_1748] : memref<200x8x32x8x128xf32, #tpu.memory_space<hbm>> -> memref<1x1x1x8x128xf32, #tpu.memory_space<hbm>>
        %dma_wait3A_1750 = tpu.memref_squeeze %dma_wait3A_1749 : memref<1x1x1x8x128xf32, #tpu.memory_space<hbm>> -> memref<8x128xf32, #tpu.memory_space<hbm>>
        %dma_wait3A_1751 = arith.constant 0 : i32
        %dma_wait3A_1752 = arith.constant 0 : i32
        %dma_wait3A_1753 = tpu.memref_slice %arg4[%add3A_1738, %dma_wait3A_1743, %add3A_1742, %dma_wait3A_1751, %dma_wait3A_1752] : memref<200x8x32x8x128xf32, #tpu.memory_space<hbm>> -> memref<1x1x1x8x128xf32, #tpu.memory_space<hbm>>
        %dma_wait3A_1754 = tpu.memref_squeeze %dma_wait3A_1753 : memref<1x1x1x8x128xf32, #tpu.memory_space<hbm>> -> memref<8x128xf32, #tpu.memory_space<hbm>>
        %dma_wait3A_1755 = arith.constant 56 : i32
        %dma_wait3A_1756 = arith.constant 128 : i32
        %dma_wait3A_1757 = tpu.memref_slice %arg8[%dma_wait3A_1755, %dma_wait3A_1756] : memref<64x257xf32, #tpu.memory_space<vmem>> -> memref<8x128xf32, #tpu.memory_space<vmem>>
        tpu.wait_dma2 semaphore(%arg12 : memref<!tpu.dma_semaphore, #tpu.memory_space<semaphore_mem>>) src(%dma_wait3A_1757 : memref<8x128xf32, #tpu.memory_space<vmem>>) dst(%dma_wait3A_1754 : memref<8x128xf32, #tpu.memory_space<hbm>>)
      } else {
      }
      %scan3A_749 = arith.constant 0 : i32
      %scan3A_750 = arith.constant 0 : i32
      %scan3A_751 = arith.constant 256 : i32
      %scan3A_752 = arith.addi %scan3A_750, %scan3A_751 : i32
      %scan3A_753 = arith.constant 4 : i32
      scf.for %scan3A_1437 = %scan3A_750 to %scan3A_752 step %scan3A_753  : i32 {
        %broadcast_in_dim3A = vector.broadcast %scan3A_1437 : i32 to vector<16xi32>
        %get3A = arith.index_cast %scan3A_1437 : i32 to index
        %get3A_1438 = arith.constant 0 : index
        %get3A_1439 = tpu.vector_load %arg6[%get3A, %get3A_1438] {strides = array<i32>} : memref<256x64xf32, #tpu.memory_space<vmem>>, vector<16xf32>,
        %mul3A_1440 = arith.constant 8.000000e+00 : f32
        %mul3A_1441 = vector.broadcast %mul3A_1440 : f32 to vector<16xf32>
        %mul3A_1442 = arith.mulf %get3A_1439, %mul3A_1441 : vector<16xf32>
        %get3A_1443 = arith.index_cast %scan3A_1437 : i32 to index
        %get3A_1444 = arith.constant 16 : index
        %get3A_1445 = tpu.vector_load %arg6[%get3A_1443, %get3A_1444] {strides = array<i32>} : memref<256x64xf32, #tpu.memory_space<vmem>>, vector<16xf32>,
        %mul3A_1446 = arith.constant 8.000000e+00 : f32
        %mul3A_1447 = vector.broadcast %mul3A_1446 : f32 to vector<16xf32>
        %mul3A_1448 = arith.mulf %get3A_1445, %mul3A_1447 : vector<16xf32>
        %get3A_1449 = arith.index_cast %scan3A_1437 : i32 to index
        %get3A_1450 = arith.constant 32 : index
        %get3A_1451 = tpu.vector_load %arg6[%get3A_1449, %get3A_1450] {strides = array<i32>} : memref<256x64xf32, #tpu.memory_space<vmem>>, vector<16xf32>,
        %mul3A_1452 = arith.constant 8.000000e+00 : f32
        %mul3A_1453 = vector.broadcast %mul3A_1452 : f32 to vector<16xf32>
        %mul3A_1454 = arith.mulf %get3A_1451, %mul3A_1453 : vector<16xf32>
        %get3A_1455 = arith.index_cast %scan3A_1437 : i32 to index
        %get3A_1456 = arith.constant 48 : index
        %get3A_1457 = tpu.vector_load %arg6[%get3A_1455, %get3A_1456] {strides = array<i32>} : memref<256x64xf32, #tpu.memory_space<vmem>>, vector<16xf32>,
        %mul3A_1458 = arith.constant 8.000000e+00 : f32
        %mul3A_1459 = vector.broadcast %mul3A_1458 : f32 to vector<16xf32>
        %mul3A_1460 = arith.mulf %get3A_1457, %mul3A_1459 : vector<16xf32>
        tpu.vector_store_idx %arg8[%add3A_30, %broadcast_in_dim3A], %mul3A_1442 : memref<64x257xf32, #tpu.memory_space<vmem>>[vector<16xi32>, vector<16xi32>], vector<16xf32>,
        tpu.vector_store_idx %arg8[%add3A_33, %broadcast_in_dim3A], %mul3A_1448 : memref<64x257xf32, #tpu.memory_space<vmem>>[vector<16xi32>, vector<16xi32>], vector<16xf32>,
        tpu.vector_store_idx %arg8[%add3A_36, %broadcast_in_dim3A], %mul3A_1454 : memref<64x257xf32, #tpu.memory_space<vmem>>[vector<16xi32>, vector<16xi32>], vector<16xf32>,
        tpu.vector_store_idx %arg8[%add3A_39, %broadcast_in_dim3A], %mul3A_1460 : memref<64x257xf32, #tpu.memory_space<vmem>>[vector<16xi32>, vector<16xi32>], vector<16xf32>,
        %scan3A_1461 = arith.constant 1 : i32
        %scan3A_1462 = arith.addi %scan3A_1437, %scan3A_1461 : i32
        %broadcast_in_dim3A_1463 = vector.broadcast %scan3A_1462 : i32 to vector<16xi32>
        %get3A_1464 = arith.index_cast %scan3A_1462 : i32 to index
        %get3A_1465 = arith.constant 0 : index
        %get3A_1466 = tpu.vector_load %arg6[%get3A_1464, %get3A_1465] {strides = array<i32>} : memref<256x64xf32, #tpu.memory_space<vmem>>, vector<16xf32>,
        %mul3A_1467 = arith.constant 8.000000e+00 : f32
        %mul3A_1468 = vector.broadcast %mul3A_1467 : f32 to vector<16xf32>
        %mul3A_1469 = arith.mulf %get3A_1466, %mul3A_1468 : vector<16xf32>
        %get3A_1470 = arith.index_cast %scan3A_1462 : i32 to index
        %get3A_1471 = arith.constant 16 : index
        %get3A_1472 = tpu.vector_load %arg6[%get3A_1470, %get3A_1471] {strides = array<i32>} : memref<256x64xf32, #tpu.memory_space<vmem>>, vector<16xf32>,
        %mul3A_1473 = arith.constant 8.000000e+00 : f32
        %mul3A_1474 = vector.broadcast %mul3A_1473 : f32 to vector<16xf32>
        %mul3A_1475 = arith.mulf %get3A_1472, %mul3A_1474 : vector<16xf32>
        %get3A_1476 = arith.index_cast %scan3A_1462 : i32 to index
        %get3A_1477 = arith.constant 32 : index
        %get3A_1478 = tpu.vector_load %arg6[%get3A_1476, %get3A_1477] {strides = array<i32>} : memref<256x64xf32, #tpu.memory_space<vmem>>, vector<16xf32>,
        %mul3A_1479 = arith.constant 8.000000e+00 : f32
        %mul3A_1480 = vector.broadcast %mul3A_1479 : f32 to vector<16xf32>
        %mul3A_1481 = arith.mulf %get3A_1478, %mul3A_1480 : vector<16xf32>
        %get3A_1482 = arith.index_cast %scan3A_1462 : i32 to index
        %get3A_1483 = arith.constant 48 : index
        %get3A_1484 = tpu.vector_load %arg6[%get3A_1482, %get3A_1483] {strides = array<i32>} : memref<256x64xf32, #tpu.memory_space<vmem>>, vector<16xf32>,
        %mul3A_1485 = arith.constant 8.000000e+00 : f32
        %mul3A_1486 = vector.broadcast %mul3A_1485 : f32 to vector<16xf32>
        %mul3A_1487 = arith.mulf %get3A_1484, %mul3A_1486 : vector<16xf32>
        tpu.vector_store_idx %arg8[%add3A_30, %broadcast_in_dim3A_1463], %mul3A_1469 : memref<64x257xf32, #tpu.memory_space<vmem>>[vector<16xi32>, vector<16xi32>], vector<16xf32>,
        tpu.vector_store_idx %arg8[%add3A_33, %broadcast_in_dim3A_1463], %mul3A_1475 : memref<64x257xf32, #tpu.memory_space<vmem>>[vector<16xi32>, vector<16xi32>], vector<16xf32>,
        tpu.vector_store_idx %arg8[%add3A_36, %broadcast_in_dim3A_1463], %mul3A_1481 : memref<64x257xf32, #tpu.memory_space<vmem>>[vector<16xi32>, vector<16xi32>], vector<16xf32>,
        tpu.vector_store_idx %arg8[%add3A_39, %broadcast_in_dim3A_1463], %mul3A_1487 : memref<64x257xf32, #tpu.memory_space<vmem>>[vector<16xi32>, vector<16xi32>], vector<16xf32>,
        %scan3A_1488 = arith.constant 2 : i32
        %scan3A_1489 = arith.addi %scan3A_1437, %scan3A_1488 : i32
        %broadcast_in_dim3A_1490 = vector.broadcast %scan3A_1489 : i32 to vector<16xi32>
        %get3A_1491 = arith.index_cast %scan3A_1489 : i32 to index
        %get3A_1492 = arith.constant 0 : index
        %get3A_1493 = tpu.vector_load %arg6[%get3A_1491, %get3A_1492] {strides = array<i32>} : memref<256x64xf32, #tpu.memory_space<vmem>>, vector<16xf32>,
        %mul3A_1494 = arith.constant 8.000000e+00 : f32
        %mul3A_1495 = vector.broadcast %mul3A_1494 : f32 to vector<16xf32>
        %mul3A_1496 = arith.mulf %get3A_1493, %mul3A_1495 : vector<16xf32>
        %get3A_1497 = arith.index_cast %scan3A_1489 : i32 to index
        %get3A_1498 = arith.constant 16 : index
        %get3A_1499 = tpu.vector_load %arg6[%get3A_1497, %get3A_1498] {strides = array<i32>} : memref<256x64xf32, #tpu.memory_space<vmem>>, vector<16xf32>,
        %mul3A_1500 = arith.constant 8.000000e+00 : f32
        %mul3A_1501 = vector.broadcast %mul3A_1500 : f32 to vector<16xf32>
        %mul3A_1502 = arith.mulf %get3A_1499, %mul3A_1501 : vector<16xf32>
        %get3A_1503 = arith.index_cast %scan3A_1489 : i32 to index
        %get3A_1504 = arith.constant 32 : index
        %get3A_1505 = tpu.vector_load %arg6[%get3A_1503, %get3A_1504] {strides = array<i32>} : memref<256x64xf32, #tpu.memory_space<vmem>>, vector<16xf32>,
        %mul3A_1506 = arith.constant 8.000000e+00 : f32
        %mul3A_1507 = vector.broadcast %mul3A_1506 : f32 to vector<16xf32>
        %mul3A_1508 = arith.mulf %get3A_1505, %mul3A_1507 : vector<16xf32>
        %get3A_1509 = arith.index_cast %scan3A_1489 : i32 to index
        %get3A_1510 = arith.constant 48 : index
        %get3A_1511 = tpu.vector_load %arg6[%get3A_1509, %get3A_1510] {strides = array<i32>} : memref<256x64xf32, #tpu.memory_space<vmem>>, vector<16xf32>,
        %mul3A_1512 = arith.constant 8.000000e+00 : f32
        %mul3A_1513 = vector.broadcast %mul3A_1512 : f32 to vector<16xf32>
        %mul3A_1514 = arith.mulf %get3A_1511, %mul3A_1513 : vector<16xf32>
        tpu.vector_store_idx %arg8[%add3A_30, %broadcast_in_dim3A_1490], %mul3A_1496 : memref<64x257xf32, #tpu.memory_space<vmem>>[vector<16xi32>, vector<16xi32>], vector<16xf32>,
        tpu.vector_store_idx %arg8[%add3A_33, %broadcast_in_dim3A_1490], %mul3A_1502 : memref<64x257xf32, #tpu.memory_space<vmem>>[vector<16xi32>, vector<16xi32>], vector<16xf32>,
        tpu.vector_store_idx %arg8[%add3A_36, %broadcast_in_dim3A_1490], %mul3A_1508 : memref<64x257xf32, #tpu.memory_space<vmem>>[vector<16xi32>, vector<16xi32>], vector<16xf32>,
        tpu.vector_store_idx %arg8[%add3A_39, %broadcast_in_dim3A_1490], %mul3A_1514 : memref<64x257xf32, #tpu.memory_space<vmem>>[vector<16xi32>, vector<16xi32>], vector<16xf32>,
        %scan3A_1515 = arith.constant 3 : i32
        %scan3A_1516 = arith.addi %scan3A_1437, %scan3A_1515 : i32
        %broadcast_in_dim3A_1517 = vector.broadcast %scan3A_1516 : i32 to vector<16xi32>
        %get3A_1518 = arith.index_cast %scan3A_1516 : i32 to index
        %get3A_1519 = arith.constant 0 : index
        %get3A_1520 = tpu.vector_load %arg6[%get3A_1518, %get3A_1519] {strides = array<i32>} : memref<256x64xf32, #tpu.memory_space<vmem>>, vector<16xf32>,
        %mul3A_1521 = arith.constant 8.000000e+00 : f32
        %mul3A_1522 = vector.broadcast %mul3A_1521 : f32 to vector<16xf32>
        %mul3A_1523 = arith.mulf %get3A_1520, %mul3A_1522 : vector<16xf32>
        %get3A_1524 = arith.index_cast %scan3A_1516 : i32 to index
        %get3A_1525 = arith.constant 16 : index
        %get3A_1526 = tpu.vector_load %arg6[%get3A_1524, %get3A_1525] {strides = array<i32>} : memref<256x64xf32, #tpu.memory_space<vmem>>, vector<16xf32>,
        %mul3A_1527 = arith.constant 8.000000e+00 : f32
        %mul3A_1528 = vector.broadcast %mul3A_1527 : f32 to vector<16xf32>
        %mul3A_1529 = arith.mulf %get3A_1526, %mul3A_1528 : vector<16xf32>
        %get3A_1530 = arith.index_cast %scan3A_1516 : i32 to index
        %get3A_1531 = arith.constant 32 : index
        %get3A_1532 = tpu.vector_load %arg6[%get3A_1530, %get3A_1531] {strides = array<i32>} : memref<256x64xf32, #tpu.memory_space<vmem>>, vector<16xf32>,
        %mul3A_1533 = arith.constant 8.000000e+00 : f32
        %mul3A_1534 = vector.broadcast %mul3A_1533 : f32 to vector<16xf32>
        %mul3A_1535 = arith.mulf %get3A_1532, %mul3A_1534 : vector<16xf32>
        %get3A_1536 = arith.index_cast %scan3A_1516 : i32 to index
        %get3A_1537 = arith.constant 48 : index
        %get3A_1538 = tpu.vector_load %arg6[%get3A_1536, %get3A_1537] {strides = array<i32>} : memref<256x64xf32, #tpu.memory_space<vmem>>, vector<16xf32>,
        %mul3A_1539 = arith.constant 8.000000e+00 : f32
        %mul3A_1540 = vector.broadcast %mul3A_1539 : f32 to vector<16xf32>
        %mul3A_1541 = arith.mulf %get3A_1538, %mul3A_1540 : vector<16xf32>
        tpu.vector_store_idx %arg8[%add3A_30, %broadcast_in_dim3A_1517], %mul3A_1523 : memref<64x257xf32, #tpu.memory_space<vmem>>[vector<16xi32>, vector<16xi32>], vector<16xf32>,
        tpu.vector_store_idx %arg8[%add3A_33, %broadcast_in_dim3A_1517], %mul3A_1529 : memref<64x257xf32, #tpu.memory_space<vmem>>[vector<16xi32>, vector<16xi32>], vector<16xf32>,
        tpu.vector_store_idx %arg8[%add3A_36, %broadcast_in_dim3A_1517], %mul3A_1535 : memref<64x257xf32, #tpu.memory_space<vmem>>[vector<16xi32>, vector<16xi32>], vector<16xf32>,
        tpu.vector_store_idx %arg8[%add3A_39, %broadcast_in_dim3A_1517], %mul3A_1541 : memref<64x257xf32, #tpu.memory_space<vmem>>[vector<16xi32>, vector<16xi32>], vector<16xf32>,
      }
      %scan3A_754 = arith.constant 256 : i32
      %add3A_755 = arith.addi %mul3A_0, %add3A_720 : i32
      %mul3A_756 = arith.constant 2 : i32
      %mul3A_757 = arith.muli %mul3A_756, %arg1 : i32
      %add3A_758 = arith.constant 0 : i32
      %add3A_759 = arith.addi %mul3A_757, %add3A_758 : i32
      %dma_start3A_760 = arith.constant 0 : i32
      %dma_start3A_761 = arith.constant 0 : i32
      %dma_start3A_762 = arith.constant 0 : i32
      %dma_start3A_763 = tpu.memref_slice %arg8[%dma_start3A_761, %dma_start3A_762] : memref<64x257xf32, #tpu.memory_space<vmem>> -> memref<8x128xf32, #tpu.memory_space<vmem>>
      %dma_start3A_764 = arith.constant 0 : i32
      %dma_start3A_765 = arith.constant 0 : i32
      %dma_start3A_766 = tpu.memref_slice %arg4[%add3A_755, %dma_start3A_760, %add3A_759, %dma_start3A_764, %dma_start3A_765] : memref<200x8x32x8x128xf32, #tpu.memory_space<hbm>> -> memref<1x1x1x8x128xf32, #tpu.memory_space<hbm>>
      %dma_start3A_767 = tpu.memref_squeeze %dma_start3A_766 : memref<1x1x1x8x128xf32, #tpu.memory_space<hbm>> -> memref<8x128xf32, #tpu.memory_space<hbm>>
      %dma_start3A_768 = arith.constant 0 : i32
      %dma_start3A_769 = arith.constant 0 : i32
      %dma_start3A_770 = tpu.memref_slice %arg4[%add3A_755, %dma_start3A_760, %add3A_759, %dma_start3A_768, %dma_start3A_769] : memref<200x8x32x8x128xf32, #tpu.memory_space<hbm>> -> memref<1x1x1x8x128xf32, #tpu.memory_space<hbm>>
      %dma_start3A_771 = tpu.memref_squeeze %dma_start3A_770 : memref<1x1x1x8x128xf32, #tpu.memory_space<hbm>> -> memref<8x128xf32, #tpu.memory_space<hbm>>
      %dma_start3A_772 = arith.constant 0 : i32
      %dma_start3A_773 = arith.constant 0 : i32
      %dma_start3A_774 = tpu.memref_slice %arg8[%dma_start3A_772, %dma_start3A_773] : memref<64x257xf32, #tpu.memory_space<vmem>> -> memref<8x128xf32, #tpu.memory_space<vmem>>
      tpu.enqueue_dma source(%dma_start3A_774 : memref<8x128xf32, #tpu.memory_space<vmem>>) target(%dma_start3A_771 : memref<8x128xf32, #tpu.memory_space<hbm>>) target_semaphore(%arg12 : memref<!tpu.dma_semaphore, #tpu.memory_space<semaphore_mem>>)
      %add3A_775 = arith.addi %mul3A_0, %add3A_720 : i32
      %mul3A_776 = arith.constant 2 : i32
      %mul3A_777 = arith.muli %mul3A_776, %arg1 : i32
      %add3A_778 = arith.constant 1 : i32
      %add3A_779 = arith.addi %mul3A_777, %add3A_778 : i32
      %dma_start3A_780 = arith.constant 0 : i32
      %dma_start3A_781 = arith.constant 0 : i32
      %dma_start3A_782 = arith.constant 128 : i32
      %dma_start3A_783 = tpu.memref_slice %arg8[%dma_start3A_781, %dma_start3A_782] : memref<64x257xf32, #tpu.memory_space<vmem>> -> memref<8x128xf32, #tpu.memory_space<vmem>>
      %dma_start3A_784 = arith.constant 0 : i32
      %dma_start3A_785 = arith.constant 0 : i32
      %dma_start3A_786 = tpu.memref_slice %arg4[%add3A_775, %dma_start3A_780, %add3A_779, %dma_start3A_784, %dma_start3A_785] : memref<200x8x32x8x128xf32, #tpu.memory_space<hbm>> -> memref<1x1x1x8x128xf32, #tpu.memory_space<hbm>>
      %dma_start3A_787 = tpu.memref_squeeze %dma_start3A_786 : memref<1x1x1x8x128xf32, #tpu.memory_space<hbm>> -> memref<8x128xf32, #tpu.memory_space<hbm>>
      %dma_start3A_788 = arith.constant 0 : i32
      %dma_start3A_789 = arith.constant 0 : i32
      %dma_start3A_790 = tpu.memref_slice %arg4[%add3A_775, %dma_start3A_780, %add3A_779, %dma_start3A_788, %dma_start3A_789] : memref<200x8x32x8x128xf32, #tpu.memory_space<hbm>> -> memref<1x1x1x8x128xf32, #tpu.memory_space<hbm>>
      %dma_start3A_791 = tpu.memref_squeeze %dma_start3A_790 : memref<1x1x1x8x128xf32, #tpu.memory_space<hbm>> -> memref<8x128xf32, #tpu.memory_space<hbm>>
      %dma_start3A_792 = arith.constant 0 : i32
      %dma_start3A_793 = arith.constant 128 : i32
      %dma_start3A_794 = tpu.memref_slice %arg8[%dma_start3A_792, %dma_start3A_793] : memref<64x257xf32, #tpu.memory_space<vmem>> -> memref<8x128xf32, #tpu.memory_space<vmem>>
      tpu.enqueue_dma source(%dma_start3A_794 : memref<8x128xf32, #tpu.memory_space<vmem>>) target(%dma_start3A_791 : memref<8x128xf32, #tpu.memory_space<hbm>>) target_semaphore(%arg12 : memref<!tpu.dma_semaphore, #tpu.memory_space<semaphore_mem>>)
      %add3A_795 = arith.addi %mul3A_0, %add3A_720 : i32
      %mul3A_796 = arith.constant 2 : i32
      %mul3A_797 = arith.muli %mul3A_796, %arg1 : i32
      %add3A_798 = arith.constant 0 : i32
      %add3A_799 = arith.addi %mul3A_797, %add3A_798 : i32
      %dma_start3A_800 = arith.constant 1 : i32
      %dma_start3A_801 = arith.constant 8 : i32
      %dma_start3A_802 = arith.constant 0 : i32
      %dma_start3A_803 = tpu.memref_slice %arg8[%dma_start3A_801, %dma_start3A_802] : memref<64x257xf32, #tpu.memory_space<vmem>> -> memref<8x128xf32, #tpu.memory_space<vmem>>
      %dma_start3A_804 = arith.constant 0 : i32
      %dma_start3A_805 = arith.constant 0 : i32
      %dma_start3A_806 = tpu.memref_slice %arg4[%add3A_795, %dma_start3A_800, %add3A_799, %dma_start3A_804, %dma_start3A_805] : memref<200x8x32x8x128xf32, #tpu.memory_space<hbm>> -> memref<1x1x1x8x128xf32, #tpu.memory_space<hbm>>
      %dma_start3A_807 = tpu.memref_squeeze %dma_start3A_806 : memref<1x1x1x8x128xf32, #tpu.memory_space<hbm>> -> memref<8x128xf32, #tpu.memory_space<hbm>>
      %dma_start3A_808 = arith.constant 0 : i32
      %dma_start3A_809 = arith.constant 0 : i32
      %dma_start3A_810 = tpu.memref_slice %arg4[%add3A_795, %dma_start3A_800, %add3A_799, %dma_start3A_808, %dma_start3A_809] : memref<200x8x32x8x128xf32, #tpu.memory_space<hbm>> -> memref<1x1x1x8x128xf32, #tpu.memory_space<hbm>>
      %dma_start3A_811 = tpu.memref_squeeze %dma_start3A_810 : memref<1x1x1x8x128xf32, #tpu.memory_space<hbm>> -> memref<8x128xf32, #tpu.memory_space<hbm>>
      %dma_start3A_812 = arith.constant 8 : i32
      %dma_start3A_813 = arith.constant 0 : i32
      %dma_start3A_814 = tpu.memref_slice %arg8[%dma_start3A_812, %dma_start3A_813] : memref<64x257xf32, #tpu.memory_space<vmem>> -> memref<8x128xf32, #tpu.memory_space<vmem>>
      tpu.enqueue_dma source(%dma_start3A_814 : memref<8x128xf32, #tpu.memory_space<vmem>>) target(%dma_start3A_811 : memref<8x128xf32, #tpu.memory_space<hbm>>) target_semaphore(%arg12 : memref<!tpu.dma_semaphore, #tpu.memory_space<semaphore_mem>>)
      %add3A_815 = arith.addi %mul3A_0, %add3A_720 : i32
      %mul3A_816 = arith.constant 2 : i32
      %mul3A_817 = arith.muli %mul3A_816, %arg1 : i32
      %add3A_818 = arith.constant 1 : i32
      %add3A_819 = arith.addi %mul3A_817, %add3A_818 : i32
      %dma_start3A_820 = arith.constant 1 : i32
      %dma_start3A_821 = arith.constant 8 : i32
      %dma_start3A_822 = arith.constant 128 : i32
      %dma_start3A_823 = tpu.memref_slice %arg8[%dma_start3A_821, %dma_start3A_822] : memref<64x257xf32, #tpu.memory_space<vmem>> -> memref<8x128xf32, #tpu.memory_space<vmem>>
      %dma_start3A_824 = arith.constant 0 : i32
      %dma_start3A_825 = arith.constant 0 : i32
      %dma_start3A_826 = tpu.memref_slice %arg4[%add3A_815, %dma_start3A_820, %add3A_819, %dma_start3A_824, %dma_start3A_825] : memref<200x8x32x8x128xf32, #tpu.memory_space<hbm>> -> memref<1x1x1x8x128xf32, #tpu.memory_space<hbm>>
      %dma_start3A_827 = tpu.memref_squeeze %dma_start3A_826 : memref<1x1x1x8x128xf32, #tpu.memory_space<hbm>> -> memref<8x128xf32, #tpu.memory_space<hbm>>
      %dma_start3A_828 = arith.constant 0 : i32
      %dma_start3A_829 = arith.constant 0 : i32
      %dma_start3A_830 = tpu.memref_slice %arg4[%add3A_815, %dma_start3A_820, %add3A_819, %dma_start3A_828, %dma_start3A_829] : memref<200x8x32x8x128xf32, #tpu.memory_space<hbm>> -> memref<1x1x1x8x128xf32, #tpu.memory_space<hbm>>
      %dma_start3A_831 = tpu.memref_squeeze %dma_start3A_830 : memref<1x1x1x8x128xf32, #tpu.memory_space<hbm>> -> memref<8x128xf32, #tpu.memory_space<hbm>>
      %dma_start3A_832 = arith.constant 8 : i32
      %dma_start3A_833 = arith.constant 128 : i32
      %dma_start3A_834 = tpu.memref_slice %arg8[%dma_start3A_832, %dma_start3A_833] : memref<64x257xf32, #tpu.memory_space<vmem>> -> memref<8x128xf32, #tpu.memory_space<vmem>>
      tpu.enqueue_dma source(%dma_start3A_834 : memref<8x128xf32, #tpu.memory_space<vmem>>) target(%dma_start3A_831 : memref<8x128xf32, #tpu.memory_space<hbm>>) target_semaphore(%arg12 : memref<!tpu.dma_semaphore, #tpu.memory_space<semaphore_mem>>)
      %add3A_835 = arith.addi %mul3A_0, %add3A_720 : i32
      %mul3A_836 = arith.constant 2 : i32
      %mul3A_837 = arith.muli %mul3A_836, %arg1 : i32
      %add3A_838 = arith.constant 0 : i32
      %add3A_839 = arith.addi %mul3A_837, %add3A_838 : i32
      %dma_start3A_840 = arith.constant 2 : i32
      %dma_start3A_841 = arith.constant 16 : i32
      %dma_start3A_842 = arith.constant 0 : i32
      %dma_start3A_843 = tpu.memref_slice %arg8[%dma_start3A_841, %dma_start3A_842] : memref<64x257xf32, #tpu.memory_space<vmem>> -> memref<8x128xf32, #tpu.memory_space<vmem>>
      %dma_start3A_844 = arith.constant 0 : i32
      %dma_start3A_845 = arith.constant 0 : i32
      %dma_start3A_846 = tpu.memref_slice %arg4[%add3A_835, %dma_start3A_840, %add3A_839, %dma_start3A_844, %dma_start3A_845] : memref<200x8x32x8x128xf32, #tpu.memory_space<hbm>> -> memref<1x1x1x8x128xf32, #tpu.memory_space<hbm>>
      %dma_start3A_847 = tpu.memref_squeeze %dma_start3A_846 : memref<1x1x1x8x128xf32, #tpu.memory_space<hbm>> -> memref<8x128xf32, #tpu.memory_space<hbm>>
      %dma_start3A_848 = arith.constant 0 : i32
      %dma_start3A_849 = arith.constant 0 : i32
      %dma_start3A_850 = tpu.memref_slice %arg4[%add3A_835, %dma_start3A_840, %add3A_839, %dma_start3A_848, %dma_start3A_849] : memref<200x8x32x8x128xf32, #tpu.memory_space<hbm>> -> memref<1x1x1x8x128xf32, #tpu.memory_space<hbm>>
      %dma_start3A_851 = tpu.memref_squeeze %dma_start3A_850 : memref<1x1x1x8x128xf32, #tpu.memory_space<hbm>> -> memref<8x128xf32, #tpu.memory_space<hbm>>
      %dma_start3A_852 = arith.constant 16 : i32
      %dma_start3A_853 = arith.constant 0 : i32
      %dma_start3A_854 = tpu.memref_slice %arg8[%dma_start3A_852, %dma_start3A_853] : memref<64x257xf32, #tpu.memory_space<vmem>> -> memref<8x128xf32, #tpu.memory_space<vmem>>
      tpu.enqueue_dma source(%dma_start3A_854 : memref<8x128xf32, #tpu.memory_space<vmem>>) target(%dma_start3A_851 : memref<8x128xf32, #tpu.memory_space<hbm>>) target_semaphore(%arg12 : memref<!tpu.dma_semaphore, #tpu.memory_space<semaphore_mem>>)
      %add3A_855 = arith.addi %mul3A_0, %add3A_720 : i32
      %mul3A_856 = arith.constant 2 : i32
      %mul3A_857 = arith.muli %mul3A_856, %arg1 : i32
      %add3A_858 = arith.constant 1 : i32
      %add3A_859 = arith.addi %mul3A_857, %add3A_858 : i32
      %dma_start3A_860 = arith.constant 2 : i32
      %dma_start3A_861 = arith.constant 16 : i32
      %dma_start3A_862 = arith.constant 128 : i32
      %dma_start3A_863 = tpu.memref_slice %arg8[%dma_start3A_861, %dma_start3A_862] : memref<64x257xf32, #tpu.memory_space<vmem>> -> memref<8x128xf32, #tpu.memory_space<vmem>>
      %dma_start3A_864 = arith.constant 0 : i32
      %dma_start3A_865 = arith.constant 0 : i32
      %dma_start3A_866 = tpu.memref_slice %arg4[%add3A_855, %dma_start3A_860, %add3A_859, %dma_start3A_864, %dma_start3A_865] : memref<200x8x32x8x128xf32, #tpu.memory_space<hbm>> -> memref<1x1x1x8x128xf32, #tpu.memory_space<hbm>>
      %dma_start3A_867 = tpu.memref_squeeze %dma_start3A_866 : memref<1x1x1x8x128xf32, #tpu.memory_space<hbm>> -> memref<8x128xf32, #tpu.memory_space<hbm>>
      %dma_start3A_868 = arith.constant 0 : i32
      %dma_start3A_869 = arith.constant 0 : i32
      %dma_start3A_870 = tpu.memref_slice %arg4[%add3A_855, %dma_start3A_860, %add3A_859, %dma_start3A_868, %dma_start3A_869] : memref<200x8x32x8x128xf32, #tpu.memory_space<hbm>> -> memref<1x1x1x8x128xf32, #tpu.memory_space<hbm>>
      %dma_start3A_871 = tpu.memref_squeeze %dma_start3A_870 : memref<1x1x1x8x128xf32, #tpu.memory_space<hbm>> -> memref<8x128xf32, #tpu.memory_space<hbm>>
      %dma_start3A_872 = arith.constant 16 : i32
      %dma_start3A_873 = arith.constant 128 : i32
      %dma_start3A_874 = tpu.memref_slice %arg8[%dma_start3A_872, %dma_start3A_873] : memref<64x257xf32, #tpu.memory_space<vmem>> -> memref<8x128xf32, #tpu.memory_space<vmem>>
      tpu.enqueue_dma source(%dma_start3A_874 : memref<8x128xf32, #tpu.memory_space<vmem>>) target(%dma_start3A_871 : memref<8x128xf32, #tpu.memory_space<hbm>>) target_semaphore(%arg12 : memref<!tpu.dma_semaphore, #tpu.memory_space<semaphore_mem>>)
      %add3A_875 = arith.addi %mul3A_0, %add3A_720 : i32
      %mul3A_876 = arith.constant 2 : i32
      %mul3A_877 = arith.muli %mul3A_876, %arg1 : i32
      %add3A_878 = arith.constant 0 : i32
      %add3A_879 = arith.addi %mul3A_877, %add3A_878 : i32
      %dma_start3A_880 = arith.constant 3 : i32
      %dma_start3A_881 = arith.constant 24 : i32
      %dma_start3A_882 = arith.constant 0 : i32
      %dma_start3A_883 = tpu.memref_slice %arg8[%dma_start3A_881, %dma_start3A_882] : memref<64x257xf32, #tpu.memory_space<vmem>> -> memref<8x128xf32, #tpu.memory_space<vmem>>
      %dma_start3A_884 = arith.constant 0 : i32
      %dma_start3A_885 = arith.constant 0 : i32
      %dma_start3A_886 = tpu.memref_slice %arg4[%add3A_875, %dma_start3A_880, %add3A_879, %dma_start3A_884, %dma_start3A_885] : memref<200x8x32x8x128xf32, #tpu.memory_space<hbm>> -> memref<1x1x1x8x128xf32, #tpu.memory_space<hbm>>
      %dma_start3A_887 = tpu.memref_squeeze %dma_start3A_886 : memref<1x1x1x8x128xf32, #tpu.memory_space<hbm>> -> memref<8x128xf32, #tpu.memory_space<hbm>>
      %dma_start3A_888 = arith.constant 0 : i32
      %dma_start3A_889 = arith.constant 0 : i32
      %dma_start3A_890 = tpu.memref_slice %arg4[%add3A_875, %dma_start3A_880, %add3A_879, %dma_start3A_888, %dma_start3A_889] : memref<200x8x32x8x128xf32, #tpu.memory_space<hbm>> -> memref<1x1x1x8x128xf32, #tpu.memory_space<hbm>>
      %dma_start3A_891 = tpu.memref_squeeze %dma_start3A_890 : memref<1x1x1x8x128xf32, #tpu.memory_space<hbm>> -> memref<8x128xf32, #tpu.memory_space<hbm>>
      %dma_start3A_892 = arith.constant 24 : i32
      %dma_start3A_893 = arith.constant 0 : i32
      %dma_start3A_894 = tpu.memref_slice %arg8[%dma_start3A_892, %dma_start3A_893] : memref<64x257xf32, #tpu.memory_space<vmem>> -> memref<8x128xf32, #tpu.memory_space<vmem>>
      tpu.enqueue_dma source(%dma_start3A_894 : memref<8x128xf32, #tpu.memory_space<vmem>>) target(%dma_start3A_891 : memref<8x128xf32, #tpu.memory_space<hbm>>) target_semaphore(%arg12 : memref<!tpu.dma_semaphore, #tpu.memory_space<semaphore_mem>>)
      %add3A_895 = arith.addi %mul3A_0, %add3A_720 : i32
      %mul3A_896 = arith.constant 2 : i32
      %mul3A_897 = arith.muli %mul3A_896, %arg1 : i32
      %add3A_898 = arith.constant 1 : i32
      %add3A_899 = arith.addi %mul3A_897, %add3A_898 : i32
      %dma_start3A_900 = arith.constant 3 : i32
      %dma_start3A_901 = arith.constant 24 : i32
      %dma_start3A_902 = arith.constant 128 : i32
      %dma_start3A_903 = tpu.memref_slice %arg8[%dma_start3A_901, %dma_start3A_902] : memref<64x257xf32, #tpu.memory_space<vmem>> -> memref<8x128xf32, #tpu.memory_space<vmem>>
      %dma_start3A_904 = arith.constant 0 : i32
      %dma_start3A_905 = arith.constant 0 : i32
      %dma_start3A_906 = tpu.memref_slice %arg4[%add3A_895, %dma_start3A_900, %add3A_899, %dma_start3A_904, %dma_start3A_905] : memref<200x8x32x8x128xf32, #tpu.memory_space<hbm>> -> memref<1x1x1x8x128xf32, #tpu.memory_space<hbm>>
      %dma_start3A_907 = tpu.memref_squeeze %dma_start3A_906 : memref<1x1x1x8x128xf32, #tpu.memory_space<hbm>> -> memref<8x128xf32, #tpu.memory_space<hbm>>
      %dma_start3A_908 = arith.constant 0 : i32
      %dma_start3A_909 = arith.constant 0 : i32
      %dma_start3A_910 = tpu.memref_slice %arg4[%add3A_895, %dma_start3A_900, %add3A_899, %dma_start3A_908, %dma_start3A_909] : memref<200x8x32x8x128xf32, #tpu.memory_space<hbm>> -> memref<1x1x1x8x128xf32, #tpu.memory_space<hbm>>
      %dma_start3A_911 = tpu.memref_squeeze %dma_start3A_910 : memref<1x1x1x8x128xf32, #tpu.memory_space<hbm>> -> memref<8x128xf32, #tpu.memory_space<hbm>>
      %dma_start3A_912 = arith.constant 24 : i32
      %dma_start3A_913 = arith.constant 128 : i32
      %dma_start3A_914 = tpu.memref_slice %arg8[%dma_start3A_912, %dma_start3A_913] : memref<64x257xf32, #tpu.memory_space<vmem>> -> memref<8x128xf32, #tpu.memory_space<vmem>>
      tpu.enqueue_dma source(%dma_start3A_914 : memref<8x128xf32, #tpu.memory_space<vmem>>) target(%dma_start3A_911 : memref<8x128xf32, #tpu.memory_space<hbm>>) target_semaphore(%arg12 : memref<!tpu.dma_semaphore, #tpu.memory_space<semaphore_mem>>)
      %add3A_915 = arith.addi %mul3A_0, %add3A_720 : i32
      %mul3A_916 = arith.constant 2 : i32
      %mul3A_917 = arith.muli %mul3A_916, %arg1 : i32
      %add3A_918 = arith.constant 0 : i32
      %add3A_919 = arith.addi %mul3A_917, %add3A_918 : i32
      %dma_start3A_920 = arith.constant 4 : i32
      %dma_start3A_921 = arith.constant 32 : i32
      %dma_start3A_922 = arith.constant 0 : i32
      %dma_start3A_923 = tpu.memref_slice %arg8[%dma_start3A_921, %dma_start3A_922] : memref<64x257xf32, #tpu.memory_space<vmem>> -> memref<8x128xf32, #tpu.memory_space<vmem>>
      %dma_start3A_924 = arith.constant 0 : i32
      %dma_start3A_925 = arith.constant 0 : i32
      %dma_start3A_926 = tpu.memref_slice %arg4[%add3A_915, %dma_start3A_920, %add3A_919, %dma_start3A_924, %dma_start3A_925] : memref<200x8x32x8x128xf32, #tpu.memory_space<hbm>> -> memref<1x1x1x8x128xf32, #tpu.memory_space<hbm>>
      %dma_start3A_927 = tpu.memref_squeeze %dma_start3A_926 : memref<1x1x1x8x128xf32, #tpu.memory_space<hbm>> -> memref<8x128xf32, #tpu.memory_space<hbm>>
      %dma_start3A_928 = arith.constant 0 : i32
      %dma_start3A_929 = arith.constant 0 : i32
      %dma_start3A_930 = tpu.memref_slice %arg4[%add3A_915, %dma_start3A_920, %add3A_919, %dma_start3A_928, %dma_start3A_929] : memref<200x8x32x8x128xf32, #tpu.memory_space<hbm>> -> memref<1x1x1x8x128xf32, #tpu.memory_space<hbm>>
      %dma_start3A_931 = tpu.memref_squeeze %dma_start3A_930 : memref<1x1x1x8x128xf32, #tpu.memory_space<hbm>> -> memref<8x128xf32, #tpu.memory_space<hbm>>
      %dma_start3A_932 = arith.constant 32 : i32
      %dma_start3A_933 = arith.constant 0 : i32
      %dma_start3A_934 = tpu.memref_slice %arg8[%dma_start3A_932, %dma_start3A_933] : memref<64x257xf32, #tpu.memory_space<vmem>> -> memref<8x128xf32, #tpu.memory_space<vmem>>
      tpu.enqueue_dma source(%dma_start3A_934 : memref<8x128xf32, #tpu.memory_space<vmem>>) target(%dma_start3A_931 : memref<8x128xf32, #tpu.memory_space<hbm>>) target_semaphore(%arg12 : memref<!tpu.dma_semaphore, #tpu.memory_space<semaphore_mem>>)
      %add3A_935 = arith.addi %mul3A_0, %add3A_720 : i32
      %mul3A_936 = arith.constant 2 : i32
      %mul3A_937 = arith.muli %mul3A_936, %arg1 : i32
      %add3A_938 = arith.constant 1 : i32
      %add3A_939 = arith.addi %mul3A_937, %add3A_938 : i32
      %dma_start3A_940 = arith.constant 4 : i32
      %dma_start3A_941 = arith.constant 32 : i32
      %dma_start3A_942 = arith.constant 128 : i32
      %dma_start3A_943 = tpu.memref_slice %arg8[%dma_start3A_941, %dma_start3A_942] : memref<64x257xf32, #tpu.memory_space<vmem>> -> memref<8x128xf32, #tpu.memory_space<vmem>>
      %dma_start3A_944 = arith.constant 0 : i32
      %dma_start3A_945 = arith.constant 0 : i32
      %dma_start3A_946 = tpu.memref_slice %arg4[%add3A_935, %dma_start3A_940, %add3A_939, %dma_start3A_944, %dma_start3A_945] : memref<200x8x32x8x128xf32, #tpu.memory_space<hbm>> -> memref<1x1x1x8x128xf32, #tpu.memory_space<hbm>>
      %dma_start3A_947 = tpu.memref_squeeze %dma_start3A_946 : memref<1x1x1x8x128xf32, #tpu.memory_space<hbm>> -> memref<8x128xf32, #tpu.memory_space<hbm>>
      %dma_start3A_948 = arith.constant 0 : i32
      %dma_start3A_949 = arith.constant 0 : i32
      %dma_start3A_950 = tpu.memref_slice %arg4[%add3A_935, %dma_start3A_940, %add3A_939, %dma_start3A_948, %dma_start3A_949] : memref<200x8x32x8x128xf32, #tpu.memory_space<hbm>> -> memref<1x1x1x8x128xf32, #tpu.memory_space<hbm>>
      %dma_start3A_951 = tpu.memref_squeeze %dma_start3A_950 : memref<1x1x1x8x128xf32, #tpu.memory_space<hbm>> -> memref<8x128xf32, #tpu.memory_space<hbm>>
      %dma_start3A_952 = arith.constant 32 : i32
      %dma_start3A_953 = arith.constant 128 : i32
      %dma_start3A_954 = tpu.memref_slice %arg8[%dma_start3A_952, %dma_start3A_953] : memref<64x257xf32, #tpu.memory_space<vmem>> -> memref<8x128xf32, #tpu.memory_space<vmem>>
      tpu.enqueue_dma source(%dma_start3A_954 : memref<8x128xf32, #tpu.memory_space<vmem>>) target(%dma_start3A_951 : memref<8x128xf32, #tpu.memory_space<hbm>>) target_semaphore(%arg12 : memref<!tpu.dma_semaphore, #tpu.memory_space<semaphore_mem>>)
      %add3A_955 = arith.addi %mul3A_0, %add3A_720 : i32
      %mul3A_956 = arith.constant 2 : i32
      %mul3A_957 = arith.muli %mul3A_956, %arg1 : i32
      %add3A_958 = arith.constant 0 : i32
      %add3A_959 = arith.addi %mul3A_957, %add3A_958 : i32
      %dma_start3A_960 = arith.constant 5 : i32
      %dma_start3A_961 = arith.constant 40 : i32
      %dma_start3A_962 = arith.constant 0 : i32
      %dma_start3A_963 = tpu.memref_slice %arg8[%dma_start3A_961, %dma_start3A_962] : memref<64x257xf32, #tpu.memory_space<vmem>> -> memref<8x128xf32, #tpu.memory_space<vmem>>
      %dma_start3A_964 = arith.constant 0 : i32
      %dma_start3A_965 = arith.constant 0 : i32
      %dma_start3A_966 = tpu.memref_slice %arg4[%add3A_955, %dma_start3A_960, %add3A_959, %dma_start3A_964, %dma_start3A_965] : memref<200x8x32x8x128xf32, #tpu.memory_space<hbm>> -> memref<1x1x1x8x128xf32, #tpu.memory_space<hbm>>
      %dma_start3A_967 = tpu.memref_squeeze %dma_start3A_966 : memref<1x1x1x8x128xf32, #tpu.memory_space<hbm>> -> memref<8x128xf32, #tpu.memory_space<hbm>>
      %dma_start3A_968 = arith.constant 0 : i32
      %dma_start3A_969 = arith.constant 0 : i32
      %dma_start3A_970 = tpu.memref_slice %arg4[%add3A_955, %dma_start3A_960, %add3A_959, %dma_start3A_968, %dma_start3A_969] : memref<200x8x32x8x128xf32, #tpu.memory_space<hbm>> -> memref<1x1x1x8x128xf32, #tpu.memory_space<hbm>>
      %dma_start3A_971 = tpu.memref_squeeze %dma_start3A_970 : memref<1x1x1x8x128xf32, #tpu.memory_space<hbm>> -> memref<8x128xf32, #tpu.memory_space<hbm>>
      %dma_start3A_972 = arith.constant 40 : i32
      %dma_start3A_973 = arith.constant 0 : i32
      %dma_start3A_974 = tpu.memref_slice %arg8[%dma_start3A_972, %dma_start3A_973] : memref<64x257xf32, #tpu.memory_space<vmem>> -> memref<8x128xf32, #tpu.memory_space<vmem>>
      tpu.enqueue_dma source(%dma_start3A_974 : memref<8x128xf32, #tpu.memory_space<vmem>>) target(%dma_start3A_971 : memref<8x128xf32, #tpu.memory_space<hbm>>) target_semaphore(%arg12 : memref<!tpu.dma_semaphore, #tpu.memory_space<semaphore_mem>>)
      %add3A_975 = arith.addi %mul3A_0, %add3A_720 : i32
      %mul3A_976 = arith.constant 2 : i32
      %mul3A_977 = arith.muli %mul3A_976, %arg1 : i32
      %add3A_978 = arith.constant 1 : i32
      %add3A_979 = arith.addi %mul3A_977, %add3A_978 : i32
      %dma_start3A_980 = arith.constant 5 : i32
      %dma_start3A_981 = arith.constant 40 : i32
      %dma_start3A_982 = arith.constant 128 : i32
      %dma_start3A_983 = tpu.memref_slice %arg8[%dma_start3A_981, %dma_start3A_982] : memref<64x257xf32, #tpu.memory_space<vmem>> -> memref<8x128xf32, #tpu.memory_space<vmem>>
      %dma_start3A_984 = arith.constant 0 : i32
      %dma_start3A_985 = arith.constant 0 : i32
      %dma_start3A_986 = tpu.memref_slice %arg4[%add3A_975, %dma_start3A_980, %add3A_979, %dma_start3A_984, %dma_start3A_985] : memref<200x8x32x8x128xf32, #tpu.memory_space<hbm>> -> memref<1x1x1x8x128xf32, #tpu.memory_space<hbm>>
      %dma_start3A_987 = tpu.memref_squeeze %dma_start3A_986 : memref<1x1x1x8x128xf32, #tpu.memory_space<hbm>> -> memref<8x128xf32, #tpu.memory_space<hbm>>
      %dma_start3A_988 = arith.constant 0 : i32
      %dma_start3A_989 = arith.constant 0 : i32
      %dma_start3A_990 = tpu.memref_slice %arg4[%add3A_975, %dma_start3A_980, %add3A_979, %dma_start3A_988, %dma_start3A_989] : memref<200x8x32x8x128xf32, #tpu.memory_space<hbm>> -> memref<1x1x1x8x128xf32, #tpu.memory_space<hbm>>
      %dma_start3A_991 = tpu.memref_squeeze %dma_start3A_990 : memref<1x1x1x8x128xf32, #tpu.memory_space<hbm>> -> memref<8x128xf32, #tpu.memory_space<hbm>>
      %dma_start3A_992 = arith.constant 40 : i32
      %dma_start3A_993 = arith.constant 128 : i32
      %dma_start3A_994 = tpu.memref_slice %arg8[%dma_start3A_992, %dma_start3A_993] : memref<64x257xf32, #tpu.memory_space<vmem>> -> memref<8x128xf32, #tpu.memory_space<vmem>>
      tpu.enqueue_dma source(%dma_start3A_994 : memref<8x128xf32, #tpu.memory_space<vmem>>) target(%dma_start3A_991 : memref<8x128xf32, #tpu.memory_space<hbm>>) target_semaphore(%arg12 : memref<!tpu.dma_semaphore, #tpu.memory_space<semaphore_mem>>)
      %add3A_995 = arith.addi %mul3A_0, %add3A_720 : i32
      %mul3A_996 = arith.constant 2 : i32
      %mul3A_997 = arith.muli %mul3A_996, %arg1 : i32
      %add3A_998 = arith.constant 0 : i32
      %add3A_999 = arith.addi %mul3A_997, %add3A_998 : i32
      %dma_start3A_1000 = arith.constant 6 : i32
      %dma_start3A_1001 = arith.constant 48 : i32
      %dma_start3A_1002 = arith.constant 0 : i32
      %dma_start3A_1003 = tpu.memref_slice %arg8[%dma_start3A_1001, %dma_start3A_1002] : memref<64x257xf32, #tpu.memory_space<vmem>> -> memref<8x128xf32, #tpu.memory_space<vmem>>
      %dma_start3A_1004 = arith.constant 0 : i32
      %dma_start3A_1005 = arith.constant 0 : i32
      %dma_start3A_1006 = tpu.memref_slice %arg4[%add3A_995, %dma_start3A_1000, %add3A_999, %dma_start3A_1004, %dma_start3A_1005] : memref<200x8x32x8x128xf32, #tpu.memory_space<hbm>> -> memref<1x1x1x8x128xf32, #tpu.memory_space<hbm>>
      %dma_start3A_1007 = tpu.memref_squeeze %dma_start3A_1006 : memref<1x1x1x8x128xf32, #tpu.memory_space<hbm>> -> memref<8x128xf32, #tpu.memory_space<hbm>>
      %dma_start3A_1008 = arith.constant 0 : i32
      %dma_start3A_1009 = arith.constant 0 : i32
      %dma_start3A_1010 = tpu.memref_slice %arg4[%add3A_995, %dma_start3A_1000, %add3A_999, %dma_start3A_1008, %dma_start3A_1009] : memref<200x8x32x8x128xf32, #tpu.memory_space<hbm>> -> memref<1x1x1x8x128xf32, #tpu.memory_space<hbm>>
      %dma_start3A_1011 = tpu.memref_squeeze %dma_start3A_1010 : memref<1x1x1x8x128xf32, #tpu.memory_space<hbm>> -> memref<8x128xf32, #tpu.memory_space<hbm>>
      %dma_start3A_1012 = arith.constant 48 : i32
      %dma_start3A_1013 = arith.constant 0 : i32
      %dma_start3A_1014 = tpu.memref_slice %arg8[%dma_start3A_1012, %dma_start3A_1013] : memref<64x257xf32, #tpu.memory_space<vmem>> -> memref<8x128xf32, #tpu.memory_space<vmem>>
      tpu.enqueue_dma source(%dma_start3A_1014 : memref<8x128xf32, #tpu.memory_space<vmem>>) target(%dma_start3A_1011 : memref<8x128xf32, #tpu.memory_space<hbm>>) target_semaphore(%arg12 : memref<!tpu.dma_semaphore, #tpu.memory_space<semaphore_mem>>)
      %add3A_1015 = arith.addi %mul3A_0, %add3A_720 : i32
      %mul3A_1016 = arith.constant 2 : i32
      %mul3A_1017 = arith.muli %mul3A_1016, %arg1 : i32
      %add3A_1018 = arith.constant 1 : i32
      %add3A_1019 = arith.addi %mul3A_1017, %add3A_1018 : i32
      %dma_start3A_1020 = arith.constant 6 : i32
      %dma_start3A_1021 = arith.constant 48 : i32
      %dma_start3A_1022 = arith.constant 128 : i32
      %dma_start3A_1023 = tpu.memref_slice %arg8[%dma_start3A_1021, %dma_start3A_1022] : memref<64x257xf32, #tpu.memory_space<vmem>> -> memref<8x128xf32, #tpu.memory_space<vmem>>
      %dma_start3A_1024 = arith.constant 0 : i32
      %dma_start3A_1025 = arith.constant 0 : i32
      %dma_start3A_1026 = tpu.memref_slice %arg4[%add3A_1015, %dma_start3A_1020, %add3A_1019, %dma_start3A_1024, %dma_start3A_1025] : memref<200x8x32x8x128xf32, #tpu.memory_space<hbm>> -> memref<1x1x1x8x128xf32, #tpu.memory_space<hbm>>
      %dma_start3A_1027 = tpu.memref_squeeze %dma_start3A_1026 : memref<1x1x1x8x128xf32, #tpu.memory_space<hbm>> -> memref<8x128xf32, #tpu.memory_space<hbm>>
      %dma_start3A_1028 = arith.constant 0 : i32
      %dma_start3A_1029 = arith.constant 0 : i32
      %dma_start3A_1030 = tpu.memref_slice %arg4[%add3A_1015, %dma_start3A_1020, %add3A_1019, %dma_start3A_1028, %dma_start3A_1029] : memref<200x8x32x8x128xf32, #tpu.memory_space<hbm>> -> memref<1x1x1x8x128xf32, #tpu.memory_space<hbm>>
      %dma_start3A_1031 = tpu.memref_squeeze %dma_start3A_1030 : memref<1x1x1x8x128xf32, #tpu.memory_space<hbm>> -> memref<8x128xf32, #tpu.memory_space<hbm>>
      %dma_start3A_1032 = arith.constant 48 : i32
      %dma_start3A_1033 = arith.constant 128 : i32
      %dma_start3A_1034 = tpu.memref_slice %arg8[%dma_start3A_1032, %dma_start3A_1033] : memref<64x257xf32, #tpu.memory_space<vmem>> -> memref<8x128xf32, #tpu.memory_space<vmem>>
      tpu.enqueue_dma source(%dma_start3A_1034 : memref<8x128xf32, #tpu.memory_space<vmem>>) target(%dma_start3A_1031 : memref<8x128xf32, #tpu.memory_space<hbm>>) target_semaphore(%arg12 : memref<!tpu.dma_semaphore, #tpu.memory_space<semaphore_mem>>)
      %add3A_1035 = arith.addi %mul3A_0, %add3A_720 : i32
      %mul3A_1036 = arith.constant 2 : i32
      %mul3A_1037 = arith.muli %mul3A_1036, %arg1 : i32
      %add3A_1038 = arith.constant 0 : i32
      %add3A_1039 = arith.addi %mul3A_1037, %add3A_1038 : i32
      %dma_start3A_1040 = arith.constant 7 : i32
      %dma_start3A_1041 = arith.constant 56 : i32
      %dma_start3A_1042 = arith.constant 0 : i32
      %dma_start3A_1043 = tpu.memref_slice %arg8[%dma_start3A_1041, %dma_start3A_1042] : memref<64x257xf32, #tpu.memory_space<vmem>> -> memref<8x128xf32, #tpu.memory_space<vmem>>
      %dma_start3A_1044 = arith.constant 0 : i32
      %dma_start3A_1045 = arith.constant 0 : i32
      %dma_start3A_1046 = tpu.memref_slice %arg4[%add3A_1035, %dma_start3A_1040, %add3A_1039, %dma_start3A_1044, %dma_start3A_1045] : memref<200x8x32x8x128xf32, #tpu.memory_space<hbm>> -> memref<1x1x1x8x128xf32, #tpu.memory_space<hbm>>
      %dma_start3A_1047 = tpu.memref_squeeze %dma_start3A_1046 : memref<1x1x1x8x128xf32, #tpu.memory_space<hbm>> -> memref<8x128xf32, #tpu.memory_space<hbm>>
      %dma_start3A_1048 = arith.constant 0 : i32
      %dma_start3A_1049 = arith.constant 0 : i32
      %dma_start3A_1050 = tpu.memref_slice %arg4[%add3A_1035, %dma_start3A_1040, %add3A_1039, %dma_start3A_1048, %dma_start3A_1049] : memref<200x8x32x8x128xf32, #tpu.memory_space<hbm>> -> memref<1x1x1x8x128xf32, #tpu.memory_space<hbm>>
      %dma_start3A_1051 = tpu.memref_squeeze %dma_start3A_1050 : memref<1x1x1x8x128xf32, #tpu.memory_space<hbm>> -> memref<8x128xf32, #tpu.memory_space<hbm>>
      %dma_start3A_1052 = arith.constant 56 : i32
      %dma_start3A_1053 = arith.constant 0 : i32
      %dma_start3A_1054 = tpu.memref_slice %arg8[%dma_start3A_1052, %dma_start3A_1053] : memref<64x257xf32, #tpu.memory_space<vmem>> -> memref<8x128xf32, #tpu.memory_space<vmem>>
      tpu.enqueue_dma source(%dma_start3A_1054 : memref<8x128xf32, #tpu.memory_space<vmem>>) target(%dma_start3A_1051 : memref<8x128xf32, #tpu.memory_space<hbm>>) target_semaphore(%arg12 : memref<!tpu.dma_semaphore, #tpu.memory_space<semaphore_mem>>)
      %add3A_1055 = arith.addi %mul3A_0, %add3A_720 : i32
      %mul3A_1056 = arith.constant 2 : i32
      %mul3A_1057 = arith.muli %mul3A_1056, %arg1 : i32
      %add3A_1058 = arith.constant 1 : i32
      %add3A_1059 = arith.addi %mul3A_1057, %add3A_1058 : i32
      %dma_start3A_1060 = arith.constant 7 : i32
      %dma_start3A_1061 = arith.constant 56 : i32
      %dma_start3A_1062 = arith.constant 128 : i32
      %dma_start3A_1063 = tpu.memref_slice %arg8[%dma_start3A_1061, %dma_start3A_1062] : memref<64x257xf32, #tpu.memory_space<vmem>> -> memref<8x128xf32, #tpu.memory_space<vmem>>
      %dma_start3A_1064 = arith.constant 0 : i32
      %dma_start3A_1065 = arith.constant 0 : i32
      %dma_start3A_1066 = tpu.memref_slice %arg4[%add3A_1055, %dma_start3A_1060, %add3A_1059, %dma_start3A_1064, %dma_start3A_1065] : memref<200x8x32x8x128xf32, #tpu.memory_space<hbm>> -> memref<1x1x1x8x128xf32, #tpu.memory_space<hbm>>
      %dma_start3A_1067 = tpu.memref_squeeze %dma_start3A_1066 : memref<1x1x1x8x128xf32, #tpu.memory_space<hbm>> -> memref<8x128xf32, #tpu.memory_space<hbm>>
      %dma_start3A_1068 = arith.constant 0 : i32
      %dma_start3A_1069 = arith.constant 0 : i32
      %dma_start3A_1070 = tpu.memref_slice %arg4[%add3A_1055, %dma_start3A_1060, %add3A_1059, %dma_start3A_1068, %dma_start3A_1069] : memref<200x8x32x8x128xf32, #tpu.memory_space<hbm>> -> memref<1x1x1x8x128xf32, #tpu.memory_space<hbm>>
      %dma_start3A_1071 = tpu.memref_squeeze %dma_start3A_1070 : memref<1x1x1x8x128xf32, #tpu.memory_space<hbm>> -> memref<8x128xf32, #tpu.memory_space<hbm>>
      %dma_start3A_1072 = arith.constant 56 : i32
      %dma_start3A_1073 = arith.constant 128 : i32
      %dma_start3A_1074 = tpu.memref_slice %arg8[%dma_start3A_1072, %dma_start3A_1073] : memref<64x257xf32, #tpu.memory_space<vmem>> -> memref<8x128xf32, #tpu.memory_space<vmem>>
      tpu.enqueue_dma source(%dma_start3A_1074 : memref<8x128xf32, #tpu.memory_space<vmem>>) target(%dma_start3A_1071 : memref<8x128xf32, #tpu.memory_space<hbm>>) target_semaphore(%arg12 : memref<!tpu.dma_semaphore, #tpu.memory_space<semaphore_mem>>)
      %mul3A_1075 = arith.constant 2 : i32
      %mul3A_1076 = arith.muli %mul3A_1075, %scan3A_716 : i32
      %add3A_1077 = arith.constant 1 : i32
      %add3A_1078 = arith.addi %mul3A_1076, %add3A_1077 : i32
      %dma_wait3A_1079 = arith.constant 0 : i32
      %dma_wait3A_1080 = arith.constant 0 : i32
      %dma_wait3A_1081 = arith.constant 0 : i32
      %dma_wait3A_1082 = tpu.memref_slice %arg7[%dma_wait3A_1080, %dma_wait3A_1081] : memref<256x64xf32, #tpu.memory_space<vmem>> -> memref<128x64xf32, #tpu.memory_space<vmem>>
      %dma_wait3A_1083 = arith.constant 0 : i32
      %dma_wait3A_1084 = tpu.memref_slice %arg5[%add3A_1078, %dma_wait3A_1079, %dma_wait3A_1083] : memref<100x2x128xi32, #tpu.memory_space<vmem>> -> memref<1x1x128xi32, #tpu.memory_space<vmem>>
      %dma_wait3A_1085 = tpu.memref_squeeze %dma_wait3A_1084 : memref<1x1x128xi32, #tpu.memory_space<vmem>> -> memref<128xi32, #tpu.memory_space<vmem>>
      %dma_wait3A_1086 = arith.constant 0 : i32
      %dma_wait3A_1087 = arith.constant 0 : i32
      %dma_wait3A_1088 = tpu.memref_slice %arg3[%dma_wait3A_1086, %dma_wait3A_1087] : memref<1000000x64xf32, #tpu.memory_space<hbm>> -> memref<1000000x64xf32, #tpu.memory_space<hbm>>
      tpu.wait_indirect_dma semaphore(%arg11 : memref<!tpu.dma_semaphore, #tpu.memory_space<semaphore_mem>>) src(%dma_wait3A_1088 : memref<1000000x64xf32, #tpu.memory_space<hbm>>) dst(%dma_wait3A_1082 : memref<128x64xf32, #tpu.memory_space<vmem>>)
      %dma_wait3A_1089 = arith.constant 1 : i32
      %dma_wait3A_1090 = arith.constant 128 : i32
      %dma_wait3A_1091 = arith.constant 0 : i32
      %dma_wait3A_1092 = tpu.memref_slice %arg7[%dma_wait3A_1090, %dma_wait3A_1091] : memref<256x64xf32, #tpu.memory_space<vmem>> -> memref<128x64xf32, #tpu.memory_space<vmem>>
      %dma_wait3A_1093 = arith.constant 0 : i32
      %dma_wait3A_1094 = tpu.memref_slice %arg5[%add3A_1078, %dma_wait3A_1089, %dma_wait3A_1093] : memref<100x2x128xi32, #tpu.memory_space<vmem>> -> memref<1x1x128xi32, #tpu.memory_space<vmem>>
      %dma_wait3A_1095 = tpu.memref_squeeze %dma_wait3A_1094 : memref<1x1x128xi32, #tpu.memory_space<vmem>> -> memref<128xi32, #tpu.memory_space<vmem>>
      %dma_wait3A_1096 = arith.constant 0 : i32
      %dma_wait3A_1097 = arith.constant 0 : i32
      %dma_wait3A_1098 = tpu.memref_slice %arg3[%dma_wait3A_1096, %dma_wait3A_1097] : memref<1000000x64xf32, #tpu.memory_space<hbm>> -> memref<1000000x64xf32, #tpu.memory_space<hbm>>
      tpu.wait_indirect_dma semaphore(%arg11 : memref<!tpu.dma_semaphore, #tpu.memory_space<semaphore_mem>>) src(%dma_wait3A_1098 : memref<1000000x64xf32, #tpu.memory_space<hbm>>) dst(%dma_wait3A_1092 : memref<128x64xf32, #tpu.memory_space<vmem>>)
      %add3A_1099 = arith.constant 1 : i32
      %add3A_1100 = arith.addi %add3A_1078, %add3A_1099 : i32
      %lt3A_1101 = arith.constant 100 : i32
      %lt3A_1102 = arith.cmpi slt, %add3A_1100, %lt3A_1101 : i32
      %convert_element_type3A_1103 = arith.extui %lt3A_1102 : i1 to i32
      %cond3A_1104 = arith.constant 0 : i32
      %cond3A_1105 = arith.cmpi ne, %convert_element_type3A_1103, %cond3A_1104 : i32
      scf.if %cond3A_1105 {
        %add3A_1437 = arith.constant 1 : i32
        %add3A_1438 = arith.addi %add3A_1078, %add3A_1437 : i32
        %dma_start3A_1439 = arith.constant 0 : i32
        %dma_start3A_1440 = arith.constant 0 : i32
        %dma_start3A_1441 = arith.constant 0 : i32
        %dma_start3A_1442 = tpu.memref_slice %arg6[%dma_start3A_1440, %dma_start3A_1441] : memref<256x64xf32, #tpu.memory_space<vmem>> -> memref<128x64xf32, #tpu.memory_space<vmem>>
        %dma_start3A_1443 = arith.constant 0 : i32
        %dma_start3A_1444 = tpu.memref_slice %arg5[%add3A_1438, %dma_start3A_1439, %dma_start3A_1443] : memref<100x2x128xi32, #tpu.memory_space<vmem>> -> memref<1x1x128xi32, #tpu.memory_space<vmem>>
        %dma_start3A_1445 = tpu.memref_squeeze %dma_start3A_1444 : memref<1x1x128xi32, #tpu.memory_space<vmem>> -> memref<128xi32, #tpu.memory_space<vmem>>
        %dma_start3A_1446 = arith.constant 0 : i32
        %dma_start3A_1447 = arith.constant 0 : i32
        %dma_start3A_1448 = tpu.memref_slice %arg3[%dma_start3A_1446, %dma_start3A_1447] : memref<1000000x64xf32, #tpu.memory_space<hbm>> -> memref<1000000x64xf32, #tpu.memory_space<hbm>>
        tpu.enqueue_indirect_dma source(%dma_start3A_1448 : memref<1000000x64xf32, #tpu.memory_space<hbm>>) target(%dma_start3A_1442 : memref<128x64xf32, #tpu.memory_space<vmem>>) offsets(%dma_start3A_1445 : memref<128xi32, #tpu.memory_space<vmem>>) semaphore(%arg10 : memref<!tpu.dma_semaphore, #tpu.memory_space<semaphore_mem>>)
        %dma_start3A_1449 = arith.constant 1 : i32
        %dma_start3A_1450 = arith.constant 128 : i32
        %dma_start3A_1451 = arith.constant 0 : i32
        %dma_start3A_1452 = tpu.memref_slice %arg6[%dma_start3A_1450, %dma_start3A_1451] : memref<256x64xf32, #tpu.memory_space<vmem>> -> memref<128x64xf32, #tpu.memory_space<vmem>>
        %dma_start3A_1453 = arith.constant 0 : i32
        %dma_start3A_1454 = tpu.memref_slice %arg5[%add3A_1438, %dma_start3A_1449, %dma_start3A_1453] : memref<100x2x128xi32, #tpu.memory_space<vmem>> -> memref<1x1x128xi32, #tpu.memory_space<vmem>>
        %dma_start3A_1455 = tpu.memref_squeeze %dma_start3A_1454 : memref<1x1x128xi32, #tpu.memory_space<vmem>> -> memref<128xi32, #tpu.memory_space<vmem>>
        %dma_start3A_1456 = arith.constant 0 : i32
        %dma_start3A_1457 = arith.constant 0 : i32
        %dma_start3A_1458 = tpu.memref_slice %arg3[%dma_start3A_1456, %dma_start3A_1457] : memref<1000000x64xf32, #tpu.memory_space<hbm>> -> memref<1000000x64xf32, #tpu.memory_space<hbm>>
        tpu.enqueue_indirect_dma source(%dma_start3A_1458 : memref<1000000x64xf32, #tpu.memory_space<hbm>>) target(%dma_start3A_1452 : memref<128x64xf32, #tpu.memory_space<vmem>>) offsets(%dma_start3A_1455 : memref<128xi32, #tpu.memory_space<vmem>>) semaphore(%arg10 : memref<!tpu.dma_semaphore, #tpu.memory_space<semaphore_mem>>)
      } else {
      }
      %ge3A_1106 = arith.constant 2 : i32
      %ge3A_1107 = arith.cmpi sge, %add3A_1078, %ge3A_1106 : i32
      %convert_element_type3A_1108 = arith.extui %ge3A_1107 : i1 to i32
      %cond3A_1109 = arith.constant 0 : i32
      %cond3A_1110 = arith.cmpi ne, %convert_element_type3A_1108, %cond3A_1109 : i32
      scf.if %cond3A_1110 {
        %sub3A = arith.constant 2 : i32
        %sub3A_1437 = arith.subi %add3A_1078, %sub3A : i32
        %add3A_1438 = arith.addi %mul3A_0, %sub3A_1437 : i32
        %mul3A_1439 = arith.constant 2 : i32
        %mul3A_1440 = arith.muli %mul3A_1439, %arg1 : i32
        %add3A_1441 = arith.constant 0 : i32
        %add3A_1442 = arith.addi %mul3A_1440, %add3A_1441 : i32
        %dma_wait3A_1443 = arith.constant 0 : i32
        %dma_wait3A_1444 = arith.constant 0 : i32
        %dma_wait3A_1445 = arith.constant 0 : i32
        %dma_wait3A_1446 = tpu.memref_slice %arg9[%dma_wait3A_1444, %dma_wait3A_1445] : memref<64x257xf32, #tpu.memory_space<vmem>> -> memref<8x128xf32, #tpu.memory_space<vmem>>
        %dma_wait3A_1447 = arith.constant 0 : i32
        %dma_wait3A_1448 = arith.constant 0 : i32
        %dma_wait3A_1449 = tpu.memref_slice %arg4[%add3A_1438, %dma_wait3A_1443, %add3A_1442, %dma_wait3A_1447, %dma_wait3A_1448] : memref<200x8x32x8x128xf32, #tpu.memory_space<hbm>> -> memref<1x1x1x8x128xf32, #tpu.memory_space<hbm>>
        %dma_wait3A_1450 = tpu.memref_squeeze %dma_wait3A_1449 : memref<1x1x1x8x128xf32, #tpu.memory_space<hbm>> -> memref<8x128xf32, #tpu.memory_space<hbm>>
        %dma_wait3A_1451 = arith.constant 0 : i32
        %dma_wait3A_1452 = arith.constant 0 : i32
        %dma_wait3A_1453 = tpu.memref_slice %arg4[%add3A_1438, %dma_wait3A_1443, %add3A_1442, %dma_wait3A_1451, %dma_wait3A_1452] : memref<200x8x32x8x128xf32, #tpu.memory_space<hbm>> -> memref<1x1x1x8x128xf32, #tpu.memory_space<hbm>>
        %dma_wait3A_1454 = tpu.memref_squeeze %dma_wait3A_1453 : memref<1x1x1x8x128xf32, #tpu.memory_space<hbm>> -> memref<8x128xf32, #tpu.memory_space<hbm>>
        %dma_wait3A_1455 = arith.constant 0 : i32
        %dma_wait3A_1456 = arith.constant 0 : i32
        %dma_wait3A_1457 = tpu.memref_slice %arg9[%dma_wait3A_1455, %dma_wait3A_1456] : memref<64x257xf32, #tpu.memory_space<vmem>> -> memref<8x128xf32, #tpu.memory_space<vmem>>
        tpu.wait_dma2 semaphore(%arg13 : memref<!tpu.dma_semaphore, #tpu.memory_space<semaphore_mem>>) src(%dma_wait3A_1457 : memref<8x128xf32, #tpu.memory_space<vmem>>) dst(%dma_wait3A_1454 : memref<8x128xf32, #tpu.memory_space<hbm>>)
        %add3A_1458 = arith.addi %mul3A_0, %sub3A_1437 : i32
        %mul3A_1459 = arith.constant 2 : i32
        %mul3A_1460 = arith.muli %mul3A_1459, %arg1 : i32
        %add3A_1461 = arith.constant 1 : i32
        %add3A_1462 = arith.addi %mul3A_1460, %add3A_1461 : i32
        %dma_wait3A_1463 = arith.constant 0 : i32
        %dma_wait3A_1464 = arith.constant 0 : i32
        %dma_wait3A_1465 = arith.constant 128 : i32
        %dma_wait3A_1466 = tpu.memref_slice %arg9[%dma_wait3A_1464, %dma_wait3A_1465] : memref<64x257xf32, #tpu.memory_space<vmem>> -> memref<8x128xf32, #tpu.memory_space<vmem>>
        %dma_wait3A_1467 = arith.constant 0 : i32
        %dma_wait3A_1468 = arith.constant 0 : i32
        %dma_wait3A_1469 = tpu.memref_slice %arg4[%add3A_1458, %dma_wait3A_1463, %add3A_1462, %dma_wait3A_1467, %dma_wait3A_1468] : memref<200x8x32x8x128xf32, #tpu.memory_space<hbm>> -> memref<1x1x1x8x128xf32, #tpu.memory_space<hbm>>
        %dma_wait3A_1470 = tpu.memref_squeeze %dma_wait3A_1469 : memref<1x1x1x8x128xf32, #tpu.memory_space<hbm>> -> memref<8x128xf32, #tpu.memory_space<hbm>>
        %dma_wait3A_1471 = arith.constant 0 : i32
        %dma_wait3A_1472 = arith.constant 0 : i32
        %dma_wait3A_1473 = tpu.memref_slice %arg4[%add3A_1458, %dma_wait3A_1463, %add3A_1462, %dma_wait3A_1471, %dma_wait3A_1472] : memref<200x8x32x8x128xf32, #tpu.memory_space<hbm>> -> memref<1x1x1x8x128xf32, #tpu.memory_space<hbm>>
        %dma_wait3A_1474 = tpu.memref_squeeze %dma_wait3A_1473 : memref<1x1x1x8x128xf32, #tpu.memory_space<hbm>> -> memref<8x128xf32, #tpu.memory_space<hbm>>
        %dma_wait3A_1475 = arith.constant 0 : i32
        %dma_wait3A_1476 = arith.constant 128 : i32
        %dma_wait3A_1477 = tpu.memref_slice %arg9[%dma_wait3A_1475, %dma_wait3A_1476] : memref<64x257xf32, #tpu.memory_space<vmem>> -> memref<8x128xf32, #tpu.memory_space<vmem>>
        tpu.wait_dma2 semaphore(%arg13 : memref<!tpu.dma_semaphore, #tpu.memory_space<semaphore_mem>>) src(%dma_wait3A_1477 : memref<8x128xf32, #tpu.memory_space<vmem>>) dst(%dma_wait3A_1474 : memref<8x128xf32, #tpu.memory_space<hbm>>)
        %add3A_1478 = arith.addi %mul3A_0, %sub3A_1437 : i32
        %mul3A_1479 = arith.constant 2 : i32
        %mul3A_1480 = arith.muli %mul3A_1479, %arg1 : i32
        %add3A_1481 = arith.constant 0 : i32
        %add3A_1482 = arith.addi %mul3A_1480, %add3A_1481 : i32
        %dma_wait3A_1483 = arith.constant 1 : i32
        %dma_wait3A_1484 = arith.constant 8 : i32
        %dma_wait3A_1485 = arith.constant 0 : i32
        %dma_wait3A_1486 = tpu.memref_slice %arg9[%dma_wait3A_1484, %dma_wait3A_1485] : memref<64x257xf32, #tpu.memory_space<vmem>> -> memref<8x128xf32, #tpu.memory_space<vmem>>
        %dma_wait3A_1487 = arith.constant 0 : i32
        %dma_wait3A_1488 = arith.constant 0 : i32
        %dma_wait3A_1489 = tpu.memref_slice %arg4[%add3A_1478, %dma_wait3A_1483, %add3A_1482, %dma_wait3A_1487, %dma_wait3A_1488] : memref<200x8x32x8x128xf32, #tpu.memory_space<hbm>> -> memref<1x1x1x8x128xf32, #tpu.memory_space<hbm>>
        %dma_wait3A_1490 = tpu.memref_squeeze %dma_wait3A_1489 : memref<1x1x1x8x128xf32, #tpu.memory_space<hbm>> -> memref<8x128xf32, #tpu.memory_space<hbm>>
        %dma_wait3A_1491 = arith.constant 0 : i32
        %dma_wait3A_1492 = arith.constant 0 : i32
        %dma_wait3A_1493 = tpu.memref_slice %arg4[%add3A_1478, %dma_wait3A_1483, %add3A_1482, %dma_wait3A_1491, %dma_wait3A_1492] : memref<200x8x32x8x128xf32, #tpu.memory_space<hbm>> -> memref<1x1x1x8x128xf32, #tpu.memory_space<hbm>>
        %dma_wait3A_1494 = tpu.memref_squeeze %dma_wait3A_1493 : memref<1x1x1x8x128xf32, #tpu.memory_space<hbm>> -> memref<8x128xf32, #tpu.memory_space<hbm>>
        %dma_wait3A_1495 = arith.constant 8 : i32
        %dma_wait3A_1496 = arith.constant 0 : i32
        %dma_wait3A_1497 = tpu.memref_slice %arg9[%dma_wait3A_1495, %dma_wait3A_1496] : memref<64x257xf32, #tpu.memory_space<vmem>> -> memref<8x128xf32, #tpu.memory_space<vmem>>
        tpu.wait_dma2 semaphore(%arg13 : memref<!tpu.dma_semaphore, #tpu.memory_space<semaphore_mem>>) src(%dma_wait3A_1497 : memref<8x128xf32, #tpu.memory_space<vmem>>) dst(%dma_wait3A_1494 : memref<8x128xf32, #tpu.memory_space<hbm>>)
        %add3A_1498 = arith.addi %mul3A_0, %sub3A_1437 : i32
        %mul3A_1499 = arith.constant 2 : i32
        %mul3A_1500 = arith.muli %mul3A_1499, %arg1 : i32
        %add3A_1501 = arith.constant 1 : i32
        %add3A_1502 = arith.addi %mul3A_1500, %add3A_1501 : i32
        %dma_wait3A_1503 = arith.constant 1 : i32
        %dma_wait3A_1504 = arith.constant 8 : i32
        %dma_wait3A_1505 = arith.constant 128 : i32
        %dma_wait3A_1506 = tpu.memref_slice %arg9[%dma_wait3A_1504, %dma_wait3A_1505] : memref<64x257xf32, #tpu.memory_space<vmem>> -> memref<8x128xf32, #tpu.memory_space<vmem>>
        %dma_wait3A_1507 = arith.constant 0 : i32
        %dma_wait3A_1508 = arith.constant 0 : i32
        %dma_wait3A_1509 = tpu.memref_slice %arg4[%add3A_1498, %dma_wait3A_1503, %add3A_1502, %dma_wait3A_1507, %dma_wait3A_1508] : memref<200x8x32x8x128xf32, #tpu.memory_space<hbm>> -> memref<1x1x1x8x128xf32, #tpu.memory_space<hbm>>
        %dma_wait3A_1510 = tpu.memref_squeeze %dma_wait3A_1509 : memref<1x1x1x8x128xf32, #tpu.memory_space<hbm>> -> memref<8x128xf32, #tpu.memory_space<hbm>>
        %dma_wait3A_1511 = arith.constant 0 : i32
        %dma_wait3A_1512 = arith.constant 0 : i32
        %dma_wait3A_1513 = tpu.memref_slice %arg4[%add3A_1498, %dma_wait3A_1503, %add3A_1502, %dma_wait3A_1511, %dma_wait3A_1512] : memref<200x8x32x8x128xf32, #tpu.memory_space<hbm>> -> memref<1x1x1x8x128xf32, #tpu.memory_space<hbm>>
        %dma_wait3A_1514 = tpu.memref_squeeze %dma_wait3A_1513 : memref<1x1x1x8x128xf32, #tpu.memory_space<hbm>> -> memref<8x128xf32, #tpu.memory_space<hbm>>
        %dma_wait3A_1515 = arith.constant 8 : i32
        %dma_wait3A_1516 = arith.constant 128 : i32
        %dma_wait3A_1517 = tpu.memref_slice %arg9[%dma_wait3A_1515, %dma_wait3A_1516] : memref<64x257xf32, #tpu.memory_space<vmem>> -> memref<8x128xf32, #tpu.memory_space<vmem>>
        tpu.wait_dma2 semaphore(%arg13 : memref<!tpu.dma_semaphore, #tpu.memory_space<semaphore_mem>>) src(%dma_wait3A_1517 : memref<8x128xf32, #tpu.memory_space<vmem>>) dst(%dma_wait3A_1514 : memref<8x128xf32, #tpu.memory_space<hbm>>)
        %add3A_1518 = arith.addi %mul3A_0, %sub3A_1437 : i32
        %mul3A_1519 = arith.constant 2 : i32
        %mul3A_1520 = arith.muli %mul3A_1519, %arg1 : i32
        %add3A_1521 = arith.constant 0 : i32
        %add3A_1522 = arith.addi %mul3A_1520, %add3A_1521 : i32
        %dma_wait3A_1523 = arith.constant 2 : i32
        %dma_wait3A_1524 = arith.constant 16 : i32
        %dma_wait3A_1525 = arith.constant 0 : i32
        %dma_wait3A_1526 = tpu.memref_slice %arg9[%dma_wait3A_1524, %dma_wait3A_1525] : memref<64x257xf32, #tpu.memory_space<vmem>> -> memref<8x128xf32, #tpu.memory_space<vmem>>
        %dma_wait3A_1527 = arith.constant 0 : i32
        %dma_wait3A_1528 = arith.constant 0 : i32
        %dma_wait3A_1529 = tpu.memref_slice %arg4[%add3A_1518, %dma_wait3A_1523, %add3A_1522, %dma_wait3A_1527, %dma_wait3A_1528] : memref<200x8x32x8x128xf32, #tpu.memory_space<hbm>> -> memref<1x1x1x8x128xf32, #tpu.memory_space<hbm>>
        %dma_wait3A_1530 = tpu.memref_squeeze %dma_wait3A_1529 : memref<1x1x1x8x128xf32, #tpu.memory_space<hbm>> -> memref<8x128xf32, #tpu.memory_space<hbm>>
        %dma_wait3A_1531 = arith.constant 0 : i32
        %dma_wait3A_1532 = arith.constant 0 : i32
        %dma_wait3A_1533 = tpu.memref_slice %arg4[%add3A_1518, %dma_wait3A_1523, %add3A_1522, %dma_wait3A_1531, %dma_wait3A_1532] : memref<200x8x32x8x128xf32, #tpu.memory_space<hbm>> -> memref<1x1x1x8x128xf32, #tpu.memory_space<hbm>>
        %dma_wait3A_1534 = tpu.memref_squeeze %dma_wait3A_1533 : memref<1x1x1x8x128xf32, #tpu.memory_space<hbm>> -> memref<8x128xf32, #tpu.memory_space<hbm>>
        %dma_wait3A_1535 = arith.constant 16 : i32
        %dma_wait3A_1536 = arith.constant 0 : i32
        %dma_wait3A_1537 = tpu.memref_slice %arg9[%dma_wait3A_1535, %dma_wait3A_1536] : memref<64x257xf32, #tpu.memory_space<vmem>> -> memref<8x128xf32, #tpu.memory_space<vmem>>
        tpu.wait_dma2 semaphore(%arg13 : memref<!tpu.dma_semaphore, #tpu.memory_space<semaphore_mem>>) src(%dma_wait3A_1537 : memref<8x128xf32, #tpu.memory_space<vmem>>) dst(%dma_wait3A_1534 : memref<8x128xf32, #tpu.memory_space<hbm>>)
        %add3A_1538 = arith.addi %mul3A_0, %sub3A_1437 : i32
        %mul3A_1539 = arith.constant 2 : i32
        %mul3A_1540 = arith.muli %mul3A_1539, %arg1 : i32
        %add3A_1541 = arith.constant 1 : i32
        %add3A_1542 = arith.addi %mul3A_1540, %add3A_1541 : i32
        %dma_wait3A_1543 = arith.constant 2 : i32
        %dma_wait3A_1544 = arith.constant 16 : i32
        %dma_wait3A_1545 = arith.constant 128 : i32
        %dma_wait3A_1546 = tpu.memref_slice %arg9[%dma_wait3A_1544, %dma_wait3A_1545] : memref<64x257xf32, #tpu.memory_space<vmem>> -> memref<8x128xf32, #tpu.memory_space<vmem>>
        %dma_wait3A_1547 = arith.constant 0 : i32
        %dma_wait3A_1548 = arith.constant 0 : i32
        %dma_wait3A_1549 = tpu.memref_slice %arg4[%add3A_1538, %dma_wait3A_1543, %add3A_1542, %dma_wait3A_1547, %dma_wait3A_1548] : memref<200x8x32x8x128xf32, #tpu.memory_space<hbm>> -> memref<1x1x1x8x128xf32, #tpu.memory_space<hbm>>
        %dma_wait3A_1550 = tpu.memref_squeeze %dma_wait3A_1549 : memref<1x1x1x8x128xf32, #tpu.memory_space<hbm>> -> memref<8x128xf32, #tpu.memory_space<hbm>>
        %dma_wait3A_1551 = arith.constant 0 : i32
        %dma_wait3A_1552 = arith.constant 0 : i32
        %dma_wait3A_1553 = tpu.memref_slice %arg4[%add3A_1538, %dma_wait3A_1543, %add3A_1542, %dma_wait3A_1551, %dma_wait3A_1552] : memref<200x8x32x8x128xf32, #tpu.memory_space<hbm>> -> memref<1x1x1x8x128xf32, #tpu.memory_space<hbm>>
        %dma_wait3A_1554 = tpu.memref_squeeze %dma_wait3A_1553 : memref<1x1x1x8x128xf32, #tpu.memory_space<hbm>> -> memref<8x128xf32, #tpu.memory_space<hbm>>
        %dma_wait3A_1555 = arith.constant 16 : i32
        %dma_wait3A_1556 = arith.constant 128 : i32
        %dma_wait3A_1557 = tpu.memref_slice %arg9[%dma_wait3A_1555, %dma_wait3A_1556] : memref<64x257xf32, #tpu.memory_space<vmem>> -> memref<8x128xf32, #tpu.memory_space<vmem>>
        tpu.wait_dma2 semaphore(%arg13 : memref<!tpu.dma_semaphore, #tpu.memory_space<semaphore_mem>>) src(%dma_wait3A_1557 : memref<8x128xf32, #tpu.memory_space<vmem>>) dst(%dma_wait3A_1554 : memref<8x128xf32, #tpu.memory_space<hbm>>)
        %add3A_1558 = arith.addi %mul3A_0, %sub3A_1437 : i32
        %mul3A_1559 = arith.constant 2 : i32
        %mul3A_1560 = arith.muli %mul3A_1559, %arg1 : i32
        %add3A_1561 = arith.constant 0 : i32
        %add3A_1562 = arith.addi %mul3A_1560, %add3A_1561 : i32
        %dma_wait3A_1563 = arith.constant 3 : i32
        %dma_wait3A_1564 = arith.constant 24 : i32
        %dma_wait3A_1565 = arith.constant 0 : i32
        %dma_wait3A_1566 = tpu.memref_slice %arg9[%dma_wait3A_1564, %dma_wait3A_1565] : memref<64x257xf32, #tpu.memory_space<vmem>> -> memref<8x128xf32, #tpu.memory_space<vmem>>
        %dma_wait3A_1567 = arith.constant 0 : i32
        %dma_wait3A_1568 = arith.constant 0 : i32
        %dma_wait3A_1569 = tpu.memref_slice %arg4[%add3A_1558, %dma_wait3A_1563, %add3A_1562, %dma_wait3A_1567, %dma_wait3A_1568] : memref<200x8x32x8x128xf32, #tpu.memory_space<hbm>> -> memref<1x1x1x8x128xf32, #tpu.memory_space<hbm>>
        %dma_wait3A_1570 = tpu.memref_squeeze %dma_wait3A_1569 : memref<1x1x1x8x128xf32, #tpu.memory_space<hbm>> -> memref<8x128xf32, #tpu.memory_space<hbm>>
        %dma_wait3A_1571 = arith.constant 0 : i32
        %dma_wait3A_1572 = arith.constant 0 : i32
        %dma_wait3A_1573 = tpu.memref_slice %arg4[%add3A_1558, %dma_wait3A_1563, %add3A_1562, %dma_wait3A_1571, %dma_wait3A_1572] : memref<200x8x32x8x128xf32, #tpu.memory_space<hbm>> -> memref<1x1x1x8x128xf32, #tpu.memory_space<hbm>>
        %dma_wait3A_1574 = tpu.memref_squeeze %dma_wait3A_1573 : memref<1x1x1x8x128xf32, #tpu.memory_space<hbm>> -> memref<8x128xf32, #tpu.memory_space<hbm>>
        %dma_wait3A_1575 = arith.constant 24 : i32
        %dma_wait3A_1576 = arith.constant 0 : i32
        %dma_wait3A_1577 = tpu.memref_slice %arg9[%dma_wait3A_1575, %dma_wait3A_1576] : memref<64x257xf32, #tpu.memory_space<vmem>> -> memref<8x128xf32, #tpu.memory_space<vmem>>
        tpu.wait_dma2 semaphore(%arg13 : memref<!tpu.dma_semaphore, #tpu.memory_space<semaphore_mem>>) src(%dma_wait3A_1577 : memref<8x128xf32, #tpu.memory_space<vmem>>) dst(%dma_wait3A_1574 : memref<8x128xf32, #tpu.memory_space<hbm>>)
        %add3A_1578 = arith.addi %mul3A_0, %sub3A_1437 : i32
        %mul3A_1579 = arith.constant 2 : i32
        %mul3A_1580 = arith.muli %mul3A_1579, %arg1 : i32
        %add3A_1581 = arith.constant 1 : i32
        %add3A_1582 = arith.addi %mul3A_1580, %add3A_1581 : i32
        %dma_wait3A_1583 = arith.constant 3 : i32
        %dma_wait3A_1584 = arith.constant 24 : i32
        %dma_wait3A_1585 = arith.constant 128 : i32
        %dma_wait3A_1586 = tpu.memref_slice %arg9[%dma_wait3A_1584, %dma_wait3A_1585] : memref<64x257xf32, #tpu.memory_space<vmem>> -> memref<8x128xf32, #tpu.memory_space<vmem>>
        %dma_wait3A_1587 = arith.constant 0 : i32
        %dma_wait3A_1588 = arith.constant 0 : i32
        %dma_wait3A_1589 = tpu.memref_slice %arg4[%add3A_1578, %dma_wait3A_1583, %add3A_1582, %dma_wait3A_1587, %dma_wait3A_1588] : memref<200x8x32x8x128xf32, #tpu.memory_space<hbm>> -> memref<1x1x1x8x128xf32, #tpu.memory_space<hbm>>
        %dma_wait3A_1590 = tpu.memref_squeeze %dma_wait3A_1589 : memref<1x1x1x8x128xf32, #tpu.memory_space<hbm>> -> memref<8x128xf32, #tpu.memory_space<hbm>>
        %dma_wait3A_1591 = arith.constant 0 : i32
        %dma_wait3A_1592 = arith.constant 0 : i32
        %dma_wait3A_1593 = tpu.memref_slice %arg4[%add3A_1578, %dma_wait3A_1583, %add3A_1582, %dma_wait3A_1591, %dma_wait3A_1592] : memref<200x8x32x8x128xf32, #tpu.memory_space<hbm>> -> memref<1x1x1x8x128xf32, #tpu.memory_space<hbm>>
        %dma_wait3A_1594 = tpu.memref_squeeze %dma_wait3A_1593 : memref<1x1x1x8x128xf32, #tpu.memory_space<hbm>> -> memref<8x128xf32, #tpu.memory_space<hbm>>
        %dma_wait3A_1595 = arith.constant 24 : i32
        %dma_wait3A_1596 = arith.constant 128 : i32
        %dma_wait3A_1597 = tpu.memref_slice %arg9[%dma_wait3A_1595, %dma_wait3A_1596] : memref<64x257xf32, #tpu.memory_space<vmem>> -> memref<8x128xf32, #tpu.memory_space<vmem>>
        tpu.wait_dma2 semaphore(%arg13 : memref<!tpu.dma_semaphore, #tpu.memory_space<semaphore_mem>>) src(%dma_wait3A_1597 : memref<8x128xf32, #tpu.memory_space<vmem>>) dst(%dma_wait3A_1594 : memref<8x128xf32, #tpu.memory_space<hbm>>)
        %add3A_1598 = arith.addi %mul3A_0, %sub3A_1437 : i32
        %mul3A_1599 = arith.constant 2 : i32
        %mul3A_1600 = arith.muli %mul3A_1599, %arg1 : i32
        %add3A_1601 = arith.constant 0 : i32
        %add3A_1602 = arith.addi %mul3A_1600, %add3A_1601 : i32
        %dma_wait3A_1603 = arith.constant 4 : i32
        %dma_wait3A_1604 = arith.constant 32 : i32
        %dma_wait3A_1605 = arith.constant 0 : i32
        %dma_wait3A_1606 = tpu.memref_slice %arg9[%dma_wait3A_1604, %dma_wait3A_1605] : memref<64x257xf32, #tpu.memory_space<vmem>> -> memref<8x128xf32, #tpu.memory_space<vmem>>
        %dma_wait3A_1607 = arith.constant 0 : i32
        %dma_wait3A_1608 = arith.constant 0 : i32
        %dma_wait3A_1609 = tpu.memref_slice %arg4[%add3A_1598, %dma_wait3A_1603, %add3A_1602, %dma_wait3A_1607, %dma_wait3A_1608] : memref<200x8x32x8x128xf32, #tpu.memory_space<hbm>> -> memref<1x1x1x8x128xf32, #tpu.memory_space<hbm>>
        %dma_wait3A_1610 = tpu.memref_squeeze %dma_wait3A_1609 : memref<1x1x1x8x128xf32, #tpu.memory_space<hbm>> -> memref<8x128xf32, #tpu.memory_space<hbm>>
        %dma_wait3A_1611 = arith.constant 0 : i32
        %dma_wait3A_1612 = arith.constant 0 : i32
        %dma_wait3A_1613 = tpu.memref_slice %arg4[%add3A_1598, %dma_wait3A_1603, %add3A_1602, %dma_wait3A_1611, %dma_wait3A_1612] : memref<200x8x32x8x128xf32, #tpu.memory_space<hbm>> -> memref<1x1x1x8x128xf32, #tpu.memory_space<hbm>>
        %dma_wait3A_1614 = tpu.memref_squeeze %dma_wait3A_1613 : memref<1x1x1x8x128xf32, #tpu.memory_space<hbm>> -> memref<8x128xf32, #tpu.memory_space<hbm>>
        %dma_wait3A_1615 = arith.constant 32 : i32
        %dma_wait3A_1616 = arith.constant 0 : i32
        %dma_wait3A_1617 = tpu.memref_slice %arg9[%dma_wait3A_1615, %dma_wait3A_1616] : memref<64x257xf32, #tpu.memory_space<vmem>> -> memref<8x128xf32, #tpu.memory_space<vmem>>
        tpu.wait_dma2 semaphore(%arg13 : memref<!tpu.dma_semaphore, #tpu.memory_space<semaphore_mem>>) src(%dma_wait3A_1617 : memref<8x128xf32, #tpu.memory_space<vmem>>) dst(%dma_wait3A_1614 : memref<8x128xf32, #tpu.memory_space<hbm>>)
        %add3A_1618 = arith.addi %mul3A_0, %sub3A_1437 : i32
        %mul3A_1619 = arith.constant 2 : i32
        %mul3A_1620 = arith.muli %mul3A_1619, %arg1 : i32
        %add3A_1621 = arith.constant 1 : i32
        %add3A_1622 = arith.addi %mul3A_1620, %add3A_1621 : i32
        %dma_wait3A_1623 = arith.constant 4 : i32
        %dma_wait3A_1624 = arith.constant 32 : i32
        %dma_wait3A_1625 = arith.constant 128 : i32
        %dma_wait3A_1626 = tpu.memref_slice %arg9[%dma_wait3A_1624, %dma_wait3A_1625] : memref<64x257xf32, #tpu.memory_space<vmem>> -> memref<8x128xf32, #tpu.memory_space<vmem>>
        %dma_wait3A_1627 = arith.constant 0 : i32
        %dma_wait3A_1628 = arith.constant 0 : i32
        %dma_wait3A_1629 = tpu.memref_slice %arg4[%add3A_1618, %dma_wait3A_1623, %add3A_1622, %dma_wait3A_1627, %dma_wait3A_1628] : memref<200x8x32x8x128xf32, #tpu.memory_space<hbm>> -> memref<1x1x1x8x128xf32, #tpu.memory_space<hbm>>
        %dma_wait3A_1630 = tpu.memref_squeeze %dma_wait3A_1629 : memref<1x1x1x8x128xf32, #tpu.memory_space<hbm>> -> memref<8x128xf32, #tpu.memory_space<hbm>>
        %dma_wait3A_1631 = arith.constant 0 : i32
        %dma_wait3A_1632 = arith.constant 0 : i32
        %dma_wait3A_1633 = tpu.memref_slice %arg4[%add3A_1618, %dma_wait3A_1623, %add3A_1622, %dma_wait3A_1631, %dma_wait3A_1632] : memref<200x8x32x8x128xf32, #tpu.memory_space<hbm>> -> memref<1x1x1x8x128xf32, #tpu.memory_space<hbm>>
        %dma_wait3A_1634 = tpu.memref_squeeze %dma_wait3A_1633 : memref<1x1x1x8x128xf32, #tpu.memory_space<hbm>> -> memref<8x128xf32, #tpu.memory_space<hbm>>
        %dma_wait3A_1635 = arith.constant 32 : i32
        %dma_wait3A_1636 = arith.constant 128 : i32
        %dma_wait3A_1637 = tpu.memref_slice %arg9[%dma_wait3A_1635, %dma_wait3A_1636] : memref<64x257xf32, #tpu.memory_space<vmem>> -> memref<8x128xf32, #tpu.memory_space<vmem>>
        tpu.wait_dma2 semaphore(%arg13 : memref<!tpu.dma_semaphore, #tpu.memory_space<semaphore_mem>>) src(%dma_wait3A_1637 : memref<8x128xf32, #tpu.memory_space<vmem>>) dst(%dma_wait3A_1634 : memref<8x128xf32, #tpu.memory_space<hbm>>)
        %add3A_1638 = arith.addi %mul3A_0, %sub3A_1437 : i32
        %mul3A_1639 = arith.constant 2 : i32
        %mul3A_1640 = arith.muli %mul3A_1639, %arg1 : i32
        %add3A_1641 = arith.constant 0 : i32
        %add3A_1642 = arith.addi %mul3A_1640, %add3A_1641 : i32
        %dma_wait3A_1643 = arith.constant 5 : i32
        %dma_wait3A_1644 = arith.constant 40 : i32
        %dma_wait3A_1645 = arith.constant 0 : i32
        %dma_wait3A_1646 = tpu.memref_slice %arg9[%dma_wait3A_1644, %dma_wait3A_1645] : memref<64x257xf32, #tpu.memory_space<vmem>> -> memref<8x128xf32, #tpu.memory_space<vmem>>
        %dma_wait3A_1647 = arith.constant 0 : i32
        %dma_wait3A_1648 = arith.constant 0 : i32
        %dma_wait3A_1649 = tpu.memref_slice %arg4[%add3A_1638, %dma_wait3A_1643, %add3A_1642, %dma_wait3A_1647, %dma_wait3A_1648] : memref<200x8x32x8x128xf32, #tpu.memory_space<hbm>> -> memref<1x1x1x8x128xf32, #tpu.memory_space<hbm>>
        %dma_wait3A_1650 = tpu.memref_squeeze %dma_wait3A_1649 : memref<1x1x1x8x128xf32, #tpu.memory_space<hbm>> -> memref<8x128xf32, #tpu.memory_space<hbm>>
        %dma_wait3A_1651 = arith.constant 0 : i32
        %dma_wait3A_1652 = arith.constant 0 : i32
        %dma_wait3A_1653 = tpu.memref_slice %arg4[%add3A_1638, %dma_wait3A_1643, %add3A_1642, %dma_wait3A_1651, %dma_wait3A_1652] : memref<200x8x32x8x128xf32, #tpu.memory_space<hbm>> -> memref<1x1x1x8x128xf32, #tpu.memory_space<hbm>>
        %dma_wait3A_1654 = tpu.memref_squeeze %dma_wait3A_1653 : memref<1x1x1x8x128xf32, #tpu.memory_space<hbm>> -> memref<8x128xf32, #tpu.memory_space<hbm>>
        %dma_wait3A_1655 = arith.constant 40 : i32
        %dma_wait3A_1656 = arith.constant 0 : i32
        %dma_wait3A_1657 = tpu.memref_slice %arg9[%dma_wait3A_1655, %dma_wait3A_1656] : memref<64x257xf32, #tpu.memory_space<vmem>> -> memref<8x128xf32, #tpu.memory_space<vmem>>
        tpu.wait_dma2 semaphore(%arg13 : memref<!tpu.dma_semaphore, #tpu.memory_space<semaphore_mem>>) src(%dma_wait3A_1657 : memref<8x128xf32, #tpu.memory_space<vmem>>) dst(%dma_wait3A_1654 : memref<8x128xf32, #tpu.memory_space<hbm>>)
        %add3A_1658 = arith.addi %mul3A_0, %sub3A_1437 : i32
        %mul3A_1659 = arith.constant 2 : i32
        %mul3A_1660 = arith.muli %mul3A_1659, %arg1 : i32
        %add3A_1661 = arith.constant 1 : i32
        %add3A_1662 = arith.addi %mul3A_1660, %add3A_1661 : i32
        %dma_wait3A_1663 = arith.constant 5 : i32
        %dma_wait3A_1664 = arith.constant 40 : i32
        %dma_wait3A_1665 = arith.constant 128 : i32
        %dma_wait3A_1666 = tpu.memref_slice %arg9[%dma_wait3A_1664, %dma_wait3A_1665] : memref<64x257xf32, #tpu.memory_space<vmem>> -> memref<8x128xf32, #tpu.memory_space<vmem>>
        %dma_wait3A_1667 = arith.constant 0 : i32
        %dma_wait3A_1668 = arith.constant 0 : i32
        %dma_wait3A_1669 = tpu.memref_slice %arg4[%add3A_1658, %dma_wait3A_1663, %add3A_1662, %dma_wait3A_1667, %dma_wait3A_1668] : memref<200x8x32x8x128xf32, #tpu.memory_space<hbm>> -> memref<1x1x1x8x128xf32, #tpu.memory_space<hbm>>
        %dma_wait3A_1670 = tpu.memref_squeeze %dma_wait3A_1669 : memref<1x1x1x8x128xf32, #tpu.memory_space<hbm>> -> memref<8x128xf32, #tpu.memory_space<hbm>>
        %dma_wait3A_1671 = arith.constant 0 : i32
        %dma_wait3A_1672 = arith.constant 0 : i32
        %dma_wait3A_1673 = tpu.memref_slice %arg4[%add3A_1658, %dma_wait3A_1663, %add3A_1662, %dma_wait3A_1671, %dma_wait3A_1672] : memref<200x8x32x8x128xf32, #tpu.memory_space<hbm>> -> memref<1x1x1x8x128xf32, #tpu.memory_space<hbm>>
        %dma_wait3A_1674 = tpu.memref_squeeze %dma_wait3A_1673 : memref<1x1x1x8x128xf32, #tpu.memory_space<hbm>> -> memref<8x128xf32, #tpu.memory_space<hbm>>
        %dma_wait3A_1675 = arith.constant 40 : i32
        %dma_wait3A_1676 = arith.constant 128 : i32
        %dma_wait3A_1677 = tpu.memref_slice %arg9[%dma_wait3A_1675, %dma_wait3A_1676] : memref<64x257xf32, #tpu.memory_space<vmem>> -> memref<8x128xf32, #tpu.memory_space<vmem>>
        tpu.wait_dma2 semaphore(%arg13 : memref<!tpu.dma_semaphore, #tpu.memory_space<semaphore_mem>>) src(%dma_wait3A_1677 : memref<8x128xf32, #tpu.memory_space<vmem>>) dst(%dma_wait3A_1674 : memref<8x128xf32, #tpu.memory_space<hbm>>)
        %add3A_1678 = arith.addi %mul3A_0, %sub3A_1437 : i32
        %mul3A_1679 = arith.constant 2 : i32
        %mul3A_1680 = arith.muli %mul3A_1679, %arg1 : i32
        %add3A_1681 = arith.constant 0 : i32
        %add3A_1682 = arith.addi %mul3A_1680, %add3A_1681 : i32
        %dma_wait3A_1683 = arith.constant 6 : i32
        %dma_wait3A_1684 = arith.constant 48 : i32
        %dma_wait3A_1685 = arith.constant 0 : i32
        %dma_wait3A_1686 = tpu.memref_slice %arg9[%dma_wait3A_1684, %dma_wait3A_1685] : memref<64x257xf32, #tpu.memory_space<vmem>> -> memref<8x128xf32, #tpu.memory_space<vmem>>
        %dma_wait3A_1687 = arith.constant 0 : i32
        %dma_wait3A_1688 = arith.constant 0 : i32
        %dma_wait3A_1689 = tpu.memref_slice %arg4[%add3A_1678, %dma_wait3A_1683, %add3A_1682, %dma_wait3A_1687, %dma_wait3A_1688] : memref<200x8x32x8x128xf32, #tpu.memory_space<hbm>> -> memref<1x1x1x8x128xf32, #tpu.memory_space<hbm>>
        %dma_wait3A_1690 = tpu.memref_squeeze %dma_wait3A_1689 : memref<1x1x1x8x128xf32, #tpu.memory_space<hbm>> -> memref<8x128xf32, #tpu.memory_space<hbm>>
        %dma_wait3A_1691 = arith.constant 0 : i32
        %dma_wait3A_1692 = arith.constant 0 : i32
        %dma_wait3A_1693 = tpu.memref_slice %arg4[%add3A_1678, %dma_wait3A_1683, %add3A_1682, %dma_wait3A_1691, %dma_wait3A_1692] : memref<200x8x32x8x128xf32, #tpu.memory_space<hbm>> -> memref<1x1x1x8x128xf32, #tpu.memory_space<hbm>>
        %dma_wait3A_1694 = tpu.memref_squeeze %dma_wait3A_1693 : memref<1x1x1x8x128xf32, #tpu.memory_space<hbm>> -> memref<8x128xf32, #tpu.memory_space<hbm>>
        %dma_wait3A_1695 = arith.constant 48 : i32
        %dma_wait3A_1696 = arith.constant 0 : i32
        %dma_wait3A_1697 = tpu.memref_slice %arg9[%dma_wait3A_1695, %dma_wait3A_1696] : memref<64x257xf32, #tpu.memory_space<vmem>> -> memref<8x128xf32, #tpu.memory_space<vmem>>
        tpu.wait_dma2 semaphore(%arg13 : memref<!tpu.dma_semaphore, #tpu.memory_space<semaphore_mem>>) src(%dma_wait3A_1697 : memref<8x128xf32, #tpu.memory_space<vmem>>) dst(%dma_wait3A_1694 : memref<8x128xf32, #tpu.memory_space<hbm>>)
        %add3A_1698 = arith.addi %mul3A_0, %sub3A_1437 : i32
        %mul3A_1699 = arith.constant 2 : i32
        %mul3A_1700 = arith.muli %mul3A_1699, %arg1 : i32
        %add3A_1701 = arith.constant 1 : i32
        %add3A_1702 = arith.addi %mul3A_1700, %add3A_1701 : i32
        %dma_wait3A_1703 = arith.constant 6 : i32
        %dma_wait3A_1704 = arith.constant 48 : i32
        %dma_wait3A_1705 = arith.constant 128 : i32
        %dma_wait3A_1706 = tpu.memref_slice %arg9[%dma_wait3A_1704, %dma_wait3A_1705] : memref<64x257xf32, #tpu.memory_space<vmem>> -> memref<8x128xf32, #tpu.memory_space<vmem>>
        %dma_wait3A_1707 = arith.constant 0 : i32
        %dma_wait3A_1708 = arith.constant 0 : i32
        %dma_wait3A_1709 = tpu.memref_slice %arg4[%add3A_1698, %dma_wait3A_1703, %add3A_1702, %dma_wait3A_1707, %dma_wait3A_1708] : memref<200x8x32x8x128xf32, #tpu.memory_space<hbm>> -> memref<1x1x1x8x128xf32, #tpu.memory_space<hbm>>
        %dma_wait3A_1710 = tpu.memref_squeeze %dma_wait3A_1709 : memref<1x1x1x8x128xf32, #tpu.memory_space<hbm>> -> memref<8x128xf32, #tpu.memory_space<hbm>>
        %dma_wait3A_1711 = arith.constant 0 : i32
        %dma_wait3A_1712 = arith.constant 0 : i32
        %dma_wait3A_1713 = tpu.memref_slice %arg4[%add3A_1698, %dma_wait3A_1703, %add3A_1702, %dma_wait3A_1711, %dma_wait3A_1712] : memref<200x8x32x8x128xf32, #tpu.memory_space<hbm>> -> memref<1x1x1x8x128xf32, #tpu.memory_space<hbm>>
        %dma_wait3A_1714 = tpu.memref_squeeze %dma_wait3A_1713 : memref<1x1x1x8x128xf32, #tpu.memory_space<hbm>> -> memref<8x128xf32, #tpu.memory_space<hbm>>
        %dma_wait3A_1715 = arith.constant 48 : i32
        %dma_wait3A_1716 = arith.constant 128 : i32
        %dma_wait3A_1717 = tpu.memref_slice %arg9[%dma_wait3A_1715, %dma_wait3A_1716] : memref<64x257xf32, #tpu.memory_space<vmem>> -> memref<8x128xf32, #tpu.memory_space<vmem>>
        tpu.wait_dma2 semaphore(%arg13 : memref<!tpu.dma_semaphore, #tpu.memory_space<semaphore_mem>>) src(%dma_wait3A_1717 : memref<8x128xf32, #tpu.memory_space<vmem>>) dst(%dma_wait3A_1714 : memref<8x128xf32, #tpu.memory_space<hbm>>)
        %add3A_1718 = arith.addi %mul3A_0, %sub3A_1437 : i32
        %mul3A_1719 = arith.constant 2 : i32
        %mul3A_1720 = arith.muli %mul3A_1719, %arg1 : i32
        %add3A_1721 = arith.constant 0 : i32
        %add3A_1722 = arith.addi %mul3A_1720, %add3A_1721 : i32
        %dma_wait3A_1723 = arith.constant 7 : i32
        %dma_wait3A_1724 = arith.constant 56 : i32
        %dma_wait3A_1725 = arith.constant 0 : i32
        %dma_wait3A_1726 = tpu.memref_slice %arg9[%dma_wait3A_1724, %dma_wait3A_1725] : memref<64x257xf32, #tpu.memory_space<vmem>> -> memref<8x128xf32, #tpu.memory_space<vmem>>
        %dma_wait3A_1727 = arith.constant 0 : i32
        %dma_wait3A_1728 = arith.constant 0 : i32
        %dma_wait3A_1729 = tpu.memref_slice %arg4[%add3A_1718, %dma_wait3A_1723, %add3A_1722, %dma_wait3A_1727, %dma_wait3A_1728] : memref<200x8x32x8x128xf32, #tpu.memory_space<hbm>> -> memref<1x1x1x8x128xf32, #tpu.memory_space<hbm>>
        %dma_wait3A_1730 = tpu.memref_squeeze %dma_wait3A_1729 : memref<1x1x1x8x128xf32, #tpu.memory_space<hbm>> -> memref<8x128xf32, #tpu.memory_space<hbm>>
        %dma_wait3A_1731 = arith.constant 0 : i32
        %dma_wait3A_1732 = arith.constant 0 : i32
        %dma_wait3A_1733 = tpu.memref_slice %arg4[%add3A_1718, %dma_wait3A_1723, %add3A_1722, %dma_wait3A_1731, %dma_wait3A_1732] : memref<200x8x32x8x128xf32, #tpu.memory_space<hbm>> -> memref<1x1x1x8x128xf32, #tpu.memory_space<hbm>>
        %dma_wait3A_1734 = tpu.memref_squeeze %dma_wait3A_1733 : memref<1x1x1x8x128xf32, #tpu.memory_space<hbm>> -> memref<8x128xf32, #tpu.memory_space<hbm>>
        %dma_wait3A_1735 = arith.constant 56 : i32
        %dma_wait3A_1736 = arith.constant 0 : i32
        %dma_wait3A_1737 = tpu.memref_slice %arg9[%dma_wait3A_1735, %dma_wait3A_1736] : memref<64x257xf32, #tpu.memory_space<vmem>> -> memref<8x128xf32, #tpu.memory_space<vmem>>
        tpu.wait_dma2 semaphore(%arg13 : memref<!tpu.dma_semaphore, #tpu.memory_space<semaphore_mem>>) src(%dma_wait3A_1737 : memref<8x128xf32, #tpu.memory_space<vmem>>) dst(%dma_wait3A_1734 : memref<8x128xf32, #tpu.memory_space<hbm>>)
        %add3A_1738 = arith.addi %mul3A_0, %sub3A_1437 : i32
        %mul3A_1739 = arith.constant 2 : i32
        %mul3A_1740 = arith.muli %mul3A_1739, %arg1 : i32
        %add3A_1741 = arith.constant 1 : i32
        %add3A_1742 = arith.addi %mul3A_1740, %add3A_1741 : i32
        %dma_wait3A_1743 = arith.constant 7 : i32
        %dma_wait3A_1744 = arith.constant 56 : i32
        %dma_wait3A_1745 = arith.constant 128 : i32
        %dma_wait3A_1746 = tpu.memref_slice %arg9[%dma_wait3A_1744, %dma_wait3A_1745] : memref<64x257xf32, #tpu.memory_space<vmem>> -> memref<8x128xf32, #tpu.memory_space<vmem>>
        %dma_wait3A_1747 = arith.constant 0 : i32
        %dma_wait3A_1748 = arith.constant 0 : i32
        %dma_wait3A_1749 = tpu.memref_slice %arg4[%add3A_1738, %dma_wait3A_1743, %add3A_1742, %dma_wait3A_1747, %dma_wait3A_1748] : memref<200x8x32x8x128xf32, #tpu.memory_space<hbm>> -> memref<1x1x1x8x128xf32, #tpu.memory_space<hbm>>
        %dma_wait3A_1750 = tpu.memref_squeeze %dma_wait3A_1749 : memref<1x1x1x8x128xf32, #tpu.memory_space<hbm>> -> memref<8x128xf32, #tpu.memory_space<hbm>>
        %dma_wait3A_1751 = arith.constant 0 : i32
        %dma_wait3A_1752 = arith.constant 0 : i32
        %dma_wait3A_1753 = tpu.memref_slice %arg4[%add3A_1738, %dma_wait3A_1743, %add3A_1742, %dma_wait3A_1751, %dma_wait3A_1752] : memref<200x8x32x8x128xf32, #tpu.memory_space<hbm>> -> memref<1x1x1x8x128xf32, #tpu.memory_space<hbm>>
        %dma_wait3A_1754 = tpu.memref_squeeze %dma_wait3A_1753 : memref<1x1x1x8x128xf32, #tpu.memory_space<hbm>> -> memref<8x128xf32, #tpu.memory_space<hbm>>
        %dma_wait3A_1755 = arith.constant 56 : i32
        %dma_wait3A_1756 = arith.constant 128 : i32
        %dma_wait3A_1757 = tpu.memref_slice %arg9[%dma_wait3A_1755, %dma_wait3A_1756] : memref<64x257xf32, #tpu.memory_space<vmem>> -> memref<8x128xf32, #tpu.memory_space<vmem>>
        tpu.wait_dma2 semaphore(%arg13 : memref<!tpu.dma_semaphore, #tpu.memory_space<semaphore_mem>>) src(%dma_wait3A_1757 : memref<8x128xf32, #tpu.memory_space<vmem>>) dst(%dma_wait3A_1754 : memref<8x128xf32, #tpu.memory_space<hbm>>)
      } else {
      }
      %scan3A_1111 = arith.constant 0 : i32
      %scan3A_1112 = arith.constant 0 : i32
      %scan3A_1113 = arith.constant 256 : i32
      %scan3A_1114 = arith.addi %scan3A_1112, %scan3A_1113 : i32
      %scan3A_1115 = arith.constant 4 : i32
      scf.for %scan3A_1437 = %scan3A_1112 to %scan3A_1114 step %scan3A_1115  : i32 {
        %broadcast_in_dim3A = vector.broadcast %scan3A_1437 : i32 to vector<16xi32>
        %get3A = arith.index_cast %scan3A_1437 : i32 to index
        %get3A_1438 = arith.constant 0 : index
        %get3A_1439 = tpu.vector_load %arg7[%get3A, %get3A_1438] {strides = array<i32>} : memref<256x64xf32, #tpu.memory_space<vmem>>, vector<16xf32>,
        %mul3A_1440 = arith.constant 8.000000e+00 : f32
        %mul3A_1441 = vector.broadcast %mul3A_1440 : f32 to vector<16xf32>
        %mul3A_1442 = arith.mulf %get3A_1439, %mul3A_1441 : vector<16xf32>
        %get3A_1443 = arith.index_cast %scan3A_1437 : i32 to index
        %get3A_1444 = arith.constant 16 : index
        %get3A_1445 = tpu.vector_load %arg7[%get3A_1443, %get3A_1444] {strides = array<i32>} : memref<256x64xf32, #tpu.memory_space<vmem>>, vector<16xf32>,
        %mul3A_1446 = arith.constant 8.000000e+00 : f32
        %mul3A_1447 = vector.broadcast %mul3A_1446 : f32 to vector<16xf32>
        %mul3A_1448 = arith.mulf %get3A_1445, %mul3A_1447 : vector<16xf32>
        %get3A_1449 = arith.index_cast %scan3A_1437 : i32 to index
        %get3A_1450 = arith.constant 32 : index
        %get3A_1451 = tpu.vector_load %arg7[%get3A_1449, %get3A_1450] {strides = array<i32>} : memref<256x64xf32, #tpu.memory_space<vmem>>, vector<16xf32>,
        %mul3A_1452 = arith.constant 8.000000e+00 : f32
        %mul3A_1453 = vector.broadcast %mul3A_1452 : f32 to vector<16xf32>
        %mul3A_1454 = arith.mulf %get3A_1451, %mul3A_1453 : vector<16xf32>
        %get3A_1455 = arith.index_cast %scan3A_1437 : i32 to index
        %get3A_1456 = arith.constant 48 : index
        %get3A_1457 = tpu.vector_load %arg7[%get3A_1455, %get3A_1456] {strides = array<i32>} : memref<256x64xf32, #tpu.memory_space<vmem>>, vector<16xf32>,
        %mul3A_1458 = arith.constant 8.000000e+00 : f32
        %mul3A_1459 = vector.broadcast %mul3A_1458 : f32 to vector<16xf32>
        %mul3A_1460 = arith.mulf %get3A_1457, %mul3A_1459 : vector<16xf32>
        tpu.vector_store_idx %arg9[%add3A_30, %broadcast_in_dim3A], %mul3A_1442 : memref<64x257xf32, #tpu.memory_space<vmem>>[vector<16xi32>, vector<16xi32>], vector<16xf32>,
        tpu.vector_store_idx %arg9[%add3A_33, %broadcast_in_dim3A], %mul3A_1448 : memref<64x257xf32, #tpu.memory_space<vmem>>[vector<16xi32>, vector<16xi32>], vector<16xf32>,
        tpu.vector_store_idx %arg9[%add3A_36, %broadcast_in_dim3A], %mul3A_1454 : memref<64x257xf32, #tpu.memory_space<vmem>>[vector<16xi32>, vector<16xi32>], vector<16xf32>,
        tpu.vector_store_idx %arg9[%add3A_39, %broadcast_in_dim3A], %mul3A_1460 : memref<64x257xf32, #tpu.memory_space<vmem>>[vector<16xi32>, vector<16xi32>], vector<16xf32>,
        %scan3A_1461 = arith.constant 1 : i32
        %scan3A_1462 = arith.addi %scan3A_1437, %scan3A_1461 : i32
        %broadcast_in_dim3A_1463 = vector.broadcast %scan3A_1462 : i32 to vector<16xi32>
        %get3A_1464 = arith.index_cast %scan3A_1462 : i32 to index
        %get3A_1465 = arith.constant 0 : index
        %get3A_1466 = tpu.vector_load %arg7[%get3A_1464, %get3A_1465] {strides = array<i32>} : memref<256x64xf32, #tpu.memory_space<vmem>>, vector<16xf32>,
        %mul3A_1467 = arith.constant 8.000000e+00 : f32
        %mul3A_1468 = vector.broadcast %mul3A_1467 : f32 to vector<16xf32>
        %mul3A_1469 = arith.mulf %get3A_1466, %mul3A_1468 : vector<16xf32>
        %get3A_1470 = arith.index_cast %scan3A_1462 : i32 to index
        %get3A_1471 = arith.constant 16 : index
        %get3A_1472 = tpu.vector_load %arg7[%get3A_1470, %get3A_1471] {strides = array<i32>} : memref<256x64xf32, #tpu.memory_space<vmem>>, vector<16xf32>,
        %mul3A_1473 = arith.constant 8.000000e+00 : f32
        %mul3A_1474 = vector.broadcast %mul3A_1473 : f32 to vector<16xf32>
        %mul3A_1475 = arith.mulf %get3A_1472, %mul3A_1474 : vector<16xf32>
        %get3A_1476 = arith.index_cast %scan3A_1462 : i32 to index
        %get3A_1477 = arith.constant 32 : index
        %get3A_1478 = tpu.vector_load %arg7[%get3A_1476, %get3A_1477] {strides = array<i32>} : memref<256x64xf32, #tpu.memory_space<vmem>>, vector<16xf32>,
        %mul3A_1479 = arith.constant 8.000000e+00 : f32
        %mul3A_1480 = vector.broadcast %mul3A_1479 : f32 to vector<16xf32>
        %mul3A_1481 = arith.mulf %get3A_1478, %mul3A_1480 : vector<16xf32>
        %get3A_1482 = arith.index_cast %scan3A_1462 : i32 to index
        %get3A_1483 = arith.constant 48 : index
        %get3A_1484 = tpu.vector_load %arg7[%get3A_1482, %get3A_1483] {strides = array<i32>} : memref<256x64xf32, #tpu.memory_space<vmem>>, vector<16xf32>,
        %mul3A_1485 = arith.constant 8.000000e+00 : f32
        %mul3A_1486 = vector.broadcast %mul3A_1485 : f32 to vector<16xf32>
        %mul3A_1487 = arith.mulf %get3A_1484, %mul3A_1486 : vector<16xf32>
        tpu.vector_store_idx %arg9[%add3A_30, %broadcast_in_dim3A_1463], %mul3A_1469 : memref<64x257xf32, #tpu.memory_space<vmem>>[vector<16xi32>, vector<16xi32>], vector<16xf32>,
        tpu.vector_store_idx %arg9[%add3A_33, %broadcast_in_dim3A_1463], %mul3A_1475 : memref<64x257xf32, #tpu.memory_space<vmem>>[vector<16xi32>, vector<16xi32>], vector<16xf32>,
        tpu.vector_store_idx %arg9[%add3A_36, %broadcast_in_dim3A_1463], %mul3A_1481 : memref<64x257xf32, #tpu.memory_space<vmem>>[vector<16xi32>, vector<16xi32>], vector<16xf32>,
        tpu.vector_store_idx %arg9[%add3A_39, %broadcast_in_dim3A_1463], %mul3A_1487 : memref<64x257xf32, #tpu.memory_space<vmem>>[vector<16xi32>, vector<16xi32>], vector<16xf32>,
        %scan3A_1488 = arith.constant 2 : i32
        %scan3A_1489 = arith.addi %scan3A_1437, %scan3A_1488 : i32
        %broadcast_in_dim3A_1490 = vector.broadcast %scan3A_1489 : i32 to vector<16xi32>
        %get3A_1491 = arith.index_cast %scan3A_1489 : i32 to index
        %get3A_1492 = arith.constant 0 : index
        %get3A_1493 = tpu.vector_load %arg7[%get3A_1491, %get3A_1492] {strides = array<i32>} : memref<256x64xf32, #tpu.memory_space<vmem>>, vector<16xf32>,
        %mul3A_1494 = arith.constant 8.000000e+00 : f32
        %mul3A_1495 = vector.broadcast %mul3A_1494 : f32 to vector<16xf32>
        %mul3A_1496 = arith.mulf %get3A_1493, %mul3A_1495 : vector<16xf32>
        %get3A_1497 = arith.index_cast %scan3A_1489 : i32 to index
        %get3A_1498 = arith.constant 16 : index
        %get3A_1499 = tpu.vector_load %arg7[%get3A_1497, %get3A_1498] {strides = array<i32>} : memref<256x64xf32, #tpu.memory_space<vmem>>, vector<16xf32>,
        %mul3A_1500 = arith.constant 8.000000e+00 : f32
        %mul3A_1501 = vector.broadcast %mul3A_1500 : f32 to vector<16xf32>
        %mul3A_1502 = arith.mulf %get3A_1499, %mul3A_1501 : vector<16xf32>
        %get3A_1503 = arith.index_cast %scan3A_1489 : i32 to index
        %get3A_1504 = arith.constant 32 : index
        %get3A_1505 = tpu.vector_load %arg7[%get3A_1503, %get3A_1504] {strides = array<i32>} : memref<256x64xf32, #tpu.memory_space<vmem>>, vector<16xf32>,
        %mul3A_1506 = arith.constant 8.000000e+00 : f32
        %mul3A_1507 = vector.broadcast %mul3A_1506 : f32 to vector<16xf32>
        %mul3A_1508 = arith.mulf %get3A_1505, %mul3A_1507 : vector<16xf32>
        %get3A_1509 = arith.index_cast %scan3A_1489 : i32 to index
        %get3A_1510 = arith.constant 48 : index
        %get3A_1511 = tpu.vector_load %arg7[%get3A_1509, %get3A_1510] {strides = array<i32>} : memref<256x64xf32, #tpu.memory_space<vmem>>, vector<16xf32>,
        %mul3A_1512 = arith.constant 8.000000e+00 : f32
        %mul3A_1513 = vector.broadcast %mul3A_1512 : f32 to vector<16xf32>
        %mul3A_1514 = arith.mulf %get3A_1511, %mul3A_1513 : vector<16xf32>
        tpu.vector_store_idx %arg9[%add3A_30, %broadcast_in_dim3A_1490], %mul3A_1496 : memref<64x257xf32, #tpu.memory_space<vmem>>[vector<16xi32>, vector<16xi32>], vector<16xf32>,
        tpu.vector_store_idx %arg9[%add3A_33, %broadcast_in_dim3A_1490], %mul3A_1502 : memref<64x257xf32, #tpu.memory_space<vmem>>[vector<16xi32>, vector<16xi32>], vector<16xf32>,
        tpu.vector_store_idx %arg9[%add3A_36, %broadcast_in_dim3A_1490], %mul3A_1508 : memref<64x257xf32, #tpu.memory_space<vmem>>[vector<16xi32>, vector<16xi32>], vector<16xf32>,
        tpu.vector_store_idx %arg9[%add3A_39, %broadcast_in_dim3A_1490], %mul3A_1514 : memref<64x257xf32, #tpu.memory_space<vmem>>[vector<16xi32>, vector<16xi32>], vector<16xf32>,
        %scan3A_1515 = arith.constant 3 : i32
        %scan3A_1516 = arith.addi %scan3A_1437, %scan3A_1515 : i32
        %broadcast_in_dim3A_1517 = vector.broadcast %scan3A_1516 : i32 to vector<16xi32>
        %get3A_1518 = arith.index_cast %scan3A_1516 : i32 to index
        %get3A_1519 = arith.constant 0 : index
        %get3A_1520 = tpu.vector_load %arg7[%get3A_1518, %get3A_1519] {strides = array<i32>} : memref<256x64xf32, #tpu.memory_space<vmem>>, vector<16xf32>,
        %mul3A_1521 = arith.constant 8.000000e+00 : f32
        %mul3A_1522 = vector.broadcast %mul3A_1521 : f32 to vector<16xf32>
        %mul3A_1523 = arith.mulf %get3A_1520, %mul3A_1522 : vector<16xf32>
        %get3A_1524 = arith.index_cast %scan3A_1516 : i32 to index
        %get3A_1525 = arith.constant 16 : index
        %get3A_1526 = tpu.vector_load %arg7[%get3A_1524, %get3A_1525] {strides = array<i32>} : memref<256x64xf32, #tpu.memory_space<vmem>>, vector<16xf32>,
        %mul3A_1527 = arith.constant 8.000000e+00 : f32
        %mul3A_1528 = vector.broadcast %mul3A_1527 : f32 to vector<16xf32>
        %mul3A_1529 = arith.mulf %get3A_1526, %mul3A_1528 : vector<16xf32>
        %get3A_1530 = arith.index_cast %scan3A_1516 : i32 to index
        %get3A_1531 = arith.constant 32 : index
        %get3A_1532 = tpu.vector_load %arg7[%get3A_1530, %get3A_1531] {strides = array<i32>} : memref<256x64xf32, #tpu.memory_space<vmem>>, vector<16xf32>,
        %mul3A_1533 = arith.constant 8.000000e+00 : f32
        %mul3A_1534 = vector.broadcast %mul3A_1533 : f32 to vector<16xf32>
        %mul3A_1535 = arith.mulf %get3A_1532, %mul3A_1534 : vector<16xf32>
        %get3A_1536 = arith.index_cast %scan3A_1516 : i32 to index
        %get3A_1537 = arith.constant 48 : index
        %get3A_1538 = tpu.vector_load %arg7[%get3A_1536, %get3A_1537] {strides = array<i32>} : memref<256x64xf32, #tpu.memory_space<vmem>>, vector<16xf32>,
        %mul3A_1539 = arith.constant 8.000000e+00 : f32
        %mul3A_1540 = vector.broadcast %mul3A_1539 : f32 to vector<16xf32>
        %mul3A_1541 = arith.mulf %get3A_1538, %mul3A_1540 : vector<16xf32>
        tpu.vector_store_idx %arg9[%add3A_30, %broadcast_in_dim3A_1517], %mul3A_1523 : memref<64x257xf32, #tpu.memory_space<vmem>>[vector<16xi32>, vector<16xi32>], vector<16xf32>,
        tpu.vector_store_idx %arg9[%add3A_33, %broadcast_in_dim3A_1517], %mul3A_1529 : memref<64x257xf32, #tpu.memory_space<vmem>>[vector<16xi32>, vector<16xi32>], vector<16xf32>,
        tpu.vector_store_idx %arg9[%add3A_36, %broadcast_in_dim3A_1517], %mul3A_1535 : memref<64x257xf32, #tpu.memory_space<vmem>>[vector<16xi32>, vector<16xi32>], vector<16xf32>,
        tpu.vector_store_idx %arg9[%add3A_39, %broadcast_in_dim3A_1517], %mul3A_1541 : memref<64x257xf32, #tpu.memory_space<vmem>>[vector<16xi32>, vector<16xi32>], vector<16xf32>,
      }
      %scan3A_1116 = arith.constant 256 : i32
      %add3A_1117 = arith.addi %mul3A_0, %add3A_1078 : i32
      %mul3A_1118 = arith.constant 2 : i32
      %mul3A_1119 = arith.muli %mul3A_1118, %arg1 : i32
      %add3A_1120 = arith.constant 0 : i32
      %add3A_1121 = arith.addi %mul3A_1119, %add3A_1120 : i32
      %dma_start3A_1122 = arith.constant 0 : i32
      %dma_start3A_1123 = arith.constant 0 : i32
      %dma_start3A_1124 = arith.constant 0 : i32
      %dma_start3A_1125 = tpu.memref_slice %arg9[%dma_start3A_1123, %dma_start3A_1124] : memref<64x257xf32, #tpu.memory_space<vmem>> -> memref<8x128xf32, #tpu.memory_space<vmem>>
      %dma_start3A_1126 = arith.constant 0 : i32
      %dma_start3A_1127 = arith.constant 0 : i32
      %dma_start3A_1128 = tpu.memref_slice %arg4[%add3A_1117, %dma_start3A_1122, %add3A_1121, %dma_start3A_1126, %dma_start3A_1127] : memref<200x8x32x8x128xf32, #tpu.memory_space<hbm>> -> memref<1x1x1x8x128xf32, #tpu.memory_space<hbm>>
      %dma_start3A_1129 = tpu.memref_squeeze %dma_start3A_1128 : memref<1x1x1x8x128xf32, #tpu.memory_space<hbm>> -> memref<8x128xf32, #tpu.memory_space<hbm>>
      %dma_start3A_1130 = arith.constant 0 : i32
      %dma_start3A_1131 = arith.constant 0 : i32
      %dma_start3A_1132 = tpu.memref_slice %arg4[%add3A_1117, %dma_start3A_1122, %add3A_1121, %dma_start3A_1130, %dma_start3A_1131] : memref<200x8x32x8x128xf32, #tpu.memory_space<hbm>> -> memref<1x1x1x8x128xf32, #tpu.memory_space<hbm>>
      %dma_start3A_1133 = tpu.memref_squeeze %dma_start3A_1132 : memref<1x1x1x8x128xf32, #tpu.memory_space<hbm>> -> memref<8x128xf32, #tpu.memory_space<hbm>>
      %dma_start3A_1134 = arith.constant 0 : i32
      %dma_start3A_1135 = arith.constant 0 : i32
      %dma_start3A_1136 = tpu.memref_slice %arg9[%dma_start3A_1134, %dma_start3A_1135] : memref<64x257xf32, #tpu.memory_space<vmem>> -> memref<8x128xf32, #tpu.memory_space<vmem>>
      tpu.enqueue_dma source(%dma_start3A_1136 : memref<8x128xf32, #tpu.memory_space<vmem>>) target(%dma_start3A_1133 : memref<8x128xf32, #tpu.memory_space<hbm>>) target_semaphore(%arg13 : memref<!tpu.dma_semaphore, #tpu.memory_space<semaphore_mem>>)
      %add3A_1137 = arith.addi %mul3A_0, %add3A_1078 : i32
      %mul3A_1138 = arith.constant 2 : i32
      %mul3A_1139 = arith.muli %mul3A_1138, %arg1 : i32
      %add3A_1140 = arith.constant 1 : i32
      %add3A_1141 = arith.addi %mul3A_1139, %add3A_1140 : i32
      %dma_start3A_1142 = arith.constant 0 : i32
      %dma_start3A_1143 = arith.constant 0 : i32
      %dma_start3A_1144 = arith.constant 128 : i32
      %dma_start3A_1145 = tpu.memref_slice %arg9[%dma_start3A_1143, %dma_start3A_1144] : memref<64x257xf32, #tpu.memory_space<vmem>> -> memref<8x128xf32, #tpu.memory_space<vmem>>
      %dma_start3A_1146 = arith.constant 0 : i32
      %dma_start3A_1147 = arith.constant 0 : i32
      %dma_start3A_1148 = tpu.memref_slice %arg4[%add3A_1137, %dma_start3A_1142, %add3A_1141, %dma_start3A_1146, %dma_start3A_1147] : memref<200x8x32x8x128xf32, #tpu.memory_space<hbm>> -> memref<1x1x1x8x128xf32, #tpu.memory_space<hbm>>
      %dma_start3A_1149 = tpu.memref_squeeze %dma_start3A_1148 : memref<1x1x1x8x128xf32, #tpu.memory_space<hbm>> -> memref<8x128xf32, #tpu.memory_space<hbm>>
      %dma_start3A_1150 = arith.constant 0 : i32
      %dma_start3A_1151 = arith.constant 0 : i32
      %dma_start3A_1152 = tpu.memref_slice %arg4[%add3A_1137, %dma_start3A_1142, %add3A_1141, %dma_start3A_1150, %dma_start3A_1151] : memref<200x8x32x8x128xf32, #tpu.memory_space<hbm>> -> memref<1x1x1x8x128xf32, #tpu.memory_space<hbm>>
      %dma_start3A_1153 = tpu.memref_squeeze %dma_start3A_1152 : memref<1x1x1x8x128xf32, #tpu.memory_space<hbm>> -> memref<8x128xf32, #tpu.memory_space<hbm>>
      %dma_start3A_1154 = arith.constant 0 : i32
      %dma_start3A_1155 = arith.constant 128 : i32
      %dma_start3A_1156 = tpu.memref_slice %arg9[%dma_start3A_1154, %dma_start3A_1155] : memref<64x257xf32, #tpu.memory_space<vmem>> -> memref<8x128xf32, #tpu.memory_space<vmem>>
      tpu.enqueue_dma source(%dma_start3A_1156 : memref<8x128xf32, #tpu.memory_space<vmem>>) target(%dma_start3A_1153 : memref<8x128xf32, #tpu.memory_space<hbm>>) target_semaphore(%arg13 : memref<!tpu.dma_semaphore, #tpu.memory_space<semaphore_mem>>)
      %add3A_1157 = arith.addi %mul3A_0, %add3A_1078 : i32
      %mul3A_1158 = arith.constant 2 : i32
      %mul3A_1159 = arith.muli %mul3A_1158, %arg1 : i32
      %add3A_1160 = arith.constant 0 : i32
      %add3A_1161 = arith.addi %mul3A_1159, %add3A_1160 : i32
      %dma_start3A_1162 = arith.constant 1 : i32
      %dma_start3A_1163 = arith.constant 8 : i32
      %dma_start3A_1164 = arith.constant 0 : i32
      %dma_start3A_1165 = tpu.memref_slice %arg9[%dma_start3A_1163, %dma_start3A_1164] : memref<64x257xf32, #tpu.memory_space<vmem>> -> memref<8x128xf32, #tpu.memory_space<vmem>>
      %dma_start3A_1166 = arith.constant 0 : i32
      %dma_start3A_1167 = arith.constant 0 : i32
      %dma_start3A_1168 = tpu.memref_slice %arg4[%add3A_1157, %dma_start3A_1162, %add3A_1161, %dma_start3A_1166, %dma_start3A_1167] : memref<200x8x32x8x128xf32, #tpu.memory_space<hbm>> -> memref<1x1x1x8x128xf32, #tpu.memory_space<hbm>>
      %dma_start3A_1169 = tpu.memref_squeeze %dma_start3A_1168 : memref<1x1x1x8x128xf32, #tpu.memory_space<hbm>> -> memref<8x128xf32, #tpu.memory_space<hbm>>
      %dma_start3A_1170 = arith.constant 0 : i32
      %dma_start3A_1171 = arith.constant 0 : i32
      %dma_start3A_1172 = tpu.memref_slice %arg4[%add3A_1157, %dma_start3A_1162, %add3A_1161, %dma_start3A_1170, %dma_start3A_1171] : memref<200x8x32x8x128xf32, #tpu.memory_space<hbm>> -> memref<1x1x1x8x128xf32, #tpu.memory_space<hbm>>
      %dma_start3A_1173 = tpu.memref_squeeze %dma_start3A_1172 : memref<1x1x1x8x128xf32, #tpu.memory_space<hbm>> -> memref<8x128xf32, #tpu.memory_space<hbm>>
      %dma_start3A_1174 = arith.constant 8 : i32
      %dma_start3A_1175 = arith.constant 0 : i32
      %dma_start3A_1176 = tpu.memref_slice %arg9[%dma_start3A_1174, %dma_start3A_1175] : memref<64x257xf32, #tpu.memory_space<vmem>> -> memref<8x128xf32, #tpu.memory_space<vmem>>
      tpu.enqueue_dma source(%dma_start3A_1176 : memref<8x128xf32, #tpu.memory_space<vmem>>) target(%dma_start3A_1173 : memref<8x128xf32, #tpu.memory_space<hbm>>) target_semaphore(%arg13 : memref<!tpu.dma_semaphore, #tpu.memory_space<semaphore_mem>>)
      %add3A_1177 = arith.addi %mul3A_0, %add3A_1078 : i32
      %mul3A_1178 = arith.constant 2 : i32
      %mul3A_1179 = arith.muli %mul3A_1178, %arg1 : i32
      %add3A_1180 = arith.constant 1 : i32
      %add3A_1181 = arith.addi %mul3A_1179, %add3A_1180 : i32
      %dma_start3A_1182 = arith.constant 1 : i32
      %dma_start3A_1183 = arith.constant 8 : i32
      %dma_start3A_1184 = arith.constant 128 : i32
      %dma_start3A_1185 = tpu.memref_slice %arg9[%dma_start3A_1183, %dma_start3A_1184] : memref<64x257xf32, #tpu.memory_space<vmem>> -> memref<8x128xf32, #tpu.memory_space<vmem>>
      %dma_start3A_1186 = arith.constant 0 : i32
      %dma_start3A_1187 = arith.constant 0 : i32
      %dma_start3A_1188 = tpu.memref_slice %arg4[%add3A_1177, %dma_start3A_1182, %add3A_1181, %dma_start3A_1186, %dma_start3A_1187] : memref<200x8x32x8x128xf32, #tpu.memory_space<hbm>> -> memref<1x1x1x8x128xf32, #tpu.memory_space<hbm>>
      %dma_start3A_1189 = tpu.memref_squeeze %dma_start3A_1188 : memref<1x1x1x8x128xf32, #tpu.memory_space<hbm>> -> memref<8x128xf32, #tpu.memory_space<hbm>>
      %dma_start3A_1190 = arith.constant 0 : i32
      %dma_start3A_1191 = arith.constant 0 : i32
      %dma_start3A_1192 = tpu.memref_slice %arg4[%add3A_1177, %dma_start3A_1182, %add3A_1181, %dma_start3A_1190, %dma_start3A_1191] : memref<200x8x32x8x128xf32, #tpu.memory_space<hbm>> -> memref<1x1x1x8x128xf32, #tpu.memory_space<hbm>>
      %dma_start3A_1193 = tpu.memref_squeeze %dma_start3A_1192 : memref<1x1x1x8x128xf32, #tpu.memory_space<hbm>> -> memref<8x128xf32, #tpu.memory_space<hbm>>
      %dma_start3A_1194 = arith.constant 8 : i32
      %dma_start3A_1195 = arith.constant 128 : i32
      %dma_start3A_1196 = tpu.memref_slice %arg9[%dma_start3A_1194, %dma_start3A_1195] : memref<64x257xf32, #tpu.memory_space<vmem>> -> memref<8x128xf32, #tpu.memory_space<vmem>>
      tpu.enqueue_dma source(%dma_start3A_1196 : memref<8x128xf32, #tpu.memory_space<vmem>>) target(%dma_start3A_1193 : memref<8x128xf32, #tpu.memory_space<hbm>>) target_semaphore(%arg13 : memref<!tpu.dma_semaphore, #tpu.memory_space<semaphore_mem>>)
      %add3A_1197 = arith.addi %mul3A_0, %add3A_1078 : i32
      %mul3A_1198 = arith.constant 2 : i32
      %mul3A_1199 = arith.muli %mul3A_1198, %arg1 : i32
      %add3A_1200 = arith.constant 0 : i32
      %add3A_1201 = arith.addi %mul3A_1199, %add3A_1200 : i32
      %dma_start3A_1202 = arith.constant 2 : i32
      %dma_start3A_1203 = arith.constant 16 : i32
      %dma_start3A_1204 = arith.constant 0 : i32
      %dma_start3A_1205 = tpu.memref_slice %arg9[%dma_start3A_1203, %dma_start3A_1204] : memref<64x257xf32, #tpu.memory_space<vmem>> -> memref<8x128xf32, #tpu.memory_space<vmem>>
      %dma_start3A_1206 = arith.constant 0 : i32
      %dma_start3A_1207 = arith.constant 0 : i32
      %dma_start3A_1208 = tpu.memref_slice %arg4[%add3A_1197, %dma_start3A_1202, %add3A_1201, %dma_start3A_1206, %dma_start3A_1207] : memref<200x8x32x8x128xf32, #tpu.memory_space<hbm>> -> memref<1x1x1x8x128xf32, #tpu.memory_space<hbm>>
      %dma_start3A_1209 = tpu.memref_squeeze %dma_start3A_1208 : memref<1x1x1x8x128xf32, #tpu.memory_space<hbm>> -> memref<8x128xf32, #tpu.memory_space<hbm>>
      %dma_start3A_1210 = arith.constant 0 : i32
      %dma_start3A_1211 = arith.constant 0 : i32
      %dma_start3A_1212 = tpu.memref_slice %arg4[%add3A_1197, %dma_start3A_1202, %add3A_1201, %dma_start3A_1210, %dma_start3A_1211] : memref<200x8x32x8x128xf32, #tpu.memory_space<hbm>> -> memref<1x1x1x8x128xf32, #tpu.memory_space<hbm>>
      %dma_start3A_1213 = tpu.memref_squeeze %dma_start3A_1212 : memref<1x1x1x8x128xf32, #tpu.memory_space<hbm>> -> memref<8x128xf32, #tpu.memory_space<hbm>>
      %dma_start3A_1214 = arith.constant 16 : i32
      %dma_start3A_1215 = arith.constant 0 : i32
      %dma_start3A_1216 = tpu.memref_slice %arg9[%dma_start3A_1214, %dma_start3A_1215] : memref<64x257xf32, #tpu.memory_space<vmem>> -> memref<8x128xf32, #tpu.memory_space<vmem>>
      tpu.enqueue_dma source(%dma_start3A_1216 : memref<8x128xf32, #tpu.memory_space<vmem>>) target(%dma_start3A_1213 : memref<8x128xf32, #tpu.memory_space<hbm>>) target_semaphore(%arg13 : memref<!tpu.dma_semaphore, #tpu.memory_space<semaphore_mem>>)
      %add3A_1217 = arith.addi %mul3A_0, %add3A_1078 : i32
      %mul3A_1218 = arith.constant 2 : i32
      %mul3A_1219 = arith.muli %mul3A_1218, %arg1 : i32
      %add3A_1220 = arith.constant 1 : i32
      %add3A_1221 = arith.addi %mul3A_1219, %add3A_1220 : i32
      %dma_start3A_1222 = arith.constant 2 : i32
      %dma_start3A_1223 = arith.constant 16 : i32
      %dma_start3A_1224 = arith.constant 128 : i32
      %dma_start3A_1225 = tpu.memref_slice %arg9[%dma_start3A_1223, %dma_start3A_1224] : memref<64x257xf32, #tpu.memory_space<vmem>> -> memref<8x128xf32, #tpu.memory_space<vmem>>
      %dma_start3A_1226 = arith.constant 0 : i32
      %dma_start3A_1227 = arith.constant 0 : i32
      %dma_start3A_1228 = tpu.memref_slice %arg4[%add3A_1217, %dma_start3A_1222, %add3A_1221, %dma_start3A_1226, %dma_start3A_1227] : memref<200x8x32x8x128xf32, #tpu.memory_space<hbm>> -> memref<1x1x1x8x128xf32, #tpu.memory_space<hbm>>
      %dma_start3A_1229 = tpu.memref_squeeze %dma_start3A_1228 : memref<1x1x1x8x128xf32, #tpu.memory_space<hbm>> -> memref<8x128xf32, #tpu.memory_space<hbm>>
      %dma_start3A_1230 = arith.constant 0 : i32
      %dma_start3A_1231 = arith.constant 0 : i32
      %dma_start3A_1232 = tpu.memref_slice %arg4[%add3A_1217, %dma_start3A_1222, %add3A_1221, %dma_start3A_1230, %dma_start3A_1231] : memref<200x8x32x8x128xf32, #tpu.memory_space<hbm>> -> memref<1x1x1x8x128xf32, #tpu.memory_space<hbm>>
      %dma_start3A_1233 = tpu.memref_squeeze %dma_start3A_1232 : memref<1x1x1x8x128xf32, #tpu.memory_space<hbm>> -> memref<8x128xf32, #tpu.memory_space<hbm>>
      %dma_start3A_1234 = arith.constant 16 : i32
      %dma_start3A_1235 = arith.constant 128 : i32
      %dma_start3A_1236 = tpu.memref_slice %arg9[%dma_start3A_1234, %dma_start3A_1235] : memref<64x257xf32, #tpu.memory_space<vmem>> -> memref<8x128xf32, #tpu.memory_space<vmem>>
      tpu.enqueue_dma source(%dma_start3A_1236 : memref<8x128xf32, #tpu.memory_space<vmem>>) target(%dma_start3A_1233 : memref<8x128xf32, #tpu.memory_space<hbm>>) target_semaphore(%arg13 : memref<!tpu.dma_semaphore, #tpu.memory_space<semaphore_mem>>)
      %add3A_1237 = arith.addi %mul3A_0, %add3A_1078 : i32
      %mul3A_1238 = arith.constant 2 : i32
      %mul3A_1239 = arith.muli %mul3A_1238, %arg1 : i32
      %add3A_1240 = arith.constant 0 : i32
      %add3A_1241 = arith.addi %mul3A_1239, %add3A_1240 : i32
      %dma_start3A_1242 = arith.constant 3 : i32
      %dma_start3A_1243 = arith.constant 24 : i32
      %dma_start3A_1244 = arith.constant 0 : i32
      %dma_start3A_1245 = tpu.memref_slice %arg9[%dma_start3A_1243, %dma_start3A_1244] : memref<64x257xf32, #tpu.memory_space<vmem>> -> memref<8x128xf32, #tpu.memory_space<vmem>>
      %dma_start3A_1246 = arith.constant 0 : i32
      %dma_start3A_1247 = arith.constant 0 : i32
      %dma_start3A_1248 = tpu.memref_slice %arg4[%add3A_1237, %dma_start3A_1242, %add3A_1241, %dma_start3A_1246, %dma_start3A_1247] : memref<200x8x32x8x128xf32, #tpu.memory_space<hbm>> -> memref<1x1x1x8x128xf32, #tpu.memory_space<hbm>>
      %dma_start3A_1249 = tpu.memref_squeeze %dma_start3A_1248 : memref<1x1x1x8x128xf32, #tpu.memory_space<hbm>> -> memref<8x128xf32, #tpu.memory_space<hbm>>
      %dma_start3A_1250 = arith.constant 0 : i32
      %dma_start3A_1251 = arith.constant 0 : i32
      %dma_start3A_1252 = tpu.memref_slice %arg4[%add3A_1237, %dma_start3A_1242, %add3A_1241, %dma_start3A_1250, %dma_start3A_1251] : memref<200x8x32x8x128xf32, #tpu.memory_space<hbm>> -> memref<1x1x1x8x128xf32, #tpu.memory_space<hbm>>
      %dma_start3A_1253 = tpu.memref_squeeze %dma_start3A_1252 : memref<1x1x1x8x128xf32, #tpu.memory_space<hbm>> -> memref<8x128xf32, #tpu.memory_space<hbm>>
      %dma_start3A_1254 = arith.constant 24 : i32
      %dma_start3A_1255 = arith.constant 0 : i32
      %dma_start3A_1256 = tpu.memref_slice %arg9[%dma_start3A_1254, %dma_start3A_1255] : memref<64x257xf32, #tpu.memory_space<vmem>> -> memref<8x128xf32, #tpu.memory_space<vmem>>
      tpu.enqueue_dma source(%dma_start3A_1256 : memref<8x128xf32, #tpu.memory_space<vmem>>) target(%dma_start3A_1253 : memref<8x128xf32, #tpu.memory_space<hbm>>) target_semaphore(%arg13 : memref<!tpu.dma_semaphore, #tpu.memory_space<semaphore_mem>>)
      %add3A_1257 = arith.addi %mul3A_0, %add3A_1078 : i32
      %mul3A_1258 = arith.constant 2 : i32
      %mul3A_1259 = arith.muli %mul3A_1258, %arg1 : i32
      %add3A_1260 = arith.constant 1 : i32
      %add3A_1261 = arith.addi %mul3A_1259, %add3A_1260 : i32
      %dma_start3A_1262 = arith.constant 3 : i32
      %dma_start3A_1263 = arith.constant 24 : i32
      %dma_start3A_1264 = arith.constant 128 : i32
      %dma_start3A_1265 = tpu.memref_slice %arg9[%dma_start3A_1263, %dma_start3A_1264] : memref<64x257xf32, #tpu.memory_space<vmem>> -> memref<8x128xf32, #tpu.memory_space<vmem>>
      %dma_start3A_1266 = arith.constant 0 : i32
      %dma_start3A_1267 = arith.constant 0 : i32
      %dma_start3A_1268 = tpu.memref_slice %arg4[%add3A_1257, %dma_start3A_1262, %add3A_1261, %dma_start3A_1266, %dma_start3A_1267] : memref<200x8x32x8x128xf32, #tpu.memory_space<hbm>> -> memref<1x1x1x8x128xf32, #tpu.memory_space<hbm>>
      %dma_start3A_1269 = tpu.memref_squeeze %dma_start3A_1268 : memref<1x1x1x8x128xf32, #tpu.memory_space<hbm>> -> memref<8x128xf32, #tpu.memory_space<hbm>>
      %dma_start3A_1270 = arith.constant 0 : i32
      %dma_start3A_1271 = arith.constant 0 : i32
      %dma_start3A_1272 = tpu.memref_slice %arg4[%add3A_1257, %dma_start3A_1262, %add3A_1261, %dma_start3A_1270, %dma_start3A_1271] : memref<200x8x32x8x128xf32, #tpu.memory_space<hbm>> -> memref<1x1x1x8x128xf32, #tpu.memory_space<hbm>>
      %dma_start3A_1273 = tpu.memref_squeeze %dma_start3A_1272 : memref<1x1x1x8x128xf32, #tpu.memory_space<hbm>> -> memref<8x128xf32, #tpu.memory_space<hbm>>
      %dma_start3A_1274 = arith.constant 24 : i32
      %dma_start3A_1275 = arith.constant 128 : i32
      %dma_start3A_1276 = tpu.memref_slice %arg9[%dma_start3A_1274, %dma_start3A_1275] : memref<64x257xf32, #tpu.memory_space<vmem>> -> memref<8x128xf32, #tpu.memory_space<vmem>>
      tpu.enqueue_dma source(%dma_start3A_1276 : memref<8x128xf32, #tpu.memory_space<vmem>>) target(%dma_start3A_1273 : memref<8x128xf32, #tpu.memory_space<hbm>>) target_semaphore(%arg13 : memref<!tpu.dma_semaphore, #tpu.memory_space<semaphore_mem>>)
      %add3A_1277 = arith.addi %mul3A_0, %add3A_1078 : i32
      %mul3A_1278 = arith.constant 2 : i32
      %mul3A_1279 = arith.muli %mul3A_1278, %arg1 : i32
      %add3A_1280 = arith.constant 0 : i32
      %add3A_1281 = arith.addi %mul3A_1279, %add3A_1280 : i32
      %dma_start3A_1282 = arith.constant 4 : i32
      %dma_start3A_1283 = arith.constant 32 : i32
      %dma_start3A_1284 = arith.constant 0 : i32
      %dma_start3A_1285 = tpu.memref_slice %arg9[%dma_start3A_1283, %dma_start3A_1284] : memref<64x257xf32, #tpu.memory_space<vmem>> -> memref<8x128xf32, #tpu.memory_space<vmem>>
      %dma_start3A_1286 = arith.constant 0 : i32
      %dma_start3A_1287 = arith.constant 0 : i32
      %dma_start3A_1288 = tpu.memref_slice %arg4[%add3A_1277, %dma_start3A_1282, %add3A_1281, %dma_start3A_1286, %dma_start3A_1287] : memref<200x8x32x8x128xf32, #tpu.memory_space<hbm>> -> memref<1x1x1x8x128xf32, #tpu.memory_space<hbm>>
      %dma_start3A_1289 = tpu.memref_squeeze %dma_start3A_1288 : memref<1x1x1x8x128xf32, #tpu.memory_space<hbm>> -> memref<8x128xf32, #tpu.memory_space<hbm>>
      %dma_start3A_1290 = arith.constant 0 : i32
      %dma_start3A_1291 = arith.constant 0 : i32
      %dma_start3A_1292 = tpu.memref_slice %arg4[%add3A_1277, %dma_start3A_1282, %add3A_1281, %dma_start3A_1290, %dma_start3A_1291] : memref<200x8x32x8x128xf32, #tpu.memory_space<hbm>> -> memref<1x1x1x8x128xf32, #tpu.memory_space<hbm>>
      %dma_start3A_1293 = tpu.memref_squeeze %dma_start3A_1292 : memref<1x1x1x8x128xf32, #tpu.memory_space<hbm>> -> memref<8x128xf32, #tpu.memory_space<hbm>>
      %dma_start3A_1294 = arith.constant 32 : i32
      %dma_start3A_1295 = arith.constant 0 : i32
      %dma_start3A_1296 = tpu.memref_slice %arg9[%dma_start3A_1294, %dma_start3A_1295] : memref<64x257xf32, #tpu.memory_space<vmem>> -> memref<8x128xf32, #tpu.memory_space<vmem>>
      tpu.enqueue_dma source(%dma_start3A_1296 : memref<8x128xf32, #tpu.memory_space<vmem>>) target(%dma_start3A_1293 : memref<8x128xf32, #tpu.memory_space<hbm>>) target_semaphore(%arg13 : memref<!tpu.dma_semaphore, #tpu.memory_space<semaphore_mem>>)
      %add3A_1297 = arith.addi %mul3A_0, %add3A_1078 : i32
      %mul3A_1298 = arith.constant 2 : i32
      %mul3A_1299 = arith.muli %mul3A_1298, %arg1 : i32
      %add3A_1300 = arith.constant 1 : i32
      %add3A_1301 = arith.addi %mul3A_1299, %add3A_1300 : i32
      %dma_start3A_1302 = arith.constant 4 : i32
      %dma_start3A_1303 = arith.constant 32 : i32
      %dma_start3A_1304 = arith.constant 128 : i32
      %dma_start3A_1305 = tpu.memref_slice %arg9[%dma_start3A_1303, %dma_start3A_1304] : memref<64x257xf32, #tpu.memory_space<vmem>> -> memref<8x128xf32, #tpu.memory_space<vmem>>
      %dma_start3A_1306 = arith.constant 0 : i32
      %dma_start3A_1307 = arith.constant 0 : i32
      %dma_start3A_1308 = tpu.memref_slice %arg4[%add3A_1297, %dma_start3A_1302, %add3A_1301, %dma_start3A_1306, %dma_start3A_1307] : memref<200x8x32x8x128xf32, #tpu.memory_space<hbm>> -> memref<1x1x1x8x128xf32, #tpu.memory_space<hbm>>
      %dma_start3A_1309 = tpu.memref_squeeze %dma_start3A_1308 : memref<1x1x1x8x128xf32, #tpu.memory_space<hbm>> -> memref<8x128xf32, #tpu.memory_space<hbm>>
      %dma_start3A_1310 = arith.constant 0 : i32
      %dma_start3A_1311 = arith.constant 0 : i32
      %dma_start3A_1312 = tpu.memref_slice %arg4[%add3A_1297, %dma_start3A_1302, %add3A_1301, %dma_start3A_1310, %dma_start3A_1311] : memref<200x8x32x8x128xf32, #tpu.memory_space<hbm>> -> memref<1x1x1x8x128xf32, #tpu.memory_space<hbm>>
      %dma_start3A_1313 = tpu.memref_squeeze %dma_start3A_1312 : memref<1x1x1x8x128xf32, #tpu.memory_space<hbm>> -> memref<8x128xf32, #tpu.memory_space<hbm>>
      %dma_start3A_1314 = arith.constant 32 : i32
      %dma_start3A_1315 = arith.constant 128 : i32
      %dma_start3A_1316 = tpu.memref_slice %arg9[%dma_start3A_1314, %dma_start3A_1315] : memref<64x257xf32, #tpu.memory_space<vmem>> -> memref<8x128xf32, #tpu.memory_space<vmem>>
      tpu.enqueue_dma source(%dma_start3A_1316 : memref<8x128xf32, #tpu.memory_space<vmem>>) target(%dma_start3A_1313 : memref<8x128xf32, #tpu.memory_space<hbm>>) target_semaphore(%arg13 : memref<!tpu.dma_semaphore, #tpu.memory_space<semaphore_mem>>)
      %add3A_1317 = arith.addi %mul3A_0, %add3A_1078 : i32
      %mul3A_1318 = arith.constant 2 : i32
      %mul3A_1319 = arith.muli %mul3A_1318, %arg1 : i32
      %add3A_1320 = arith.constant 0 : i32
      %add3A_1321 = arith.addi %mul3A_1319, %add3A_1320 : i32
      %dma_start3A_1322 = arith.constant 5 : i32
      %dma_start3A_1323 = arith.constant 40 : i32
      %dma_start3A_1324 = arith.constant 0 : i32
      %dma_start3A_1325 = tpu.memref_slice %arg9[%dma_start3A_1323, %dma_start3A_1324] : memref<64x257xf32, #tpu.memory_space<vmem>> -> memref<8x128xf32, #tpu.memory_space<vmem>>
      %dma_start3A_1326 = arith.constant 0 : i32
      %dma_start3A_1327 = arith.constant 0 : i32
      %dma_start3A_1328 = tpu.memref_slice %arg4[%add3A_1317, %dma_start3A_1322, %add3A_1321, %dma_start3A_1326, %dma_start3A_1327] : memref<200x8x32x8x128xf32, #tpu.memory_space<hbm>> -> memref<1x1x1x8x128xf32, #tpu.memory_space<hbm>>
      %dma_start3A_1329 = tpu.memref_squeeze %dma_start3A_1328 : memref<1x1x1x8x128xf32, #tpu.memory_space<hbm>> -> memref<8x128xf32, #tpu.memory_space<hbm>>
      %dma_start3A_1330 = arith.constant 0 : i32
      %dma_start3A_1331 = arith.constant 0 : i32
      %dma_start3A_1332 = tpu.memref_slice %arg4[%add3A_1317, %dma_start3A_1322, %add3A_1321, %dma_start3A_1330, %dma_start3A_1331] : memref<200x8x32x8x128xf32, #tpu.memory_space<hbm>> -> memref<1x1x1x8x128xf32, #tpu.memory_space<hbm>>
      %dma_start3A_1333 = tpu.memref_squeeze %dma_start3A_1332 : memref<1x1x1x8x128xf32, #tpu.memory_space<hbm>> -> memref<8x128xf32, #tpu.memory_space<hbm>>
      %dma_start3A_1334 = arith.constant 40 : i32
      %dma_start3A_1335 = arith.constant 0 : i32
      %dma_start3A_1336 = tpu.memref_slice %arg9[%dma_start3A_1334, %dma_start3A_1335] : memref<64x257xf32, #tpu.memory_space<vmem>> -> memref<8x128xf32, #tpu.memory_space<vmem>>
      tpu.enqueue_dma source(%dma_start3A_1336 : memref<8x128xf32, #tpu.memory_space<vmem>>) target(%dma_start3A_1333 : memref<8x128xf32, #tpu.memory_space<hbm>>) target_semaphore(%arg13 : memref<!tpu.dma_semaphore, #tpu.memory_space<semaphore_mem>>)
      %add3A_1337 = arith.addi %mul3A_0, %add3A_1078 : i32
      %mul3A_1338 = arith.constant 2 : i32
      %mul3A_1339 = arith.muli %mul3A_1338, %arg1 : i32
      %add3A_1340 = arith.constant 1 : i32
      %add3A_1341 = arith.addi %mul3A_1339, %add3A_1340 : i32
      %dma_start3A_1342 = arith.constant 5 : i32
      %dma_start3A_1343 = arith.constant 40 : i32
      %dma_start3A_1344 = arith.constant 128 : i32
      %dma_start3A_1345 = tpu.memref_slice %arg9[%dma_start3A_1343, %dma_start3A_1344] : memref<64x257xf32, #tpu.memory_space<vmem>> -> memref<8x128xf32, #tpu.memory_space<vmem>>
      %dma_start3A_1346 = arith.constant 0 : i32
      %dma_start3A_1347 = arith.constant 0 : i32
      %dma_start3A_1348 = tpu.memref_slice %arg4[%add3A_1337, %dma_start3A_1342, %add3A_1341, %dma_start3A_1346, %dma_start3A_1347] : memref<200x8x32x8x128xf32, #tpu.memory_space<hbm>> -> memref<1x1x1x8x128xf32, #tpu.memory_space<hbm>>
      %dma_start3A_1349 = tpu.memref_squeeze %dma_start3A_1348 : memref<1x1x1x8x128xf32, #tpu.memory_space<hbm>> -> memref<8x128xf32, #tpu.memory_space<hbm>>
      %dma_start3A_1350 = arith.constant 0 : i32
      %dma_start3A_1351 = arith.constant 0 : i32
      %dma_start3A_1352 = tpu.memref_slice %arg4[%add3A_1337, %dma_start3A_1342, %add3A_1341, %dma_start3A_1350, %dma_start3A_1351] : memref<200x8x32x8x128xf32, #tpu.memory_space<hbm>> -> memref<1x1x1x8x128xf32, #tpu.memory_space<hbm>>
      %dma_start3A_1353 = tpu.memref_squeeze %dma_start3A_1352 : memref<1x1x1x8x128xf32, #tpu.memory_space<hbm>> -> memref<8x128xf32, #tpu.memory_space<hbm>>
      %dma_start3A_1354 = arith.constant 40 : i32
      %dma_start3A_1355 = arith.constant 128 : i32
      %dma_start3A_1356 = tpu.memref_slice %arg9[%dma_start3A_1354, %dma_start3A_1355] : memref<64x257xf32, #tpu.memory_space<vmem>> -> memref<8x128xf32, #tpu.memory_space<vmem>>
      tpu.enqueue_dma source(%dma_start3A_1356 : memref<8x128xf32, #tpu.memory_space<vmem>>) target(%dma_start3A_1353 : memref<8x128xf32, #tpu.memory_space<hbm>>) target_semaphore(%arg13 : memref<!tpu.dma_semaphore, #tpu.memory_space<semaphore_mem>>)
      %add3A_1357 = arith.addi %mul3A_0, %add3A_1078 : i32
      %mul3A_1358 = arith.constant 2 : i32
      %mul3A_1359 = arith.muli %mul3A_1358, %arg1 : i32
      %add3A_1360 = arith.constant 0 : i32
      %add3A_1361 = arith.addi %mul3A_1359, %add3A_1360 : i32
      %dma_start3A_1362 = arith.constant 6 : i32
      %dma_start3A_1363 = arith.constant 48 : i32
      %dma_start3A_1364 = arith.constant 0 : i32
      %dma_start3A_1365 = tpu.memref_slice %arg9[%dma_start3A_1363, %dma_start3A_1364] : memref<64x257xf32, #tpu.memory_space<vmem>> -> memref<8x128xf32, #tpu.memory_space<vmem>>
      %dma_start3A_1366 = arith.constant 0 : i32
      %dma_start3A_1367 = arith.constant 0 : i32
      %dma_start3A_1368 = tpu.memref_slice %arg4[%add3A_1357, %dma_start3A_1362, %add3A_1361, %dma_start3A_1366, %dma_start3A_1367] : memref<200x8x32x8x128xf32, #tpu.memory_space<hbm>> -> memref<1x1x1x8x128xf32, #tpu.memory_space<hbm>>
      %dma_start3A_1369 = tpu.memref_squeeze %dma_start3A_1368 : memref<1x1x1x8x128xf32, #tpu.memory_space<hbm>> -> memref<8x128xf32, #tpu.memory_space<hbm>>
      %dma_start3A_1370 = arith.constant 0 : i32
      %dma_start3A_1371 = arith.constant 0 : i32
      %dma_start3A_1372 = tpu.memref_slice %arg4[%add3A_1357, %dma_start3A_1362, %add3A_1361, %dma_start3A_1370, %dma_start3A_1371] : memref<200x8x32x8x128xf32, #tpu.memory_space<hbm>> -> memref<1x1x1x8x128xf32, #tpu.memory_space<hbm>>
      %dma_start3A_1373 = tpu.memref_squeeze %dma_start3A_1372 : memref<1x1x1x8x128xf32, #tpu.memory_space<hbm>> -> memref<8x128xf32, #tpu.memory_space<hbm>>
      %dma_start3A_1374 = arith.constant 48 : i32
      %dma_start3A_1375 = arith.constant 0 : i32
      %dma_start3A_1376 = tpu.memref_slice %arg9[%dma_start3A_1374, %dma_start3A_1375] : memref<64x257xf32, #tpu.memory_space<vmem>> -> memref<8x128xf32, #tpu.memory_space<vmem>>
      tpu.enqueue_dma source(%dma_start3A_1376 : memref<8x128xf32, #tpu.memory_space<vmem>>) target(%dma_start3A_1373 : memref<8x128xf32, #tpu.memory_space<hbm>>) target_semaphore(%arg13 : memref<!tpu.dma_semaphore, #tpu.memory_space<semaphore_mem>>)
      %add3A_1377 = arith.addi %mul3A_0, %add3A_1078 : i32
      %mul3A_1378 = arith.constant 2 : i32
      %mul3A_1379 = arith.muli %mul3A_1378, %arg1 : i32
      %add3A_1380 = arith.constant 1 : i32
      %add3A_1381 = arith.addi %mul3A_1379, %add3A_1380 : i32
      %dma_start3A_1382 = arith.constant 6 : i32
      %dma_start3A_1383 = arith.constant 48 : i32
      %dma_start3A_1384 = arith.constant 128 : i32
      %dma_start3A_1385 = tpu.memref_slice %arg9[%dma_start3A_1383, %dma_start3A_1384] : memref<64x257xf32, #tpu.memory_space<vmem>> -> memref<8x128xf32, #tpu.memory_space<vmem>>
      %dma_start3A_1386 = arith.constant 0 : i32
      %dma_start3A_1387 = arith.constant 0 : i32
      %dma_start3A_1388 = tpu.memref_slice %arg4[%add3A_1377, %dma_start3A_1382, %add3A_1381, %dma_start3A_1386, %dma_start3A_1387] : memref<200x8x32x8x128xf32, #tpu.memory_space<hbm>> -> memref<1x1x1x8x128xf32, #tpu.memory_space<hbm>>
      %dma_start3A_1389 = tpu.memref_squeeze %dma_start3A_1388 : memref<1x1x1x8x128xf32, #tpu.memory_space<hbm>> -> memref<8x128xf32, #tpu.memory_space<hbm>>
      %dma_start3A_1390 = arith.constant 0 : i32
      %dma_start3A_1391 = arith.constant 0 : i32
      %dma_start3A_1392 = tpu.memref_slice %arg4[%add3A_1377, %dma_start3A_1382, %add3A_1381, %dma_start3A_1390, %dma_start3A_1391] : memref<200x8x32x8x128xf32, #tpu.memory_space<hbm>> -> memref<1x1x1x8x128xf32, #tpu.memory_space<hbm>>
      %dma_start3A_1393 = tpu.memref_squeeze %dma_start3A_1392 : memref<1x1x1x8x128xf32, #tpu.memory_space<hbm>> -> memref<8x128xf32, #tpu.memory_space<hbm>>
      %dma_start3A_1394 = arith.constant 48 : i32
      %dma_start3A_1395 = arith.constant 128 : i32
      %dma_start3A_1396 = tpu.memref_slice %arg9[%dma_start3A_1394, %dma_start3A_1395] : memref<64x257xf32, #tpu.memory_space<vmem>> -> memref<8x128xf32, #tpu.memory_space<vmem>>
      tpu.enqueue_dma source(%dma_start3A_1396 : memref<8x128xf32, #tpu.memory_space<vmem>>) target(%dma_start3A_1393 : memref<8x128xf32, #tpu.memory_space<hbm>>) target_semaphore(%arg13 : memref<!tpu.dma_semaphore, #tpu.memory_space<semaphore_mem>>)
      %add3A_1397 = arith.addi %mul3A_0, %add3A_1078 : i32
      %mul3A_1398 = arith.constant 2 : i32
      %mul3A_1399 = arith.muli %mul3A_1398, %arg1 : i32
      %add3A_1400 = arith.constant 0 : i32
      %add3A_1401 = arith.addi %mul3A_1399, %add3A_1400 : i32
      %dma_start3A_1402 = arith.constant 7 : i32
      %dma_start3A_1403 = arith.constant 56 : i32
      %dma_start3A_1404 = arith.constant 0 : i32
      %dma_start3A_1405 = tpu.memref_slice %arg9[%dma_start3A_1403, %dma_start3A_1404] : memref<64x257xf32, #tpu.memory_space<vmem>> -> memref<8x128xf32, #tpu.memory_space<vmem>>
      %dma_start3A_1406 = arith.constant 0 : i32
      %dma_start3A_1407 = arith.constant 0 : i32
      %dma_start3A_1408 = tpu.memref_slice %arg4[%add3A_1397, %dma_start3A_1402, %add3A_1401, %dma_start3A_1406, %dma_start3A_1407] : memref<200x8x32x8x128xf32, #tpu.memory_space<hbm>> -> memref<1x1x1x8x128xf32, #tpu.memory_space<hbm>>
      %dma_start3A_1409 = tpu.memref_squeeze %dma_start3A_1408 : memref<1x1x1x8x128xf32, #tpu.memory_space<hbm>> -> memref<8x128xf32, #tpu.memory_space<hbm>>
      %dma_start3A_1410 = arith.constant 0 : i32
      %dma_start3A_1411 = arith.constant 0 : i32
      %dma_start3A_1412 = tpu.memref_slice %arg4[%add3A_1397, %dma_start3A_1402, %add3A_1401, %dma_start3A_1410, %dma_start3A_1411] : memref<200x8x32x8x128xf32, #tpu.memory_space<hbm>> -> memref<1x1x1x8x128xf32, #tpu.memory_space<hbm>>
      %dma_start3A_1413 = tpu.memref_squeeze %dma_start3A_1412 : memref<1x1x1x8x128xf32, #tpu.memory_space<hbm>> -> memref<8x128xf32, #tpu.memory_space<hbm>>
      %dma_start3A_1414 = arith.constant 56 : i32
      %dma_start3A_1415 = arith.constant 0 : i32
      %dma_start3A_1416 = tpu.memref_slice %arg9[%dma_start3A_1414, %dma_start3A_1415] : memref<64x257xf32, #tpu.memory_space<vmem>> -> memref<8x128xf32, #tpu.memory_space<vmem>>
      tpu.enqueue_dma source(%dma_start3A_1416 : memref<8x128xf32, #tpu.memory_space<vmem>>) target(%dma_start3A_1413 : memref<8x128xf32, #tpu.memory_space<hbm>>) target_semaphore(%arg13 : memref<!tpu.dma_semaphore, #tpu.memory_space<semaphore_mem>>)
      %add3A_1417 = arith.addi %mul3A_0, %add3A_1078 : i32
      %mul3A_1418 = arith.constant 2 : i32
      %mul3A_1419 = arith.muli %mul3A_1418, %arg1 : i32
      %add3A_1420 = arith.constant 1 : i32
      %add3A_1421 = arith.addi %mul3A_1419, %add3A_1420 : i32
      %dma_start3A_1422 = arith.constant 7 : i32
      %dma_start3A_1423 = arith.constant 56 : i32
      %dma_start3A_1424 = arith.constant 128 : i32
      %dma_start3A_1425 = tpu.memref_slice %arg9[%dma_start3A_1423, %dma_start3A_1424] : memref<64x257xf32, #tpu.memory_space<vmem>> -> memref<8x128xf32, #tpu.memory_space<vmem>>
      %dma_start3A_1426 = arith.constant 0 : i32
      %dma_start3A_1427 = arith.constant 0 : i32
      %dma_start3A_1428 = tpu.memref_slice %arg4[%add3A_1417, %dma_start3A_1422, %add3A_1421, %dma_start3A_1426, %dma_start3A_1427] : memref<200x8x32x8x128xf32, #tpu.memory_space<hbm>> -> memref<1x1x1x8x128xf32, #tpu.memory_space<hbm>>
      %dma_start3A_1429 = tpu.memref_squeeze %dma_start3A_1428 : memref<1x1x1x8x128xf32, #tpu.memory_space<hbm>> -> memref<8x128xf32, #tpu.memory_space<hbm>>
      %dma_start3A_1430 = arith.constant 0 : i32
      %dma_start3A_1431 = arith.constant 0 : i32
      %dma_start3A_1432 = tpu.memref_slice %arg4[%add3A_1417, %dma_start3A_1422, %add3A_1421, %dma_start3A_1430, %dma_start3A_1431] : memref<200x8x32x8x128xf32, #tpu.memory_space<hbm>> -> memref<1x1x1x8x128xf32, #tpu.memory_space<hbm>>
      %dma_start3A_1433 = tpu.memref_squeeze %dma_start3A_1432 : memref<1x1x1x8x128xf32, #tpu.memory_space<hbm>> -> memref<8x128xf32, #tpu.memory_space<hbm>>
      %dma_start3A_1434 = arith.constant 56 : i32
      %dma_start3A_1435 = arith.constant 128 : i32
      %dma_start3A_1436 = tpu.memref_slice %arg9[%dma_start3A_1434, %dma_start3A_1435] : memref<64x257xf32, #tpu.memory_space<vmem>> -> memref<8x128xf32, #tpu.memory_space<vmem>>
      tpu.enqueue_dma source(%dma_start3A_1436 : memref<8x128xf32, #tpu.memory_space<vmem>>) target(%dma_start3A_1433 : memref<8x128xf32, #tpu.memory_space<hbm>>) target_semaphore(%arg13 : memref<!tpu.dma_semaphore, #tpu.memory_space<semaphore_mem>>)
    }
    %scan3A_44 = arith.constant 50 : i32
    %add3A_45 = arith.constant 98 : i32
    %add3A_46 = arith.addi %mul3A_0, %add3A_45 : i32
    %mul3A_47 = arith.constant 2 : i32
    %mul3A_48 = arith.muli %mul3A_47, %arg1 : i32
    %add3A_49 = arith.constant 0 : i32
    %add3A_50 = arith.addi %mul3A_48, %add3A_49 : i32
    %dma_wait3A = arith.constant 0 : i32
    %dma_wait3A_51 = arith.constant 0 : i32
    %dma_wait3A_52 = arith.constant 0 : i32
    %dma_wait3A_53 = tpu.memref_slice %arg8[%dma_wait3A_51, %dma_wait3A_52] : memref<64x257xf32, #tpu.memory_space<vmem>> -> memref<8x128xf32, #tpu.memory_space<vmem>>
    %dma_wait3A_54 = arith.constant 0 : i32
    %dma_wait3A_55 = arith.constant 0 : i32
    %dma_wait3A_56 = tpu.memref_slice %arg4[%add3A_46, %dma_wait3A, %add3A_50, %dma_wait3A_54, %dma_wait3A_55] : memref<200x8x32x8x128xf32, #tpu.memory_space<hbm>> -> memref<1x1x1x8x128xf32, #tpu.memory_space<hbm>>
    %dma_wait3A_57 = tpu.memref_squeeze %dma_wait3A_56 : memref<1x1x1x8x128xf32, #tpu.memory_space<hbm>> -> memref<8x128xf32, #tpu.memory_space<hbm>>
    %dma_wait3A_58 = arith.constant 0 : i32
    %dma_wait3A_59 = arith.constant 0 : i32
    %dma_wait3A_60 = tpu.memref_slice %arg4[%add3A_46, %dma_wait3A, %add3A_50, %dma_wait3A_58, %dma_wait3A_59] : memref<200x8x32x8x128xf32, #tpu.memory_space<hbm>> -> memref<1x1x1x8x128xf32, #tpu.memory_space<hbm>>
    %dma_wait3A_61 = tpu.memref_squeeze %dma_wait3A_60 : memref<1x1x1x8x128xf32, #tpu.memory_space<hbm>> -> memref<8x128xf32, #tpu.memory_space<hbm>>
    %dma_wait3A_62 = arith.constant 0 : i32
    %dma_wait3A_63 = arith.constant 0 : i32
    %dma_wait3A_64 = tpu.memref_slice %arg8[%dma_wait3A_62, %dma_wait3A_63] : memref<64x257xf32, #tpu.memory_space<vmem>> -> memref<8x128xf32, #tpu.memory_space<vmem>>
    tpu.wait_dma2 semaphore(%arg12 : memref<!tpu.dma_semaphore, #tpu.memory_space<semaphore_mem>>) src(%dma_wait3A_64 : memref<8x128xf32, #tpu.memory_space<vmem>>) dst(%dma_wait3A_61 : memref<8x128xf32, #tpu.memory_space<hbm>>)
    %add3A_65 = arith.constant 98 : i32
    %add3A_66 = arith.addi %mul3A_0, %add3A_65 : i32
    %mul3A_67 = arith.constant 2 : i32
    %mul3A_68 = arith.muli %mul3A_67, %arg1 : i32
    %add3A_69 = arith.constant 1 : i32
    %add3A_70 = arith.addi %mul3A_68, %add3A_69 : i32
    %dma_wait3A_71 = arith.constant 0 : i32
    %dma_wait3A_72 = arith.constant 0 : i32
    %dma_wait3A_73 = arith.constant 128 : i32
    %dma_wait3A_74 = tpu.memref_slice %arg8[%dma_wait3A_72, %dma_wait3A_73] : memref<64x257xf32, #tpu.memory_space<vmem>> -> memref<8x128xf32, #tpu.memory_space<vmem>>
    %dma_wait3A_75 = arith.constant 0 : i32
    %dma_wait3A_76 = arith.constant 0 : i32
    %dma_wait3A_77 = tpu.memref_slice %arg4[%add3A_66, %dma_wait3A_71, %add3A_70, %dma_wait3A_75, %dma_wait3A_76] : memref<200x8x32x8x128xf32, #tpu.memory_space<hbm>> -> memref<1x1x1x8x128xf32, #tpu.memory_space<hbm>>
    %dma_wait3A_78 = tpu.memref_squeeze %dma_wait3A_77 : memref<1x1x1x8x128xf32, #tpu.memory_space<hbm>> -> memref<8x128xf32, #tpu.memory_space<hbm>>
    %dma_wait3A_79 = arith.constant 0 : i32
    %dma_wait3A_80 = arith.constant 0 : i32
    %dma_wait3A_81 = tpu.memref_slice %arg4[%add3A_66, %dma_wait3A_71, %add3A_70, %dma_wait3A_79, %dma_wait3A_80] : memref<200x8x32x8x128xf32, #tpu.memory_space<hbm>> -> memref<1x1x1x8x128xf32, #tpu.memory_space<hbm>>
    %dma_wait3A_82 = tpu.memref_squeeze %dma_wait3A_81 : memref<1x1x1x8x128xf32, #tpu.memory_space<hbm>> -> memref<8x128xf32, #tpu.memory_space<hbm>>
    %dma_wait3A_83 = arith.constant 0 : i32
    %dma_wait3A_84 = arith.constant 128 : i32
    %dma_wait3A_85 = tpu.memref_slice %arg8[%dma_wait3A_83, %dma_wait3A_84] : memref<64x257xf32, #tpu.memory_space<vmem>> -> memref<8x128xf32, #tpu.memory_space<vmem>>
    tpu.wait_dma2 semaphore(%arg12 : memref<!tpu.dma_semaphore, #tpu.memory_space<semaphore_mem>>) src(%dma_wait3A_85 : memref<8x128xf32, #tpu.memory_space<vmem>>) dst(%dma_wait3A_82 : memref<8x128xf32, #tpu.memory_space<hbm>>)
    %add3A_86 = arith.constant 98 : i32
    %add3A_87 = arith.addi %mul3A_0, %add3A_86 : i32
    %mul3A_88 = arith.constant 2 : i32
    %mul3A_89 = arith.muli %mul3A_88, %arg1 : i32
    %add3A_90 = arith.constant 0 : i32
    %add3A_91 = arith.addi %mul3A_89, %add3A_90 : i32
    %dma_wait3A_92 = arith.constant 1 : i32
    %dma_wait3A_93 = arith.constant 8 : i32
    %dma_wait3A_94 = arith.constant 0 : i32
    %dma_wait3A_95 = tpu.memref_slice %arg8[%dma_wait3A_93, %dma_wait3A_94] : memref<64x257xf32, #tpu.memory_space<vmem>> -> memref<8x128xf32, #tpu.memory_space<vmem>>
    %dma_wait3A_96 = arith.constant 0 : i32
    %dma_wait3A_97 = arith.constant 0 : i32
    %dma_wait3A_98 = tpu.memref_slice %arg4[%add3A_87, %dma_wait3A_92, %add3A_91, %dma_wait3A_96, %dma_wait3A_97] : memref<200x8x32x8x128xf32, #tpu.memory_space<hbm>> -> memref<1x1x1x8x128xf32, #tpu.memory_space<hbm>>
    %dma_wait3A_99 = tpu.memref_squeeze %dma_wait3A_98 : memref<1x1x1x8x128xf32, #tpu.memory_space<hbm>> -> memref<8x128xf32, #tpu.memory_space<hbm>>
    %dma_wait3A_100 = arith.constant 0 : i32
    %dma_wait3A_101 = arith.constant 0 : i32
    %dma_wait3A_102 = tpu.memref_slice %arg4[%add3A_87, %dma_wait3A_92, %add3A_91, %dma_wait3A_100, %dma_wait3A_101] : memref<200x8x32x8x128xf32, #tpu.memory_space<hbm>> -> memref<1x1x1x8x128xf32, #tpu.memory_space<hbm>>
    %dma_wait3A_103 = tpu.memref_squeeze %dma_wait3A_102 : memref<1x1x1x8x128xf32, #tpu.memory_space<hbm>> -> memref<8x128xf32, #tpu.memory_space<hbm>>
    %dma_wait3A_104 = arith.constant 8 : i32
    %dma_wait3A_105 = arith.constant 0 : i32
    %dma_wait3A_106 = tpu.memref_slice %arg8[%dma_wait3A_104, %dma_wait3A_105] : memref<64x257xf32, #tpu.memory_space<vmem>> -> memref<8x128xf32, #tpu.memory_space<vmem>>
    tpu.wait_dma2 semaphore(%arg12 : memref<!tpu.dma_semaphore, #tpu.memory_space<semaphore_mem>>) src(%dma_wait3A_106 : memref<8x128xf32, #tpu.memory_space<vmem>>) dst(%dma_wait3A_103 : memref<8x128xf32, #tpu.memory_space<hbm>>)
    %add3A_107 = arith.constant 98 : i32
    %add3A_108 = arith.addi %mul3A_0, %add3A_107 : i32
    %mul3A_109 = arith.constant 2 : i32
    %mul3A_110 = arith.muli %mul3A_109, %arg1 : i32
    %add3A_111 = arith.constant 1 : i32
    %add3A_112 = arith.addi %mul3A_110, %add3A_111 : i32
    %dma_wait3A_113 = arith.constant 1 : i32
    %dma_wait3A_114 = arith.constant 8 : i32
    %dma_wait3A_115 = arith.constant 128 : i32
    %dma_wait3A_116 = tpu.memref_slice %arg8[%dma_wait3A_114, %dma_wait3A_115] : memref<64x257xf32, #tpu.memory_space<vmem>> -> memref<8x128xf32, #tpu.memory_space<vmem>>
    %dma_wait3A_117 = arith.constant 0 : i32
    %dma_wait3A_118 = arith.constant 0 : i32
    %dma_wait3A_119 = tpu.memref_slice %arg4[%add3A_108, %dma_wait3A_113, %add3A_112, %dma_wait3A_117, %dma_wait3A_118] : memref<200x8x32x8x128xf32, #tpu.memory_space<hbm>> -> memref<1x1x1x8x128xf32, #tpu.memory_space<hbm>>
    %dma_wait3A_120 = tpu.memref_squeeze %dma_wait3A_119 : memref<1x1x1x8x128xf32, #tpu.memory_space<hbm>> -> memref<8x128xf32, #tpu.memory_space<hbm>>
    %dma_wait3A_121 = arith.constant 0 : i32
    %dma_wait3A_122 = arith.constant 0 : i32
    %dma_wait3A_123 = tpu.memref_slice %arg4[%add3A_108, %dma_wait3A_113, %add3A_112, %dma_wait3A_121, %dma_wait3A_122] : memref<200x8x32x8x128xf32, #tpu.memory_space<hbm>> -> memref<1x1x1x8x128xf32, #tpu.memory_space<hbm>>
    %dma_wait3A_124 = tpu.memref_squeeze %dma_wait3A_123 : memref<1x1x1x8x128xf32, #tpu.memory_space<hbm>> -> memref<8x128xf32, #tpu.memory_space<hbm>>
    %dma_wait3A_125 = arith.constant 8 : i32
    %dma_wait3A_126 = arith.constant 128 : i32
    %dma_wait3A_127 = tpu.memref_slice %arg8[%dma_wait3A_125, %dma_wait3A_126] : memref<64x257xf32, #tpu.memory_space<vmem>> -> memref<8x128xf32, #tpu.memory_space<vmem>>
    tpu.wait_dma2 semaphore(%arg12 : memref<!tpu.dma_semaphore, #tpu.memory_space<semaphore_mem>>) src(%dma_wait3A_127 : memref<8x128xf32, #tpu.memory_space<vmem>>) dst(%dma_wait3A_124 : memref<8x128xf32, #tpu.memory_space<hbm>>)
    %add3A_128 = arith.constant 98 : i32
    %add3A_129 = arith.addi %mul3A_0, %add3A_128 : i32
    %mul3A_130 = arith.constant 2 : i32
    %mul3A_131 = arith.muli %mul3A_130, %arg1 : i32
    %add3A_132 = arith.constant 0 : i32
    %add3A_133 = arith.addi %mul3A_131, %add3A_132 : i32
    %dma_wait3A_134 = arith.constant 2 : i32
    %dma_wait3A_135 = arith.constant 16 : i32
    %dma_wait3A_136 = arith.constant 0 : i32
    %dma_wait3A_137 = tpu.memref_slice %arg8[%dma_wait3A_135, %dma_wait3A_136] : memref<64x257xf32, #tpu.memory_space<vmem>> -> memref<8x128xf32, #tpu.memory_space<vmem>>
    %dma_wait3A_138 = arith.constant 0 : i32
    %dma_wait3A_139 = arith.constant 0 : i32
    %dma_wait3A_140 = tpu.memref_slice %arg4[%add3A_129, %dma_wait3A_134, %add3A_133, %dma_wait3A_138, %dma_wait3A_139] : memref<200x8x32x8x128xf32, #tpu.memory_space<hbm>> -> memref<1x1x1x8x128xf32, #tpu.memory_space<hbm>>
    %dma_wait3A_141 = tpu.memref_squeeze %dma_wait3A_140 : memref<1x1x1x8x128xf32, #tpu.memory_space<hbm>> -> memref<8x128xf32, #tpu.memory_space<hbm>>
    %dma_wait3A_142 = arith.constant 0 : i32
    %dma_wait3A_143 = arith.constant 0 : i32
    %dma_wait3A_144 = tpu.memref_slice %arg4[%add3A_129, %dma_wait3A_134, %add3A_133, %dma_wait3A_142, %dma_wait3A_143] : memref<200x8x32x8x128xf32, #tpu.memory_space<hbm>> -> memref<1x1x1x8x128xf32, #tpu.memory_space<hbm>>
    %dma_wait3A_145 = tpu.memref_squeeze %dma_wait3A_144 : memref<1x1x1x8x128xf32, #tpu.memory_space<hbm>> -> memref<8x128xf32, #tpu.memory_space<hbm>>
    %dma_wait3A_146 = arith.constant 16 : i32
    %dma_wait3A_147 = arith.constant 0 : i32
    %dma_wait3A_148 = tpu.memref_slice %arg8[%dma_wait3A_146, %dma_wait3A_147] : memref<64x257xf32, #tpu.memory_space<vmem>> -> memref<8x128xf32, #tpu.memory_space<vmem>>
    tpu.wait_dma2 semaphore(%arg12 : memref<!tpu.dma_semaphore, #tpu.memory_space<semaphore_mem>>) src(%dma_wait3A_148 : memref<8x128xf32, #tpu.memory_space<vmem>>) dst(%dma_wait3A_145 : memref<8x128xf32, #tpu.memory_space<hbm>>)
    %add3A_149 = arith.constant 98 : i32
    %add3A_150 = arith.addi %mul3A_0, %add3A_149 : i32
    %mul3A_151 = arith.constant 2 : i32
    %mul3A_152 = arith.muli %mul3A_151, %arg1 : i32
    %add3A_153 = arith.constant 1 : i32
    %add3A_154 = arith.addi %mul3A_152, %add3A_153 : i32
    %dma_wait3A_155 = arith.constant 2 : i32
    %dma_wait3A_156 = arith.constant 16 : i32
    %dma_wait3A_157 = arith.constant 128 : i32
    %dma_wait3A_158 = tpu.memref_slice %arg8[%dma_wait3A_156, %dma_wait3A_157] : memref<64x257xf32, #tpu.memory_space<vmem>> -> memref<8x128xf32, #tpu.memory_space<vmem>>
    %dma_wait3A_159 = arith.constant 0 : i32
    %dma_wait3A_160 = arith.constant 0 : i32
    %dma_wait3A_161 = tpu.memref_slice %arg4[%add3A_150, %dma_wait3A_155, %add3A_154, %dma_wait3A_159, %dma_wait3A_160] : memref<200x8x32x8x128xf32, #tpu.memory_space<hbm>> -> memref<1x1x1x8x128xf32, #tpu.memory_space<hbm>>
    %dma_wait3A_162 = tpu.memref_squeeze %dma_wait3A_161 : memref<1x1x1x8x128xf32, #tpu.memory_space<hbm>> -> memref<8x128xf32, #tpu.memory_space<hbm>>
    %dma_wait3A_163 = arith.constant 0 : i32
    %dma_wait3A_164 = arith.constant 0 : i32
    %dma_wait3A_165 = tpu.memref_slice %arg4[%add3A_150, %dma_wait3A_155, %add3A_154, %dma_wait3A_163, %dma_wait3A_164] : memref<200x8x32x8x128xf32, #tpu.memory_space<hbm>> -> memref<1x1x1x8x128xf32, #tpu.memory_space<hbm>>
    %dma_wait3A_166 = tpu.memref_squeeze %dma_wait3A_165 : memref<1x1x1x8x128xf32, #tpu.memory_space<hbm>> -> memref<8x128xf32, #tpu.memory_space<hbm>>
    %dma_wait3A_167 = arith.constant 16 : i32
    %dma_wait3A_168 = arith.constant 128 : i32
    %dma_wait3A_169 = tpu.memref_slice %arg8[%dma_wait3A_167, %dma_wait3A_168] : memref<64x257xf32, #tpu.memory_space<vmem>> -> memref<8x128xf32, #tpu.memory_space<vmem>>
    tpu.wait_dma2 semaphore(%arg12 : memref<!tpu.dma_semaphore, #tpu.memory_space<semaphore_mem>>) src(%dma_wait3A_169 : memref<8x128xf32, #tpu.memory_space<vmem>>) dst(%dma_wait3A_166 : memref<8x128xf32, #tpu.memory_space<hbm>>)
    %add3A_170 = arith.constant 98 : i32
    %add3A_171 = arith.addi %mul3A_0, %add3A_170 : i32
    %mul3A_172 = arith.constant 2 : i32
    %mul3A_173 = arith.muli %mul3A_172, %arg1 : i32
    %add3A_174 = arith.constant 0 : i32
    %add3A_175 = arith.addi %mul3A_173, %add3A_174 : i32
    %dma_wait3A_176 = arith.constant 3 : i32
    %dma_wait3A_177 = arith.constant 24 : i32
    %dma_wait3A_178 = arith.constant 0 : i32
    %dma_wait3A_179 = tpu.memref_slice %arg8[%dma_wait3A_177, %dma_wait3A_178] : memref<64x257xf32, #tpu.memory_space<vmem>> -> memref<8x128xf32, #tpu.memory_space<vmem>>
    %dma_wait3A_180 = arith.constant 0 : i32
    %dma_wait3A_181 = arith.constant 0 : i32
    %dma_wait3A_182 = tpu.memref_slice %arg4[%add3A_171, %dma_wait3A_176, %add3A_175, %dma_wait3A_180, %dma_wait3A_181] : memref<200x8x32x8x128xf32, #tpu.memory_space<hbm>> -> memref<1x1x1x8x128xf32, #tpu.memory_space<hbm>>
    %dma_wait3A_183 = tpu.memref_squeeze %dma_wait3A_182 : memref<1x1x1x8x128xf32, #tpu.memory_space<hbm>> -> memref<8x128xf32, #tpu.memory_space<hbm>>
    %dma_wait3A_184 = arith.constant 0 : i32
    %dma_wait3A_185 = arith.constant 0 : i32
    %dma_wait3A_186 = tpu.memref_slice %arg4[%add3A_171, %dma_wait3A_176, %add3A_175, %dma_wait3A_184, %dma_wait3A_185] : memref<200x8x32x8x128xf32, #tpu.memory_space<hbm>> -> memref<1x1x1x8x128xf32, #tpu.memory_space<hbm>>
    %dma_wait3A_187 = tpu.memref_squeeze %dma_wait3A_186 : memref<1x1x1x8x128xf32, #tpu.memory_space<hbm>> -> memref<8x128xf32, #tpu.memory_space<hbm>>
    %dma_wait3A_188 = arith.constant 24 : i32
    %dma_wait3A_189 = arith.constant 0 : i32
    %dma_wait3A_190 = tpu.memref_slice %arg8[%dma_wait3A_188, %dma_wait3A_189] : memref<64x257xf32, #tpu.memory_space<vmem>> -> memref<8x128xf32, #tpu.memory_space<vmem>>
    tpu.wait_dma2 semaphore(%arg12 : memref<!tpu.dma_semaphore, #tpu.memory_space<semaphore_mem>>) src(%dma_wait3A_190 : memref<8x128xf32, #tpu.memory_space<vmem>>) dst(%dma_wait3A_187 : memref<8x128xf32, #tpu.memory_space<hbm>>)
    %add3A_191 = arith.constant 98 : i32
    %add3A_192 = arith.addi %mul3A_0, %add3A_191 : i32
    %mul3A_193 = arith.constant 2 : i32
    %mul3A_194 = arith.muli %mul3A_193, %arg1 : i32
    %add3A_195 = arith.constant 1 : i32
    %add3A_196 = arith.addi %mul3A_194, %add3A_195 : i32
    %dma_wait3A_197 = arith.constant 3 : i32
    %dma_wait3A_198 = arith.constant 24 : i32
    %dma_wait3A_199 = arith.constant 128 : i32
    %dma_wait3A_200 = tpu.memref_slice %arg8[%dma_wait3A_198, %dma_wait3A_199] : memref<64x257xf32, #tpu.memory_space<vmem>> -> memref<8x128xf32, #tpu.memory_space<vmem>>
    %dma_wait3A_201 = arith.constant 0 : i32
    %dma_wait3A_202 = arith.constant 0 : i32
    %dma_wait3A_203 = tpu.memref_slice %arg4[%add3A_192, %dma_wait3A_197, %add3A_196, %dma_wait3A_201, %dma_wait3A_202] : memref<200x8x32x8x128xf32, #tpu.memory_space<hbm>> -> memref<1x1x1x8x128xf32, #tpu.memory_space<hbm>>
    %dma_wait3A_204 = tpu.memref_squeeze %dma_wait3A_203 : memref<1x1x1x8x128xf32, #tpu.memory_space<hbm>> -> memref<8x128xf32, #tpu.memory_space<hbm>>
    %dma_wait3A_205 = arith.constant 0 : i32
    %dma_wait3A_206 = arith.constant 0 : i32
    %dma_wait3A_207 = tpu.memref_slice %arg4[%add3A_192, %dma_wait3A_197, %add3A_196, %dma_wait3A_205, %dma_wait3A_206] : memref<200x8x32x8x128xf32, #tpu.memory_space<hbm>> -> memref<1x1x1x8x128xf32, #tpu.memory_space<hbm>>
    %dma_wait3A_208 = tpu.memref_squeeze %dma_wait3A_207 : memref<1x1x1x8x128xf32, #tpu.memory_space<hbm>> -> memref<8x128xf32, #tpu.memory_space<hbm>>
    %dma_wait3A_209 = arith.constant 24 : i32
    %dma_wait3A_210 = arith.constant 128 : i32
    %dma_wait3A_211 = tpu.memref_slice %arg8[%dma_wait3A_209, %dma_wait3A_210] : memref<64x257xf32, #tpu.memory_space<vmem>> -> memref<8x128xf32, #tpu.memory_space<vmem>>
    tpu.wait_dma2 semaphore(%arg12 : memref<!tpu.dma_semaphore, #tpu.memory_space<semaphore_mem>>) src(%dma_wait3A_211 : memref<8x128xf32, #tpu.memory_space<vmem>>) dst(%dma_wait3A_208 : memref<8x128xf32, #tpu.memory_space<hbm>>)
    %add3A_212 = arith.constant 98 : i32
    %add3A_213 = arith.addi %mul3A_0, %add3A_212 : i32
    %mul3A_214 = arith.constant 2 : i32
    %mul3A_215 = arith.muli %mul3A_214, %arg1 : i32
    %add3A_216 = arith.constant 0 : i32
    %add3A_217 = arith.addi %mul3A_215, %add3A_216 : i32
    %dma_wait3A_218 = arith.constant 4 : i32
    %dma_wait3A_219 = arith.constant 32 : i32
    %dma_wait3A_220 = arith.constant 0 : i32
    %dma_wait3A_221 = tpu.memref_slice %arg8[%dma_wait3A_219, %dma_wait3A_220] : memref<64x257xf32, #tpu.memory_space<vmem>> -> memref<8x128xf32, #tpu.memory_space<vmem>>
    %dma_wait3A_222 = arith.constant 0 : i32
    %dma_wait3A_223 = arith.constant 0 : i32
    %dma_wait3A_224 = tpu.memref_slice %arg4[%add3A_213, %dma_wait3A_218, %add3A_217, %dma_wait3A_222, %dma_wait3A_223] : memref<200x8x32x8x128xf32, #tpu.memory_space<hbm>> -> memref<1x1x1x8x128xf32, #tpu.memory_space<hbm>>
    %dma_wait3A_225 = tpu.memref_squeeze %dma_wait3A_224 : memref<1x1x1x8x128xf32, #tpu.memory_space<hbm>> -> memref<8x128xf32, #tpu.memory_space<hbm>>
    %dma_wait3A_226 = arith.constant 0 : i32
    %dma_wait3A_227 = arith.constant 0 : i32
    %dma_wait3A_228 = tpu.memref_slice %arg4[%add3A_213, %dma_wait3A_218, %add3A_217, %dma_wait3A_226, %dma_wait3A_227] : memref<200x8x32x8x128xf32, #tpu.memory_space<hbm>> -> memref<1x1x1x8x128xf32, #tpu.memory_space<hbm>>
    %dma_wait3A_229 = tpu.memref_squeeze %dma_wait3A_228 : memref<1x1x1x8x128xf32, #tpu.memory_space<hbm>> -> memref<8x128xf32, #tpu.memory_space<hbm>>
    %dma_wait3A_230 = arith.constant 32 : i32
    %dma_wait3A_231 = arith.constant 0 : i32
    %dma_wait3A_232 = tpu.memref_slice %arg8[%dma_wait3A_230, %dma_wait3A_231] : memref<64x257xf32, #tpu.memory_space<vmem>> -> memref<8x128xf32, #tpu.memory_space<vmem>>
    tpu.wait_dma2 semaphore(%arg12 : memref<!tpu.dma_semaphore, #tpu.memory_space<semaphore_mem>>) src(%dma_wait3A_232 : memref<8x128xf32, #tpu.memory_space<vmem>>) dst(%dma_wait3A_229 : memref<8x128xf32, #tpu.memory_space<hbm>>)
    %add3A_233 = arith.constant 98 : i32
    %add3A_234 = arith.addi %mul3A_0, %add3A_233 : i32
    %mul3A_235 = arith.constant 2 : i32
    %mul3A_236 = arith.muli %mul3A_235, %arg1 : i32
    %add3A_237 = arith.constant 1 : i32
    %add3A_238 = arith.addi %mul3A_236, %add3A_237 : i32
    %dma_wait3A_239 = arith.constant 4 : i32
    %dma_wait3A_240 = arith.constant 32 : i32
    %dma_wait3A_241 = arith.constant 128 : i32
    %dma_wait3A_242 = tpu.memref_slice %arg8[%dma_wait3A_240, %dma_wait3A_241] : memref<64x257xf32, #tpu.memory_space<vmem>> -> memref<8x128xf32, #tpu.memory_space<vmem>>
    %dma_wait3A_243 = arith.constant 0 : i32
    %dma_wait3A_244 = arith.constant 0 : i32
    %dma_wait3A_245 = tpu.memref_slice %arg4[%add3A_234, %dma_wait3A_239, %add3A_238, %dma_wait3A_243, %dma_wait3A_244] : memref<200x8x32x8x128xf32, #tpu.memory_space<hbm>> -> memref<1x1x1x8x128xf32, #tpu.memory_space<hbm>>
    %dma_wait3A_246 = tpu.memref_squeeze %dma_wait3A_245 : memref<1x1x1x8x128xf32, #tpu.memory_space<hbm>> -> memref<8x128xf32, #tpu.memory_space<hbm>>
    %dma_wait3A_247 = arith.constant 0 : i32
    %dma_wait3A_248 = arith.constant 0 : i32
    %dma_wait3A_249 = tpu.memref_slice %arg4[%add3A_234, %dma_wait3A_239, %add3A_238, %dma_wait3A_247, %dma_wait3A_248] : memref<200x8x32x8x128xf32, #tpu.memory_space<hbm>> -> memref<1x1x1x8x128xf32, #tpu.memory_space<hbm>>
    %dma_wait3A_250 = tpu.memref_squeeze %dma_wait3A_249 : memref<1x1x1x8x128xf32, #tpu.memory_space<hbm>> -> memref<8x128xf32, #tpu.memory_space<hbm>>
    %dma_wait3A_251 = arith.constant 32 : i32
    %dma_wait3A_252 = arith.constant 128 : i32
    %dma_wait3A_253 = tpu.memref_slice %arg8[%dma_wait3A_251, %dma_wait3A_252] : memref<64x257xf32, #tpu.memory_space<vmem>> -> memref<8x128xf32, #tpu.memory_space<vmem>>
    tpu.wait_dma2 semaphore(%arg12 : memref<!tpu.dma_semaphore, #tpu.memory_space<semaphore_mem>>) src(%dma_wait3A_253 : memref<8x128xf32, #tpu.memory_space<vmem>>) dst(%dma_wait3A_250 : memref<8x128xf32, #tpu.memory_space<hbm>>)
    %add3A_254 = arith.constant 98 : i32
    %add3A_255 = arith.addi %mul3A_0, %add3A_254 : i32
    %mul3A_256 = arith.constant 2 : i32
    %mul3A_257 = arith.muli %mul3A_256, %arg1 : i32
    %add3A_258 = arith.constant 0 : i32
    %add3A_259 = arith.addi %mul3A_257, %add3A_258 : i32
    %dma_wait3A_260 = arith.constant 5 : i32
    %dma_wait3A_261 = arith.constant 40 : i32
    %dma_wait3A_262 = arith.constant 0 : i32
    %dma_wait3A_263 = tpu.memref_slice %arg8[%dma_wait3A_261, %dma_wait3A_262] : memref<64x257xf32, #tpu.memory_space<vmem>> -> memref<8x128xf32, #tpu.memory_space<vmem>>
    %dma_wait3A_264 = arith.constant 0 : i32
    %dma_wait3A_265 = arith.constant 0 : i32
    %dma_wait3A_266 = tpu.memref_slice %arg4[%add3A_255, %dma_wait3A_260, %add3A_259, %dma_wait3A_264, %dma_wait3A_265] : memref<200x8x32x8x128xf32, #tpu.memory_space<hbm>> -> memref<1x1x1x8x128xf32, #tpu.memory_space<hbm>>
    %dma_wait3A_267 = tpu.memref_squeeze %dma_wait3A_266 : memref<1x1x1x8x128xf32, #tpu.memory_space<hbm>> -> memref<8x128xf32, #tpu.memory_space<hbm>>
    %dma_wait3A_268 = arith.constant 0 : i32
    %dma_wait3A_269 = arith.constant 0 : i32
    %dma_wait3A_270 = tpu.memref_slice %arg4[%add3A_255, %dma_wait3A_260, %add3A_259, %dma_wait3A_268, %dma_wait3A_269] : memref<200x8x32x8x128xf32, #tpu.memory_space<hbm>> -> memref<1x1x1x8x128xf32, #tpu.memory_space<hbm>>
    %dma_wait3A_271 = tpu.memref_squeeze %dma_wait3A_270 : memref<1x1x1x8x128xf32, #tpu.memory_space<hbm>> -> memref<8x128xf32, #tpu.memory_space<hbm>>
    %dma_wait3A_272 = arith.constant 40 : i32
    %dma_wait3A_273 = arith.constant 0 : i32
    %dma_wait3A_274 = tpu.memref_slice %arg8[%dma_wait3A_272, %dma_wait3A_273] : memref<64x257xf32, #tpu.memory_space<vmem>> -> memref<8x128xf32, #tpu.memory_space<vmem>>
    tpu.wait_dma2 semaphore(%arg12 : memref<!tpu.dma_semaphore, #tpu.memory_space<semaphore_mem>>) src(%dma_wait3A_274 : memref<8x128xf32, #tpu.memory_space<vmem>>) dst(%dma_wait3A_271 : memref<8x128xf32, #tpu.memory_space<hbm>>)
    %add3A_275 = arith.constant 98 : i32
    %add3A_276 = arith.addi %mul3A_0, %add3A_275 : i32
    %mul3A_277 = arith.constant 2 : i32
    %mul3A_278 = arith.muli %mul3A_277, %arg1 : i32
    %add3A_279 = arith.constant 1 : i32
    %add3A_280 = arith.addi %mul3A_278, %add3A_279 : i32
    %dma_wait3A_281 = arith.constant 5 : i32
    %dma_wait3A_282 = arith.constant 40 : i32
    %dma_wait3A_283 = arith.constant 128 : i32
    %dma_wait3A_284 = tpu.memref_slice %arg8[%dma_wait3A_282, %dma_wait3A_283] : memref<64x257xf32, #tpu.memory_space<vmem>> -> memref<8x128xf32, #tpu.memory_space<vmem>>
    %dma_wait3A_285 = arith.constant 0 : i32
    %dma_wait3A_286 = arith.constant 0 : i32
    %dma_wait3A_287 = tpu.memref_slice %arg4[%add3A_276, %dma_wait3A_281, %add3A_280, %dma_wait3A_285, %dma_wait3A_286] : memref<200x8x32x8x128xf32, #tpu.memory_space<hbm>> -> memref<1x1x1x8x128xf32, #tpu.memory_space<hbm>>
    %dma_wait3A_288 = tpu.memref_squeeze %dma_wait3A_287 : memref<1x1x1x8x128xf32, #tpu.memory_space<hbm>> -> memref<8x128xf32, #tpu.memory_space<hbm>>
    %dma_wait3A_289 = arith.constant 0 : i32
    %dma_wait3A_290 = arith.constant 0 : i32
    %dma_wait3A_291 = tpu.memref_slice %arg4[%add3A_276, %dma_wait3A_281, %add3A_280, %dma_wait3A_289, %dma_wait3A_290] : memref<200x8x32x8x128xf32, #tpu.memory_space<hbm>> -> memref<1x1x1x8x128xf32, #tpu.memory_space<hbm>>
    %dma_wait3A_292 = tpu.memref_squeeze %dma_wait3A_291 : memref<1x1x1x8x128xf32, #tpu.memory_space<hbm>> -> memref<8x128xf32, #tpu.memory_space<hbm>>
    %dma_wait3A_293 = arith.constant 40 : i32
    %dma_wait3A_294 = arith.constant 128 : i32
    %dma_wait3A_295 = tpu.memref_slice %arg8[%dma_wait3A_293, %dma_wait3A_294] : memref<64x257xf32, #tpu.memory_space<vmem>> -> memref<8x128xf32, #tpu.memory_space<vmem>>
    tpu.wait_dma2 semaphore(%arg12 : memref<!tpu.dma_semaphore, #tpu.memory_space<semaphore_mem>>) src(%dma_wait3A_295 : memref<8x128xf32, #tpu.memory_space<vmem>>) dst(%dma_wait3A_292 : memref<8x128xf32, #tpu.memory_space<hbm>>)
    %add3A_296 = arith.constant 98 : i32
    %add3A_297 = arith.addi %mul3A_0, %add3A_296 : i32
    %mul3A_298 = arith.constant 2 : i32
    %mul3A_299 = arith.muli %mul3A_298, %arg1 : i32
    %add3A_300 = arith.constant 0 : i32
    %add3A_301 = arith.addi %mul3A_299, %add3A_300 : i32
    %dma_wait3A_302 = arith.constant 6 : i32
    %dma_wait3A_303 = arith.constant 48 : i32
    %dma_wait3A_304 = arith.constant 0 : i32
    %dma_wait3A_305 = tpu.memref_slice %arg8[%dma_wait3A_303, %dma_wait3A_304] : memref<64x257xf32, #tpu.memory_space<vmem>> -> memref<8x128xf32, #tpu.memory_space<vmem>>
    %dma_wait3A_306 = arith.constant 0 : i32
    %dma_wait3A_307 = arith.constant 0 : i32
    %dma_wait3A_308 = tpu.memref_slice %arg4[%add3A_297, %dma_wait3A_302, %add3A_301, %dma_wait3A_306, %dma_wait3A_307] : memref<200x8x32x8x128xf32, #tpu.memory_space<hbm>> -> memref<1x1x1x8x128xf32, #tpu.memory_space<hbm>>
    %dma_wait3A_309 = tpu.memref_squeeze %dma_wait3A_308 : memref<1x1x1x8x128xf32, #tpu.memory_space<hbm>> -> memref<8x128xf32, #tpu.memory_space<hbm>>
    %dma_wait3A_310 = arith.constant 0 : i32
    %dma_wait3A_311 = arith.constant 0 : i32
    %dma_wait3A_312 = tpu.memref_slice %arg4[%add3A_297, %dma_wait3A_302, %add3A_301, %dma_wait3A_310, %dma_wait3A_311] : memref<200x8x32x8x128xf32, #tpu.memory_space<hbm>> -> memref<1x1x1x8x128xf32, #tpu.memory_space<hbm>>
    %dma_wait3A_313 = tpu.memref_squeeze %dma_wait3A_312 : memref<1x1x1x8x128xf32, #tpu.memory_space<hbm>> -> memref<8x128xf32, #tpu.memory_space<hbm>>
    %dma_wait3A_314 = arith.constant 48 : i32
    %dma_wait3A_315 = arith.constant 0 : i32
    %dma_wait3A_316 = tpu.memref_slice %arg8[%dma_wait3A_314, %dma_wait3A_315] : memref<64x257xf32, #tpu.memory_space<vmem>> -> memref<8x128xf32, #tpu.memory_space<vmem>>
    tpu.wait_dma2 semaphore(%arg12 : memref<!tpu.dma_semaphore, #tpu.memory_space<semaphore_mem>>) src(%dma_wait3A_316 : memref<8x128xf32, #tpu.memory_space<vmem>>) dst(%dma_wait3A_313 : memref<8x128xf32, #tpu.memory_space<hbm>>)
    %add3A_317 = arith.constant 98 : i32
    %add3A_318 = arith.addi %mul3A_0, %add3A_317 : i32
    %mul3A_319 = arith.constant 2 : i32
    %mul3A_320 = arith.muli %mul3A_319, %arg1 : i32
    %add3A_321 = arith.constant 1 : i32
    %add3A_322 = arith.addi %mul3A_320, %add3A_321 : i32
    %dma_wait3A_323 = arith.constant 6 : i32
    %dma_wait3A_324 = arith.constant 48 : i32
    %dma_wait3A_325 = arith.constant 128 : i32
    %dma_wait3A_326 = tpu.memref_slice %arg8[%dma_wait3A_324, %dma_wait3A_325] : memref<64x257xf32, #tpu.memory_space<vmem>> -> memref<8x128xf32, #tpu.memory_space<vmem>>
    %dma_wait3A_327 = arith.constant 0 : i32
    %dma_wait3A_328 = arith.constant 0 : i32
    %dma_wait3A_329 = tpu.memref_slice %arg4[%add3A_318, %dma_wait3A_323, %add3A_322, %dma_wait3A_327, %dma_wait3A_328] : memref<200x8x32x8x128xf32, #tpu.memory_space<hbm>> -> memref<1x1x1x8x128xf32, #tpu.memory_space<hbm>>
    %dma_wait3A_330 = tpu.memref_squeeze %dma_wait3A_329 : memref<1x1x1x8x128xf32, #tpu.memory_space<hbm>> -> memref<8x128xf32, #tpu.memory_space<hbm>>
    %dma_wait3A_331 = arith.constant 0 : i32
    %dma_wait3A_332 = arith.constant 0 : i32
    %dma_wait3A_333 = tpu.memref_slice %arg4[%add3A_318, %dma_wait3A_323, %add3A_322, %dma_wait3A_331, %dma_wait3A_332] : memref<200x8x32x8x128xf32, #tpu.memory_space<hbm>> -> memref<1x1x1x8x128xf32, #tpu.memory_space<hbm>>
    %dma_wait3A_334 = tpu.memref_squeeze %dma_wait3A_333 : memref<1x1x1x8x128xf32, #tpu.memory_space<hbm>> -> memref<8x128xf32, #tpu.memory_space<hbm>>
    %dma_wait3A_335 = arith.constant 48 : i32
    %dma_wait3A_336 = arith.constant 128 : i32
    %dma_wait3A_337 = tpu.memref_slice %arg8[%dma_wait3A_335, %dma_wait3A_336] : memref<64x257xf32, #tpu.memory_space<vmem>> -> memref<8x128xf32, #tpu.memory_space<vmem>>
    tpu.wait_dma2 semaphore(%arg12 : memref<!tpu.dma_semaphore, #tpu.memory_space<semaphore_mem>>) src(%dma_wait3A_337 : memref<8x128xf32, #tpu.memory_space<vmem>>) dst(%dma_wait3A_334 : memref<8x128xf32, #tpu.memory_space<hbm>>)
    %add3A_338 = arith.constant 98 : i32
    %add3A_339 = arith.addi %mul3A_0, %add3A_338 : i32
    %mul3A_340 = arith.constant 2 : i32
    %mul3A_341 = arith.muli %mul3A_340, %arg1 : i32
    %add3A_342 = arith.constant 0 : i32
    %add3A_343 = arith.addi %mul3A_341, %add3A_342 : i32
    %dma_wait3A_344 = arith.constant 7 : i32
    %dma_wait3A_345 = arith.constant 56 : i32
    %dma_wait3A_346 = arith.constant 0 : i32
    %dma_wait3A_347 = tpu.memref_slice %arg8[%dma_wait3A_345, %dma_wait3A_346] : memref<64x257xf32, #tpu.memory_space<vmem>> -> memref<8x128xf32, #tpu.memory_space<vmem>>
    %dma_wait3A_348 = arith.constant 0 : i32
    %dma_wait3A_349 = arith.constant 0 : i32
    %dma_wait3A_350 = tpu.memref_slice %arg4[%add3A_339, %dma_wait3A_344, %add3A_343, %dma_wait3A_348, %dma_wait3A_349] : memref<200x8x32x8x128xf32, #tpu.memory_space<hbm>> -> memref<1x1x1x8x128xf32, #tpu.memory_space<hbm>>
    %dma_wait3A_351 = tpu.memref_squeeze %dma_wait3A_350 : memref<1x1x1x8x128xf32, #tpu.memory_space<hbm>> -> memref<8x128xf32, #tpu.memory_space<hbm>>
    %dma_wait3A_352 = arith.constant 0 : i32
    %dma_wait3A_353 = arith.constant 0 : i32
    %dma_wait3A_354 = tpu.memref_slice %arg4[%add3A_339, %dma_wait3A_344, %add3A_343, %dma_wait3A_352, %dma_wait3A_353] : memref<200x8x32x8x128xf32, #tpu.memory_space<hbm>> -> memref<1x1x1x8x128xf32, #tpu.memory_space<hbm>>
    %dma_wait3A_355 = tpu.memref_squeeze %dma_wait3A_354 : memref<1x1x1x8x128xf32, #tpu.memory_space<hbm>> -> memref<8x128xf32, #tpu.memory_space<hbm>>
    %dma_wait3A_356 = arith.constant 56 : i32
    %dma_wait3A_357 = arith.constant 0 : i32
    %dma_wait3A_358 = tpu.memref_slice %arg8[%dma_wait3A_356, %dma_wait3A_357] : memref<64x257xf32, #tpu.memory_space<vmem>> -> memref<8x128xf32, #tpu.memory_space<vmem>>
    tpu.wait_dma2 semaphore(%arg12 : memref<!tpu.dma_semaphore, #tpu.memory_space<semaphore_mem>>) src(%dma_wait3A_358 : memref<8x128xf32, #tpu.memory_space<vmem>>) dst(%dma_wait3A_355 : memref<8x128xf32, #tpu.memory_space<hbm>>)
    %add3A_359 = arith.constant 98 : i32
    %add3A_360 = arith.addi %mul3A_0, %add3A_359 : i32
    %mul3A_361 = arith.constant 2 : i32
    %mul3A_362 = arith.muli %mul3A_361, %arg1 : i32
    %add3A_363 = arith.constant 1 : i32
    %add3A_364 = arith.addi %mul3A_362, %add3A_363 : i32
    %dma_wait3A_365 = arith.constant 7 : i32
    %dma_wait3A_366 = arith.constant 56 : i32
    %dma_wait3A_367 = arith.constant 128 : i32
    %dma_wait3A_368 = tpu.memref_slice %arg8[%dma_wait3A_366, %dma_wait3A_367] : memref<64x257xf32, #tpu.memory_space<vmem>> -> memref<8x128xf32, #tpu.memory_space<vmem>>
    %dma_wait3A_369 = arith.constant 0 : i32
    %dma_wait3A_370 = arith.constant 0 : i32
    %dma_wait3A_371 = tpu.memref_slice %arg4[%add3A_360, %dma_wait3A_365, %add3A_364, %dma_wait3A_369, %dma_wait3A_370] : memref<200x8x32x8x128xf32, #tpu.memory_space<hbm>> -> memref<1x1x1x8x128xf32, #tpu.memory_space<hbm>>
    %dma_wait3A_372 = tpu.memref_squeeze %dma_wait3A_371 : memref<1x1x1x8x128xf32, #tpu.memory_space<hbm>> -> memref<8x128xf32, #tpu.memory_space<hbm>>
    %dma_wait3A_373 = arith.constant 0 : i32
    %dma_wait3A_374 = arith.constant 0 : i32
    %dma_wait3A_375 = tpu.memref_slice %arg4[%add3A_360, %dma_wait3A_365, %add3A_364, %dma_wait3A_373, %dma_wait3A_374] : memref<200x8x32x8x128xf32, #tpu.memory_space<hbm>> -> memref<1x1x1x8x128xf32, #tpu.memory_space<hbm>>
    %dma_wait3A_376 = tpu.memref_squeeze %dma_wait3A_375 : memref<1x1x1x8x128xf32, #tpu.memory_space<hbm>> -> memref<8x128xf32, #tpu.memory_space<hbm>>
    %dma_wait3A_377 = arith.constant 56 : i32
    %dma_wait3A_378 = arith.constant 128 : i32
    %dma_wait3A_379 = tpu.memref_slice %arg8[%dma_wait3A_377, %dma_wait3A_378] : memref<64x257xf32, #tpu.memory_space<vmem>> -> memref<8x128xf32, #tpu.memory_space<vmem>>
    tpu.wait_dma2 semaphore(%arg12 : memref<!tpu.dma_semaphore, #tpu.memory_space<semaphore_mem>>) src(%dma_wait3A_379 : memref<8x128xf32, #tpu.memory_space<vmem>>) dst(%dma_wait3A_376 : memref<8x128xf32, #tpu.memory_space<hbm>>)
    %add3A_380 = arith.constant 99 : i32
    %add3A_381 = arith.addi %mul3A_0, %add3A_380 : i32
    %mul3A_382 = arith.constant 2 : i32
    %mul3A_383 = arith.muli %mul3A_382, %arg1 : i32
    %add3A_384 = arith.constant 0 : i32
    %add3A_385 = arith.addi %mul3A_383, %add3A_384 : i32
    %dma_wait3A_386 = arith.constant 0 : i32
    %dma_wait3A_387 = arith.constant 0 : i32
    %dma_wait3A_388 = arith.constant 0 : i32
    %dma_wait3A_389 = tpu.memref_slice %arg9[%dma_wait3A_387, %dma_wait3A_388] : memref<64x257xf32, #tpu.memory_space<vmem>> -> memref<8x128xf32, #tpu.memory_space<vmem>>
    %dma_wait3A_390 = arith.constant 0 : i32
    %dma_wait3A_391 = arith.constant 0 : i32
    %dma_wait3A_392 = tpu.memref_slice %arg4[%add3A_381, %dma_wait3A_386, %add3A_385, %dma_wait3A_390, %dma_wait3A_391] : memref<200x8x32x8x128xf32, #tpu.memory_space<hbm>> -> memref<1x1x1x8x128xf32, #tpu.memory_space<hbm>>
    %dma_wait3A_393 = tpu.memref_squeeze %dma_wait3A_392 : memref<1x1x1x8x128xf32, #tpu.memory_space<hbm>> -> memref<8x128xf32, #tpu.memory_space<hbm>>
    %dma_wait3A_394 = arith.constant 0 : i32
    %dma_wait3A_395 = arith.constant 0 : i32
    %dma_wait3A_396 = tpu.memref_slice %arg4[%add3A_381, %dma_wait3A_386, %add3A_385, %dma_wait3A_394, %dma_wait3A_395] : memref<200x8x32x8x128xf32, #tpu.memory_space<hbm>> -> memref<1x1x1x8x128xf32, #tpu.memory_space<hbm>>
    %dma_wait3A_397 = tpu.memref_squeeze %dma_wait3A_396 : memref<1x1x1x8x128xf32, #tpu.memory_space<hbm>> -> memref<8x128xf32, #tpu.memory_space<hbm>>
    %dma_wait3A_398 = arith.constant 0 : i32
    %dma_wait3A_399 = arith.constant 0 : i32
    %dma_wait3A_400 = tpu.memref_slice %arg9[%dma_wait3A_398, %dma_wait3A_399] : memref<64x257xf32, #tpu.memory_space<vmem>> -> memref<8x128xf32, #tpu.memory_space<vmem>>
    tpu.wait_dma2 semaphore(%arg13 : memref<!tpu.dma_semaphore, #tpu.memory_space<semaphore_mem>>) src(%dma_wait3A_400 : memref<8x128xf32, #tpu.memory_space<vmem>>) dst(%dma_wait3A_397 : memref<8x128xf32, #tpu.memory_space<hbm>>)
    %add3A_401 = arith.constant 99 : i32
    %add3A_402 = arith.addi %mul3A_0, %add3A_401 : i32
    %mul3A_403 = arith.constant 2 : i32
    %mul3A_404 = arith.muli %mul3A_403, %arg1 : i32
    %add3A_405 = arith.constant 1 : i32
    %add3A_406 = arith.addi %mul3A_404, %add3A_405 : i32
    %dma_wait3A_407 = arith.constant 0 : i32
    %dma_wait3A_408 = arith.constant 0 : i32
    %dma_wait3A_409 = arith.constant 128 : i32
    %dma_wait3A_410 = tpu.memref_slice %arg9[%dma_wait3A_408, %dma_wait3A_409] : memref<64x257xf32, #tpu.memory_space<vmem>> -> memref<8x128xf32, #tpu.memory_space<vmem>>
    %dma_wait3A_411 = arith.constant 0 : i32
    %dma_wait3A_412 = arith.constant 0 : i32
    %dma_wait3A_413 = tpu.memref_slice %arg4[%add3A_402, %dma_wait3A_407, %add3A_406, %dma_wait3A_411, %dma_wait3A_412] : memref<200x8x32x8x128xf32, #tpu.memory_space<hbm>> -> memref<1x1x1x8x128xf32, #tpu.memory_space<hbm>>
    %dma_wait3A_414 = tpu.memref_squeeze %dma_wait3A_413 : memref<1x1x1x8x128xf32, #tpu.memory_space<hbm>> -> memref<8x128xf32, #tpu.memory_space<hbm>>
    %dma_wait3A_415 = arith.constant 0 : i32
    %dma_wait3A_416 = arith.constant 0 : i32
    %dma_wait3A_417 = tpu.memref_slice %arg4[%add3A_402, %dma_wait3A_407, %add3A_406, %dma_wait3A_415, %dma_wait3A_416] : memref<200x8x32x8x128xf32, #tpu.memory_space<hbm>> -> memref<1x1x1x8x128xf32, #tpu.memory_space<hbm>>
    %dma_wait3A_418 = tpu.memref_squeeze %dma_wait3A_417 : memref<1x1x1x8x128xf32, #tpu.memory_space<hbm>> -> memref<8x128xf32, #tpu.memory_space<hbm>>
    %dma_wait3A_419 = arith.constant 0 : i32
    %dma_wait3A_420 = arith.constant 128 : i32
    %dma_wait3A_421 = tpu.memref_slice %arg9[%dma_wait3A_419, %dma_wait3A_420] : memref<64x257xf32, #tpu.memory_space<vmem>> -> memref<8x128xf32, #tpu.memory_space<vmem>>
    tpu.wait_dma2 semaphore(%arg13 : memref<!tpu.dma_semaphore, #tpu.memory_space<semaphore_mem>>) src(%dma_wait3A_421 : memref<8x128xf32, #tpu.memory_space<vmem>>) dst(%dma_wait3A_418 : memref<8x128xf32, #tpu.memory_space<hbm>>)
    %add3A_422 = arith.constant 99 : i32
    %add3A_423 = arith.addi %mul3A_0, %add3A_422 : i32
    %mul3A_424 = arith.constant 2 : i32
    %mul3A_425 = arith.muli %mul3A_424, %arg1 : i32
    %add3A_426 = arith.constant 0 : i32
    %add3A_427 = arith.addi %mul3A_425, %add3A_426 : i32
    %dma_wait3A_428 = arith.constant 1 : i32
    %dma_wait3A_429 = arith.constant 8 : i32
    %dma_wait3A_430 = arith.constant 0 : i32
    %dma_wait3A_431 = tpu.memref_slice %arg9[%dma_wait3A_429, %dma_wait3A_430] : memref<64x257xf32, #tpu.memory_space<vmem>> -> memref<8x128xf32, #tpu.memory_space<vmem>>
    %dma_wait3A_432 = arith.constant 0 : i32
    %dma_wait3A_433 = arith.constant 0 : i32
    %dma_wait3A_434 = tpu.memref_slice %arg4[%add3A_423, %dma_wait3A_428, %add3A_427, %dma_wait3A_432, %dma_wait3A_433] : memref<200x8x32x8x128xf32, #tpu.memory_space<hbm>> -> memref<1x1x1x8x128xf32, #tpu.memory_space<hbm>>
    %dma_wait3A_435 = tpu.memref_squeeze %dma_wait3A_434 : memref<1x1x1x8x128xf32, #tpu.memory_space<hbm>> -> memref<8x128xf32, #tpu.memory_space<hbm>>
    %dma_wait3A_436 = arith.constant 0 : i32
    %dma_wait3A_437 = arith.constant 0 : i32
    %dma_wait3A_438 = tpu.memref_slice %arg4[%add3A_423, %dma_wait3A_428, %add3A_427, %dma_wait3A_436, %dma_wait3A_437] : memref<200x8x32x8x128xf32, #tpu.memory_space<hbm>> -> memref<1x1x1x8x128xf32, #tpu.memory_space<hbm>>
    %dma_wait3A_439 = tpu.memref_squeeze %dma_wait3A_438 : memref<1x1x1x8x128xf32, #tpu.memory_space<hbm>> -> memref<8x128xf32, #tpu.memory_space<hbm>>
    %dma_wait3A_440 = arith.constant 8 : i32
    %dma_wait3A_441 = arith.constant 0 : i32
    %dma_wait3A_442 = tpu.memref_slice %arg9[%dma_wait3A_440, %dma_wait3A_441] : memref<64x257xf32, #tpu.memory_space<vmem>> -> memref<8x128xf32, #tpu.memory_space<vmem>>
    tpu.wait_dma2 semaphore(%arg13 : memref<!tpu.dma_semaphore, #tpu.memory_space<semaphore_mem>>) src(%dma_wait3A_442 : memref<8x128xf32, #tpu.memory_space<vmem>>) dst(%dma_wait3A_439 : memref<8x128xf32, #tpu.memory_space<hbm>>)
    %add3A_443 = arith.constant 99 : i32
    %add3A_444 = arith.addi %mul3A_0, %add3A_443 : i32
    %mul3A_445 = arith.constant 2 : i32
    %mul3A_446 = arith.muli %mul3A_445, %arg1 : i32
    %add3A_447 = arith.constant 1 : i32
    %add3A_448 = arith.addi %mul3A_446, %add3A_447 : i32
    %dma_wait3A_449 = arith.constant 1 : i32
    %dma_wait3A_450 = arith.constant 8 : i32
    %dma_wait3A_451 = arith.constant 128 : i32
    %dma_wait3A_452 = tpu.memref_slice %arg9[%dma_wait3A_450, %dma_wait3A_451] : memref<64x257xf32, #tpu.memory_space<vmem>> -> memref<8x128xf32, #tpu.memory_space<vmem>>
    %dma_wait3A_453 = arith.constant 0 : i32
    %dma_wait3A_454 = arith.constant 0 : i32
    %dma_wait3A_455 = tpu.memref_slice %arg4[%add3A_444, %dma_wait3A_449, %add3A_448, %dma_wait3A_453, %dma_wait3A_454] : memref<200x8x32x8x128xf32, #tpu.memory_space<hbm>> -> memref<1x1x1x8x128xf32, #tpu.memory_space<hbm>>
    %dma_wait3A_456 = tpu.memref_squeeze %dma_wait3A_455 : memref<1x1x1x8x128xf32, #tpu.memory_space<hbm>> -> memref<8x128xf32, #tpu.memory_space<hbm>>
    %dma_wait3A_457 = arith.constant 0 : i32
    %dma_wait3A_458 = arith.constant 0 : i32
    %dma_wait3A_459 = tpu.memref_slice %arg4[%add3A_444, %dma_wait3A_449, %add3A_448, %dma_wait3A_457, %dma_wait3A_458] : memref<200x8x32x8x128xf32, #tpu.memory_space<hbm>> -> memref<1x1x1x8x128xf32, #tpu.memory_space<hbm>>
    %dma_wait3A_460 = tpu.memref_squeeze %dma_wait3A_459 : memref<1x1x1x8x128xf32, #tpu.memory_space<hbm>> -> memref<8x128xf32, #tpu.memory_space<hbm>>
    %dma_wait3A_461 = arith.constant 8 : i32
    %dma_wait3A_462 = arith.constant 128 : i32
    %dma_wait3A_463 = tpu.memref_slice %arg9[%dma_wait3A_461, %dma_wait3A_462] : memref<64x257xf32, #tpu.memory_space<vmem>> -> memref<8x128xf32, #tpu.memory_space<vmem>>
    tpu.wait_dma2 semaphore(%arg13 : memref<!tpu.dma_semaphore, #tpu.memory_space<semaphore_mem>>) src(%dma_wait3A_463 : memref<8x128xf32, #tpu.memory_space<vmem>>) dst(%dma_wait3A_460 : memref<8x128xf32, #tpu.memory_space<hbm>>)
    %add3A_464 = arith.constant 99 : i32
    %add3A_465 = arith.addi %mul3A_0, %add3A_464 : i32
    %mul3A_466 = arith.constant 2 : i32
    %mul3A_467 = arith.muli %mul3A_466, %arg1 : i32
    %add3A_468 = arith.constant 0 : i32
    %add3A_469 = arith.addi %mul3A_467, %add3A_468 : i32
    %dma_wait3A_470 = arith.constant 2 : i32
    %dma_wait3A_471 = arith.constant 16 : i32
    %dma_wait3A_472 = arith.constant 0 : i32
    %dma_wait3A_473 = tpu.memref_slice %arg9[%dma_wait3A_471, %dma_wait3A_472] : memref<64x257xf32, #tpu.memory_space<vmem>> -> memref<8x128xf32, #tpu.memory_space<vmem>>
    %dma_wait3A_474 = arith.constant 0 : i32
    %dma_wait3A_475 = arith.constant 0 : i32
    %dma_wait3A_476 = tpu.memref_slice %arg4[%add3A_465, %dma_wait3A_470, %add3A_469, %dma_wait3A_474, %dma_wait3A_475] : memref<200x8x32x8x128xf32, #tpu.memory_space<hbm>> -> memref<1x1x1x8x128xf32, #tpu.memory_space<hbm>>
    %dma_wait3A_477 = tpu.memref_squeeze %dma_wait3A_476 : memref<1x1x1x8x128xf32, #tpu.memory_space<hbm>> -> memref<8x128xf32, #tpu.memory_space<hbm>>
    %dma_wait3A_478 = arith.constant 0 : i32
    %dma_wait3A_479 = arith.constant 0 : i32
    %dma_wait3A_480 = tpu.memref_slice %arg4[%add3A_465, %dma_wait3A_470, %add3A_469, %dma_wait3A_478, %dma_wait3A_479] : memref<200x8x32x8x128xf32, #tpu.memory_space<hbm>> -> memref<1x1x1x8x128xf32, #tpu.memory_space<hbm>>
    %dma_wait3A_481 = tpu.memref_squeeze %dma_wait3A_480 : memref<1x1x1x8x128xf32, #tpu.memory_space<hbm>> -> memref<8x128xf32, #tpu.memory_space<hbm>>
    %dma_wait3A_482 = arith.constant 16 : i32
    %dma_wait3A_483 = arith.constant 0 : i32
    %dma_wait3A_484 = tpu.memref_slice %arg9[%dma_wait3A_482, %dma_wait3A_483] : memref<64x257xf32, #tpu.memory_space<vmem>> -> memref<8x128xf32, #tpu.memory_space<vmem>>
    tpu.wait_dma2 semaphore(%arg13 : memref<!tpu.dma_semaphore, #tpu.memory_space<semaphore_mem>>) src(%dma_wait3A_484 : memref<8x128xf32, #tpu.memory_space<vmem>>) dst(%dma_wait3A_481 : memref<8x128xf32, #tpu.memory_space<hbm>>)
    %add3A_485 = arith.constant 99 : i32
    %add3A_486 = arith.addi %mul3A_0, %add3A_485 : i32
    %mul3A_487 = arith.constant 2 : i32
    %mul3A_488 = arith.muli %mul3A_487, %arg1 : i32
    %add3A_489 = arith.constant 1 : i32
    %add3A_490 = arith.addi %mul3A_488, %add3A_489 : i32
    %dma_wait3A_491 = arith.constant 2 : i32
    %dma_wait3A_492 = arith.constant 16 : i32
    %dma_wait3A_493 = arith.constant 128 : i32
    %dma_wait3A_494 = tpu.memref_slice %arg9[%dma_wait3A_492, %dma_wait3A_493] : memref<64x257xf32, #tpu.memory_space<vmem>> -> memref<8x128xf32, #tpu.memory_space<vmem>>
    %dma_wait3A_495 = arith.constant 0 : i32
    %dma_wait3A_496 = arith.constant 0 : i32
    %dma_wait3A_497 = tpu.memref_slice %arg4[%add3A_486, %dma_wait3A_491, %add3A_490, %dma_wait3A_495, %dma_wait3A_496] : memref<200x8x32x8x128xf32, #tpu.memory_space<hbm>> -> memref<1x1x1x8x128xf32, #tpu.memory_space<hbm>>
    %dma_wait3A_498 = tpu.memref_squeeze %dma_wait3A_497 : memref<1x1x1x8x128xf32, #tpu.memory_space<hbm>> -> memref<8x128xf32, #tpu.memory_space<hbm>>
    %dma_wait3A_499 = arith.constant 0 : i32
    %dma_wait3A_500 = arith.constant 0 : i32
    %dma_wait3A_501 = tpu.memref_slice %arg4[%add3A_486, %dma_wait3A_491, %add3A_490, %dma_wait3A_499, %dma_wait3A_500] : memref<200x8x32x8x128xf32, #tpu.memory_space<hbm>> -> memref<1x1x1x8x128xf32, #tpu.memory_space<hbm>>
    %dma_wait3A_502 = tpu.memref_squeeze %dma_wait3A_501 : memref<1x1x1x8x128xf32, #tpu.memory_space<hbm>> -> memref<8x128xf32, #tpu.memory_space<hbm>>
    %dma_wait3A_503 = arith.constant 16 : i32
    %dma_wait3A_504 = arith.constant 128 : i32
    %dma_wait3A_505 = tpu.memref_slice %arg9[%dma_wait3A_503, %dma_wait3A_504] : memref<64x257xf32, #tpu.memory_space<vmem>> -> memref<8x128xf32, #tpu.memory_space<vmem>>
    tpu.wait_dma2 semaphore(%arg13 : memref<!tpu.dma_semaphore, #tpu.memory_space<semaphore_mem>>) src(%dma_wait3A_505 : memref<8x128xf32, #tpu.memory_space<vmem>>) dst(%dma_wait3A_502 : memref<8x128xf32, #tpu.memory_space<hbm>>)
    %add3A_506 = arith.constant 99 : i32
    %add3A_507 = arith.addi %mul3A_0, %add3A_506 : i32
    %mul3A_508 = arith.constant 2 : i32
    %mul3A_509 = arith.muli %mul3A_508, %arg1 : i32
    %add3A_510 = arith.constant 0 : i32
    %add3A_511 = arith.addi %mul3A_509, %add3A_510 : i32
    %dma_wait3A_512 = arith.constant 3 : i32
    %dma_wait3A_513 = arith.constant 24 : i32
    %dma_wait3A_514 = arith.constant 0 : i32
    %dma_wait3A_515 = tpu.memref_slice %arg9[%dma_wait3A_513, %dma_wait3A_514] : memref<64x257xf32, #tpu.memory_space<vmem>> -> memref<8x128xf32, #tpu.memory_space<vmem>>
    %dma_wait3A_516 = arith.constant 0 : i32
    %dma_wait3A_517 = arith.constant 0 : i32
    %dma_wait3A_518 = tpu.memref_slice %arg4[%add3A_507, %dma_wait3A_512, %add3A_511, %dma_wait3A_516, %dma_wait3A_517] : memref<200x8x32x8x128xf32, #tpu.memory_space<hbm>> -> memref<1x1x1x8x128xf32, #tpu.memory_space<hbm>>
    %dma_wait3A_519 = tpu.memref_squeeze %dma_wait3A_518 : memref<1x1x1x8x128xf32, #tpu.memory_space<hbm>> -> memref<8x128xf32, #tpu.memory_space<hbm>>
    %dma_wait3A_520 = arith.constant 0 : i32
    %dma_wait3A_521 = arith.constant 0 : i32
    %dma_wait3A_522 = tpu.memref_slice %arg4[%add3A_507, %dma_wait3A_512, %add3A_511, %dma_wait3A_520, %dma_wait3A_521] : memref<200x8x32x8x128xf32, #tpu.memory_space<hbm>> -> memref<1x1x1x8x128xf32, #tpu.memory_space<hbm>>
    %dma_wait3A_523 = tpu.memref_squeeze %dma_wait3A_522 : memref<1x1x1x8x128xf32, #tpu.memory_space<hbm>> -> memref<8x128xf32, #tpu.memory_space<hbm>>
    %dma_wait3A_524 = arith.constant 24 : i32
    %dma_wait3A_525 = arith.constant 0 : i32
    %dma_wait3A_526 = tpu.memref_slice %arg9[%dma_wait3A_524, %dma_wait3A_525] : memref<64x257xf32, #tpu.memory_space<vmem>> -> memref<8x128xf32, #tpu.memory_space<vmem>>
    tpu.wait_dma2 semaphore(%arg13 : memref<!tpu.dma_semaphore, #tpu.memory_space<semaphore_mem>>) src(%dma_wait3A_526 : memref<8x128xf32, #tpu.memory_space<vmem>>) dst(%dma_wait3A_523 : memref<8x128xf32, #tpu.memory_space<hbm>>)
    %add3A_527 = arith.constant 99 : i32
    %add3A_528 = arith.addi %mul3A_0, %add3A_527 : i32
    %mul3A_529 = arith.constant 2 : i32
    %mul3A_530 = arith.muli %mul3A_529, %arg1 : i32
    %add3A_531 = arith.constant 1 : i32
    %add3A_532 = arith.addi %mul3A_530, %add3A_531 : i32
    %dma_wait3A_533 = arith.constant 3 : i32
    %dma_wait3A_534 = arith.constant 24 : i32
    %dma_wait3A_535 = arith.constant 128 : i32
    %dma_wait3A_536 = tpu.memref_slice %arg9[%dma_wait3A_534, %dma_wait3A_535] : memref<64x257xf32, #tpu.memory_space<vmem>> -> memref<8x128xf32, #tpu.memory_space<vmem>>
    %dma_wait3A_537 = arith.constant 0 : i32
    %dma_wait3A_538 = arith.constant 0 : i32
    %dma_wait3A_539 = tpu.memref_slice %arg4[%add3A_528, %dma_wait3A_533, %add3A_532, %dma_wait3A_537, %dma_wait3A_538] : memref<200x8x32x8x128xf32, #tpu.memory_space<hbm>> -> memref<1x1x1x8x128xf32, #tpu.memory_space<hbm>>
    %dma_wait3A_540 = tpu.memref_squeeze %dma_wait3A_539 : memref<1x1x1x8x128xf32, #tpu.memory_space<hbm>> -> memref<8x128xf32, #tpu.memory_space<hbm>>
    %dma_wait3A_541 = arith.constant 0 : i32
    %dma_wait3A_542 = arith.constant 0 : i32
    %dma_wait3A_543 = tpu.memref_slice %arg4[%add3A_528, %dma_wait3A_533, %add3A_532, %dma_wait3A_541, %dma_wait3A_542] : memref<200x8x32x8x128xf32, #tpu.memory_space<hbm>> -> memref<1x1x1x8x128xf32, #tpu.memory_space<hbm>>
    %dma_wait3A_544 = tpu.memref_squeeze %dma_wait3A_543 : memref<1x1x1x8x128xf32, #tpu.memory_space<hbm>> -> memref<8x128xf32, #tpu.memory_space<hbm>>
    %dma_wait3A_545 = arith.constant 24 : i32
    %dma_wait3A_546 = arith.constant 128 : i32
    %dma_wait3A_547 = tpu.memref_slice %arg9[%dma_wait3A_545, %dma_wait3A_546] : memref<64x257xf32, #tpu.memory_space<vmem>> -> memref<8x128xf32, #tpu.memory_space<vmem>>
    tpu.wait_dma2 semaphore(%arg13 : memref<!tpu.dma_semaphore, #tpu.memory_space<semaphore_mem>>) src(%dma_wait3A_547 : memref<8x128xf32, #tpu.memory_space<vmem>>) dst(%dma_wait3A_544 : memref<8x128xf32, #tpu.memory_space<hbm>>)
    %add3A_548 = arith.constant 99 : i32
    %add3A_549 = arith.addi %mul3A_0, %add3A_548 : i32
    %mul3A_550 = arith.constant 2 : i32
    %mul3A_551 = arith.muli %mul3A_550, %arg1 : i32
    %add3A_552 = arith.constant 0 : i32
    %add3A_553 = arith.addi %mul3A_551, %add3A_552 : i32
    %dma_wait3A_554 = arith.constant 4 : i32
    %dma_wait3A_555 = arith.constant 32 : i32
    %dma_wait3A_556 = arith.constant 0 : i32
    %dma_wait3A_557 = tpu.memref_slice %arg9[%dma_wait3A_555, %dma_wait3A_556] : memref<64x257xf32, #tpu.memory_space<vmem>> -> memref<8x128xf32, #tpu.memory_space<vmem>>
    %dma_wait3A_558 = arith.constant 0 : i32
    %dma_wait3A_559 = arith.constant 0 : i32
    %dma_wait3A_560 = tpu.memref_slice %arg4[%add3A_549, %dma_wait3A_554, %add3A_553, %dma_wait3A_558, %dma_wait3A_559] : memref<200x8x32x8x128xf32, #tpu.memory_space<hbm>> -> memref<1x1x1x8x128xf32, #tpu.memory_space<hbm>>
    %dma_wait3A_561 = tpu.memref_squeeze %dma_wait3A_560 : memref<1x1x1x8x128xf32, #tpu.memory_space<hbm>> -> memref<8x128xf32, #tpu.memory_space<hbm>>
    %dma_wait3A_562 = arith.constant 0 : i32
    %dma_wait3A_563 = arith.constant 0 : i32
    %dma_wait3A_564 = tpu.memref_slice %arg4[%add3A_549, %dma_wait3A_554, %add3A_553, %dma_wait3A_562, %dma_wait3A_563] : memref<200x8x32x8x128xf32, #tpu.memory_space<hbm>> -> memref<1x1x1x8x128xf32, #tpu.memory_space<hbm>>
    %dma_wait3A_565 = tpu.memref_squeeze %dma_wait3A_564 : memref<1x1x1x8x128xf32, #tpu.memory_space<hbm>> -> memref<8x128xf32, #tpu.memory_space<hbm>>
    %dma_wait3A_566 = arith.constant 32 : i32
    %dma_wait3A_567 = arith.constant 0 : i32
    %dma_wait3A_568 = tpu.memref_slice %arg9[%dma_wait3A_566, %dma_wait3A_567] : memref<64x257xf32, #tpu.memory_space<vmem>> -> memref<8x128xf32, #tpu.memory_space<vmem>>
    tpu.wait_dma2 semaphore(%arg13 : memref<!tpu.dma_semaphore, #tpu.memory_space<semaphore_mem>>) src(%dma_wait3A_568 : memref<8x128xf32, #tpu.memory_space<vmem>>) dst(%dma_wait3A_565 : memref<8x128xf32, #tpu.memory_space<hbm>>)
    %add3A_569 = arith.constant 99 : i32
    %add3A_570 = arith.addi %mul3A_0, %add3A_569 : i32
    %mul3A_571 = arith.constant 2 : i32
    %mul3A_572 = arith.muli %mul3A_571, %arg1 : i32
    %add3A_573 = arith.constant 1 : i32
    %add3A_574 = arith.addi %mul3A_572, %add3A_573 : i32
    %dma_wait3A_575 = arith.constant 4 : i32
    %dma_wait3A_576 = arith.constant 32 : i32
    %dma_wait3A_577 = arith.constant 128 : i32
    %dma_wait3A_578 = tpu.memref_slice %arg9[%dma_wait3A_576, %dma_wait3A_577] : memref<64x257xf32, #tpu.memory_space<vmem>> -> memref<8x128xf32, #tpu.memory_space<vmem>>
    %dma_wait3A_579 = arith.constant 0 : i32
    %dma_wait3A_580 = arith.constant 0 : i32
    %dma_wait3A_581 = tpu.memref_slice %arg4[%add3A_570, %dma_wait3A_575, %add3A_574, %dma_wait3A_579, %dma_wait3A_580] : memref<200x8x32x8x128xf32, #tpu.memory_space<hbm>> -> memref<1x1x1x8x128xf32, #tpu.memory_space<hbm>>
    %dma_wait3A_582 = tpu.memref_squeeze %dma_wait3A_581 : memref<1x1x1x8x128xf32, #tpu.memory_space<hbm>> -> memref<8x128xf32, #tpu.memory_space<hbm>>
    %dma_wait3A_583 = arith.constant 0 : i32
    %dma_wait3A_584 = arith.constant 0 : i32
    %dma_wait3A_585 = tpu.memref_slice %arg4[%add3A_570, %dma_wait3A_575, %add3A_574, %dma_wait3A_583, %dma_wait3A_584] : memref<200x8x32x8x128xf32, #tpu.memory_space<hbm>> -> memref<1x1x1x8x128xf32, #tpu.memory_space<hbm>>
    %dma_wait3A_586 = tpu.memref_squeeze %dma_wait3A_585 : memref<1x1x1x8x128xf32, #tpu.memory_space<hbm>> -> memref<8x128xf32, #tpu.memory_space<hbm>>
    %dma_wait3A_587 = arith.constant 32 : i32
    %dma_wait3A_588 = arith.constant 128 : i32
    %dma_wait3A_589 = tpu.memref_slice %arg9[%dma_wait3A_587, %dma_wait3A_588] : memref<64x257xf32, #tpu.memory_space<vmem>> -> memref<8x128xf32, #tpu.memory_space<vmem>>
    tpu.wait_dma2 semaphore(%arg13 : memref<!tpu.dma_semaphore, #tpu.memory_space<semaphore_mem>>) src(%dma_wait3A_589 : memref<8x128xf32, #tpu.memory_space<vmem>>) dst(%dma_wait3A_586 : memref<8x128xf32, #tpu.memory_space<hbm>>)
    %add3A_590 = arith.constant 99 : i32
    %add3A_591 = arith.addi %mul3A_0, %add3A_590 : i32
    %mul3A_592 = arith.constant 2 : i32
    %mul3A_593 = arith.muli %mul3A_592, %arg1 : i32
    %add3A_594 = arith.constant 0 : i32
    %add3A_595 = arith.addi %mul3A_593, %add3A_594 : i32
    %dma_wait3A_596 = arith.constant 5 : i32
    %dma_wait3A_597 = arith.constant 40 : i32
    %dma_wait3A_598 = arith.constant 0 : i32
    %dma_wait3A_599 = tpu.memref_slice %arg9[%dma_wait3A_597, %dma_wait3A_598] : memref<64x257xf32, #tpu.memory_space<vmem>> -> memref<8x128xf32, #tpu.memory_space<vmem>>
    %dma_wait3A_600 = arith.constant 0 : i32
    %dma_wait3A_601 = arith.constant 0 : i32
    %dma_wait3A_602 = tpu.memref_slice %arg4[%add3A_591, %dma_wait3A_596, %add3A_595, %dma_wait3A_600, %dma_wait3A_601] : memref<200x8x32x8x128xf32, #tpu.memory_space<hbm>> -> memref<1x1x1x8x128xf32, #tpu.memory_space<hbm>>
    %dma_wait3A_603 = tpu.memref_squeeze %dma_wait3A_602 : memref<1x1x1x8x128xf32, #tpu.memory_space<hbm>> -> memref<8x128xf32, #tpu.memory_space<hbm>>
    %dma_wait3A_604 = arith.constant 0 : i32
    %dma_wait3A_605 = arith.constant 0 : i32
    %dma_wait3A_606 = tpu.memref_slice %arg4[%add3A_591, %dma_wait3A_596, %add3A_595, %dma_wait3A_604, %dma_wait3A_605] : memref<200x8x32x8x128xf32, #tpu.memory_space<hbm>> -> memref<1x1x1x8x128xf32, #tpu.memory_space<hbm>>
    %dma_wait3A_607 = tpu.memref_squeeze %dma_wait3A_606 : memref<1x1x1x8x128xf32, #tpu.memory_space<hbm>> -> memref<8x128xf32, #tpu.memory_space<hbm>>
    %dma_wait3A_608 = arith.constant 40 : i32
    %dma_wait3A_609 = arith.constant 0 : i32
    %dma_wait3A_610 = tpu.memref_slice %arg9[%dma_wait3A_608, %dma_wait3A_609] : memref<64x257xf32, #tpu.memory_space<vmem>> -> memref<8x128xf32, #tpu.memory_space<vmem>>
    tpu.wait_dma2 semaphore(%arg13 : memref<!tpu.dma_semaphore, #tpu.memory_space<semaphore_mem>>) src(%dma_wait3A_610 : memref<8x128xf32, #tpu.memory_space<vmem>>) dst(%dma_wait3A_607 : memref<8x128xf32, #tpu.memory_space<hbm>>)
    %add3A_611 = arith.constant 99 : i32
    %add3A_612 = arith.addi %mul3A_0, %add3A_611 : i32
    %mul3A_613 = arith.constant 2 : i32
    %mul3A_614 = arith.muli %mul3A_613, %arg1 : i32
    %add3A_615 = arith.constant 1 : i32
    %add3A_616 = arith.addi %mul3A_614, %add3A_615 : i32
    %dma_wait3A_617 = arith.constant 5 : i32
    %dma_wait3A_618 = arith.constant 40 : i32
    %dma_wait3A_619 = arith.constant 128 : i32
    %dma_wait3A_620 = tpu.memref_slice %arg9[%dma_wait3A_618, %dma_wait3A_619] : memref<64x257xf32, #tpu.memory_space<vmem>> -> memref<8x128xf32, #tpu.memory_space<vmem>>
    %dma_wait3A_621 = arith.constant 0 : i32
    %dma_wait3A_622 = arith.constant 0 : i32
    %dma_wait3A_623 = tpu.memref_slice %arg4[%add3A_612, %dma_wait3A_617, %add3A_616, %dma_wait3A_621, %dma_wait3A_622] : memref<200x8x32x8x128xf32, #tpu.memory_space<hbm>> -> memref<1x1x1x8x128xf32, #tpu.memory_space<hbm>>
    %dma_wait3A_624 = tpu.memref_squeeze %dma_wait3A_623 : memref<1x1x1x8x128xf32, #tpu.memory_space<hbm>> -> memref<8x128xf32, #tpu.memory_space<hbm>>
    %dma_wait3A_625 = arith.constant 0 : i32
    %dma_wait3A_626 = arith.constant 0 : i32
    %dma_wait3A_627 = tpu.memref_slice %arg4[%add3A_612, %dma_wait3A_617, %add3A_616, %dma_wait3A_625, %dma_wait3A_626] : memref<200x8x32x8x128xf32, #tpu.memory_space<hbm>> -> memref<1x1x1x8x128xf32, #tpu.memory_space<hbm>>
    %dma_wait3A_628 = tpu.memref_squeeze %dma_wait3A_627 : memref<1x1x1x8x128xf32, #tpu.memory_space<hbm>> -> memref<8x128xf32, #tpu.memory_space<hbm>>
    %dma_wait3A_629 = arith.constant 40 : i32
    %dma_wait3A_630 = arith.constant 128 : i32
    %dma_wait3A_631 = tpu.memref_slice %arg9[%dma_wait3A_629, %dma_wait3A_630] : memref<64x257xf32, #tpu.memory_space<vmem>> -> memref<8x128xf32, #tpu.memory_space<vmem>>
    tpu.wait_dma2 semaphore(%arg13 : memref<!tpu.dma_semaphore, #tpu.memory_space<semaphore_mem>>) src(%dma_wait3A_631 : memref<8x128xf32, #tpu.memory_space<vmem>>) dst(%dma_wait3A_628 : memref<8x128xf32, #tpu.memory_space<hbm>>)
    %add3A_632 = arith.constant 99 : i32
    %add3A_633 = arith.addi %mul3A_0, %add3A_632 : i32
    %mul3A_634 = arith.constant 2 : i32
    %mul3A_635 = arith.muli %mul3A_634, %arg1 : i32
    %add3A_636 = arith.constant 0 : i32
    %add3A_637 = arith.addi %mul3A_635, %add3A_636 : i32
    %dma_wait3A_638 = arith.constant 6 : i32
    %dma_wait3A_639 = arith.constant 48 : i32
    %dma_wait3A_640 = arith.constant 0 : i32
    %dma_wait3A_641 = tpu.memref_slice %arg9[%dma_wait3A_639, %dma_wait3A_640] : memref<64x257xf32, #tpu.memory_space<vmem>> -> memref<8x128xf32, #tpu.memory_space<vmem>>
    %dma_wait3A_642 = arith.constant 0 : i32
    %dma_wait3A_643 = arith.constant 0 : i32
    %dma_wait3A_644 = tpu.memref_slice %arg4[%add3A_633, %dma_wait3A_638, %add3A_637, %dma_wait3A_642, %dma_wait3A_643] : memref<200x8x32x8x128xf32, #tpu.memory_space<hbm>> -> memref<1x1x1x8x128xf32, #tpu.memory_space<hbm>>
    %dma_wait3A_645 = tpu.memref_squeeze %dma_wait3A_644 : memref<1x1x1x8x128xf32, #tpu.memory_space<hbm>> -> memref<8x128xf32, #tpu.memory_space<hbm>>
    %dma_wait3A_646 = arith.constant 0 : i32
    %dma_wait3A_647 = arith.constant 0 : i32
    %dma_wait3A_648 = tpu.memref_slice %arg4[%add3A_633, %dma_wait3A_638, %add3A_637, %dma_wait3A_646, %dma_wait3A_647] : memref<200x8x32x8x128xf32, #tpu.memory_space<hbm>> -> memref<1x1x1x8x128xf32, #tpu.memory_space<hbm>>
    %dma_wait3A_649 = tpu.memref_squeeze %dma_wait3A_648 : memref<1x1x1x8x128xf32, #tpu.memory_space<hbm>> -> memref<8x128xf32, #tpu.memory_space<hbm>>
    %dma_wait3A_650 = arith.constant 48 : i32
    %dma_wait3A_651 = arith.constant 0 : i32
    %dma_wait3A_652 = tpu.memref_slice %arg9[%dma_wait3A_650, %dma_wait3A_651] : memref<64x257xf32, #tpu.memory_space<vmem>> -> memref<8x128xf32, #tpu.memory_space<vmem>>
    tpu.wait_dma2 semaphore(%arg13 : memref<!tpu.dma_semaphore, #tpu.memory_space<semaphore_mem>>) src(%dma_wait3A_652 : memref<8x128xf32, #tpu.memory_space<vmem>>) dst(%dma_wait3A_649 : memref<8x128xf32, #tpu.memory_space<hbm>>)
    %add3A_653 = arith.constant 99 : i32
    %add3A_654 = arith.addi %mul3A_0, %add3A_653 : i32
    %mul3A_655 = arith.constant 2 : i32
    %mul3A_656 = arith.muli %mul3A_655, %arg1 : i32
    %add3A_657 = arith.constant 1 : i32
    %add3A_658 = arith.addi %mul3A_656, %add3A_657 : i32
    %dma_wait3A_659 = arith.constant 6 : i32
    %dma_wait3A_660 = arith.constant 48 : i32
    %dma_wait3A_661 = arith.constant 128 : i32
    %dma_wait3A_662 = tpu.memref_slice %arg9[%dma_wait3A_660, %dma_wait3A_661] : memref<64x257xf32, #tpu.memory_space<vmem>> -> memref<8x128xf32, #tpu.memory_space<vmem>>
    %dma_wait3A_663 = arith.constant 0 : i32
    %dma_wait3A_664 = arith.constant 0 : i32
    %dma_wait3A_665 = tpu.memref_slice %arg4[%add3A_654, %dma_wait3A_659, %add3A_658, %dma_wait3A_663, %dma_wait3A_664] : memref<200x8x32x8x128xf32, #tpu.memory_space<hbm>> -> memref<1x1x1x8x128xf32, #tpu.memory_space<hbm>>
    %dma_wait3A_666 = tpu.memref_squeeze %dma_wait3A_665 : memref<1x1x1x8x128xf32, #tpu.memory_space<hbm>> -> memref<8x128xf32, #tpu.memory_space<hbm>>
    %dma_wait3A_667 = arith.constant 0 : i32
    %dma_wait3A_668 = arith.constant 0 : i32
    %dma_wait3A_669 = tpu.memref_slice %arg4[%add3A_654, %dma_wait3A_659, %add3A_658, %dma_wait3A_667, %dma_wait3A_668] : memref<200x8x32x8x128xf32, #tpu.memory_space<hbm>> -> memref<1x1x1x8x128xf32, #tpu.memory_space<hbm>>
    %dma_wait3A_670 = tpu.memref_squeeze %dma_wait3A_669 : memref<1x1x1x8x128xf32, #tpu.memory_space<hbm>> -> memref<8x128xf32, #tpu.memory_space<hbm>>
    %dma_wait3A_671 = arith.constant 48 : i32
    %dma_wait3A_672 = arith.constant 128 : i32
    %dma_wait3A_673 = tpu.memref_slice %arg9[%dma_wait3A_671, %dma_wait3A_672] : memref<64x257xf32, #tpu.memory_space<vmem>> -> memref<8x128xf32, #tpu.memory_space<vmem>>
    tpu.wait_dma2 semaphore(%arg13 : memref<!tpu.dma_semaphore, #tpu.memory_space<semaphore_mem>>) src(%dma_wait3A_673 : memref<8x128xf32, #tpu.memory_space<vmem>>) dst(%dma_wait3A_670 : memref<8x128xf32, #tpu.memory_space<hbm>>)
    %add3A_674 = arith.constant 99 : i32
    %add3A_675 = arith.addi %mul3A_0, %add3A_674 : i32
    %mul3A_676 = arith.constant 2 : i32
    %mul3A_677 = arith.muli %mul3A_676, %arg1 : i32
    %add3A_678 = arith.constant 0 : i32
    %add3A_679 = arith.addi %mul3A_677, %add3A_678 : i32
    %dma_wait3A_680 = arith.constant 7 : i32
    %dma_wait3A_681 = arith.constant 56 : i32
    %dma_wait3A_682 = arith.constant 0 : i32
    %dma_wait3A_683 = tpu.memref_slice %arg9[%dma_wait3A_681, %dma_wait3A_682] : memref<64x257xf32, #tpu.memory_space<vmem>> -> memref<8x128xf32, #tpu.memory_space<vmem>>
    %dma_wait3A_684 = arith.constant 0 : i32
    %dma_wait3A_685 = arith.constant 0 : i32
    %dma_wait3A_686 = tpu.memref_slice %arg4[%add3A_675, %dma_wait3A_680, %add3A_679, %dma_wait3A_684, %dma_wait3A_685] : memref<200x8x32x8x128xf32, #tpu.memory_space<hbm>> -> memref<1x1x1x8x128xf32, #tpu.memory_space<hbm>>
    %dma_wait3A_687 = tpu.memref_squeeze %dma_wait3A_686 : memref<1x1x1x8x128xf32, #tpu.memory_space<hbm>> -> memref<8x128xf32, #tpu.memory_space<hbm>>
    %dma_wait3A_688 = arith.constant 0 : i32
    %dma_wait3A_689 = arith.constant 0 : i32
    %dma_wait3A_690 = tpu.memref_slice %arg4[%add3A_675, %dma_wait3A_680, %add3A_679, %dma_wait3A_688, %dma_wait3A_689] : memref<200x8x32x8x128xf32, #tpu.memory_space<hbm>> -> memref<1x1x1x8x128xf32, #tpu.memory_space<hbm>>
    %dma_wait3A_691 = tpu.memref_squeeze %dma_wait3A_690 : memref<1x1x1x8x128xf32, #tpu.memory_space<hbm>> -> memref<8x128xf32, #tpu.memory_space<hbm>>
    %dma_wait3A_692 = arith.constant 56 : i32
    %dma_wait3A_693 = arith.constant 0 : i32
    %dma_wait3A_694 = tpu.memref_slice %arg9[%dma_wait3A_692, %dma_wait3A_693] : memref<64x257xf32, #tpu.memory_space<vmem>> -> memref<8x128xf32, #tpu.memory_space<vmem>>
    tpu.wait_dma2 semaphore(%arg13 : memref<!tpu.dma_semaphore, #tpu.memory_space<semaphore_mem>>) src(%dma_wait3A_694 : memref<8x128xf32, #tpu.memory_space<vmem>>) dst(%dma_wait3A_691 : memref<8x128xf32, #tpu.memory_space<hbm>>)
    %add3A_695 = arith.constant 99 : i32
    %add3A_696 = arith.addi %mul3A_0, %add3A_695 : i32
    %mul3A_697 = arith.constant 2 : i32
    %mul3A_698 = arith.muli %mul3A_697, %arg1 : i32
    %add3A_699 = arith.constant 1 : i32
    %add3A_700 = arith.addi %mul3A_698, %add3A_699 : i32
    %dma_wait3A_701 = arith.constant 7 : i32
    %dma_wait3A_702 = arith.constant 56 : i32
    %dma_wait3A_703 = arith.constant 128 : i32
    %dma_wait3A_704 = tpu.memref_slice %arg9[%dma_wait3A_702, %dma_wait3A_703] : memref<64x257xf32, #tpu.memory_space<vmem>> -> memref<8x128xf32, #tpu.memory_space<vmem>>
    %dma_wait3A_705 = arith.constant 0 : i32
    %dma_wait3A_706 = arith.constant 0 : i32
    %dma_wait3A_707 = tpu.memref_slice %arg4[%add3A_696, %dma_wait3A_701, %add3A_700, %dma_wait3A_705, %dma_wait3A_706] : memref<200x8x32x8x128xf32, #tpu.memory_space<hbm>> -> memref<1x1x1x8x128xf32, #tpu.memory_space<hbm>>
    %dma_wait3A_708 = tpu.memref_squeeze %dma_wait3A_707 : memref<1x1x1x8x128xf32, #tpu.memory_space<hbm>> -> memref<8x128xf32, #tpu.memory_space<hbm>>
    %dma_wait3A_709 = arith.constant 0 : i32
    %dma_wait3A_710 = arith.constant 0 : i32
    %dma_wait3A_711 = tpu.memref_slice %arg4[%add3A_696, %dma_wait3A_701, %add3A_700, %dma_wait3A_709, %dma_wait3A_710] : memref<200x8x32x8x128xf32, #tpu.memory_space<hbm>> -> memref<1x1x1x8x128xf32, #tpu.memory_space<hbm>>
    %dma_wait3A_712 = tpu.memref_squeeze %dma_wait3A_711 : memref<1x1x1x8x128xf32, #tpu.memory_space<hbm>> -> memref<8x128xf32, #tpu.memory_space<hbm>>
    %dma_wait3A_713 = arith.constant 56 : i32
    %dma_wait3A_714 = arith.constant 128 : i32
    %dma_wait3A_715 = tpu.memref_slice %arg9[%dma_wait3A_713, %dma_wait3A_714] : memref<64x257xf32, #tpu.memory_space<vmem>> -> memref<8x128xf32, #tpu.memory_space<vmem>>
    tpu.wait_dma2 semaphore(%arg13 : memref<!tpu.dma_semaphore, #tpu.memory_space<semaphore_mem>>) src(%dma_wait3A_715 : memref<8x128xf32, #tpu.memory_space<vmem>>) dst(%dma_wait3A_712 : memref<8x128xf32, #tpu.memory_space<hbm>>)
    return
  }
}

</mosaic_0001>

<sc_bundles>
// kernel: kernel.3.cloned.1.call-start
scs
__scs_entry_jumppad:
0x0: {  	(pc) =	sbr.rel $0x88, $3  }
0x1: {  	(tag) =	ssettag $0x0;
	lr =	simm.s32 $0x1  }
0x2: {  	[smem:$0x3F9F] =	sst lr;
	_ =	strace $0xD0000000  }
0x3: {  	_ = 	snop  }
0x4: {  	_ = 	snop  }
0x5: {  	_ = 	snop  }
0x6: {  	_ = 	snop  }
0x7: {  	_ = 	snop  }
__scs_overlays_trampoline_lowered:
0x8: {  	[smem:$0x3FAE] =	sst s0  }
0x9: {  	[smem:$0x3FAF] =	sst s1  }
0xa: {  	[smem:$0x3FB0] =	sst s2  }
0xb: {  	[smem:$0x3FB1] =	sst s3  }
0xc: {  	[smem:$0x3FB2] =	sst s4  }
0xd: {  	[smem:$0x3FB3] =	sst s5  }
0xe: {  	[smem:$0x3FB4] =	sst s6  }
0xf: {  	[smem:$0x3FB5] =	sst s7  }
0x10: {  	[smem:$0x3FB6] =	sst s8  }
0x11: {  	[smem:$0x3FB7] =	sst s9;
	s0 =	simm.s32 @!p0 $0x0  }
0x12: {  	s1 =	sld [smem:$0x3F9D];
	s0 =	simm.s32 @p0 $0x1  }
0x13: {  	[smem:$0x3FB8] =	sst s0;
	s0 =	simm.s32 @!p1 $0x0  }
0x14: {  	s2 =	sld [smem:$0x3F9C];
	s0 =	simm.s32 @p1 $0x1  }
0x15: {  	[smem:$0x3FB9] =	sst s0;
	s0 =	simm.s32 @!p2 $0x0  }
0x16: {  	s3 =	sld [smem:$0x3FDB];
	s0 =	simm.s32 @p2 $0x1  }
0x17: {  	s4 =	simm.s32 $0x1BF5;
	[smem:$0x3FBB] =	sst s0  }
0x18: {  	s0 =	sld [smem:$0x3F9E];
	_ =	swait.ge [sflag:s4], $0x0  }
0x19: {  	s7 =	sld [smem:$0x3F9F]  }
0x1a: {  	s8 =	sadd.s32 $0xFFFFE003, lr  }
0x1b: {  	s9 =	sadd.s32 $0xFFFFFEF7, lr;
	s5 =	simm.s32 $0xFFFFFFFF;
	p2 =	slt.u32 s8, $0xFFFFF086  }
0x1c: {  	p1 =	slt.u32 s9, $0xF7A;
	s5 =	simm.s32 @!p2 $0x0  }
0x1d: {  	s5 =	simm.s32 @p1 $0x1;
	p0 =	seq.s32 s7, s2  }
0x1e: {  	s7 =	smul.u32 @!p0 $0xF7A, s2;
	p2 =	seq.s32 @!p0 s5, $0x0  }
0x1f: {  	s9 =	smul.u32 $0xF7A, s1;
	s8 =	simm.s32 @!p0 $0x1BF5;
	p2 =	por !p2, p0  }
0x20: {  	[sflag:s8] =	ssyncset.s32 @!p0 $0xFFFFF086;
	s6 =	sadd.s32 @!p0 s3, s7;
	s7 =	simm.s32 @!p0 $0x108  }
0x21: {  	s3 =	sadd.s32 s3, s9;
	s6 =	sadd.s32 @!p0 $0x88, s6;
	s7 =	simm.s32 @p2 $0x1082  }
0x22: {  	[simem:s7], [sflag:s8] =	dma.local @!p0 [hbm:s6], $0xF7A  }
0x23: {  	s9 =	sor.u32 $0xD0000000, s2;
	s6 =	simm.s32 $0x108;
	_ =	swait.ge @!p0 [sflag:s8], $0x0  }
0x24: {  	s3 =	sadd.s32 $0x88, s3;
	s6 =	simm.s32 @!p1 $0x1082;
	[sflag:s4] =	ssyncset.s32 $0xFFFFF086  }
0x25: {  	[simem:s6], [sflag:s4] =	dma.local [hbm:s3], $0xF7A  }
0x26: {  	[smem:$0x3F9F] =	sst s1;
	(tag) =	ssettag s2;
	_ =	strace s9  }
0x27: {  	s1 =	sld [smem:$0x3FAF]  }
0x28: {  	s2 =	sld [smem:$0x3FB0]  }
0x29: {  	s4 =	sld [smem:$0x3FB2]  }
0x2a: {  	p0 =	seq.s32 s5, $0x0;
	s5 =	sld [smem:$0x3FB3]  }
0x2b: {  	s6 =	sld [smem:$0x3FB4]  }
0x2c: {  	s7 =	sld [smem:$0x3FB5]  }
0x2d: {  	s3 =	simm.s32 $0x108;
	s8 =	sld [smem:$0x3FB6]  }
0x2e: {  	s3 =	simm.s32 @!p0 $0x1082;
	s9 =	sld [smem:$0x3FB7]  }
0x2f: {  	lr =	sadd.s32 s0, s3;
	s0 =	sld [smem:$0x3FAE]  }
0x30: {  	s3 =	sld [smem:$0x3FB1]  }
0x31: {  	[smem:$0x3FBA] =	sst s10  }
0x32: {  	s10 =	sld [smem:$0x3FB8];
	_ =	sdelay $0x3  }
0x33: {  	p0 =	seq.s32 s10, $0x1;
	s10 =	sld [smem:$0x3FBA];
	_ =	sdelay $0x3  }
0x34: {  	[smem:$0x3FBA] =	sst s10  }
0x35: {  	s10 =	sld [smem:$0x3FB9];
	_ =	sdelay $0x3  }
0x36: {  	p1 =	seq.s32 s10, $0x1;
	s10 =	sld [smem:$0x3FBA];
	_ =	sdelay $0x3  }
0x37: {  	[smem:$0x3FBA] =	sst s10  }
0x38: {  	s10 =	sld [smem:$0x3FBB]  }
0x39: {  	_ = 	snop;
	(pc) =	sbr.ind lr, $3  }
0x3a: {  	_ = 	snop  }
0x3b: {  	_ = 	snop  }
0x3c: {  	p2 =	seq.s32 s10, $0x1;
	s10 =	sld [smem:$0x3FBA]  }
0x3d: {  	_ =	shalt  }
0x3e: {  	_ =	shalt  }
0x3f: {  	_ =	shalt  }
0x40: {  	_ =	shalt  }
0x41: {  	_ =	shalt  }
0x42: {  	_ =	shalt  }
0x43: {  	_ =	shalt  }
0x44: {  	_ =	shalt  }
0x45: {  	_ =	shalt  }
0x46: {  	_ =	shalt  }
0x47: {  	_ =	shalt  }
0x48: {  	_ =	shalt  }
0x49: {  	_ =	shalt  }
0x4a: {  	_ =	shalt  }
0x4b: {  	_ =	shalt  }
0x4c: {  	_ =	shalt  }
0x4d: {  	_ =	shalt  }
0x4e: {  	_ =	shalt  }
0x4f: {  	_ =	shalt  }
0x50: {  	_ =	shalt  }
0x51: {  	_ =	shalt  }
0x52: {  	_ =	shalt  }
0x53: {  	_ =	shalt  }
0x54: {  	_ =	shalt  }
0x55: {  	_ =	shalt  }
0x56: {  	_ =	shalt  }
0x57: {  	_ =	shalt  }
0x58: {  	_ =	shalt  }
0x59: {  	_ =	shalt  }
0x5a: {  	_ =	shalt  }
0x5b: {  	_ =	shalt  }
0x5c: {  	_ =	shalt  }
0x5d: {  	_ =	shalt  }
0x5e: {  	_ =	shalt  }
0x5f: {  	_ =	shalt  }
0x60: {  	_ =	shalt  }
0x61: {  	_ =	shalt  }
0x62: {  	_ =	shalt  }
0x63: {  	_ =	shalt  }
0x64: {  	_ =	shalt  }
0x65: {  	_ =	shalt  }
0x66: {  	_ =	shalt  }
0x67: {  	_ =	shalt  }
0x68: {  	_ =	shalt  }
0x69: {  	_ =	shalt  }
0x6a: {  	_ =	shalt  }
0x6b: {  	_ =	shalt  }
0x6c: {  	_ =	shalt  }
0x6d: {  	_ =	shalt  }
0x6e: {  	_ =	shalt  }
0x6f: {  	_ =	shalt  }
0x70: {  	_ =	shalt  }
0x71: {  	_ =	shalt  }
0x72: {  	_ =	shalt  }
0x73: {  	_ =	shalt  }
0x74: {  	_ =	shalt  }
0x75: {  	_ =	shalt  }
0x76: {  	_ =	shalt  }
0x77: {  	_ =	shalt  }
0x78: {  	_ =	shalt  }
0x79: {  	_ =	shalt  }
0x7a: {  	_ =	shalt  }
0x7b: {  	_ =	shalt  }
0x7c: {  	_ =	shalt  }
0x7d: {  	_ =	shalt  }
0x7e: {  	_ =	shalt  }
0x7f: {  	_ =	shalt  }
0x80: {  	_ =	shalt  }
0x81: {  	_ =	shalt  }
0x82: {  	_ =	shalt  }
0x83: {  	_ =	shalt  }
0x84: {  	_ =	shalt  }
0x85: {  	_ =	shalt  }
0x86: {  	_ =	shalt  }
0x87: {  	_ =	shalt  }
.Lfunc_end0:
.L_simem_size_0:
called_computation_lowered:
.L_overlay_start_0:
0x88: {  	s2 =	sld [smem:$0x3FD9]  }
0x89: {  	s3 =	sld [smem:$0x3FFE];
	_ =	sdelay $0x1  }
0x8a: {  	s1 =	srdreg.scid  }
0x8b: {  	s0 =	sand.u32 $0x1, s1  }
0x8c: {  	s17 =	sshll.u32 s0, $0xA;
	s2 =	sadd.s32 s3, s2  }
0x8d: {  	s2 =	sadd.s32 s2, s17  }
0x8e: {  	[smem:$0x3FC6] =	sst s2  }
0x8f: {  	_ = 	snop  }
0x90: {  	s2 =	sld [smem:$0x3FD0];
	(tm) =	ssettm $0x1  }
0x91: {  	s18 =	sld [smem:$0x3FFB];
	_ =	sdelay $0x3  }
0x92: {  	_ =	strace s18  }
0x93: {  	s3 =	sld [smem:$0x3FFC];
	_ =	sdelay $0x3  }
0x94: {  	_ =	strace s3  }
0x95: {  	s3 =	sld [smem:$0x3FFD];
	_ =	sdelay $0x3  }
0x96: {  	_ =	strace s3  }
0x97: {  	_ =	strace $0x8FFFFFFF  }
0x98: {  	s19 =	sld [smem:$0x3FDB];
	_ =	sdelay $0x1  }
0x99: {  	s4 =	simm.s32 $_scs_section_size  }
0x9a: {  	s5 =	simm.s32 $_size__tile_overlayer_lowered;
	s6 =	simm.s32 $_tile_overlayer_lowered  }
0x9b: {  	s22 =	simm.s32 $0x1BFF;
	s21 =	sshll.u32 s6, $0x1;
	s3 =	sadd.s32 s4, s19  }
0x9c: {  	s7 =	simm.s32 $0x0;
	s20 =	sshll.u32 s5, $0x1;
	s5 =	sadd.s32 s21, s3  }
0x9d: {  	[timem:s7], [sflag:s22] =	dma.local [hbm:s5], s20  }
0x9e: {  	_ =	swait.ge [sflag:s22], s20  }
0x9f: {  	s4 =	ssub.s32 $0x0, s20;
	[sflag:s22] =	ssyncset.done $0x0  }
0xa0: {  	[sflag:s22] =	ssyncadd.s32 s4;
	_ =	sdelay $0x1  }
0xa1: {  	s23 =	simm.s32 $0x1B8B  }
0xa2: {  	_ =	swait.ge [sflag:s23], $0x1  }
0xa3: {  	[sflag:s23] =	ssyncset.done $0x0  }
0xa4: {  	s25 =	simm.s32 $0x1B8E;
	s24 =	sld [smem:$0x3FFE];
	[sflag:s23] =	ssyncadd.s32 $0xFFFFFFFF  }
0xa5: {  	s26 =	simm.s32 $execute0_lowered;
	[smem:$0x3FD2] =	sst s25  }
0xa6: {  	s5 =	sshll.u32 s26, $0x1;
	_ =	strace $0x80000046;
	[dreg:$0x1] =	wrdreg $0xFFFFFFFF  }
0xa7: {  	s28 =	simm.s32 $_size_execute0_lowered;
	s3 =	sadd.s32 s3, s5;
	[dreg:$0x0] =	wrdreg $0x0  }
0xa8: {  	s5 =	sshll.u32 s28, $0x1;
	[dreg:$0x2] =	wrdreg s3  }
0xa9: {  	[dreg:$0x3] =	wrdreg s5  }
0xaa: {  	[dreg:$0x4] =	wrdreg $0xC0  }
0xab: {  	_ =	task [dreg:s7], $0x5FFFF  }
0xac: {  	[dreg:$0x1] =	wrdreg $0xFFFFFFFF  }
0xad: {  	[dreg:$0x0] =	wrdreg $0x60  }
0xae: {  	[dreg:$0x2] =	wrdreg s24  }
0xaf: {  	[dreg:$0x3] =	wrdreg s2  }
0xb0: {  	[dreg:$0x4] =	wrdreg $0x9  }
0xb1: {  	_ =	task.clear_ibuf [dreg:s7], $0x5FFFF;
	_ =	strace $0x90000046  }
0xb2: {  	s29 =	simm.s32 $0x9;
	_ =	strace $0x80000048  }
0xb3: {  	_ =	swait.ge [sflag:s29], $0x1  }
0xb4: {  	[sflag:s29] =	ssyncadd.s32 $0xFFFFFFFF  }
0xb5: {  	_ =	strace $0x90000048  }
0xb6: {  	_ =	sfence  }
0xb7: {  	s30 =	sld [smem:$0x0];
	_ =	sdelay $0x2  }
0xb8: {  	s31 =	sshll.u32 s1, $0xD;
	s1 =	sshrl.u32 s1, $0x2  }
0xb9: {  	s3 =	sand.u32 $0x4000, s31;
	s1 =	sadd.s32 s1, s30  }
0xba: {  	s0 =	sor.u32 s3, s0;
	s1 =	sshll.u32 s1, $0x11  }
0xbb: {  	s0 =	sor.u32 s1, s0  }
0xbc: {  	s0 =	sadd.s32 $0x8F2B, s0  }
0xbd: {  	[sflag:s0] =	ssyncadd.remote.s32 $0x1  }
0xbe: {  	_ =	sfence.sel $0xFFFF  }
0xbf: {  	[dreg:$0x0] =	wrdreg $0xFFFFFFFF;
	(pc) =	sbr.abs _section_cstart, $3  }
0xc0: {  	[dreg:$0x1] =	wrdreg $0xFFFFFFFF  }
0xc1: {  	_ =	task.clear_ibuf [dreg:s7], $0x2FFFF;
	_ =	strace $0x9FFFFFFF  }
0xc2: {  	(tm) =	ssettm $0x7FFFFFFF  }
0xc3: {  	_ =	shalt  }
tec
execute0_lowered:
.L_overlay_start_1:
0x0: {  	(tag) =	ssettag $0x1  }
0x1: {  	s0 =	srdreg.scid;
	s1 =	rddreg [dreg:$0x0]  }
0x2: {  	s8 =	stileid.u32;
	s2 =	rddreg [dreg:$0x1];
	s3 =	simm.s32 $0x0  }
0x3: {  	s26 =	simm.s32 $0x5;
	s19 =	simm.s32 $0x80;
	s22 =	simm.s32 $0x1  }
0x4: {  	s25 =	simm.s32 $0xE400;
	s18 =	simm.s32 $0x2;
	s23 =	simm.s32 $0x12600  }
0x5: {  	s31 =	simm.s32 $0x16670;
	s20 =	simm.s32 $0x0;
	s0 =	sand.u32 $0x1, s0  }
0x6: {  	s5 =	sshll.u32 s8, $0x8;
	[smem:$0x7FF] =	sst s3;
	s8 =	sshll.u32 s8, $0xB  }
0x7: {  	s10 =	sadd.s32 $0x1000, s2;
	s11 =	sadd.s32 $0x2000, s2;
	s12 =	sadd.s32 $0x3000, s2  }
0x8: {  	s13 =	sadd.s32 $0x4000, s2;
	s14 =	sadd.s32 $0x5000, s2;
	s15 =	sadd.s32 $0x6000, s2  }
0x9: {  	s16 =	sadd.s32 $0x7000, s2;
	s4 =	smul.u32 $0x64000, s0;
	s28 =	ssub.s32 $0x2, s0  }
0xa: {  	_ =	strace $0x80000047;
	s9 =	sor.u32 $0x400, s8;
	s6 =	sshrl.u32 s28, $0x1  }
0xb: {  	v0 =	vlaneseq.u32;
	s4 =	sor.u32 s5, s4;
	s29 =	ssub.s32 s28, s6;
	s5 =	smul.u32 $0x64, s0  }
0xc: {  	v0 =	vmul.u32 $0x108, v0;
	s0 =	simm.s32 $0x4;
	s4 =	sshrl.u32 s4, $0x3;
	s30 =	smax.u32 s29, $0x1  }
0xd: {  	s7 =	sadd.s32 s4, s1;
	s4 =	sadd.s32 $0xF42A00, s1;
	[dreg:$0x3] =	wrdreg s30  }
0xe: {  	v1 =	vadd.s32 $0x1080, v0;
	v2 =	vadd.s32 $0x2100, v0;
	v3 =	vadd.s32 $0x3180, v0;
	s1 =	simm.s32 $0x3;
	s6 =	sadd.s32 $0x600, s7;
	s7 =	sadd.s32 $0x610, s7  }
.LBB2_1:
0xf: {  	[dreg:$0x4] =	wrdreg s20;
	s17 =	simm.s32 $0x200  }
0x10: {  	s24 =	sadd.s32 $0x0, s6;
	s20 =	simm.s32 $0x100;
	s21 =	simm.s32 $0x0  }
.LBB2_2:
0x11: {  	[tilespmem:s21], [sflag:$0x5] =	stream.linear.gather [hbm4b:s24+s3], $0x80, $0x38;
	[tilespmem:$0x16800] =	vst v63  }
0x12: {  	s24 =	smov.u32 s17;
	s21 =	smov.u32 s20;
	p0 =	sne.s32 s17, $0xC600  }
.Ltmp0:
0x13: {  	s17 =	sadd.s32 $0x200, s17;
	(pc) =	sbr.rel @p0 .LBB2_2-.Ltmp0, $2  }
0x14: {  	_ =	sdelay $0x2  }
0x15: {  	s20 =	sadd.s32 $0x100, s20;
	s24 =	sadd.s32 s24, s6  }
0x16: {  	[tilespmem:s21], [sflag:$0x5] =	stream.linear.gather [hbm4b:s24+s3], $0x80, $0x38;
	[tilespmem:$0x16800] =	vst v63  }
0x17: {  	_ =	swait.ge [sflag:s26], $0x3200  }
0x18: {  	s17 =	simm.s32 $0x80;
	s20 =	simm.s32 $0x200;
	[sflag:s26] =	ssyncset.done $0x0  }
0x19: {  	s24 =	sadd.s32 $0x0, s7;
	s21 =	simm.s32 $0x180;
	[sflag:s26] =	ssyncadd.s32 $0xFFFFCE00  }
.LBB2_4:
0x1a: {  	[tilespmem:s17], [sflag:$0x5] =	stream.linear.gather [hbm4b:s24+s3], $0x80, $0x38;
	[tilespmem:$0x16800] =	vst v63  }
0x1b: {  	s24 =	smov.u32 s20;
	s17 =	smov.u32 s21;
	p0 =	sne.s32 s20, $0xC600  }
.Ltmp1:
0x1c: {  	s20 =	sadd.s32 $0x200, s20;
	(pc) =	sbr.rel @p0 .LBB2_4-.Ltmp1, $2  }
0x1d: {  	_ =	sdelay $0x2  }
0x1e: {  	s21 =	sadd.s32 $0x100, s21;
	s24 =	sadd.s32 s24, s7  }
0x1f: {  	[tilespmem:s17], [sflag:$0x5] =	stream.linear.gather [hbm4b:s24+s3], $0x80, $0x38;
	[tilespmem:$0x16800] =	vst v63  }
0x20: {  	_ =	swait.ge [sflag:s26], $0x3200  }
0x21: {  	[sflag:s26] =	ssyncset.done $0x0  }
0x22: {  	s20 =	simm.s32 $0x0;
	s29 =	simm.s32 $0x6400;
	[sflag:s26] =	ssyncadd.s32 $0xFFFFCE00  }
0x23: {  	[tilespmem:s29], [sflag:$0x1] =	stream.indirect.gather [hbm4b:s4+s19], $0x40, s20, s19, $0xb8;
	[tilespmem:$0x16800] =	vst v63  }
0x24: {  	s30 =	simm.s32 $0x8400;
	s21 =	simm.s32 $0x0  }
0x25: {  	[tilespmem:s30], [sflag:$0x1] =	stream.indirect.gather [hbm4b:s4+s19], $0x40, s19, s19, $0xb8;
	[tilespmem:$0x16800] =	vst v63  }
.LBB2_6:
0x26: {  	_ =	swait.ge [sflag:s22], $0x2000  }
0x27: {  	[sflag:s22] =	ssyncset.done $0x0  }
0x28: {  	[sflag:s22] =	ssyncadd.s32 $0xFFFFE000  }
0x29: {  	s17 =	sshllo.u32 s21, $0x1;
	_ =	swait.ge [sflag:s22], $0x2000  }
0x2a: {  	s24 =	sshll.u32 s17, $0x8;
	[sflag:s22] =	ssyncset.done $0x0  }
0x2b: {  	s26 =	simm.s32 $0xA400;
	s24 =	sand.u32 $0x3FFFFF00, s24;
	[sflag:s22] =	ssyncadd.s32 $0xFFFFE000  }
0x2c: {  	[tilespmem:s26], [sflag:$0x2] =	stream.indirect.gather [hbm4b:s4+s19], $0x40, s24, s19, $0xb8;
	[tilespmem:$0x16800] =	vst v63  }
0x2d: {  	s29 =	simm.s32 $0xC400;
	p0 =	seq.s32 s21, $0x0;
	s24 =	sor.u32 $0x80, s24  }
0x2e: {  	[tilespmem:s29], [sflag:$0x2] =	stream.indirect.gather [hbm4b:s4+s19], $0x40, s24, s19, $0xb8;
	[tilespmem:$0x16800] =	vst v63  }
0x2f: {  	s24 =	simm.s32 @!p0 $0x3  }
0x30: {  	_ =	swait.ge @!p0 [sflag:s24], $0x400  }
0x31: {  	[sflag:s24] =	ssyncset.done @!p0 $0x0  }
0x32: {  	[sflag:s24] =	ssyncadd.s32 @!p0 $0xFFFFFC00  }
0x33: {  	_ =	swait.ge @!p0 [sflag:s24], $0x400  }
0x34: {  	[sflag:s24] =	ssyncset.done @!p0 $0x0  }
0x35: {  	[sflag:s24] =	ssyncadd.s32 @!p0 $0xFFFFFC00  }
0x36: {  	_ =	swait.ge @!p0 [sflag:s24], $0x400  }
0x37: {  	[sflag:s24] =	ssyncset.done @!p0 $0x0  }
0x38: {  	[sflag:s24] =	ssyncadd.s32 @!p0 $0xFFFFFC00  }
0x39: {  	_ =	swait.ge @!p0 [sflag:s24], $0x400  }
0x3a: {  	[sflag:s24] =	ssyncset.done @!p0 $0x0  }
0x3b: {  	[sflag:s24] =	ssyncadd.s32 @!p0 $0xFFFFFC00  }
0x3c: {  	_ =	swait.ge @!p0 [sflag:s24], $0x400  }
0x3d: {  	[sflag:s24] =	ssyncset.done @!p0 $0x0  }
0x3e: {  	[sflag:s24] =	ssyncadd.s32 @!p0 $0xFFFFFC00  }
0x3f: {  	_ =	swait.ge @!p0 [sflag:s24], $0x400  }
0x40: {  	[sflag:s24] =	ssyncset.done @!p0 $0x0  }
0x41: {  	[sflag:s24] =	ssyncadd.s32 @!p0 $0xFFFFFC00  }
0x42: {  	_ =	swait.ge @!p0 [sflag:s24], $0x400  }
0x43: {  	[sflag:s24] =	ssyncset.done @!p0 $0x0  }
0x44: {  	[sflag:s24] =	ssyncadd.s32 @!p0 $0xFFFFFC00  }
0x45: {  	_ =	swait.ge @!p0 [sflag:s24], $0x400  }
0x46: {  	[sflag:s24] =	ssyncset.done @!p0 $0x0  }
0x47: {  	[sflag:s24] =	ssyncadd.s32 @!p0 $0xFFFFFC00  }
0x48: {  	_ =	swait.ge @!p0 [sflag:s24], $0x400  }
0x49: {  	[sflag:s24] =	ssyncset.done @!p0 $0x0  }
0x4a: {  	[sflag:s24] =	ssyncadd.s32 @!p0 $0xFFFFFC00  }
0x4b: {  	_ =	swait.ge @!p0 [sflag:s24], $0x400  }
0x4c: {  	[sflag:s24] =	ssyncset.done @!p0 $0x0  }
0x4d: {  	[sflag:s24] =	ssyncadd.s32 @!p0 $0xFFFFFC00  }
0x4e: {  	_ =	swait.ge @!p0 [sflag:s24], $0x400  }
0x4f: {  	[sflag:s24] =	ssyncset.done @!p0 $0x0  }
0x50: {  	[sflag:s24] =	ssyncadd.s32 @!p0 $0xFFFFFC00  }
0x51: {  	_ =	swait.ge @!p0 [sflag:s24], $0x400  }
0x52: {  	[sflag:s24] =	ssyncset.done @!p0 $0x0  }
0x53: {  	[sflag:s24] =	ssyncadd.s32 @!p0 $0xFFFFFC00  }
0x54: {  	_ =	swait.ge @!p0 [sflag:s24], $0x400  }
0x55: {  	[sflag:s24] =	ssyncset.done @!p0 $0x0  }
0x56: {  	[sflag:s24] =	ssyncadd.s32 @!p0 $0xFFFFFC00  }
0x57: {  	_ =	swait.ge @!p0 [sflag:s24], $0x400  }
0x58: {  	[sflag:s24] =	ssyncset.done @!p0 $0x0  }
0x59: {  	[sflag:s24] =	ssyncadd.s32 @!p0 $0xFFFFFC00  }
0x5a: {  	_ =	swait.ge @!p0 [sflag:s24], $0x400  }
0x5b: {  	[sflag:s24] =	ssyncset.done @!p0 $0x0  }
0x5c: {  	[sflag:s24] =	ssyncadd.s32 @!p0 $0xFFFFFC00  }
0x5d: {  	_ =	swait.ge @!p0 [sflag:s24], $0x400  }
0x5e: {  	[sflag:s24] =	ssyncset.done @!p0 $0x0  }
0x5f: {  	[sflag:s24] =	ssyncadd.s32 @!p0 $0xFFFFFC00;
	s24 =	simm.s32 $0x6480  }
0x60: {  	v4 =	vmov s20;
	v5 =	vld [tilespmem:s24+$0xFFFFFF80]  }
0x61: {  	v4 =	vand.u32 $0xFC, v4;
	v6 =	vld [tilespmem:s24+$0xFFFFFF90]  }
0x62: {  	v8 =	vadd.s32 v0, v4;
	v7 =	vld [tilespmem:s24+$0xFFFFFFA0]  }
0x63: {  	v10 =	vadd.s32 v1, v4;
	v9 =	vld [tilespmem:s24+$0xFFFFFFB0]  }
0x64: {  	v11 =	vadd.s32 v2, v4  }
0x65: {  	v4 =	vadd.s32 v3, v4;
	v5 =	vmul.f32 $8.000000000e+00, v5  }
0x66: {  	v6 =	vmul.f32 $8.000000000e+00, v6  }
0x67: {  	v7 =	vmul.f32 $8.000000000e+00, v7;
	[tilespmem:v8+s25+$0x0] =	vst.idx.msk $0xffff, v5  }
0x68: {  	v5 =	vmul.f32 $8.000000000e+00, v9;
	[tilespmem:v10+s25+$0x0] =	vst.idx.msk $0xffff, v6  }
0x69: {  	[tilespmem:v11+s25+$0x0] =	vst.idx.msk $0xffff, v7  }
0x6a: {  	s30 =	simm.s32 $0x1;
	[tilespmem:v4+s25+$0x0] =	vst.idx.msk $0xffff, v5  }
0x6b: {  	v4 =	vmov s30;
	v5 =	vld [tilespmem:s24+$0xFFFFFFC0]  }
0x6c: {  	v6 =	vld [tilespmem:s24+$0xFFFFFFD0];
	v4 =	vand.u32 $0xFD, v4  }
0x6d: {  	v7 =	vld [tilespmem:s24+$0xFFFFFFE0];
	v53 =	vadd.s32 v0, v4  }
0x6e: {  	v54 =	vld [tilespmem:s24+$0xFFFFFFF0];
	v55 =	vadd.s32 v1, v4  }
0x6f: {  	v56 =	vadd.s32 v2, v4  }
0x70: {  	v4 =	vadd.s32 v3, v4;
	v5 =	vmul.f32 $8.000000000e+00, v5  }
0x71: {  	v6 =	vmul.f32 $8.000000000e+00, v6  }
0x72: {  	v7 =	vmul.f32 $8.000000000e+00, v7;
	[tilespmem:v53+s25+$0x0] =	vst.idx.msk $0xffff, v5  }
0x73: {  	v5 =	vmul.f32 $8.000000000e+00, v54;
	[tilespmem:v55+s25+$0x0] =	vst.idx.msk $0xffff, v6  }
0x74: {  	[tilespmem:v56+s25+$0x0] =	vst.idx.msk $0xffff, v7  }
0x75: {  	s29 =	simm.s32 $0x2;
	[tilespmem:v4+s25+$0x0] =	vst.idx.msk $0xffff, v5  }
0x76: {  	v4 =	vmov s29;
	v5 =	vld [tilespmem:s24+$0x0]  }
0x77: {  	v6 =	vld [tilespmem:s24+$0x10];
	v4 =	vand.u32 $0xFE, v4  }
0x78: {  	v7 =	vld [tilespmem:s24+$0x20];
	v57 =	vadd.s32 v0, v4  }
0x79: {  	v58 =	vld [tilespmem:s24+$0x30];
	v59 =	vadd.s32 v1, v4  }
0x7a: {  	v60 =	vadd.s32 v2, v4  }
0x7b: {  	v4 =	vadd.s32 v3, v4;
	v5 =	vmul.f32 $8.000000000e+00, v5  }
0x7c: {  	v6 =	vmul.f32 $8.000000000e+00, v6  }
0x7d: {  	v7 =	vmul.f32 $8.000000000e+00, v7;
	[tilespmem:v57+s25+$0x0] =	vst.idx.msk $0xffff, v5  }
0x7e: {  	v5 =	vmul.f32 $8.000000000e+00, v58;
	[tilespmem:v59+s25+$0x0] =	vst.idx.msk $0xffff, v6  }
0x7f: {  	[tilespmem:v60+s25+$0x0] =	vst.idx.msk $0xffff, v7  }
0x80: {  	s30 =	simm.s32 $0x3;
	[tilespmem:v4+s25+$0x0] =	vst.idx.msk $0xffff, v5  }
0x81: {  	v4 =	vmov s30;
	v5 =	vld [tilespmem:s24+$0x40]  }
0x82: {  	v6 =	vld [tilespmem:s24+$0x50];
	v4 =	vand.u32 $0xFF, v4  }
0x83: {  	v7 =	vld [tilespmem:s24+$0x60];
	v61 =	vadd.s32 v0, v4  }
0x84: {  	v62 =	vadd.s32 v1, v4  }
0x85: {  	v10 =	vld [tilespmem:s24+$0x70];
	v63 =	vadd.s32 v2, v4  }
0x86: {  	v5 =	vmul.f32 $8.000000000e+00, v5  }
0x87: {  	v4 =	vadd.s32 v3, v4;
	v6 =	vmul.f32 $8.000000000e+00, v6  }
0x88: {  	v7 =	vmul.f32 $8.000000000e+00, v7;
	[tilespmem:v61+s25+$0x0] =	vst.idx.msk $0xffff, v5  }
0x89: {  	[tilespmem:v62+s25+$0x0] =	vst.idx.msk $0xffff, v6  }
0x8a: {  	s28 =	simm.s32 $0x4;
	s26 =	sshll.u32 s21, $0x1;
	v5 =	vmul.f32 $8.000000000e+00, v10;
	[tilespmem:v63+s25+$0x0] =	vst.idx.msk $0xffff, v7  }
.LBB2_7:
0x8b: {  	p0 =	slt.u32 s28, $0xFC  }
0x8c: {  	[tilespmem:v4+s25+$0x0] =	vst.idx.msk $0xffff, v5;
	s24 =	sadd.s32 $0x100, s24;
	s29 =	smov.u32 s28;
	s28 =	sadd.s32 $0x4, s28  }
0x8d: {  	v4 =	vmov s29;
	v5 =	vld [tilespmem:s24+$0xFFFFFF80]  }
0x8e: {  	v6 =	vld [tilespmem:s24+$0xFFFFFF90];
	v4 =	vand.u32 $0xFC, v4  }
0x8f: {  	v7 =	vld [tilespmem:s24+$0xFFFFFFA0];
	v8 =	vadd.s32 v0, v4  }
0x90: {  	v10 =	vadd.s32 v1, v4;
	v9 =	vld [tilespmem:s24+$0xFFFFFFB0]  }
0x91: {  	v11 =	vadd.s32 v2, v4  }
0x92: {  	v4 =	vadd.s32 v3, v4;
	v5 =	vmul.f32 $8.000000000e+00, v5  }
0x93: {  	v6 =	vmul.f32 $8.000000000e+00, v6  }
0x94: {  	v7 =	vmul.f32 $8.000000000e+00, v7;
	[tilespmem:v8+s25+$0x0] =	vst.idx.msk $0xffff, v5  }
0x95: {  	v5 =	vmul.f32 $8.000000000e+00, v9;
	[tilespmem:v10+s25+$0x0] =	vst.idx.msk $0xffff, v6  }
0x96: {  	[tilespmem:v11+s25+$0x0] =	vst.idx.msk $0xffff, v7  }
0x97: {  	s30 =	sadd.s32 $0x1, s29;
	[tilespmem:v4+s25+$0x0] =	vst.idx.msk $0xffff, v5  }
0x98: {  	v4 =	vmov s30;
	v5 =	vld [tilespmem:s24+$0xFFFFFFC0]  }
0x99: {  	v4 =	vand.u32 $0xFD, v4;
	v6 =	vld [tilespmem:s24+$0xFFFFFFD0]  }
0x9a: {  	v8 =	vadd.s32 v0, v4;
	v7 =	vld [tilespmem:s24+$0xFFFFFFE0]  }
0x9b: {  	v10 =	vadd.s32 v1, v4;
	v9 =	vld [tilespmem:s24+$0xFFFFFFF0]  }
0x9c: {  	v11 =	vadd.s32 v2, v4  }
0x9d: {  	v4 =	vadd.s32 v3, v4;
	v5 =	vmul.f32 $8.000000000e+00, v5  }
0x9e: {  	v6 =	vmul.f32 $8.000000000e+00, v6  }
0x9f: {  	v7 =	vmul.f32 $8.000000000e+00, v7;
	[tilespmem:v8+s25+$0x0] =	vst.idx.msk $0xffff, v5  }
0xa0: {  	v5 =	vmul.f32 $8.000000000e+00, v9;
	[tilespmem:v10+s25+$0x0] =	vst.idx.msk $0xffff, v6  }
0xa1: {  	[tilespmem:v11+s25+$0x0] =	vst.idx.msk $0xffff, v7  }
0xa2: {  	s30 =	sadd.s32 $0x2, s29;
	[tilespmem:v4+s25+$0x0] =	vst.idx.msk $0xffff, v5  }
0xa3: {  	v4 =	vmov s30;
	v5 =	vld [tilespmem:s24+$0x0]  }
0xa4: {  	v4 =	vand.u32 $0xFE, v4;
	v6 =	vld [tilespmem:s24+$0x10]  }
0xa5: {  	v8 =	vadd.s32 v0, v4;
	v7 =	vld [tilespmem:s24+$0x20]  }
0xa6: {  	v10 =	vadd.s32 v1, v4;
	v9 =	vld [tilespmem:s24+$0x30]  }
0xa7: {  	v11 =	vadd.s32 v2, v4  }
0xa8: {  	v4 =	vadd.s32 v3, v4;
	v5 =	vmul.f32 $8.000000000e+00, v5  }
0xa9: {  	v6 =	vmul.f32 $8.000000000e+00, v6  }
0xaa: {  	v7 =	vmul.f32 $8.000000000e+00, v7;
	[tilespmem:v8+s25+$0x0] =	vst.idx.msk $0xffff, v5  }
0xab: {  	v5 =	vmul.f32 $8.000000000e+00, v9;
	[tilespmem:v10+s25+$0x0] =	vst.idx.msk $0xffff, v6  }
0xac: {  	[tilespmem:v11+s25+$0x0] =	vst.idx.msk $0xffff, v7  }
0xad: {  	s29 =	sadd.s32 $0x3, s29;
	[tilespmem:v4+s25+$0x0] =	vst.idx.msk $0xffff, v5  }
0xae: {  	v4 =	vmov s29;
	v5 =	vld [tilespmem:s24+$0x40]  }
0xaf: {  	v4 =	vand.u32 $0xFF, v4;
	v6 =	vld [tilespmem:s24+$0x50]  }
0xb0: {  	v8 =	vadd.s32 v0, v4;
	v7 =	vld [tilespmem:s24+$0x60]  }
0xb1: {  	v10 =	vadd.s32 v1, v4;
	v9 =	vld [tilespmem:s24+$0x70]  }
0xb2: {  	v11 =	vadd.s32 v2, v4  }
.Ltmp2:
0xb3: {  	v4 =	vadd.s32 v3, v4;
	v5 =	vmul.f32 $8.000000000e+00, v5;
	(pc) =	sbr.rel @p0 .LBB2_7-.Ltmp2, $4  }
0xb4: {  	v6 =	vmul.f32 $8.000000000e+00, v6  }
0xb5: {  	v7 =	vmul.f32 $8.000000000e+00, v7;
	[tilespmem:v8+s25+$0x0] =	vst.idx.msk $0xffff, v5  }
0xb6: {  	v5 =	vmul.f32 $8.000000000e+00, v9;
	[tilespmem:v10+s25+$0x0] =	vst.idx.msk $0xffff, v6  }
0xb7: {  	[tilespmem:v11+s25+$0x0] =	vst.idx.msk $0xffff, v7  }
0xb8: {  	s24 =	sadd.s32 s5, s26  }
0xb9: {  	s26 =	sshll.u32 s24, $0x12  }
0xba: {  	s24 =	sor.u32 s8, s26  }
0xbb: {  	s24 =	sshrl.u32 s24, $0x3  }
0xbc: {  	[tilespmem:v4+s25+$0x0] =	vst.idx.msk $0xffff, v5;
	s28 =	sadd.s32 s2, s24  }
0xbd: {  	[hbm4b:s28+s3] =	stream.linear.scatter [tilespmem:s25], [sflag:$0x3], $0x80, $0x38;
	[tilespmem:$0x16800] =	vst v63  }
0xbe: {  	s30 =	simm.s32 $0xE508;
	s29 =	sadd.s32 $0x10, s28  }
0xbf: {  	[hbm4b:s29+s3] =	stream.linear.scatter [tilespmem:s30], [sflag:$0x3], $0x80, $0x38;
	[tilespmem:$0x16800] =	vst v63  }
0xc0: {  	s29 =	sadd.s32 $0x20, s28;
	s30 =	simm.s32 $0xE610  }
0xc1: {  	[hbm4b:s29+s3] =	stream.linear.scatter [tilespmem:s30], [sflag:$0x3], $0x80, $0x38;
	[tilespmem:$0x16800] =	vst v63  }
0xc2: {  	s29 =	sadd.s32 $0x30, s28;
	s30 =	simm.s32 $0xE718  }
0xc3: {  	[hbm4b:s29+s3] =	stream.linear.scatter [tilespmem:s30], [sflag:$0x3], $0x80, $0x38;
	[tilespmem:$0x16800] =	vst v63  }
0xc4: {  	s29 =	sadd.s32 $0x40, s28;
	s30 =	simm.s32 $0xE820  }
0xc5: {  	[hbm4b:s29+s3] =	stream.linear.scatter [tilespmem:s30], [sflag:$0x3], $0x80, $0x38;
	[tilespmem:$0x16800] =	vst v63  }
0xc6: {  	s29 =	sadd.s32 $0x50, s28;
	s30 =	simm.s32 $0xE928  }
0xc7: {  	[hbm4b:s29+s3] =	stream.linear.scatter [tilespmem:s30], [sflag:$0x3], $0x80, $0x38;
	[tilespmem:$0x16800] =	vst v63  }
0xc8: {  	s26 =	sor.u32 s9, s26;
	s29 =	sadd.s32 $0x60, s28;
	s30 =	simm.s32 $0xEA30  }
0xc9: {  	[hbm4b:s29+s3] =	stream.linear.scatter [tilespmem:s30], [sflag:$0x3], $0x80, $0x38;
	[tilespmem:$0x16800] =	vst v63  }
0xca: {  	s26 =	sshrl.u32 s26, $0x3;
	s28 =	sadd.s32 $0x70, s28;
	s30 =	simm.s32 $0xEB38  }
0xcb: {  	[hbm4b:s28+s3] =	stream.linear.scatter [tilespmem:s30], [sflag:$0x3], $0x80, $0x38;
	[tilespmem:$0x16800] =	vst v63  }
0xcc: {  	s28 =	sadd.s32 s2, s26;
	s30 =	simm.s32 $0xE480  }
0xcd: {  	[hbm4b:s28+s3] =	stream.linear.scatter [tilespmem:s30], [sflag:$0x3], $0x80, $0x38;
	[tilespmem:$0x16800] =	vst v63  }
0xce: {  	s29 =	sadd.s32 $0x10, s28;
	s30 =	simm.s32 $0xE588  }
0xcf: {  	[hbm4b:s29+s3] =	stream.linear.scatter [tilespmem:s30], [sflag:$0x3], $0x80, $0x38;
	[tilespmem:$0x16800] =	vst v63  }
0xd0: {  	s29 =	sadd.s32 $0x20, s28;
	s30 =	simm.s32 $0xE690  }
0xd1: {  	[hbm4b:s29+s3] =	stream.linear.scatter [tilespmem:s30], [sflag:$0x3], $0x80, $0x38;
	[tilespmem:$0x16800] =	vst v63  }
0xd2: {  	s29 =	sadd.s32 $0x30, s28;
	s30 =	simm.s32 $0xE798  }
0xd3: {  	[hbm4b:s29+s3] =	stream.linear.scatter [tilespmem:s30], [sflag:$0x3], $0x80, $0x38;
	[tilespmem:$0x16800] =	vst v63  }
0xd4: {  	s29 =	sadd.s32 $0x40, s28;
	s30 =	simm.s32 $0xE8A0  }
0xd5: {  	[hbm4b:s29+s3] =	stream.linear.scatter [tilespmem:s30], [sflag:$0x3], $0x80, $0x38;
	[tilespmem:$0x16800] =	vst v63  }
0xd6: {  	s29 =	sadd.s32 $0x50, s28;
	s30 =	simm.s32 $0xE9A8  }
0xd7: {  	[hbm4b:s29+s3] =	stream.linear.scatter [tilespmem:s30], [sflag:$0x3], $0x80, $0x38;
	[tilespmem:$0x16800] =	vst v63  }
0xd8: {  	s29 =	sadd.s32 $0x60, s28;
	s30 =	simm.s32 $0xEAB0  }
0xd9: {  	[hbm4b:s29+s3] =	stream.linear.scatter [tilespmem:s30], [sflag:$0x3], $0x80, $0x38;
	[tilespmem:$0x16800] =	vst v63  }
0xda: {  	s28 =	sadd.s32 $0x70, s28;
	s30 =	simm.s32 $0xEBB8  }
0xdb: {  	[hbm4b:s28+s3] =	stream.linear.scatter [tilespmem:s30], [sflag:$0x3], $0x80, $0x38;
	[tilespmem:$0x16800] =	vst v63  }
0xdc: {  	s28 =	sadd.s32 s24, s10;
	s30 =	simm.s32 $0xEC40  }
0xdd: {  	[hbm4b:s28+s3] =	stream.linear.scatter [tilespmem:s30], [sflag:$0x3], $0x80, $0x38;
	[tilespmem:$0x16800] =	vst v63  }
0xde: {  	s29 =	sadd.s32 $0x10, s28;
	s30 =	simm.s32 $0xED48  }
0xdf: {  	[hbm4b:s29+s3] =	stream.linear.scatter [tilespmem:s30], [sflag:$0x3], $0x80, $0x38;
	[tilespmem:$0x16800] =	vst v63  }
0xe0: {  	s29 =	sadd.s32 $0x20, s28;
	s30 =	simm.s32 $0xEE50  }
0xe1: {  	[hbm4b:s29+s3] =	stream.linear.scatter [tilespmem:s30], [sflag:$0x3], $0x80, $0x38;
	[tilespmem:$0x16800] =	vst v63  }
0xe2: {  	s29 =	sadd.s32 $0x30, s28;
	s30 =	simm.s32 $0xEF58  }
0xe3: {  	[hbm4b:s29+s3] =	stream.linear.scatter [tilespmem:s30], [sflag:$0x3], $0x80, $0x38;
	[tilespmem:$0x16800] =	vst v63  }
0xe4: {  	s29 =	sadd.s32 $0x40, s28;
	s30 =	simm.s32 $0xF060  }
0xe5: {  	[hbm4b:s29+s3] =	stream.linear.scatter [tilespmem:s30], [sflag:$0x3], $0x80, $0x38;
	[tilespmem:$0x16800] =	vst v63  }
0xe6: {  	s29 =	sadd.s32 $0x50, s28;
	s30 =	simm.s32 $0xF168  }
0xe7: {  	[hbm4b:s29+s3] =	stream.linear.scatter [tilespmem:s30], [sflag:$0x3], $0x80, $0x38;
	[tilespmem:$0x16800] =	vst v63  }
0xe8: {  	s29 =	sadd.s32 $0x60, s28;
	s30 =	simm.s32 $0xF270  }
0xe9: {  	[hbm4b:s29+s3] =	stream.linear.scatter [tilespmem:s30], [sflag:$0x3], $0x80, $0x38;
	[tilespmem:$0x16800] =	vst v63  }
0xea: {  	s28 =	sadd.s32 $0x70, s28;
	s30 =	simm.s32 $0xF378  }
0xeb: {  	[hbm4b:s28+s3] =	stream.linear.scatter [tilespmem:s30], [sflag:$0x3], $0x80, $0x38;
	[tilespmem:$0x16800] =	vst v63  }
0xec: {  	s28 =	sadd.s32 s26, s10;
	s30 =	simm.s32 $0xECC0  }
0xed: {  	[hbm4b:s28+s3] =	stream.linear.scatter [tilespmem:s30], [sflag:$0x3], $0x80, $0x38;
	[tilespmem:$0x16800] =	vst v63  }
0xee: {  	s29 =	sadd.s32 $0x10, s28;
	s30 =	simm.s32 $0xEDC8  }
0xef: {  	[hbm4b:s29+s3] =	stream.linear.scatter [tilespmem:s30], [sflag:$0x3], $0x80, $0x38;
	[tilespmem:$0x16800] =	vst v63  }
0xf0: {  	s29 =	sadd.s32 $0x20, s28;
	s30 =	simm.s32 $0xEED0  }
0xf1: {  	[hbm4b:s29+s3] =	stream.linear.scatter [tilespmem:s30], [sflag:$0x3], $0x80, $0x38;
	[tilespmem:$0x16800] =	vst v63  }
0xf2: {  	s29 =	sadd.s32 $0x30, s28;
	s30 =	simm.s32 $0xEFD8  }
0xf3: {  	[hbm4b:s29+s3] =	stream.linear.scatter [tilespmem:s30], [sflag:$0x3], $0x80, $0x38;
	[tilespmem:$0x16800] =	vst v63  }
0xf4: {  	s29 =	sadd.s32 $0x40, s28;
	s30 =	simm.s32 $0xF0E0  }
0xf5: {  	[hbm4b:s29+s3] =	stream.linear.scatter [tilespmem:s30], [sflag:$0x3], $0x80, $0x38;
	[tilespmem:$0x16800] =	vst v63  }
0xf6: {  	s29 =	sadd.s32 $0x50, s28;
	s30 =	simm.s32 $0xF1E8  }
0xf7: {  	[hbm4b:s29+s3] =	stream.linear.scatter [tilespmem:s30], [sflag:$0x3], $0x80, $0x38;
	[tilespmem:$0x16800] =	vst v63  }
0xf8: {  	s29 =	sadd.s32 $0x60, s28;
	s30 =	simm.s32 $0xF2F0  }
0xf9: {  	[hbm4b:s29+s3] =	stream.linear.scatter [tilespmem:s30], [sflag:$0x3], $0x80, $0x38;
	[tilespmem:$0x16800] =	vst v63  }
0xfa: {  	s28 =	sadd.s32 $0x70, s28;
	s30 =	simm.s32 $0xF3F8  }
0xfb: {  	[hbm4b:s28+s3] =	stream.linear.scatter [tilespmem:s30], [sflag:$0x3], $0x80, $0x38;
	[tilespmem:$0x16800] =	vst v63  }
0xfc: {  	s28 =	sadd.s32 s24, s11;
	s30 =	simm.s32 $0xF480  }
0xfd: {  	[hbm4b:s28+s3] =	stream.linear.scatter [tilespmem:s30], [sflag:$0x3], $0x80, $0x38;
	[tilespmem:$0x16800] =	vst v63  }
0xfe: {  	s29 =	sadd.s32 $0x10, s28;
	s30 =	simm.s32 $0xF588  }
0xff: {  	[hbm4b:s29+s3] =	stream.linear.scatter [tilespmem:s30], [sflag:$0x3], $0x80, $0x38;
	[tilespmem:$0x16800] =	vst v63  }
0x100: {  	s29 =	sadd.s32 $0x20, s28;
	s30 =	simm.s32 $0xF690  }
0x101: {  	[hbm4b:s29+s3] =	stream.linear.scatter [tilespmem:s30], [sflag:$0x3], $0x80, $0x38;
	[tilespmem:$0x16800] =	vst v63  }
0x102: {  	s29 =	sadd.s32 $0x30, s28;
	s30 =	simm.s32 $0xF798  }
0x103: {  	[hbm4b:s29+s3] =	stream.linear.scatter [tilespmem:s30], [sflag:$0x3], $0x80, $0x38;
	[tilespmem:$0x16800] =	vst v63  }
0x104: {  	s29 =	sadd.s32 $0x40, s28;
	s30 =	simm.s32 $0xF8A0  }
0x105: {  	[hbm4b:s29+s3] =	stream.linear.scatter [tilespmem:s30], [sflag:$0x3], $0x80, $0x38;
	[tilespmem:$0x16800] =	vst v63  }
0x106: {  	s29 =	sadd.s32 $0x50, s28;
	s30 =	simm.s32 $0xF9A8  }
0x107: {  	[hbm4b:s29+s3] =	stream.linear.scatter [tilespmem:s30], [sflag:$0x3], $0x80, $0x38;
	[tilespmem:$0x16800] =	vst v63  }
0x108: {  	s29 =	sadd.s32 $0x60, s28;
	s30 =	simm.s32 $0xFAB0  }
0x109: {  	[hbm4b:s29+s3] =	stream.linear.scatter [tilespmem:s30], [sflag:$0x3], $0x80, $0x38;
	[tilespmem:$0x16800] =	vst v63  }
0x10a: {  	s28 =	sadd.s32 $0x70, s28;
	s30 =	simm.s32 $0xFBB8  }
0x10b: {  	[hbm4b:s28+s3] =	stream.linear.scatter [tilespmem:s30], [sflag:$0x3], $0x80, $0x38;
	[tilespmem:$0x16800] =	vst v63  }
0x10c: {  	s28 =	sadd.s32 s26, s11;
	s30 =	simm.s32 $0xF500  }
0x10d: {  	[hbm4b:s28+s3] =	stream.linear.scatter [tilespmem:s30], [sflag:$0x3], $0x80, $0x38;
	[tilespmem:$0x16800] =	vst v63  }
0x10e: {  	s29 =	sadd.s32 $0x10, s28;
	s30 =	simm.s32 $0xF608  }
0x10f: {  	[hbm4b:s29+s3] =	stream.linear.scatter [tilespmem:s30], [sflag:$0x3], $0x80, $0x38;
	[tilespmem:$0x16800] =	vst v63  }
0x110: {  	s29 =	sadd.s32 $0x20, s28;
	s30 =	simm.s32 $0xF710  }
0x111: {  	[hbm4b:s29+s3] =	stream.linear.scatter [tilespmem:s30], [sflag:$0x3], $0x80, $0x38;
	[tilespmem:$0x16800] =	vst v63  }
0x112: {  	s29 =	sadd.s32 $0x30, s28;
	s30 =	simm.s32 $0xF818  }
0x113: {  	[hbm4b:s29+s3] =	stream.linear.scatter [tilespmem:s30], [sflag:$0x3], $0x80, $0x38;
	[tilespmem:$0x16800] =	vst v63  }
0x114: {  	s29 =	sadd.s32 $0x40, s28;
	s30 =	simm.s32 $0xF920  }
0x115: {  	[hbm4b:s29+s3] =	stream.linear.scatter [tilespmem:s30], [sflag:$0x3], $0x80, $0x38;
	[tilespmem:$0x16800] =	vst v63  }
0x116: {  	s29 =	sadd.s32 $0x50, s28;
	s30 =	simm.s32 $0xFA28  }
0x117: {  	[hbm4b:s29+s3] =	stream.linear.scatter [tilespmem:s30], [sflag:$0x3], $0x80, $0x38;
	[tilespmem:$0x16800] =	vst v63  }
0x118: {  	s29 =	sadd.s32 $0x60, s28;
	s30 =	simm.s32 $0xFB30  }
0x119: {  	[hbm4b:s29+s3] =	stream.linear.scatter [tilespmem:s30], [sflag:$0x3], $0x80, $0x38;
	[tilespmem:$0x16800] =	vst v63  }
0x11a: {  	s28 =	sadd.s32 $0x70, s28;
	s30 =	simm.s32 $0xFC38  }
0x11b: {  	[hbm4b:s28+s3] =	stream.linear.scatter [tilespmem:s30], [sflag:$0x3], $0x80, $0x38;
	[tilespmem:$0x16800] =	vst v63  }
0x11c: {  	s28 =	sadd.s32 s24, s12;
	s30 =	simm.s32 $0xFCC0  }
0x11d: {  	[hbm4b:s28+s3] =	stream.linear.scatter [tilespmem:s30], [sflag:$0x3], $0x80, $0x38;
	[tilespmem:$0x16800] =	vst v63  }
0x11e: {  	s29 =	sadd.s32 $0x10, s28;
	s30 =	simm.s32 $0xFDC8  }
0x11f: {  	[hbm4b:s29+s3] =	stream.linear.scatter [tilespmem:s30], [sflag:$0x3], $0x80, $0x38;
	[tilespmem:$0x16800] =	vst v63  }
0x120: {  	s29 =	sadd.s32 $0x20, s28;
	s30 =	simm.s32 $0xFED0  }
0x121: {  	[hbm4b:s29+s3] =	stream.linear.scatter [tilespmem:s30], [sflag:$0x3], $0x80, $0x38;
	[tilespmem:$0x16800] =	vst v63  }
0x122: {  	s29 =	sadd.s32 $0x30, s28;
	s30 =	simm.s32 $0xFFD8  }
0x123: {  	[hbm4b:s29+s3] =	stream.linear.scatter [tilespmem:s30], [sflag:$0x3], $0x80, $0x38;
	[tilespmem:$0x16800] =	vst v63  }
0x124: {  	s29 =	sadd.s32 $0x40, s28;
	s30 =	simm.s32 $0x100E0  }
0x125: {  	[hbm4b:s29+s3] =	stream.linear.scatter [tilespmem:s30], [sflag:$0x3], $0x80, $0x38;
	[tilespmem:$0x16800] =	vst v63  }
0x126: {  	s29 =	sadd.s32 $0x50, s28;
	s30 =	simm.s32 $0x101E8  }
0x127: {  	[hbm4b:s29+s3] =	stream.linear.scatter [tilespmem:s30], [sflag:$0x3], $0x80, $0x38;
	[tilespmem:$0x16800] =	vst v63  }
0x128: {  	s29 =	sadd.s32 $0x60, s28;
	s30 =	simm.s32 $0x102F0  }
0x129: {  	[hbm4b:s29+s3] =	stream.linear.scatter [tilespmem:s30], [sflag:$0x3], $0x80, $0x38;
	[tilespmem:$0x16800] =	vst v63  }
0x12a: {  	s28 =	sadd.s32 $0x70, s28;
	s30 =	simm.s32 $0x103F8  }
0x12b: {  	[hbm4b:s28+s3] =	stream.linear.scatter [tilespmem:s30], [sflag:$0x3], $0x80, $0x38;
	[tilespmem:$0x16800] =	vst v63  }
0x12c: {  	s28 =	sadd.s32 s26, s12;
	s30 =	simm.s32 $0xFD40  }
0x12d: {  	[hbm4b:s28+s3] =	stream.linear.scatter [tilespmem:s30], [sflag:$0x3], $0x80, $0x38;
	[tilespmem:$0x16800] =	vst v63  }
0x12e: {  	s29 =	sadd.s32 $0x10, s28;
	s30 =	simm.s32 $0xFE48  }
0x12f: {  	[hbm4b:s29+s3] =	stream.linear.scatter [tilespmem:s30], [sflag:$0x3], $0x80, $0x38;
	[tilespmem:$0x16800] =	vst v63  }
0x130: {  	s29 =	sadd.s32 $0x20, s28;
	s30 =	simm.s32 $0xFF50  }
0x131: {  	[hbm4b:s29+s3] =	stream.linear.scatter [tilespmem:s30], [sflag:$0x3], $0x80, $0x38;
	[tilespmem:$0x16800] =	vst v63  }
0x132: {  	s29 =	sadd.s32 $0x30, s28;
	s30 =	simm.s32 $0x10058  }
0x133: {  	[hbm4b:s29+s3] =	stream.linear.scatter [tilespmem:s30], [sflag:$0x3], $0x80, $0x38;
	[tilespmem:$0x16800] =	vst v63  }
0x134: {  	s29 =	sadd.s32 $0x40, s28;
	s30 =	simm.s32 $0x10160  }
0x135: {  	[hbm4b:s29+s3] =	stream.linear.scatter [tilespmem:s30], [sflag:$0x3], $0x80, $0x38;
	[tilespmem:$0x16800] =	vst v63  }
0x136: {  	s29 =	sadd.s32 $0x50, s28;
	s30 =	simm.s32 $0x10268  }
0x137: {  	[hbm4b:s29+s3] =	stream.linear.scatter [tilespmem:s30], [sflag:$0x3], $0x80, $0x38;
	[tilespmem:$0x16800] =	vst v63  }
0x138: {  	s29 =	sadd.s32 $0x60, s28;
	s30 =	simm.s32 $0x10370  }
0x139: {  	[hbm4b:s29+s3] =	stream.linear.scatter [tilespmem:s30], [sflag:$0x3], $0x80, $0x38;
	[tilespmem:$0x16800] =	vst v63  }
0x13a: {  	s28 =	sadd.s32 $0x70, s28;
	s30 =	simm.s32 $0x10478  }
0x13b: {  	[hbm4b:s28+s3] =	stream.linear.scatter [tilespmem:s30], [sflag:$0x3], $0x80, $0x38;
	[tilespmem:$0x16800] =	vst v63  }
0x13c: {  	s28 =	sadd.s32 s24, s13;
	s30 =	simm.s32 $0x10500  }
0x13d: {  	[hbm4b:s28+s3] =	stream.linear.scatter [tilespmem:s30], [sflag:$0x3], $0x80, $0x38;
	[tilespmem:$0x16800] =	vst v63  }
0x13e: {  	s29 =	sadd.s32 $0x10, s28;
	s30 =	simm.s32 $0x10608  }
0x13f: {  	[hbm4b:s29+s3] =	stream.linear.scatter [tilespmem:s30], [sflag:$0x3], $0x80, $0x38;
	[tilespmem:$0x16800] =	vst v63  }
0x140: {  	s29 =	sadd.s32 $0x20, s28;
	s30 =	simm.s32 $0x10710  }
0x141: {  	[hbm4b:s29+s3] =	stream.linear.scatter [tilespmem:s30], [sflag:$0x3], $0x80, $0x38;
	[tilespmem:$0x16800] =	vst v63  }
0x142: {  	s29 =	sadd.s32 $0x30, s28;
	s30 =	simm.s32 $0x10818  }
0x143: {  	[hbm4b:s29+s3] =	stream.linear.scatter [tilespmem:s30], [sflag:$0x3], $0x80, $0x38;
	[tilespmem:$0x16800] =	vst v63  }
0x144: {  	s29 =	sadd.s32 $0x40, s28;
	s30 =	simm.s32 $0x10920  }
0x145: {  	[hbm4b:s29+s3] =	stream.linear.scatter [tilespmem:s30], [sflag:$0x3], $0x80, $0x38;
	[tilespmem:$0x16800] =	vst v63  }
0x146: {  	s29 =	sadd.s32 $0x50, s28;
	s30 =	simm.s32 $0x10A28  }
0x147: {  	[hbm4b:s29+s3] =	stream.linear.scatter [tilespmem:s30], [sflag:$0x3], $0x80, $0x38;
	[tilespmem:$0x16800] =	vst v63  }
0x148: {  	s29 =	sadd.s32 $0x60, s28;
	s30 =	simm.s32 $0x10B30  }
0x149: {  	[hbm4b:s29+s3] =	stream.linear.scatter [tilespmem:s30], [sflag:$0x3], $0x80, $0x38;
	[tilespmem:$0x16800] =	vst v63  }
0x14a: {  	s28 =	sadd.s32 $0x70, s28;
	s30 =	simm.s32 $0x10C38  }
0x14b: {  	[hbm4b:s28+s3] =	stream.linear.scatter [tilespmem:s30], [sflag:$0x3], $0x80, $0x38;
	[tilespmem:$0x16800] =	vst v63  }
0x14c: {  	s28 =	sadd.s32 s26, s13;
	s30 =	simm.s32 $0x10580  }
0x14d: {  	[hbm4b:s28+s3] =	stream.linear.scatter [tilespmem:s30], [sflag:$0x3], $0x80, $0x38;
	[tilespmem:$0x16800] =	vst v63  }
0x14e: {  	s29 =	sadd.s32 $0x10, s28;
	s30 =	simm.s32 $0x10688  }
0x14f: {  	[hbm4b:s29+s3] =	stream.linear.scatter [tilespmem:s30], [sflag:$0x3], $0x80, $0x38;
	[tilespmem:$0x16800] =	vst v63  }
0x150: {  	s29 =	sadd.s32 $0x20, s28;
	s30 =	simm.s32 $0x10790  }
0x151: {  	[hbm4b:s29+s3] =	stream.linear.scatter [tilespmem:s30], [sflag:$0x3], $0x80, $0x38;
	[tilespmem:$0x16800] =	vst v63  }
0x152: {  	s29 =	sadd.s32 $0x30, s28;
	s30 =	simm.s32 $0x10898  }
0x153: {  	[hbm4b:s29+s3] =	stream.linear.scatter [tilespmem:s30], [sflag:$0x3], $0x80, $0x38;
	[tilespmem:$0x16800] =	vst v63  }
0x154: {  	s29 =	sadd.s32 $0x40, s28;
	s30 =	simm.s32 $0x109A0  }
0x155: {  	[hbm4b:s29+s3] =	stream.linear.scatter [tilespmem:s30], [sflag:$0x3], $0x80, $0x38;
	[tilespmem:$0x16800] =	vst v63  }
0x156: {  	s29 =	sadd.s32 $0x50, s28;
	s30 =	simm.s32 $0x10AA8  }
0x157: {  	[hbm4b:s29+s3] =	stream.linear.scatter [tilespmem:s30], [sflag:$0x3], $0x80, $0x38;
	[tilespmem:$0x16800] =	vst v63  }
0x158: {  	s29 =	sadd.s32 $0x60, s28;
	s30 =	simm.s32 $0x10BB0  }
0x159: {  	[hbm4b:s29+s3] =	stream.linear.scatter [tilespmem:s30], [sflag:$0x3], $0x80, $0x38;
	[tilespmem:$0x16800] =	vst v63  }
0x15a: {  	s28 =	sadd.s32 $0x70, s28;
	s30 =	simm.s32 $0x10CB8  }
0x15b: {  	[hbm4b:s28+s3] =	stream.linear.scatter [tilespmem:s30], [sflag:$0x3], $0x80, $0x38;
	[tilespmem:$0x16800] =	vst v63  }
0x15c: {  	s28 =	sadd.s32 s24, s14;
	s30 =	simm.s32 $0x10D40  }
0x15d: {  	[hbm4b:s28+s3] =	stream.linear.scatter [tilespmem:s30], [sflag:$0x3], $0x80, $0x38;
	[tilespmem:$0x16800] =	vst v63  }
0x15e: {  	s29 =	sadd.s32 $0x10, s28;
	s30 =	simm.s32 $0x10E48  }
0x15f: {  	[hbm4b:s29+s3] =	stream.linear.scatter [tilespmem:s30], [sflag:$0x3], $0x80, $0x38;
	[tilespmem:$0x16800] =	vst v63  }
0x160: {  	s29 =	sadd.s32 $0x20, s28;
	s30 =	simm.s32 $0x10F50  }
0x161: {  	[hbm4b:s29+s3] =	stream.linear.scatter [tilespmem:s30], [sflag:$0x3], $0x80, $0x38;
	[tilespmem:$0x16800] =	vst v63  }
0x162: {  	s29 =	sadd.s32 $0x30, s28;
	s30 =	simm.s32 $0x11058  }
0x163: {  	[hbm4b:s29+s3] =	stream.linear.scatter [tilespmem:s30], [sflag:$0x3], $0x80, $0x38;
	[tilespmem:$0x16800] =	vst v63  }
0x164: {  	s29 =	sadd.s32 $0x40, s28;
	s30 =	simm.s32 $0x11160  }
0x165: {  	[hbm4b:s29+s3] =	stream.linear.scatter [tilespmem:s30], [sflag:$0x3], $0x80, $0x38;
	[tilespmem:$0x16800] =	vst v63  }
0x166: {  	s29 =	sadd.s32 $0x50, s28;
	s30 =	simm.s32 $0x11268  }
0x167: {  	[hbm4b:s29+s3] =	stream.linear.scatter [tilespmem:s30], [sflag:$0x3], $0x80, $0x38;
	[tilespmem:$0x16800] =	vst v63  }
0x168: {  	s29 =	sadd.s32 $0x60, s28;
	s30 =	simm.s32 $0x11370  }
0x169: {  	[hbm4b:s29+s3] =	stream.linear.scatter [tilespmem:s30], [sflag:$0x3], $0x80, $0x38;
	[tilespmem:$0x16800] =	vst v63  }
0x16a: {  	s28 =	sadd.s32 $0x70, s28;
	s30 =	simm.s32 $0x11478  }
0x16b: {  	[hbm4b:s28+s3] =	stream.linear.scatter [tilespmem:s30], [sflag:$0x3], $0x80, $0x38;
	[tilespmem:$0x16800] =	vst v63  }
0x16c: {  	s28 =	sadd.s32 s26, s14;
	s30 =	simm.s32 $0x10DC0  }
0x16d: {  	[hbm4b:s28+s3] =	stream.linear.scatter [tilespmem:s30], [sflag:$0x3], $0x80, $0x38;
	[tilespmem:$0x16800] =	vst v63  }
0x16e: {  	s29 =	sadd.s32 $0x10, s28;
	s30 =	simm.s32 $0x10EC8  }
0x16f: {  	[hbm4b:s29+s3] =	stream.linear.scatter [tilespmem:s30], [sflag:$0x3], $0x80, $0x38;
	[tilespmem:$0x16800] =	vst v63  }
0x170: {  	s29 =	sadd.s32 $0x20, s28;
	s30 =	simm.s32 $0x10FD0  }
0x171: {  	[hbm4b:s29+s3] =	stream.linear.scatter [tilespmem:s30], [sflag:$0x3], $0x80, $0x38;
	[tilespmem:$0x16800] =	vst v63  }
0x172: {  	s29 =	sadd.s32 $0x30, s28;
	s30 =	simm.s32 $0x110D8  }
0x173: {  	[hbm4b:s29+s3] =	stream.linear.scatter [tilespmem:s30], [sflag:$0x3], $0x80, $0x38;
	[tilespmem:$0x16800] =	vst v63  }
0x174: {  	s29 =	sadd.s32 $0x40, s28;
	s30 =	simm.s32 $0x111E0  }
0x175: {  	[hbm4b:s29+s3] =	stream.linear.scatter [tilespmem:s30], [sflag:$0x3], $0x80, $0x38;
	[tilespmem:$0x16800] =	vst v63  }
0x176: {  	s29 =	sadd.s32 $0x50, s28;
	s30 =	simm.s32 $0x112E8  }
0x177: {  	[hbm4b:s29+s3] =	stream.linear.scatter [tilespmem:s30], [sflag:$0x3], $0x80, $0x38;
	[tilespmem:$0x16800] =	vst v63  }
0x178: {  	s29 =	sadd.s32 $0x60, s28;
	s30 =	simm.s32 $0x113F0  }
0x179: {  	[hbm4b:s29+s3] =	stream.linear.scatter [tilespmem:s30], [sflag:$0x3], $0x80, $0x38;
	[tilespmem:$0x16800] =	vst v63  }
0x17a: {  	s28 =	sadd.s32 $0x70, s28;
	s30 =	simm.s32 $0x114F8  }
0x17b: {  	[hbm4b:s28+s3] =	stream.linear.scatter [tilespmem:s30], [sflag:$0x3], $0x80, $0x38;
	[tilespmem:$0x16800] =	vst v63  }
0x17c: {  	s28 =	sadd.s32 s24, s15;
	s30 =	simm.s32 $0x11580  }
0x17d: {  	[hbm4b:s28+s3] =	stream.linear.scatter [tilespmem:s30], [sflag:$0x3], $0x80, $0x38;
	[tilespmem:$0x16800] =	vst v63  }
0x17e: {  	s29 =	sadd.s32 $0x10, s28;
	s30 =	simm.s32 $0x11688  }
0x17f: {  	[hbm4b:s29+s3] =	stream.linear.scatter [tilespmem:s30], [sflag:$0x3], $0x80, $0x38;
	[tilespmem:$0x16800] =	vst v63  }
0x180: {  	s29 =	sadd.s32 $0x20, s28;
	s30 =	simm.s32 $0x11790  }
0x181: {  	[hbm4b:s29+s3] =	stream.linear.scatter [tilespmem:s30], [sflag:$0x3], $0x80, $0x38;
	[tilespmem:$0x16800] =	vst v63  }
0x182: {  	s29 =	sadd.s32 $0x30, s28;
	s30 =	simm.s32 $0x11898  }
0x183: {  	[hbm4b:s29+s3] =	stream.linear.scatter [tilespmem:s30], [sflag:$0x3], $0x80, $0x38;
	[tilespmem:$0x16800] =	vst v63  }
0x184: {  	s29 =	sadd.s32 $0x40, s28;
	s30 =	simm.s32 $0x119A0  }
0x185: {  	[hbm4b:s29+s3] =	stream.linear.scatter [tilespmem:s30], [sflag:$0x3], $0x80, $0x38;
	[tilespmem:$0x16800] =	vst v63  }
0x186: {  	s29 =	sadd.s32 $0x50, s28;
	s30 =	simm.s32 $0x11AA8  }
0x187: {  	[hbm4b:s29+s3] =	stream.linear.scatter [tilespmem:s30], [sflag:$0x3], $0x80, $0x38;
	[tilespmem:$0x16800] =	vst v63  }
0x188: {  	s29 =	sadd.s32 $0x60, s28;
	s30 =	simm.s32 $0x11BB0  }
0x189: {  	[hbm4b:s29+s3] =	stream.linear.scatter [tilespmem:s30], [sflag:$0x3], $0x80, $0x38;
	[tilespmem:$0x16800] =	vst v63  }
0x18a: {  	s28 =	sadd.s32 $0x70, s28;
	s30 =	simm.s32 $0x11CB8  }
0x18b: {  	[hbm4b:s28+s3] =	stream.linear.scatter [tilespmem:s30], [sflag:$0x3], $0x80, $0x38;
	[tilespmem:$0x16800] =	vst v63  }
0x18c: {  	s28 =	sadd.s32 s26, s15;
	s30 =	simm.s32 $0x11600  }
0x18d: {  	[hbm4b:s28+s3] =	stream.linear.scatter [tilespmem:s30], [sflag:$0x3], $0x80, $0x38;
	[tilespmem:$0x16800] =	vst v63  }
0x18e: {  	s29 =	sadd.s32 $0x10, s28;
	s30 =	simm.s32 $0x11708  }
0x18f: {  	[hbm4b:s29+s3] =	stream.linear.scatter [tilespmem:s30], [sflag:$0x3], $0x80, $0x38;
	[tilespmem:$0x16800] =	vst v63  }
0x190: {  	s29 =	sadd.s32 $0x20, s28;
	s30 =	simm.s32 $0x11810  }
0x191: {  	[hbm4b:s29+s3] =	stream.linear.scatter [tilespmem:s30], [sflag:$0x3], $0x80, $0x38;
	[tilespmem:$0x16800] =	vst v63  }
0x192: {  	s29 =	sadd.s32 $0x30, s28;
	s30 =	simm.s32 $0x11918  }
0x193: {  	[hbm4b:s29+s3] =	stream.linear.scatter [tilespmem:s30], [sflag:$0x3], $0x80, $0x38;
	[tilespmem:$0x16800] =	vst v63  }
0x194: {  	s29 =	sadd.s32 $0x40, s28;
	s30 =	simm.s32 $0x11A20  }
0x195: {  	[hbm4b:s29+s3] =	stream.linear.scatter [tilespmem:s30], [sflag:$0x3], $0x80, $0x38;
	[tilespmem:$0x16800] =	vst v63  }
0x196: {  	s29 =	sadd.s32 $0x50, s28;
	s30 =	simm.s32 $0x11B28  }
0x197: {  	[hbm4b:s29+s3] =	stream.linear.scatter [tilespmem:s30], [sflag:$0x3], $0x80, $0x38;
	[tilespmem:$0x16800] =	vst v63  }
0x198: {  	s29 =	sadd.s32 $0x60, s28;
	s30 =	simm.s32 $0x11C30  }
0x199: {  	[hbm4b:s29+s3] =	stream.linear.scatter [tilespmem:s30], [sflag:$0x3], $0x80, $0x38;
	[tilespmem:$0x16800] =	vst v63  }
0x19a: {  	s28 =	sadd.s32 $0x70, s28;
	s30 =	simm.s32 $0x11D38  }
0x19b: {  	[hbm4b:s28+s3] =	stream.linear.scatter [tilespmem:s30], [sflag:$0x3], $0x80, $0x38;
	[tilespmem:$0x16800] =	vst v63  }
0x19c: {  	s24 =	sadd.s32 s24, s16;
	s29 =	simm.s32 $0x11DC0  }
0x19d: {  	[hbm4b:s24+s3] =	stream.linear.scatter [tilespmem:s29], [sflag:$0x3], $0x80, $0x38;
	[tilespmem:$0x16800] =	vst v63  }
0x19e: {  	s28 =	sadd.s32 $0x10, s24;
	s30 =	simm.s32 $0x11EC8  }
0x19f: {  	[hbm4b:s28+s3] =	stream.linear.scatter [tilespmem:s30], [sflag:$0x3], $0x80, $0x38;
	[tilespmem:$0x16800] =	vst v63  }
0x1a0: {  	s28 =	sadd.s32 $0x20, s24;
	s30 =	simm.s32 $0x11FD0  }
0x1a1: {  	[hbm4b:s28+s3] =	stream.linear.scatter [tilespmem:s30], [sflag:$0x3], $0x80, $0x38;
	[tilespmem:$0x16800] =	vst v63  }
0x1a2: {  	s28 =	sadd.s32 $0x30, s24;
	s30 =	simm.s32 $0x120D8  }
0x1a3: {  	[hbm4b:s28+s3] =	stream.linear.scatter [tilespmem:s30], [sflag:$0x3], $0x80, $0x38;
	[tilespmem:$0x16800] =	vst v63  }
0x1a4: {  	s28 =	sadd.s32 $0x40, s24;
	s30 =	simm.s32 $0x121E0  }
0x1a5: {  	[hbm4b:s28+s3] =	stream.linear.scatter [tilespmem:s30], [sflag:$0x3], $0x80, $0x38;
	[tilespmem:$0x16800] =	vst v63  }
0x1a6: {  	s28 =	sadd.s32 $0x50, s24;
	s30 =	simm.s32 $0x122E8  }
0x1a7: {  	[hbm4b:s28+s3] =	stream.linear.scatter [tilespmem:s30], [sflag:$0x3], $0x80, $0x38;
	[tilespmem:$0x16800] =	vst v63  }
0x1a8: {  	s28 =	sadd.s32 $0x60, s24;
	s30 =	simm.s32 $0x123F0  }
0x1a9: {  	[hbm4b:s28+s3] =	stream.linear.scatter [tilespmem:s30], [sflag:$0x3], $0x80, $0x38;
	[tilespmem:$0x16800] =	vst v63  }
0x1aa: {  	s24 =	sadd.s32 $0x70, s24;
	s30 =	simm.s32 $0x124F8  }
0x1ab: {  	[hbm4b:s24+s3] =	stream.linear.scatter [tilespmem:s30], [sflag:$0x3], $0x80, $0x38;
	[tilespmem:$0x16800] =	vst v63  }
0x1ac: {  	s28 =	simm.s32 $0x11E40;
	s24 =	sadd.s32 s26, s16  }
0x1ad: {  	[hbm4b:s24+s3] =	stream.linear.scatter [tilespmem:s28], [sflag:$0x3], $0x80, $0x38;
	[tilespmem:$0x16800] =	vst v63  }
0x1ae: {  	s30 =	simm.s32 $0x11F48;
	s29 =	sadd.s32 $0x10, s24  }
0x1af: {  	[hbm4b:s29+s3] =	stream.linear.scatter [tilespmem:s30], [sflag:$0x3], $0x80, $0x38;
	[tilespmem:$0x16800] =	vst v63  }
0x1b0: {  	s29 =	sadd.s32 $0x20, s24;
	s30 =	simm.s32 $0x12050  }
0x1b1: {  	[hbm4b:s29+s3] =	stream.linear.scatter [tilespmem:s30], [sflag:$0x3], $0x80, $0x38;
	[tilespmem:$0x16800] =	vst v63  }
0x1b2: {  	s29 =	sadd.s32 $0x30, s24;
	s30 =	simm.s32 $0x12158  }
0x1b3: {  	[hbm4b:s29+s3] =	stream.linear.scatter [tilespmem:s30], [sflag:$0x3], $0x80, $0x38;
	[tilespmem:$0x16800] =	vst v63  }
0x1b4: {  	s29 =	sadd.s32 $0x40, s24;
	s30 =	simm.s32 $0x12260  }
0x1b5: {  	[hbm4b:s29+s3] =	stream.linear.scatter [tilespmem:s30], [sflag:$0x3], $0x80, $0x38;
	[tilespmem:$0x16800] =	vst v63  }
0x1b6: {  	s29 =	sadd.s32 $0x50, s24;
	s30 =	simm.s32 $0x12368  }
0x1b7: {  	[hbm4b:s29+s3] =	stream.linear.scatter [tilespmem:s30], [sflag:$0x3], $0x80, $0x38;
	[tilespmem:$0x16800] =	vst v63  }
0x1b8: {  	s29 =	sadd.s32 $0x60, s24;
	s30 =	simm.s32 $0x12470  }
0x1b9: {  	[hbm4b:s29+s3] =	stream.linear.scatter [tilespmem:s30], [sflag:$0x3], $0x80, $0x38;
	[tilespmem:$0x16800] =	vst v63  }
0x1ba: {  	s24 =	sadd.s32 $0x70, s24;
	s29 =	simm.s32 $0x12578  }
0x1bb: {  	[hbm4b:s24+s3] =	stream.linear.scatter [tilespmem:s29], [sflag:$0x3], $0x80, $0x38;
	[tilespmem:$0x16800] =	vst v63  }
0x1bc: {  	_ =	swait.ge [sflag:s18], $0x2000  }
0x1bd: {  	[sflag:s18] =	ssyncset.done $0x0  }
0x1be: {  	p0 =	seq.s32 s21, $0x31;
	[sflag:s18] =	ssyncadd.s32 $0xFFFFE000  }
0x1bf: {  	s24 =	sshll.u32 @!p0 s21, $0x9;
	_ =	swait.ge [sflag:s18], $0x2000  }
0x1c0: {  	s28 =	simm.s32 @!p0 $0x80;
	s24 =	sand.u32 @!p0 $0x3FFFFE00, s24;
	[sflag:s18] =	ssyncset.done $0x0  }
0x1c1: {  	s29 =	simm.s32 @!p0 $0x6400;
	s26 =	sadd.s32 @!p0 $0x200, s24;
	[sflag:s18] =	ssyncadd.s32 $0xFFFFE000  }
0x1c2: {  	[tilespmem:s29], [sflag:$0x1] =	stream.indirect.gather @!p0 [hbm4b:s4+s28], $0x40, s26, s28, $0xb8;
	[tilespmem:$0x16800] =	vst v63  }
0x1c3: {  	p1 =	seq.s32 @!p0 s21, $0x0;
	s24 =	sadd.s32 @!p0 $0x280, s24;
	s26 =	simm.s32 @!p0 $0x8400  }
0x1c4: {  	[tilespmem:s26], [sflag:$0x1] =	stream.indirect.gather @!p0 [hbm4b:s4+s28], $0x40, s24, s28, $0xb8;
	[tilespmem:$0x16800] =	vst v63  }
0x1c5: {  	p0 =	por p0, !p1  }
0x1c6: {  	_ =	swait.ge @p0 [sflag:s0], $0x400  }
0x1c7: {  	[sflag:s0] =	ssyncset.done @p0 $0x0  }
0x1c8: {  	[sflag:s0] =	ssyncadd.s32 @p0 $0xFFFFFC00  }
0x1c9: {  	_ =	swait.ge @p0 [sflag:s0], $0x400  }
0x1ca: {  	[sflag:s0] =	ssyncset.done @p0 $0x0  }
0x1cb: {  	[sflag:s0] =	ssyncadd.s32 @p0 $0xFFFFFC00  }
0x1cc: {  	_ =	swait.ge @p0 [sflag:s0], $0x400  }
0x1cd: {  	[sflag:s0] =	ssyncset.done @p0 $0x0  }
0x1ce: {  	[sflag:s0] =	ssyncadd.s32 @p0 $0xFFFFFC00  }
0x1cf: {  	_ =	swait.ge @p0 [sflag:s0], $0x400  }
0x1d0: {  	[sflag:s0] =	ssyncset.done @p0 $0x0  }
0x1d1: {  	[sflag:s0] =	ssyncadd.s32 @p0 $0xFFFFFC00  }
0x1d2: {  	_ =	swait.ge @p0 [sflag:s0], $0x400  }
0x1d3: {  	[sflag:s0] =	ssyncset.done @p0 $0x0  }
0x1d4: {  	[sflag:s0] =	ssyncadd.s32 @p0 $0xFFFFFC00  }
0x1d5: {  	_ =	swait.ge @p0 [sflag:s0], $0x400  }
0x1d6: {  	[sflag:s0] =	ssyncset.done @p0 $0x0  }
0x1d7: {  	[sflag:s0] =	ssyncadd.s32 @p0 $0xFFFFFC00  }
0x1d8: {  	_ =	swait.ge @p0 [sflag:s0], $0x400  }
0x1d9: {  	[sflag:s0] =	ssyncset.done @p0 $0x0  }
0x1da: {  	[sflag:s0] =	ssyncadd.s32 @p0 $0xFFFFFC00  }
0x1db: {  	_ =	swait.ge @p0 [sflag:s0], $0x400  }
0x1dc: {  	[sflag:s0] =	ssyncset.done @p0 $0x0  }
0x1dd: {  	[sflag:s0] =	ssyncadd.s32 @p0 $0xFFFFFC00  }
0x1de: {  	_ =	swait.ge @p0 [sflag:s0], $0x400  }
0x1df: {  	[sflag:s0] =	ssyncset.done @p0 $0x0  }
0x1e0: {  	[sflag:s0] =	ssyncadd.s32 @p0 $0xFFFFFC00  }
0x1e1: {  	_ =	swait.ge @p0 [sflag:s0], $0x400  }
0x1e2: {  	[sflag:s0] =	ssyncset.done @p0 $0x0  }
0x1e3: {  	[sflag:s0] =	ssyncadd.s32 @p0 $0xFFFFFC00  }
0x1e4: {  	_ =	swait.ge @p0 [sflag:s0], $0x400  }
0x1e5: {  	[sflag:s0] =	ssyncset.done @p0 $0x0  }
0x1e6: {  	[sflag:s0] =	ssyncadd.s32 @p0 $0xFFFFFC00  }
0x1e7: {  	_ =	swait.ge @p0 [sflag:s0], $0x400  }
0x1e8: {  	[sflag:s0] =	ssyncset.done @p0 $0x0  }
0x1e9: {  	[sflag:s0] =	ssyncadd.s32 @p0 $0xFFFFFC00  }
0x1ea: {  	_ =	swait.ge @p0 [sflag:s0], $0x400  }
0x1eb: {  	[sflag:s0] =	ssyncset.done @p0 $0x0  }
0x1ec: {  	[sflag:s0] =	ssyncadd.s32 @p0 $0xFFFFFC00  }
0x1ed: {  	_ =	swait.ge @p0 [sflag:s0], $0x400  }
0x1ee: {  	[sflag:s0] =	ssyncset.done @p0 $0x0  }
0x1ef: {  	[sflag:s0] =	ssyncadd.s32 @p0 $0xFFFFFC00  }
0x1f0: {  	_ =	swait.ge @p0 [sflag:s0], $0x400  }
0x1f1: {  	[sflag:s0] =	ssyncset.done @p0 $0x0  }
0x1f2: {  	[sflag:s0] =	ssyncadd.s32 @p0 $0xFFFFFC00  }
0x1f3: {  	_ =	swait.ge @p0 [sflag:s0], $0x400  }
0x1f4: {  	[sflag:s0] =	ssyncset.done @p0 $0x0  }
0x1f5: {  	s30 =	simm.s32 $0x0;
	s24 =	simm.s32 $0xA480;
	[sflag:s0] =	ssyncadd.s32 @p0 $0xFFFFFC00  }
0x1f6: {  	v4 =	vmov s30;
	v5 =	vld [tilespmem:s24+$0xFFFFFF80]  }
0x1f7: {  	v4 =	vand.u32 $0xFC, v4;
	v6 =	vld [tilespmem:s24+$0xFFFFFF90]  }
0x1f8: {  	v8 =	vadd.s32 v0, v4;
	v7 =	vld [tilespmem:s24+$0xFFFFFFA0]  }
0x1f9: {  	v10 =	vadd.s32 v1, v4;
	v9 =	vld [tilespmem:s24+$0xFFFFFFB0]  }
0x1fa: {  	v11 =	vadd.s32 v2, v4  }
0x1fb: {  	v4 =	vadd.s32 v3, v4;
	v5 =	vmul.f32 $8.000000000e+00, v5  }
0x1fc: {  	v6 =	vmul.f32 $8.000000000e+00, v6  }
0x1fd: {  	v7 =	vmul.f32 $8.000000000e+00, v7;
	[tilespmem:v8+s23+$0x0] =	vst.idx.msk $0xffff, v5  }
0x1fe: {  	v5 =	vmul.f32 $8.000000000e+00, v9;
	[tilespmem:v10+s23+$0x0] =	vst.idx.msk $0xffff, v6  }
0x1ff: {  	[tilespmem:v11+s23+$0x0] =	vst.idx.msk $0xffff, v7  }
0x200: {  	s28 =	simm.s32 $0x1;
	[tilespmem:v4+s23+$0x0] =	vst.idx.msk $0xffff, v5  }
0x201: {  	v4 =	vmov s28;
	v5 =	vld [tilespmem:s24+$0xFFFFFFC0]  }
0x202: {  	v6 =	vld [tilespmem:s24+$0xFFFFFFD0];
	v4 =	vand.u32 $0xFD, v4  }
0x203: {  	v7 =	vld [tilespmem:s24+$0xFFFFFFE0];
	v53 =	vadd.s32 v0, v4  }
0x204: {  	v54 =	vld [tilespmem:s24+$0xFFFFFFF0];
	v55 =	vadd.s32 v1, v4  }
0x205: {  	v56 =	vadd.s32 v2, v4  }
0x206: {  	v4 =	vadd.s32 v3, v4;
	v5 =	vmul.f32 $8.000000000e+00, v5  }
0x207: {  	v6 =	vmul.f32 $8.000000000e+00, v6  }
0x208: {  	v7 =	vmul.f32 $8.000000000e+00, v7;
	[tilespmem:v53+s23+$0x0] =	vst.idx.msk $0xffff, v5  }
0x209: {  	v5 =	vmul.f32 $8.000000000e+00, v54;
	[tilespmem:v55+s23+$0x0] =	vst.idx.msk $0xffff, v6  }
0x20a: {  	[tilespmem:v56+s23+$0x0] =	vst.idx.msk $0xffff, v7  }
0x20b: {  	s29 =	simm.s32 $0x2;
	[tilespmem:v4+s23+$0x0] =	vst.idx.msk $0xffff, v5  }
0x20c: {  	v4 =	vmov s29;
	v5 =	vld [tilespmem:s24+$0x0]  }
0x20d: {  	v6 =	vld [tilespmem:s24+$0x10];
	v4 =	vand.u32 $0xFE, v4  }
0x20e: {  	v7 =	vld [tilespmem:s24+$0x20];
	v57 =	vadd.s32 v0, v4  }
0x20f: {  	v58 =	vld [tilespmem:s24+$0x30];
	v59 =	vadd.s32 v1, v4  }
0x210: {  	v60 =	vadd.s32 v2, v4  }
0x211: {  	v4 =	vadd.s32 v3, v4;
	v5 =	vmul.f32 $8.000000000e+00, v5  }
0x212: {  	v6 =	vmul.f32 $8.000000000e+00, v6  }
0x213: {  	v7 =	vmul.f32 $8.000000000e+00, v7;
	[tilespmem:v57+s23+$0x0] =	vst.idx.msk $0xffff, v5  }
0x214: {  	v5 =	vmul.f32 $8.000000000e+00, v58;
	[tilespmem:v59+s23+$0x0] =	vst.idx.msk $0xffff, v6  }
0x215: {  	[tilespmem:v60+s23+$0x0] =	vst.idx.msk $0xffff, v7  }
0x216: {  	s30 =	simm.s32 $0x3;
	[tilespmem:v4+s23+$0x0] =	vst.idx.msk $0xffff, v5  }
0x217: {  	v4 =	vmov s30;
	v5 =	vld [tilespmem:s24+$0x40]  }
0x218: {  	v6 =	vld [tilespmem:s24+$0x50];
	v4 =	vand.u32 $0xFF, v4  }
0x219: {  	v7 =	vld [tilespmem:s24+$0x60];
	v61 =	vadd.s32 v0, v4  }
0x21a: {  	v62 =	vadd.s32 v1, v4  }
0x21b: {  	v10 =	vld [tilespmem:s24+$0x70];
	v63 =	vadd.s32 v2, v4  }
0x21c: {  	v5 =	vmul.f32 $8.000000000e+00, v5  }
0x21d: {  	v4 =	vadd.s32 v3, v4;
	v6 =	vmul.f32 $8.000000000e+00, v6  }
0x21e: {  	v7 =	vmul.f32 $8.000000000e+00, v7;
	[tilespmem:v61+s23+$0x0] =	vst.idx.msk $0xffff, v5  }
0x21f: {  	[tilespmem:v62+s23+$0x0] =	vst.idx.msk $0xffff, v6  }
0x220: {  	s26 =	simm.s32 $0x4;
	v5 =	vmul.f32 $8.000000000e+00, v10;
	[tilespmem:v63+s23+$0x0] =	vst.idx.msk $0xffff, v7  }
.LBB2_9:
0x221: {  	p0 =	slt.u32 s26, $0xFC  }
0x222: {  	[tilespmem:v4+s23+$0x0] =	vst.idx.msk $0xffff, v5;
	s24 =	sadd.s32 $0x100, s24;
	s28 =	smov.u32 s26;
	s26 =	sadd.s32 $0x4, s26  }
0x223: {  	v4 =	vmov s28;
	v5 =	vld [tilespmem:s24+$0xFFFFFF80]  }
0x224: {  	v6 =	vld [tilespmem:s24+$0xFFFFFF90];
	v4 =	vand.u32 $0xFC, v4  }
0x225: {  	v7 =	vld [tilespmem:s24+$0xFFFFFFA0];
	v8 =	vadd.s32 v0, v4  }
0x226: {  	v10 =	vadd.s32 v1, v4;
	v9 =	vld [tilespmem:s24+$0xFFFFFFB0]  }
0x227: {  	v11 =	vadd.s32 v2, v4  }
0x228: {  	v4 =	vadd.s32 v3, v4;
	v5 =	vmul.f32 $8.000000000e+00, v5  }
0x229: {  	v6 =	vmul.f32 $8.000000000e+00, v6  }
0x22a: {  	v7 =	vmul.f32 $8.000000000e+00, v7;
	[tilespmem:v8+s23+$0x0] =	vst.idx.msk $0xffff, v5  }
0x22b: {  	v5 =	vmul.f32 $8.000000000e+00, v9;
	[tilespmem:v10+s23+$0x0] =	vst.idx.msk $0xffff, v6  }
0x22c: {  	[tilespmem:v11+s23+$0x0] =	vst.idx.msk $0xffff, v7  }
0x22d: {  	s29 =	sadd.s32 $0x1, s28;
	[tilespmem:v4+s23+$0x0] =	vst.idx.msk $0xffff, v5  }
0x22e: {  	v4 =	vmov s29;
	v5 =	vld [tilespmem:s24+$0xFFFFFFC0]  }
0x22f: {  	v4 =	vand.u32 $0xFD, v4;
	v6 =	vld [tilespmem:s24+$0xFFFFFFD0]  }
0x230: {  	v8 =	vadd.s32 v0, v4;
	v7 =	vld [tilespmem:s24+$0xFFFFFFE0]  }
0x231: {  	v10 =	vadd.s32 v1, v4;
	v9 =	vld [tilespmem:s24+$0xFFFFFFF0]  }
0x232: {  	v11 =	vadd.s32 v2, v4  }
0x233: {  	v4 =	vadd.s32 v3, v4;
	v5 =	vmul.f32 $8.000000000e+00, v5  }
0x234: {  	v6 =	vmul.f32 $8.000000000e+00, v6  }
0x235: {  	v7 =	vmul.f32 $8.000000000e+00, v7;
	[tilespmem:v8+s23+$0x0] =	vst.idx.msk $0xffff, v5  }
0x236: {  	v5 =	vmul.f32 $8.000000000e+00, v9;
	[tilespmem:v10+s23+$0x0] =	vst.idx.msk $0xffff, v6  }
0x237: {  	[tilespmem:v11+s23+$0x0] =	vst.idx.msk $0xffff, v7  }
0x238: {  	s29 =	sadd.s32 $0x2, s28;
	[tilespmem:v4+s23+$0x0] =	vst.idx.msk $0xffff, v5  }
0x239: {  	v4 =	vmov s29;
	v5 =	vld [tilespmem:s24+$0x0]  }
0x23a: {  	v4 =	vand.u32 $0xFE, v4;
	v6 =	vld [tilespmem:s24+$0x10]  }
0x23b: {  	v8 =	vadd.s32 v0, v4;
	v7 =	vld [tilespmem:s24+$0x20]  }
0x23c: {  	v10 =	vadd.s32 v1, v4;
	v9 =	vld [tilespmem:s24+$0x30]  }
0x23d: {  	v11 =	vadd.s32 v2, v4  }
0x23e: {  	v4 =	vadd.s32 v3, v4;
	v5 =	vmul.f32 $8.000000000e+00, v5  }
0x23f: {  	v6 =	vmul.f32 $8.000000000e+00, v6  }
0x240: {  	v7 =	vmul.f32 $8.000000000e+00, v7;
	[tilespmem:v8+s23+$0x0] =	vst.idx.msk $0xffff, v5  }
0x241: {  	v5 =	vmul.f32 $8.000000000e+00, v9;
	[tilespmem:v10+s23+$0x0] =	vst.idx.msk $0xffff, v6  }
0x242: {  	[tilespmem:v11+s23+$0x0] =	vst.idx.msk $0xffff, v7  }
0x243: {  	s28 =	sadd.s32 $0x3, s28;
	[tilespmem:v4+s23+$0x0] =	vst.idx.msk $0xffff, v5  }
0x244: {  	v4 =	vmov s28;
	v5 =	vld [tilespmem:s24+$0x40]  }
0x245: {  	v4 =	vand.u32 $0xFF, v4;
	v6 =	vld [tilespmem:s24+$0x50]  }
0x246: {  	v8 =	vadd.s32 v0, v4;
	v7 =	vld [tilespmem:s24+$0x60]  }
0x247: {  	v10 =	vadd.s32 v1, v4;
	v9 =	vld [tilespmem:s24+$0x70]  }
0x248: {  	v11 =	vadd.s32 v2, v4  }
.Ltmp3:
0x249: {  	v4 =	vadd.s32 v3, v4;
	v5 =	vmul.f32 $8.000000000e+00, v5;
	(pc) =	sbr.rel @p0 .LBB2_9-.Ltmp3, $4  }
0x24a: {  	v6 =	vmul.f32 $8.000000000e+00, v6  }
0x24b: {  	v7 =	vmul.f32 $8.000000000e+00, v7;
	[tilespmem:v8+s23+$0x0] =	vst.idx.msk $0xffff, v5  }
0x24c: {  	v5 =	vmul.f32 $8.000000000e+00, v9;
	[tilespmem:v10+s23+$0x0] =	vst.idx.msk $0xffff, v6  }
0x24d: {  	[tilespmem:v11+s23+$0x0] =	vst.idx.msk $0xffff, v7  }
0x24e: {  	s17 =	sadd.s32 s5, s17  }
0x24f: {  	s24 =	sshll.u32 s17, $0x12  }
0x250: {  	s17 =	sor.u32 s8, s24  }
0x251: {  	s17 =	sshrl.u32 s17, $0x3  }
0x252: {  	[tilespmem:v4+s23+$0x0] =	vst.idx.msk $0xffff, v5;
	s26 =	sadd.s32 s2, s17  }
0x253: {  	[hbm4b:s26+s3] =	stream.linear.scatter [tilespmem:s23], [sflag:$0x4], $0x80, $0x38;
	[tilespmem:$0x16800] =	vst v63  }
0x254: {  	s29 =	simm.s32 $0x12708;
	s28 =	sadd.s32 $0x10, s26  }
0x255: {  	[hbm4b:s28+s3] =	stream.linear.scatter [tilespmem:s29], [sflag:$0x4], $0x80, $0x38;
	[tilespmem:$0x16800] =	vst v63  }
0x256: {  	s30 =	simm.s32 $0x12810;
	s28 =	sadd.s32 $0x20, s26  }
0x257: {  	[hbm4b:s28+s3] =	stream.linear.scatter [tilespmem:s30], [sflag:$0x4], $0x80, $0x38;
	[tilespmem:$0x16800] =	vst v63  }
0x258: {  	s28 =	sadd.s32 $0x30, s26;
	s30 =	simm.s32 $0x12918  }
0x259: {  	[hbm4b:s28+s3] =	stream.linear.scatter [tilespmem:s30], [sflag:$0x4], $0x80, $0x38;
	[tilespmem:$0x16800] =	vst v63  }
0x25a: {  	s28 =	sadd.s32 $0x40, s26;
	s30 =	simm.s32 $0x12A20  }
0x25b: {  	[hbm4b:s28+s3] =	stream.linear.scatter [tilespmem:s30], [sflag:$0x4], $0x80, $0x38;
	[tilespmem:$0x16800] =	vst v63  }
0x25c: {  	s28 =	sadd.s32 $0x50, s26;
	s30 =	simm.s32 $0x12B28  }
0x25d: {  	[hbm4b:s28+s3] =	stream.linear.scatter [tilespmem:s30], [sflag:$0x4], $0x80, $0x38;
	[tilespmem:$0x16800] =	vst v63  }
0x25e: {  	s24 =	sor.u32 s9, s24;
	s28 =	sadd.s32 $0x60, s26;
	s30 =	simm.s32 $0x12C30  }
0x25f: {  	[hbm4b:s28+s3] =	stream.linear.scatter [tilespmem:s30], [sflag:$0x4], $0x80, $0x38;
	[tilespmem:$0x16800] =	vst v63  }
0x260: {  	s24 =	sshrl.u32 s24, $0x3;
	s26 =	sadd.s32 $0x70, s26;
	s30 =	simm.s32 $0x12D38  }
0x261: {  	[hbm4b:s26+s3] =	stream.linear.scatter [tilespmem:s30], [sflag:$0x4], $0x80, $0x38;
	[tilespmem:$0x16800] =	vst v63  }
0x262: {  	s29 =	simm.s32 $0x12680;
	s26 =	sadd.s32 s2, s24  }
0x263: {  	[hbm4b:s26+s3] =	stream.linear.scatter [tilespmem:s29], [sflag:$0x4], $0x80, $0x38;
	[tilespmem:$0x16800] =	vst v63  }
0x264: {  	s30 =	simm.s32 $0x12788;
	s28 =	sadd.s32 $0x10, s26  }
0x265: {  	[hbm4b:s28+s3] =	stream.linear.scatter [tilespmem:s30], [sflag:$0x4], $0x80, $0x38;
	[tilespmem:$0x16800] =	vst v63  }
0x266: {  	s28 =	sadd.s32 $0x20, s26;
	s30 =	simm.s32 $0x12890  }
0x267: {  	[hbm4b:s28+s3] =	stream.linear.scatter [tilespmem:s30], [sflag:$0x4], $0x80, $0x38;
	[tilespmem:$0x16800] =	vst v63  }
0x268: {  	s28 =	sadd.s32 $0x30, s26;
	s30 =	simm.s32 $0x12998  }
0x269: {  	[hbm4b:s28+s3] =	stream.linear.scatter [tilespmem:s30], [sflag:$0x4], $0x80, $0x38;
	[tilespmem:$0x16800] =	vst v63  }
0x26a: {  	s28 =	sadd.s32 $0x40, s26;
	s30 =	simm.s32 $0x12AA0  }
0x26b: {  	[hbm4b:s28+s3] =	stream.linear.scatter [tilespmem:s30], [sflag:$0x4], $0x80, $0x38;
	[tilespmem:$0x16800] =	vst v63  }
0x26c: {  	s28 =	sadd.s32 $0x50, s26;
	s30 =	simm.s32 $0x12BA8  }
0x26d: {  	[hbm4b:s28+s3] =	stream.linear.scatter [tilespmem:s30], [sflag:$0x4], $0x80, $0x38;
	[tilespmem:$0x16800] =	vst v63  }
0x26e: {  	s28 =	sadd.s32 $0x60, s26;
	s30 =	simm.s32 $0x12CB0  }
0x26f: {  	[hbm4b:s28+s3] =	stream.linear.scatter [tilespmem:s30], [sflag:$0x4], $0x80, $0x38;
	[tilespmem:$0x16800] =	vst v63  }
0x270: {  	s26 =	sadd.s32 $0x70, s26;
	s30 =	simm.s32 $0x12DB8  }
0x271: {  	[hbm4b:s26+s3] =	stream.linear.scatter [tilespmem:s30], [sflag:$0x4], $0x80, $0x38;
	[tilespmem:$0x16800] =	vst v63  }
0x272: {  	s29 =	simm.s32 $0x12E40;
	s26 =	sadd.s32 s17, s10  }
0x273: {  	[hbm4b:s26+s3] =	stream.linear.scatter [tilespmem:s29], [sflag:$0x4], $0x80, $0x38;
	[tilespmem:$0x16800] =	vst v63  }
0x274: {  	s30 =	simm.s32 $0x12F48;
	s28 =	sadd.s32 $0x10, s26  }
0x275: {  	[hbm4b:s28+s3] =	stream.linear.scatter [tilespmem:s30], [sflag:$0x4], $0x80, $0x38;
	[tilespmem:$0x16800] =	vst v63  }
0x276: {  	s28 =	sadd.s32 $0x20, s26;
	s30 =	simm.s32 $0x13050  }
0x277: {  	[hbm4b:s28+s3] =	stream.linear.scatter [tilespmem:s30], [sflag:$0x4], $0x80, $0x38;
	[tilespmem:$0x16800] =	vst v63  }
0x278: {  	s28 =	sadd.s32 $0x30, s26;
	s30 =	simm.s32 $0x13158  }
0x279: {  	[hbm4b:s28+s3] =	stream.linear.scatter [tilespmem:s30], [sflag:$0x4], $0x80, $0x38;
	[tilespmem:$0x16800] =	vst v63  }
0x27a: {  	s28 =	sadd.s32 $0x40, s26;
	s30 =	simm.s32 $0x13260  }
0x27b: {  	[hbm4b:s28+s3] =	stream.linear.scatter [tilespmem:s30], [sflag:$0x4], $0x80, $0x38;
	[tilespmem:$0x16800] =	vst v63  }
0x27c: {  	s28 =	sadd.s32 $0x50, s26;
	s30 =	simm.s32 $0x13368  }
0x27d: {  	[hbm4b:s28+s3] =	stream.linear.scatter [tilespmem:s30], [sflag:$0x4], $0x80, $0x38;
	[tilespmem:$0x16800] =	vst v63  }
0x27e: {  	s28 =	sadd.s32 $0x60, s26;
	s30 =	simm.s32 $0x13470  }
0x27f: {  	[hbm4b:s28+s3] =	stream.linear.scatter [tilespmem:s30], [sflag:$0x4], $0x80, $0x38;
	[tilespmem:$0x16800] =	vst v63  }
0x280: {  	s26 =	sadd.s32 $0x70, s26;
	s30 =	simm.s32 $0x13578  }
0x281: {  	[hbm4b:s26+s3] =	stream.linear.scatter [tilespmem:s30], [sflag:$0x4], $0x80, $0x38;
	[tilespmem:$0x16800] =	vst v63  }
0x282: {  	s29 =	simm.s32 $0x12EC0;
	s26 =	sadd.s32 s24, s10  }
0x283: {  	[hbm4b:s26+s3] =	stream.linear.scatter [tilespmem:s29], [sflag:$0x4], $0x80, $0x38;
	[tilespmem:$0x16800] =	vst v63  }
0x284: {  	s30 =	simm.s32 $0x12FC8;
	s28 =	sadd.s32 $0x10, s26  }
0x285: {  	[hbm4b:s28+s3] =	stream.linear.scatter [tilespmem:s30], [sflag:$0x4], $0x80, $0x38;
	[tilespmem:$0x16800] =	vst v63  }
0x286: {  	s28 =	sadd.s32 $0x20, s26;
	s30 =	simm.s32 $0x130D0  }
0x287: {  	[hbm4b:s28+s3] =	stream.linear.scatter [tilespmem:s30], [sflag:$0x4], $0x80, $0x38;
	[tilespmem:$0x16800] =	vst v63  }
0x288: {  	s28 =	sadd.s32 $0x30, s26;
	s30 =	simm.s32 $0x131D8  }
0x289: {  	[hbm4b:s28+s3] =	stream.linear.scatter [tilespmem:s30], [sflag:$0x4], $0x80, $0x38;
	[tilespmem:$0x16800] =	vst v63  }
0x28a: {  	s28 =	sadd.s32 $0x40, s26;
	s30 =	simm.s32 $0x132E0  }
0x28b: {  	[hbm4b:s28+s3] =	stream.linear.scatter [tilespmem:s30], [sflag:$0x4], $0x80, $0x38;
	[tilespmem:$0x16800] =	vst v63  }
0x28c: {  	s28 =	sadd.s32 $0x50, s26;
	s30 =	simm.s32 $0x133E8  }
0x28d: {  	[hbm4b:s28+s3] =	stream.linear.scatter [tilespmem:s30], [sflag:$0x4], $0x80, $0x38;
	[tilespmem:$0x16800] =	vst v63  }
0x28e: {  	s28 =	sadd.s32 $0x60, s26;
	s30 =	simm.s32 $0x134F0  }
0x28f: {  	[hbm4b:s28+s3] =	stream.linear.scatter [tilespmem:s30], [sflag:$0x4], $0x80, $0x38;
	[tilespmem:$0x16800] =	vst v63  }
0x290: {  	s26 =	sadd.s32 $0x70, s26;
	s30 =	simm.s32 $0x135F8  }
0x291: {  	[hbm4b:s26+s3] =	stream.linear.scatter [tilespmem:s30], [sflag:$0x4], $0x80, $0x38;
	[tilespmem:$0x16800] =	vst v63  }
0x292: {  	s29 =	simm.s32 $0x13680;
	s26 =	sadd.s32 s17, s11  }
0x293: {  	[hbm4b:s26+s3] =	stream.linear.scatter [tilespmem:s29], [sflag:$0x4], $0x80, $0x38;
	[tilespmem:$0x16800] =	vst v63  }
0x294: {  	s30 =	simm.s32 $0x13788;
	s28 =	sadd.s32 $0x10, s26  }
0x295: {  	[hbm4b:s28+s3] =	stream.linear.scatter [tilespmem:s30], [sflag:$0x4], $0x80, $0x38;
	[tilespmem:$0x16800] =	vst v63  }
0x296: {  	s28 =	sadd.s32 $0x20, s26;
	s30 =	simm.s32 $0x13890  }
0x297: {  	[hbm4b:s28+s3] =	stream.linear.scatter [tilespmem:s30], [sflag:$0x4], $0x80, $0x38;
	[tilespmem:$0x16800] =	vst v63  }
0x298: {  	s28 =	sadd.s32 $0x30, s26;
	s30 =	simm.s32 $0x13998  }
0x299: {  	[hbm4b:s28+s3] =	stream.linear.scatter [tilespmem:s30], [sflag:$0x4], $0x80, $0x38;
	[tilespmem:$0x16800] =	vst v63  }
0x29a: {  	s28 =	sadd.s32 $0x40, s26;
	s30 =	simm.s32 $0x13AA0  }
0x29b: {  	[hbm4b:s28+s3] =	stream.linear.scatter [tilespmem:s30], [sflag:$0x4], $0x80, $0x38;
	[tilespmem:$0x16800] =	vst v63  }
0x29c: {  	s28 =	sadd.s32 $0x50, s26;
	s30 =	simm.s32 $0x13BA8  }
0x29d: {  	[hbm4b:s28+s3] =	stream.linear.scatter [tilespmem:s30], [sflag:$0x4], $0x80, $0x38;
	[tilespmem:$0x16800] =	vst v63  }
0x29e: {  	s28 =	sadd.s32 $0x60, s26;
	s30 =	simm.s32 $0x13CB0  }
0x29f: {  	[hbm4b:s28+s3] =	stream.linear.scatter [tilespmem:s30], [sflag:$0x4], $0x80, $0x38;
	[tilespmem:$0x16800] =	vst v63  }
0x2a0: {  	s26 =	sadd.s32 $0x70, s26;
	s30 =	simm.s32 $0x13DB8  }
0x2a1: {  	[hbm4b:s26+s3] =	stream.linear.scatter [tilespmem:s30], [sflag:$0x4], $0x80, $0x38;
	[tilespmem:$0x16800] =	vst v63  }
0x2a2: {  	s29 =	simm.s32 $0x13700;
	s26 =	sadd.s32 s24, s11  }
0x2a3: {  	[hbm4b:s26+s3] =	stream.linear.scatter [tilespmem:s29], [sflag:$0x4], $0x80, $0x38;
	[tilespmem:$0x16800] =	vst v63  }
0x2a4: {  	s30 =	simm.s32 $0x13808;
	s28 =	sadd.s32 $0x10, s26  }
0x2a5: {  	[hbm4b:s28+s3] =	stream.linear.scatter [tilespmem:s30], [sflag:$0x4], $0x80, $0x38;
	[tilespmem:$0x16800] =	vst v63  }
0x2a6: {  	s28 =	sadd.s32 $0x20, s26;
	s30 =	simm.s32 $0x13910  }
0x2a7: {  	[hbm4b:s28+s3] =	stream.linear.scatter [tilespmem:s30], [sflag:$0x4], $0x80, $0x38;
	[tilespmem:$0x16800] =	vst v63  }
0x2a8: {  	s28 =	sadd.s32 $0x30, s26;
	s30 =	simm.s32 $0x13A18  }
0x2a9: {  	[hbm4b:s28+s3] =	stream.linear.scatter [tilespmem:s30], [sflag:$0x4], $0x80, $0x38;
	[tilespmem:$0x16800] =	vst v63  }
0x2aa: {  	s28 =	sadd.s32 $0x40, s26;
	s30 =	simm.s32 $0x13B20  }
0x2ab: {  	[hbm4b:s28+s3] =	stream.linear.scatter [tilespmem:s30], [sflag:$0x4], $0x80, $0x38;
	[tilespmem:$0x16800] =	vst v63  }
0x2ac: {  	s28 =	sadd.s32 $0x50, s26;
	s30 =	simm.s32 $0x13C28  }
0x2ad: {  	[hbm4b:s28+s3] =	stream.linear.scatter [tilespmem:s30], [sflag:$0x4], $0x80, $0x38;
	[tilespmem:$0x16800] =	vst v63  }
0x2ae: {  	s28 =	sadd.s32 $0x60, s26;
	s30 =	simm.s32 $0x13D30  }
0x2af: {  	[hbm4b:s28+s3] =	stream.linear.scatter [tilespmem:s30], [sflag:$0x4], $0x80, $0x38;
	[tilespmem:$0x16800] =	vst v63  }
0x2b0: {  	s26 =	sadd.s32 $0x70, s26;
	s30 =	simm.s32 $0x13E38  }
0x2b1: {  	[hbm4b:s26+s3] =	stream.linear.scatter [tilespmem:s30], [sflag:$0x4], $0x80, $0x38;
	[tilespmem:$0x16800] =	vst v63  }
0x2b2: {  	s29 =	simm.s32 $0x13EC0;
	s26 =	sadd.s32 s17, s12  }
0x2b3: {  	[hbm4b:s26+s3] =	stream.linear.scatter [tilespmem:s29], [sflag:$0x4], $0x80, $0x38;
	[tilespmem:$0x16800] =	vst v63  }
0x2b4: {  	s30 =	simm.s32 $0x13FC8;
	s28 =	sadd.s32 $0x10, s26  }
0x2b5: {  	[hbm4b:s28+s3] =	stream.linear.scatter [tilespmem:s30], [sflag:$0x4], $0x80, $0x38;
	[tilespmem:$0x16800] =	vst v63  }
0x2b6: {  	s28 =	sadd.s32 $0x20, s26;
	s30 =	simm.s32 $0x140D0  }
0x2b7: {  	[hbm4b:s28+s3] =	stream.linear.scatter [tilespmem:s30], [sflag:$0x4], $0x80, $0x38;
	[tilespmem:$0x16800] =	vst v63  }
0x2b8: {  	s28 =	sadd.s32 $0x30, s26;
	s30 =	simm.s32 $0x141D8  }
0x2b9: {  	[hbm4b:s28+s3] =	stream.linear.scatter [tilespmem:s30], [sflag:$0x4], $0x80, $0x38;
	[tilespmem:$0x16800] =	vst v63  }
0x2ba: {  	s28 =	sadd.s32 $0x40, s26;
	s30 =	simm.s32 $0x142E0  }
0x2bb: {  	[hbm4b:s28+s3] =	stream.linear.scatter [tilespmem:s30], [sflag:$0x4], $0x80, $0x38;
	[tilespmem:$0x16800] =	vst v63  }
0x2bc: {  	s28 =	sadd.s32 $0x50, s26;
	s30 =	simm.s32 $0x143E8  }
0x2bd: {  	[hbm4b:s28+s3] =	stream.linear.scatter [tilespmem:s30], [sflag:$0x4], $0x80, $0x38;
	[tilespmem:$0x16800] =	vst v63  }
0x2be: {  	s28 =	sadd.s32 $0x60, s26;
	s30 =	simm.s32 $0x144F0  }
0x2bf: {  	[hbm4b:s28+s3] =	stream.linear.scatter [tilespmem:s30], [sflag:$0x4], $0x80, $0x38;
	[tilespmem:$0x16800] =	vst v63  }
0x2c0: {  	s26 =	sadd.s32 $0x70, s26;
	s30 =	simm.s32 $0x145F8  }
0x2c1: {  	[hbm4b:s26+s3] =	stream.linear.scatter [tilespmem:s30], [sflag:$0x4], $0x80, $0x38;
	[tilespmem:$0x16800] =	vst v63  }
0x2c2: {  	s29 =	simm.s32 $0x13F40;
	s26 =	sadd.s32 s24, s12  }
0x2c3: {  	[hbm4b:s26+s3] =	stream.linear.scatter [tilespmem:s29], [sflag:$0x4], $0x80, $0x38;
	[tilespmem:$0x16800] =	vst v63  }
0x2c4: {  	s30 =	simm.s32 $0x14048;
	s28 =	sadd.s32 $0x10, s26  }
0x2c5: {  	[hbm4b:s28+s3] =	stream.linear.scatter [tilespmem:s30], [sflag:$0x4], $0x80, $0x38;
	[tilespmem:$0x16800] =	vst v63  }
0x2c6: {  	s28 =	sadd.s32 $0x20, s26;
	s30 =	simm.s32 $0x14150  }
0x2c7: {  	[hbm4b:s28+s3] =	stream.linear.scatter [tilespmem:s30], [sflag:$0x4], $0x80, $0x38;
	[tilespmem:$0x16800] =	vst v63  }
0x2c8: {  	s28 =	sadd.s32 $0x30, s26;
	s30 =	simm.s32 $0x14258  }
0x2c9: {  	[hbm4b:s28+s3] =	stream.linear.scatter [tilespmem:s30], [sflag:$0x4], $0x80, $0x38;
	[tilespmem:$0x16800] =	vst v63  }
0x2ca: {  	s28 =	sadd.s32 $0x40, s26;
	s30 =	simm.s32 $0x14360  }
0x2cb: {  	[hbm4b:s28+s3] =	stream.linear.scatter [tilespmem:s30], [sflag:$0x4], $0x80, $0x38;
	[tilespmem:$0x16800] =	vst v63  }
0x2cc: {  	s28 =	sadd.s32 $0x50, s26;
	s30 =	simm.s32 $0x14468  }
0x2cd: {  	[hbm4b:s28+s3] =	stream.linear.scatter [tilespmem:s30], [sflag:$0x4], $0x80, $0x38;
	[tilespmem:$0x16800] =	vst v63  }
0x2ce: {  	s28 =	sadd.s32 $0x60, s26;
	s30 =	simm.s32 $0x14570  }
0x2cf: {  	[hbm4b:s28+s3] =	stream.linear.scatter [tilespmem:s30], [sflag:$0x4], $0x80, $0x38;
	[tilespmem:$0x16800] =	vst v63  }
0x2d0: {  	s26 =	sadd.s32 $0x70, s26;
	s30 =	simm.s32 $0x14678  }
0x2d1: {  	[hbm4b:s26+s3] =	stream.linear.scatter [tilespmem:s30], [sflag:$0x4], $0x80, $0x38;
	[tilespmem:$0x16800] =	vst v63  }
0x2d2: {  	s29 =	simm.s32 $0x14700;
	s26 =	sadd.s32 s17, s13  }
0x2d3: {  	[hbm4b:s26+s3] =	stream.linear.scatter [tilespmem:s29], [sflag:$0x4], $0x80, $0x38;
	[tilespmem:$0x16800] =	vst v63  }
0x2d4: {  	s30 =	simm.s32 $0x14808;
	s28 =	sadd.s32 $0x10, s26  }
0x2d5: {  	[hbm4b:s28+s3] =	stream.linear.scatter [tilespmem:s30], [sflag:$0x4], $0x80, $0x38;
	[tilespmem:$0x16800] =	vst v63  }
0x2d6: {  	s28 =	sadd.s32 $0x20, s26;
	s30 =	simm.s32 $0x14910  }
0x2d7: {  	[hbm4b:s28+s3] =	stream.linear.scatter [tilespmem:s30], [sflag:$0x4], $0x80, $0x38;
	[tilespmem:$0x16800] =	vst v63  }
0x2d8: {  	s28 =	sadd.s32 $0x30, s26;
	s30 =	simm.s32 $0x14A18  }
0x2d9: {  	[hbm4b:s28+s3] =	stream.linear.scatter [tilespmem:s30], [sflag:$0x4], $0x80, $0x38;
	[tilespmem:$0x16800] =	vst v63  }
0x2da: {  	s28 =	sadd.s32 $0x40, s26;
	s30 =	simm.s32 $0x14B20  }
0x2db: {  	[hbm4b:s28+s3] =	stream.linear.scatter [tilespmem:s30], [sflag:$0x4], $0x80, $0x38;
	[tilespmem:$0x16800] =	vst v63  }
0x2dc: {  	s28 =	sadd.s32 $0x50, s26;
	s30 =	simm.s32 $0x14C28  }
0x2dd: {  	[hbm4b:s28+s3] =	stream.linear.scatter [tilespmem:s30], [sflag:$0x4], $0x80, $0x38;
	[tilespmem:$0x16800] =	vst v63  }
0x2de: {  	s28 =	sadd.s32 $0x60, s26;
	s30 =	simm.s32 $0x14D30  }
0x2df: {  	[hbm4b:s28+s3] =	stream.linear.scatter [tilespmem:s30], [sflag:$0x4], $0x80, $0x38;
	[tilespmem:$0x16800] =	vst v63  }
0x2e0: {  	s26 =	sadd.s32 $0x70, s26;
	s30 =	simm.s32 $0x14E38  }
0x2e1: {  	[hbm4b:s26+s3] =	stream.linear.scatter [tilespmem:s30], [sflag:$0x4], $0x80, $0x38;
	[tilespmem:$0x16800] =	vst v63  }
0x2e2: {  	s29 =	simm.s32 $0x14780;
	s26 =	sadd.s32 s24, s13  }
0x2e3: {  	[hbm4b:s26+s3] =	stream.linear.scatter [tilespmem:s29], [sflag:$0x4], $0x80, $0x38;
	[tilespmem:$0x16800] =	vst v63  }
0x2e4: {  	s30 =	simm.s32 $0x14888;
	s28 =	sadd.s32 $0x10, s26  }
0x2e5: {  	[hbm4b:s28+s3] =	stream.linear.scatter [tilespmem:s30], [sflag:$0x4], $0x80, $0x38;
	[tilespmem:$0x16800] =	vst v63  }
0x2e6: {  	s28 =	sadd.s32 $0x20, s26;
	s30 =	simm.s32 $0x14990  }
0x2e7: {  	[hbm4b:s28+s3] =	stream.linear.scatter [tilespmem:s30], [sflag:$0x4], $0x80, $0x38;
	[tilespmem:$0x16800] =	vst v63  }
0x2e8: {  	s28 =	sadd.s32 $0x30, s26;
	s30 =	simm.s32 $0x14A98  }
0x2e9: {  	[hbm4b:s28+s3] =	stream.linear.scatter [tilespmem:s30], [sflag:$0x4], $0x80, $0x38;
	[tilespmem:$0x16800] =	vst v63  }
0x2ea: {  	s28 =	sadd.s32 $0x40, s26;
	s30 =	simm.s32 $0x14BA0  }
0x2eb: {  	[hbm4b:s28+s3] =	stream.linear.scatter [tilespmem:s30], [sflag:$0x4], $0x80, $0x38;
	[tilespmem:$0x16800] =	vst v63  }
0x2ec: {  	s28 =	sadd.s32 $0x50, s26;
	s30 =	simm.s32 $0x14CA8  }
0x2ed: {  	[hbm4b:s28+s3] =	stream.linear.scatter [tilespmem:s30], [sflag:$0x4], $0x80, $0x38;
	[tilespmem:$0x16800] =	vst v63  }
0x2ee: {  	s28 =	sadd.s32 $0x60, s26;
	s30 =	simm.s32 $0x14DB0  }
0x2ef: {  	[hbm4b:s28+s3] =	stream.linear.scatter [tilespmem:s30], [sflag:$0x4], $0x80, $0x38;
	[tilespmem:$0x16800] =	vst v63  }
0x2f0: {  	s26 =	sadd.s32 $0x70, s26;
	s30 =	simm.s32 $0x14EB8  }
0x2f1: {  	[hbm4b:s26+s3] =	stream.linear.scatter [tilespmem:s30], [sflag:$0x4], $0x80, $0x38;
	[tilespmem:$0x16800] =	vst v63  }
0x2f2: {  	s29 =	simm.s32 $0x14F40;
	s26 =	sadd.s32 s17, s14  }
0x2f3: {  	[hbm4b:s26+s3] =	stream.linear.scatter [tilespmem:s29], [sflag:$0x4], $0x80, $0x38;
	[tilespmem:$0x16800] =	vst v63  }
0x2f4: {  	s30 =	simm.s32 $0x15048;
	s28 =	sadd.s32 $0x10, s26  }
0x2f5: {  	[hbm4b:s28+s3] =	stream.linear.scatter [tilespmem:s30], [sflag:$0x4], $0x80, $0x38;
	[tilespmem:$0x16800] =	vst v63  }
0x2f6: {  	s28 =	sadd.s32 $0x20, s26;
	s30 =	simm.s32 $0x15150  }
0x2f7: {  	[hbm4b:s28+s3] =	stream.linear.scatter [tilespmem:s30], [sflag:$0x4], $0x80, $0x38;
	[tilespmem:$0x16800] =	vst v63  }
0x2f8: {  	s28 =	sadd.s32 $0x30, s26;
	s30 =	simm.s32 $0x15258  }
0x2f9: {  	[hbm4b:s28+s3] =	stream.linear.scatter [tilespmem:s30], [sflag:$0x4], $0x80, $0x38;
	[tilespmem:$0x16800] =	vst v63  }
0x2fa: {  	s28 =	sadd.s32 $0x40, s26;
	s30 =	simm.s32 $0x15360  }
0x2fb: {  	[hbm4b:s28+s3] =	stream.linear.scatter [tilespmem:s30], [sflag:$0x4], $0x80, $0x38;
	[tilespmem:$0x16800] =	vst v63  }
0x2fc: {  	s28 =	sadd.s32 $0x50, s26;
	s30 =	simm.s32 $0x15468  }
0x2fd: {  	[hbm4b:s28+s3] =	stream.linear.scatter [tilespmem:s30], [sflag:$0x4], $0x80, $0x38;
	[tilespmem:$0x16800] =	vst v63  }
0x2fe: {  	s28 =	sadd.s32 $0x60, s26;
	s30 =	simm.s32 $0x15570  }
0x2ff: {  	[hbm4b:s28+s3] =	stream.linear.scatter [tilespmem:s30], [sflag:$0x4], $0x80, $0x38;
	[tilespmem:$0x16800] =	vst v63  }
0x300: {  	s26 =	sadd.s32 $0x70, s26;
	s30 =	simm.s32 $0x15678  }
0x301: {  	[hbm4b:s26+s3] =	stream.linear.scatter [tilespmem:s30], [sflag:$0x4], $0x80, $0x38;
	[tilespmem:$0x16800] =	vst v63  }
0x302: {  	s29 =	simm.s32 $0x14FC0;
	s26 =	sadd.s32 s24, s14  }
0x303: {  	[hbm4b:s26+s3] =	stream.linear.scatter [tilespmem:s29], [sflag:$0x4], $0x80, $0x38;
	[tilespmem:$0x16800] =	vst v63  }
0x304: {  	s30 =	simm.s32 $0x150C8;
	s28 =	sadd.s32 $0x10, s26  }
0x305: {  	[hbm4b:s28+s3] =	stream.linear.scatter [tilespmem:s30], [sflag:$0x4], $0x80, $0x38;
	[tilespmem:$0x16800] =	vst v63  }
0x306: {  	s28 =	sadd.s32 $0x20, s26;
	s30 =	simm.s32 $0x151D0  }
0x307: {  	[hbm4b:s28+s3] =	stream.linear.scatter [tilespmem:s30], [sflag:$0x4], $0x80, $0x38;
	[tilespmem:$0x16800] =	vst v63  }
0x308: {  	s28 =	sadd.s32 $0x30, s26;
	s30 =	simm.s32 $0x152D8  }
0x309: {  	[hbm4b:s28+s3] =	stream.linear.scatter [tilespmem:s30], [sflag:$0x4], $0x80, $0x38;
	[tilespmem:$0x16800] =	vst v63  }
0x30a: {  	s28 =	sadd.s32 $0x40, s26;
	s30 =	simm.s32 $0x153E0  }
0x30b: {  	[hbm4b:s28+s3] =	stream.linear.scatter [tilespmem:s30], [sflag:$0x4], $0x80, $0x38;
	[tilespmem:$0x16800] =	vst v63  }
0x30c: {  	s28 =	sadd.s32 $0x50, s26;
	s30 =	simm.s32 $0x154E8  }
0x30d: {  	[hbm4b:s28+s3] =	stream.linear.scatter [tilespmem:s30], [sflag:$0x4], $0x80, $0x38;
	[tilespmem:$0x16800] =	vst v63  }
0x30e: {  	s28 =	sadd.s32 $0x60, s26;
	s30 =	simm.s32 $0x155F0  }
0x30f: {  	[hbm4b:s28+s3] =	stream.linear.scatter [tilespmem:s30], [sflag:$0x4], $0x80, $0x38;
	[tilespmem:$0x16800] =	vst v63  }
0x310: {  	s26 =	sadd.s32 $0x70, s26;
	s30 =	simm.s32 $0x156F8  }
0x311: {  	[hbm4b:s26+s3] =	stream.linear.scatter [tilespmem:s30], [sflag:$0x4], $0x80, $0x38;
	[tilespmem:$0x16800] =	vst v63  }
0x312: {  	s29 =	simm.s32 $0x15780;
	s26 =	sadd.s32 s17, s15  }
0x313: {  	[hbm4b:s26+s3] =	stream.linear.scatter [tilespmem:s29], [sflag:$0x4], $0x80, $0x38;
	[tilespmem:$0x16800] =	vst v63  }
0x314: {  	s30 =	simm.s32 $0x15888;
	s28 =	sadd.s32 $0x10, s26  }
0x315: {  	[hbm4b:s28+s3] =	stream.linear.scatter [tilespmem:s30], [sflag:$0x4], $0x80, $0x38;
	[tilespmem:$0x16800] =	vst v63  }
0x316: {  	s28 =	sadd.s32 $0x20, s26;
	s30 =	simm.s32 $0x15990  }
0x317: {  	[hbm4b:s28+s3] =	stream.linear.scatter [tilespmem:s30], [sflag:$0x4], $0x80, $0x38;
	[tilespmem:$0x16800] =	vst v63  }
0x318: {  	s28 =	sadd.s32 $0x30, s26;
	s30 =	simm.s32 $0x15A98  }
0x319: {  	[hbm4b:s28+s3] =	stream.linear.scatter [tilespmem:s30], [sflag:$0x4], $0x80, $0x38;
	[tilespmem:$0x16800] =	vst v63  }
0x31a: {  	s28 =	sadd.s32 $0x40, s26;
	s30 =	simm.s32 $0x15BA0  }
0x31b: {  	[hbm4b:s28+s3] =	stream.linear.scatter [tilespmem:s30], [sflag:$0x4], $0x80, $0x38;
	[tilespmem:$0x16800] =	vst v63  }
0x31c: {  	s28 =	sadd.s32 $0x50, s26;
	s30 =	simm.s32 $0x15CA8  }
0x31d: {  	[hbm4b:s28+s3] =	stream.linear.scatter [tilespmem:s30], [sflag:$0x4], $0x80, $0x38;
	[tilespmem:$0x16800] =	vst v63  }
0x31e: {  	s28 =	sadd.s32 $0x60, s26;
	s30 =	simm.s32 $0x15DB0  }
0x31f: {  	[hbm4b:s28+s3] =	stream.linear.scatter [tilespmem:s30], [sflag:$0x4], $0x80, $0x38;
	[tilespmem:$0x16800] =	vst v63  }
0x320: {  	s26 =	sadd.s32 $0x70, s26;
	s30 =	simm.s32 $0x15EB8  }
0x321: {  	[hbm4b:s26+s3] =	stream.linear.scatter [tilespmem:s30], [sflag:$0x4], $0x80, $0x38;
	[tilespmem:$0x16800] =	vst v63  }
0x322: {  	s29 =	simm.s32 $0x15800;
	s26 =	sadd.s32 s24, s15  }
0x323: {  	[hbm4b:s26+s3] =	stream.linear.scatter [tilespmem:s29], [sflag:$0x4], $0x80, $0x38;
	[tilespmem:$0x16800] =	vst v63  }
0x324: {  	s30 =	simm.s32 $0x15908;
	s28 =	sadd.s32 $0x10, s26  }
0x325: {  	[hbm4b:s28+s3] =	stream.linear.scatter [tilespmem:s30], [sflag:$0x4], $0x80, $0x38;
	[tilespmem:$0x16800] =	vst v63  }
0x326: {  	s28 =	sadd.s32 $0x20, s26;
	s30 =	simm.s32 $0x15A10  }
0x327: {  	[hbm4b:s28+s3] =	stream.linear.scatter [tilespmem:s30], [sflag:$0x4], $0x80, $0x38;
	[tilespmem:$0x16800] =	vst v63  }
0x328: {  	s28 =	sadd.s32 $0x30, s26;
	s30 =	simm.s32 $0x15B18  }
0x329: {  	[hbm4b:s28+s3] =	stream.linear.scatter [tilespmem:s30], [sflag:$0x4], $0x80, $0x38;
	[tilespmem:$0x16800] =	vst v63  }
0x32a: {  	s28 =	sadd.s32 $0x40, s26;
	s30 =	simm.s32 $0x15C20  }
0x32b: {  	[hbm4b:s28+s3] =	stream.linear.scatter [tilespmem:s30], [sflag:$0x4], $0x80, $0x38;
	[tilespmem:$0x16800] =	vst v63  }
0x32c: {  	s28 =	sadd.s32 $0x50, s26;
	s30 =	simm.s32 $0x15D28  }
0x32d: {  	[hbm4b:s28+s3] =	stream.linear.scatter [tilespmem:s30], [sflag:$0x4], $0x80, $0x38;
	[tilespmem:$0x16800] =	vst v63  }
0x32e: {  	s28 =	sadd.s32 $0x60, s26;
	s30 =	simm.s32 $0x15E30  }
0x32f: {  	[hbm4b:s28+s3] =	stream.linear.scatter [tilespmem:s30], [sflag:$0x4], $0x80, $0x38;
	[tilespmem:$0x16800] =	vst v63  }
0x330: {  	s26 =	sadd.s32 $0x70, s26;
	s30 =	simm.s32 $0x15F38  }
0x331: {  	[hbm4b:s26+s3] =	stream.linear.scatter [tilespmem:s30], [sflag:$0x4], $0x80, $0x38;
	[tilespmem:$0x16800] =	vst v63  }
0x332: {  	s17 =	sadd.s32 s17, s16;
	s28 =	simm.s32 $0x15FC0  }
0x333: {  	[hbm4b:s17+s3] =	stream.linear.scatter [tilespmem:s28], [sflag:$0x4], $0x80, $0x38;
	[tilespmem:$0x16800] =	vst v63  }
0x334: {  	s29 =	sadd.s32 $0x10, s17;
	s30 =	simm.s32 $0x160C8  }
0x335: {  	[hbm4b:s29+s3] =	stream.linear.scatter [tilespmem:s30], [sflag:$0x4], $0x80, $0x38;
	[tilespmem:$0x16800] =	vst v63  }
0x336: {  	s29 =	sadd.s32 $0x20, s17;
	s30 =	simm.s32 $0x161D0  }
0x337: {  	[hbm4b:s29+s3] =	stream.linear.scatter [tilespmem:s30], [sflag:$0x4], $0x80, $0x38;
	[tilespmem:$0x16800] =	vst v63  }
0x338: {  	s29 =	sadd.s32 $0x30, s17;
	s30 =	simm.s32 $0x162D8  }
0x339: {  	[hbm4b:s29+s3] =	stream.linear.scatter [tilespmem:s30], [sflag:$0x4], $0x80, $0x38;
	[tilespmem:$0x16800] =	vst v63  }
0x33a: {  	s29 =	sadd.s32 $0x40, s17;
	s30 =	simm.s32 $0x163E0  }
0x33b: {  	[hbm4b:s29+s3] =	stream.linear.scatter [tilespmem:s30], [sflag:$0x4], $0x80, $0x38;
	[tilespmem:$0x16800] =	vst v63  }
0x33c: {  	s29 =	sadd.s32 $0x50, s17;
	s30 =	simm.s32 $0x164E8  }
0x33d: {  	[hbm4b:s29+s3] =	stream.linear.scatter [tilespmem:s30], [sflag:$0x4], $0x80, $0x38;
	[tilespmem:$0x16800] =	vst v63  }
0x33e: {  	s29 =	sadd.s32 $0x60, s17;
	s30 =	simm.s32 $0x165F0  }
0x33f: {  	[hbm4b:s29+s3] =	stream.linear.scatter [tilespmem:s30], [sflag:$0x4], $0x80, $0x38;
	[tilespmem:$0x16800] =	vst v63  }
0x340: {  	s17 =	sadd.s32 $0x70, s17;
	s29 =	simm.s32 $0x166F8  }
0x341: {  	[hbm4b:s17+s3] =	stream.linear.scatter [tilespmem:s29], [sflag:$0x4], $0x80, $0x38;
	[tilespmem:$0x16800] =	vst v63  }
0x342: {  	s30 =	simm.s32 $0x16040;
	s17 =	sadd.s32 s24, s16  }
0x343: {  	[hbm4b:s17+s3] =	stream.linear.scatter [tilespmem:s30], [sflag:$0x4], $0x80, $0x38;
	[tilespmem:$0x16800] =	vst v63  }
0x344: {  	s28 =	simm.s32 $0x16148;
	s26 =	sadd.s32 $0x10, s17  }
0x345: {  	[hbm4b:s26+s3] =	stream.linear.scatter [tilespmem:s28], [sflag:$0x4], $0x80, $0x38;
	[tilespmem:$0x16800] =	vst v63  }
0x346: {  	s29 =	sadd.s32 $0x20, s17;
	s30 =	simm.s32 $0x16250  }
0x347: {  	[hbm4b:s29+s3] =	stream.linear.scatter [tilespmem:s30], [sflag:$0x4], $0x80, $0x38;
	[tilespmem:$0x16800] =	vst v63  }
0x348: {  	s26 =	sadd.s32 $0x30, s17;
	s28 =	simm.s32 $0x16358  }
0x349: {  	[hbm4b:s26+s3] =	stream.linear.scatter [tilespmem:s28], [sflag:$0x4], $0x80, $0x38;
	[tilespmem:$0x16800] =	vst v63  }
0x34a: {  	s21 =	sadd.s32 $0x1, s21;
	s29 =	sadd.s32 $0x40, s17;
	s30 =	simm.s32 $0x16460  }
0x34b: {  	[hbm4b:s29+s3] =	stream.linear.scatter [tilespmem:s30], [sflag:$0x4], $0x80, $0x38;
	[tilespmem:$0x16800] =	vst v63  }
0x34c: {  	p0 =	sne.s32 s21, $0x32;
	s26 =	sadd.s32 $0x50, s17;
	s28 =	simm.s32 $0x16568  }
0x34d: {  	[hbm4b:s26+s3] =	stream.linear.scatter [tilespmem:s28], [sflag:$0x4], $0x80, $0x38;
	[tilespmem:$0x16800] =	vst v63  }
.Ltmp4:
0x34e: {  	_ = 	snop;
	(pc) =	sbr.rel @p0 .LBB2_6-.Ltmp4, $4  }
0x34f: {  	s29 =	sadd.s32 $0x60, s17  }
0x350: {  	[hbm4b:s29+s3] =	stream.linear.scatter [tilespmem:s31], [sflag:$0x4], $0x80, $0x38;
	[tilespmem:$0x16800] =	vst v63  }
0x351: {  	s17 =	sadd.s32 $0x70, s17;
	s30 =	simm.s32 $0x16778  }
0x352: {  	[hbm4b:s17+s3] =	stream.linear.scatter [tilespmem:s30], [sflag:$0x4], $0x80, $0x38;
	[tilespmem:$0x16800] =	vst v63  }
0x353: {  	_ =	swait.ge [sflag:s1], $0x400  }
0x354: {  	[sflag:s1] =	ssyncset.done $0x0  }
0x355: {  	[sflag:s1] =	ssyncadd.s32 $0xFFFFFC00  }
0x356: {  	_ =	swait.ge [sflag:s1], $0x400  }
0x357: {  	[sflag:s1] =	ssyncset.done $0x0  }
0x358: {  	[sflag:s1] =	ssyncadd.s32 $0xFFFFFC00  }
0x359: {  	_ =	swait.ge [sflag:s1], $0x400  }
0x35a: {  	[sflag:s1] =	ssyncset.done $0x0  }
0x35b: {  	[sflag:s1] =	ssyncadd.s32 $0xFFFFFC00  }
0x35c: {  	_ =	swait.ge [sflag:s1], $0x400  }
0x35d: {  	[sflag:s1] =	ssyncset.done $0x0  }
0x35e: {  	[sflag:s1] =	ssyncadd.s32 $0xFFFFFC00  }
0x35f: {  	_ =	swait.ge [sflag:s1], $0x400  }
0x360: {  	[sflag:s1] =	ssyncset.done $0x0  }
0x361: {  	[sflag:s1] =	ssyncadd.s32 $0xFFFFFC00  }
0x362: {  	_ =	swait.ge [sflag:s1], $0x400  }
0x363: {  	[sflag:s1] =	ssyncset.done $0x0  }
0x364: {  	[sflag:s1] =	ssyncadd.s32 $0xFFFFFC00  }
0x365: {  	_ =	swait.ge [sflag:s1], $0x400  }
0x366: {  	[sflag:s1] =	ssyncset.done $0x0  }
0x367: {  	[sflag:s1] =	ssyncadd.s32 $0xFFFFFC00  }
0x368: {  	_ =	swait.ge [sflag:s1], $0x400  }
0x369: {  	[sflag:s1] =	ssyncset.done $0x0  }
0x36a: {  	[sflag:s1] =	ssyncadd.s32 $0xFFFFFC00  }
0x36b: {  	_ =	swait.ge [sflag:s1], $0x400  }
0x36c: {  	[sflag:s1] =	ssyncset.done $0x0  }
0x36d: {  	[sflag:s1] =	ssyncadd.s32 $0xFFFFFC00  }
0x36e: {  	_ =	swait.ge [sflag:s1], $0x400  }
0x36f: {  	[sflag:s1] =	ssyncset.done $0x0  }
0x370: {  	[sflag:s1] =	ssyncadd.s32 $0xFFFFFC00  }
0x371: {  	_ =	swait.ge [sflag:s1], $0x400  }
0x372: {  	[sflag:s1] =	ssyncset.done $0x0  }
0x373: {  	[sflag:s1] =	ssyncadd.s32 $0xFFFFFC00  }
0x374: {  	_ =	swait.ge [sflag:s1], $0x400  }
0x375: {  	[sflag:s1] =	ssyncset.done $0x0  }
0x376: {  	[sflag:s1] =	ssyncadd.s32 $0xFFFFFC00  }
0x377: {  	_ =	swait.ge [sflag:s1], $0x400  }
0x378: {  	[sflag:s1] =	ssyncset.done $0x0  }
0x379: {  	[sflag:s1] =	ssyncadd.s32 $0xFFFFFC00  }
0x37a: {  	_ =	swait.ge [sflag:s1], $0x400  }
0x37b: {  	[sflag:s1] =	ssyncset.done $0x0  }
0x37c: {  	[sflag:s1] =	ssyncadd.s32 $0xFFFFFC00  }
0x37d: {  	_ =	swait.ge [sflag:s1], $0x400  }
0x37e: {  	[sflag:s1] =	ssyncset.done $0x0  }
0x37f: {  	[sflag:s1] =	ssyncadd.s32 $0xFFFFFC00  }
0x380: {  	_ =	swait.ge [sflag:s1], $0x400  }
0x381: {  	[sflag:s1] =	ssyncset.done $0x0  }
0x382: {  	[sflag:s1] =	ssyncadd.s32 $0xFFFFFC00  }
0x383: {  	_ =	swait.ge [sflag:s0], $0x400  }
0x384: {  	[sflag:s0] =	ssyncset.done $0x0  }
0x385: {  	[sflag:s0] =	ssyncadd.s32 $0xFFFFFC00  }
0x386: {  	_ =	swait.ge [sflag:s0], $0x400  }
0x387: {  	[sflag:s0] =	ssyncset.done $0x0  }
0x388: {  	[sflag:s0] =	ssyncadd.s32 $0xFFFFFC00  }
0x389: {  	_ =	swait.ge [sflag:s0], $0x400  }
0x38a: {  	[sflag:s0] =	ssyncset.done $0x0  }
0x38b: {  	[sflag:s0] =	ssyncadd.s32 $0xFFFFFC00  }
0x38c: {  	_ =	swait.ge [sflag:s0], $0x400  }
0x38d: {  	[sflag:s0] =	ssyncset.done $0x0  }
0x38e: {  	[sflag:s0] =	ssyncadd.s32 $0xFFFFFC00  }
0x38f: {  	_ =	swait.ge [sflag:s0], $0x400  }
0x390: {  	[sflag:s0] =	ssyncset.done $0x0  }
0x391: {  	[sflag:s0] =	ssyncadd.s32 $0xFFFFFC00  }
0x392: {  	_ =	swait.ge [sflag:s0], $0x400  }
0x393: {  	[sflag:s0] =	ssyncset.done $0x0  }
0x394: {  	[sflag:s0] =	ssyncadd.s32 $0xFFFFFC00  }
0x395: {  	_ =	swait.ge [sflag:s0], $0x400  }
0x396: {  	[sflag:s0] =	ssyncset.done $0x0  }
0x397: {  	[sflag:s0] =	ssyncadd.s32 $0xFFFFFC00  }
0x398: {  	_ =	swait.ge [sflag:s0], $0x400  }
0x399: {  	[sflag:s0] =	ssyncset.done $0x0  }
0x39a: {  	[sflag:s0] =	ssyncadd.s32 $0xFFFFFC00  }
0x39b: {  	_ =	swait.ge [sflag:s0], $0x400  }
0x39c: {  	[sflag:s0] =	ssyncset.done $0x0  }
0x39d: {  	[sflag:s0] =	ssyncadd.s32 $0xFFFFFC00  }
0x39e: {  	_ =	swait.ge [sflag:s0], $0x400  }
0x39f: {  	[sflag:s0] =	ssyncset.done $0x0  }
0x3a0: {  	[sflag:s0] =	ssyncadd.s32 $0xFFFFFC00  }
0x3a1: {  	_ =	swait.ge [sflag:s0], $0x400  }
0x3a2: {  	[sflag:s0] =	ssyncset.done $0x0  }
0x3a3: {  	[sflag:s0] =	ssyncadd.s32 $0xFFFFFC00  }
0x3a4: {  	_ =	swait.ge [sflag:s0], $0x400  }
0x3a5: {  	[sflag:s0] =	ssyncset.done $0x0  }
0x3a6: {  	[sflag:s0] =	ssyncadd.s32 $0xFFFFFC00  }
0x3a7: {  	_ =	swait.ge [sflag:s0], $0x400  }
0x3a8: {  	[sflag:s0] =	ssyncset.done $0x0  }
0x3a9: {  	[sflag:s0] =	ssyncadd.s32 $0xFFFFFC00  }
0x3aa: {  	_ =	swait.ge [sflag:s0], $0x400  }
0x3ab: {  	[sflag:s0] =	ssyncset.done $0x0  }
0x3ac: {  	[sflag:s0] =	ssyncadd.s32 $0xFFFFFC00  }
0x3ad: {  	_ =	swait.ge [sflag:s0], $0x400  }
0x3ae: {  	[sflag:s0] =	ssyncset.done $0x0  }
0x3af: {  	[sflag:s0] =	ssyncadd.s32 $0xFFFFFC00  }
0x3b0: {  	_ =	swait.ge [sflag:s0], $0x400  }
0x3b1: {  	s20 =	rddreg [dreg:$0x4]  }
0x3b2: {  	s17 =	rddreg [dreg:$0x3];
	s20 =	sadd.s32 $0x1, s20  }
0x3b3: {  	p0 =	sne.s32 s20, s17  }
.Ltmp5:
0x3b4: {  	_ = 	snop;
	(pc) =	sbr.rel @p0 .LBB2_1-.Ltmp5, $3  }
0x3b5: {  	_ =	sdelay $0x1  }
0x3b6: {  	[sflag:s0] =	ssyncset.done $0x0  }
0x3b7: {  	s26 =	simm.s32 $0x5;
	[sflag:s0] =	ssyncadd.s32 $0xFFFFFC00  }
0x3b8: {  	_ =	sfence.sel $0x180000  }
0x3b9: {  	[bflag:$0x0] =	sbarrier.arrive $0xFFFF  }
0x3ba: {  	_ =	strace $0x90000047  }
0x3bb: {  	s0 =	stileid.u32;
	[bflag:$0x2] =	sbarrier.arrive $0xFFFF  }
0x3bc: {  	p0 =	sne.s32 s0, $0x0;
	s0 =	rddreg [dreg:$0x2]  }
0x3bd: {  	s0 =	sadd.s32 @!p0 $0x100000, s0  }
0x3be: {  	[sflag:s0] =	ssyncadd.tile.s32 @!p0 $0x1;
	_ =	shalt  }
.Lfunc_end2:
_tile_overlayer_lowered:
.L_overlay_start_2:
0x3bf: {  	(tag) =	ssettag $0x2  }
0x3c0: {  	s0 =	rddreg [dreg:$0x0];
	s2 =	stileid.u32  }
0x3c1: {  	s1 =	rddreg [dreg:$0x1];
	p0 =	sne.s32 s2, $0x0  }
0x3c2: {  	s3 =	rddreg [dreg:$0x2];
	[bflag:$0x3] =	sbarrier.arrive $0xFFFF;
	s2 =	simm.s32 @!p0 $0x1C05  }
0x3c3: {  	[timem:s3], [sflag:s2] =	dma.local @!p0 [hbm:s0], s1  }
0x3c4: {  	s0 =	simm.s32 @!p0 $0x5  }
0x3c5: {  	_ =	swait.ge @!p0 [sflag:s0], s1  }
0x3c6: {  	s1 =	ssub.s32 @!p0 $0x0, s1;
	[sflag:s0] =	ssyncset.done @!p0 $0x0  }
0x3c7: {  	[sflag:s0] =	ssyncadd.s32 @!p0 s1  }
0x3c8: {  	[bflag:$0x3] =	sbarrier.arrive $0xFFFF  }
0x3c9: {  	_ =	shalt  }

</sc_bundles>
